<compile_context>
chip_gen: v7x
topology: tpu7x:2x2x1
jax: 0.10.2.dev20260603
libtpu: 0.0.44.dev20260713+nightly
codegen_flags: <defaults>
</compile_context>

<pallas_src>
import jax
import jax.numpy as jnp
from jax import lax
from jax.experimental import pallas as pl
from jax.experimental.pallas import tpu as pltpu
from jax.experimental.pallas import tpu_sc as plsc

NN = 10000
NP = 10240
FD = 128
EE = 320000
NC = 2
NS = 16
NT = NC * NS
EPT = 10240
CW = 128
NCHUNK = EPT // CW
FQ = 32
MCHUNK = (NT * EPT) // NS // CW
RPT = NP // NS
JUNK = NN
BLK = 512
NBLK = NP // BLK
SKIPW = 0.5
EPSB = 1e-5


def _sc_mesh():
    return plsc.VectorSubcoreMesh(
        core_axis_name="c", subcore_axis_name="s",
        num_cores=NC, num_subcores=NS)


def _deg_body(dst_hbm, ones_hbm, zero_hbm, out_hbm, dstv, onesv, acc, ssem):
    cid = lax.axis_index("c")
    sid = lax.axis_index("s")
    pltpu.sync_copy(dst_hbm.at[cid, sid], dstv)
    pltpu.sync_copy(ones_hbm, onesv)
    pltpu.sync_copy(zero_hbm, acc.at[pl.ds(sid * RPT, RPT)])
    plsc.subcore_barrier()

    def body(i, carry):
        j0 = 8 * i
        for k in range(8):
            pltpu.async_copy(onesv, acc.at[dstv.at[j0 + k]], ssem, add=True)
        for k in range(8):
            pltpu.make_async_copy(onesv, acc.at[dstv.at[j0 + k]], ssem).wait()
        return carry

    lax.fori_loop(0, NCHUNK // 8, body, 0)
    plsc.subcore_barrier()
    pltpu.sync_copy(acc.at[pl.ds(sid * RPT, RPT)], out_hbm.at[cid, sid])


def _sc_degree(dstp):
    fn = pl.kernel(
        _deg_body,
        out_type=jax.ShapeDtypeStruct((NC, NS, RPT, 16), jnp.float32),
        mesh=_sc_mesh(),
        compiler_params=pltpu.CompilerParams(use_tc_tiling_on_sc=False),
        scratch_types=[
            pltpu.VMEM((NCHUNK, CW), jnp.int32),
            pltpu.VMEM((CW, 16), jnp.float32),
            pltpu.VMEM_SHARED((NP, 16), jnp.float32),
            pltpu.SemaphoreType.DMA,
        ],
    )
    out = fn(dstp, jnp.ones((CW, 16), jnp.float32),
             jnp.zeros((RPT, 16), jnp.float32))
    return out.reshape(NC, NP, 16)


def _msg_body(ht_hbm, src_hbm, dst_hbm, sidx_hbm, out_hbm,
              srcv, dstv, b0, b1, b2, b3, idxv, sbuf,
              tabs, acc, g0, g1, g2, g3, s0, s1, s2, s3):
    cid = lax.axis_index("c")
    sid = lax.axis_index("s")
    bufs = (b0, b1, b2, b3)
    gsem = (g0, g1, g2, g3)
    ssem = (s0, s1, s2, s3)
    pltpu.sync_copy(src_hbm.at[sid], srcv)
    pltpu.sync_copy(dst_hbm.at[sid], dstv)

    for r in range(2):
        q = 2 * cid + r
        pltpu.sync_copy(sidx_hbm.at[q, sid], idxv)
        for b in range(RPT // CW):
            pltpu.async_copy(ht_hbm.at[idxv.at[b]], sbuf, g0).wait()
            seg = pl.ds(sid * RPT + b * CW, CW)
            pltpu.sync_copy(sbuf, tabs.at[seg])
            pltpu.sync_copy(sbuf, acc.at[seg])
        plsc.subcore_barrier()

        for k in range(4):
            pltpu.async_copy(tabs.at[srcv.at[k]], bufs[k], gsem[k])

        def body(i, carry):
            j0 = 4 * i
            for k in range(4):
                pltpu.make_async_copy(
                    tabs.at[srcv.at[j0 + k]], bufs[k], gsem[k]).wait()
                pltpu.async_copy(
                    bufs[k], acc.at[dstv.at[j0 + k]], ssem[k], add=True)

            @pl.when(i < MCHUNK // 4 - 1)
            def _():
                for k in range(4):
                    pltpu.make_async_copy(
                        bufs[k], acc.at[dstv.at[j0 + k]], ssem[k]).wait()
                    pltpu.async_copy(
                        tabs.at[srcv.at[j0 + 4 + k]], bufs[k], gsem[k])
            return carry

        lax.fori_loop(0, MCHUNK // 4, body, 0)
        jl = MCHUNK - 4
        for k in range(4):
            pltpu.make_async_copy(bufs[k], acc.at[dstv.at[jl + k]],
                                  ssem[k]).wait()
        plsc.subcore_barrier()
        for b in range(RPT // CW):
            seg = pl.ds(sid * RPT + b * CW, CW)
            pltpu.sync_copy(acc.at[seg], sbuf)
            pltpu.async_copy(sbuf, out_hbm.at[idxv.at[b]], s0).wait()


def _sc_message(ht, srcm, dstm, sidx):
    fn = pl.kernel(
        _msg_body,
        out_type=jax.ShapeDtypeStruct((4 * NP, FQ), jnp.float32),
        mesh=_sc_mesh(),
        compiler_params=pltpu.CompilerParams(use_tc_tiling_on_sc=False),
        scratch_types=[
            pltpu.VMEM((MCHUNK, CW), jnp.int32),
            pltpu.VMEM((MCHUNK, CW), jnp.int32),
            pltpu.VMEM((CW, FQ), jnp.float32),
            pltpu.VMEM((CW, FQ), jnp.float32),
            pltpu.VMEM((CW, FQ), jnp.float32),
            pltpu.VMEM((CW, FQ), jnp.float32),
            pltpu.VMEM((RPT // CW, CW), jnp.int32),
            pltpu.VMEM((CW, FQ), jnp.float32),
            pltpu.VMEM_SHARED((NP, FQ), jnp.float32),
            pltpu.VMEM_SHARED((NP, FQ), jnp.float32),
            pltpu.SemaphoreType.DMA,
            pltpu.SemaphoreType.DMA,
            pltpu.SemaphoreType.DMA,
            pltpu.SemaphoreType.DMA,
            pltpu.SemaphoreType.DMA,
            pltpu.SemaphoreType.DMA,
            pltpu.SemaphoreType.DMA,
            pltpu.SemaphoreType.DMA,
        ],
    )
    out = fn(ht.reshape(4 * NP, FQ), srcm, dstm, sidx)
    return out.reshape(NP, FD)


def _linht_kernel(x_ref, wi_ref, b_ref, wg_ref, p_ref, h_ref, o_ref):
    h0 = (jnp.dot(x_ref[...], wi_ref[...],
                  preferred_element_type=jnp.float32) + b_ref[...])
    h_ref[...] = h0
    p = p_ref[...]
    dinv = lax.rsqrt(p[0, :, 0] + p[1, :, 0] + 1.0)
    hw = jnp.dot(h0, wg_ref[...], preferred_element_type=jnp.float32)
    o_ref[...] = hw * dinv[:, None]


def _aggz_kernel(a_ref, p_ref, b_ref, z_ref, s_ref):
    i = pl.program_id(0)
    p = p_ref[...]
    dinv = lax.rsqrt(p[0, :, 0] + p[1, :, 0] + 1.0)
    z = a_ref[...] * dinv[:, None] + b_ref[...]
    z_ref[...] = z
    rows = lax.broadcasted_iota(jnp.int32, (BLK, 1), 0) + i * BLK
    zm = jnp.where(rows < NN, z, 0.0)

    @pl.when(i == 0)
    def _():
        s_ref[...] = jnp.zeros_like(s_ref)

    s_ref[0:1, :] += jnp.sum(zm, axis=0, keepdims=True)
    s_ref[1:2, :] += jnp.sum(zm * zm, axis=0, keepdims=True)


def _bnmm_kernel(z_ref, s_ref, p_ref, w_ref, g_ref, be_ref, o1_ref, ht_ref):
    s = s_ref[...]
    m = s[0:1, :] * (1.0 / NN)
    v = s[1:2, :] * (1.0 / NN) - m * m
    binv = lax.rsqrt(v + EPSB)
    o1 = jnp.maximum((z_ref[...] - m) * binv * g_ref[...] + be_ref[...], 0.0)
    o1_ref[...] = o1
    p = p_ref[...]
    dinv = lax.rsqrt(p[0, :, 0] + p[1, :, 0] + 1.0)
    o = jnp.dot(o1, w_ref[...], preferred_element_type=jnp.float32)
    ht_ref[...] = o * dinv[:, None]


def _final_kernel(z_ref, s_ref, h0_ref, o1_ref, w_ref, g_ref, be_ref,
                  bo_ref, y_ref):
    s = s_ref[...]
    m = s[0:1, :] * (1.0 / NN)
    v = s[1:2, :] * (1.0 / NN) - m * m
    binv = lax.rsqrt(v + EPSB)
    t = jnp.maximum((z_ref[...] - m) * binv * g_ref[...] + be_ref[...]
                    + SKIPW * h0_ref[...], 0.0)
    y_ref[...] = (jnp.dot(o1_ref[...] + t, w_ref[...],
                          preferred_element_type=jnp.float32) + bo_ref[...])


def _rowspec():
    return pl.BlockSpec((BLK, FD), lambda i: (i, 0))


def _fullspec(r):
    return pl.BlockSpec((r, FD), lambda i: (0, 0))


def _pspec():
    return pl.BlockSpec((NC, BLK, 16), lambda i: (0, i, 0))


_ROWS_OUT = jax.ShapeDtypeStruct((NP, FD), jnp.float32)
_STATS_OUT = jax.ShapeDtypeStruct((8, FD), jnp.float32)


def _tc_linht(x, wi, b, wg, p):
    return pl.pallas_call(
        _linht_kernel, grid=(NBLK,),
        in_specs=[_rowspec(), _fullspec(FD), _fullspec(1), _fullspec(FD),
                  _pspec()],
        out_specs=[_rowspec(), _rowspec()],
        out_shape=[_ROWS_OUT, _ROWS_OUT],
    )(x, wi, b.reshape(1, FD), wg, p)


def _tc_aggz(a, p, b):
    return pl.pallas_call(
        _aggz_kernel, grid=(NBLK,),
        in_specs=[_rowspec(), _pspec(), _fullspec(1)],
        out_specs=[_rowspec(), pl.BlockSpec((8, FD), lambda i: (0, 0))],
        out_shape=[_ROWS_OUT, _STATS_OUT],
    )(a, p, b.reshape(1, FD))


def _tc_bnmm(z, stats, p, w, g, be):
    return pl.pallas_call(
        _bnmm_kernel, grid=(NBLK,),
        in_specs=[_rowspec(), pl.BlockSpec((8, FD), lambda i: (0, 0)),
                  _pspec(), _fullspec(FD), _fullspec(1), _fullspec(1)],
        out_specs=[_rowspec(), _rowspec()],
        out_shape=[_ROWS_OUT, _ROWS_OUT],
    )(z, stats, p, w, g.reshape(1, FD), be.reshape(1, FD))


def _tc_final(z, stats, h0, o1, w, g, be, bo):
    return pl.pallas_call(
        _final_kernel, grid=(NBLK,),
        in_specs=[_rowspec(), pl.BlockSpec((8, FD), lambda i: (0, 0)),
                  _rowspec(), _rowspec(), _fullspec(FD), _fullspec(1),
                  _fullspec(1), _fullspec(1)],
        out_specs=_rowspec(), out_shape=_ROWS_OUT,
    )(z, stats, h0, o1, w, g.reshape(1, FD), be.reshape(1, FD),
      bo.reshape(1, FD))


def kernel(x, edge_index, W_in, b_in, Wg1, bg1, g1, be1, Wg2, bg2, g2, be2,
           W_out, b_out):
    src = edge_index[0]
    dst = edge_index[1]
    pad = NT * EPT - EE
    srcf = jnp.concatenate([src, jnp.zeros((pad,), jnp.int32)])
    dstf = jnp.concatenate([dst, jnp.full((pad,), JUNK, jnp.int32)])
    dstp = dstf.reshape(NC, NS, NCHUNK, CW)
    srcm = srcf.reshape(NS, MCHUNK, CW)
    dstm = dstf.reshape(NS, MCHUNK, CW)
    xp = jnp.pad(x, ((0, NP - NN), (0, 0)))
    sidx = (jnp.arange(NP, dtype=jnp.int32)[None, :] * 4
            + jnp.arange(4, dtype=jnp.int32)[:, None]
            ).reshape(4, NS, RPT // CW, CW)

    p = _sc_degree(dstp)
    h0, ht1 = _tc_linht(xp, W_in, b_in, Wg1, p)
    a1 = _sc_message(ht1, srcm, dstm, sidx)
    z1, s1 = _tc_aggz(a1, p, bg1)
    o1, ht2 = _tc_bnmm(z1, s1, p, Wg2, g1, be1)
    a2 = _sc_message(ht2, srcm, dstm, sidx)
    z2, s2 = _tc_aggz(a2, p, bg2)
    y = _tc_final(z2, s2, h0, o1, W_out, g2, be2, b_out)
    return y[:NN]

# --- scband reference (transcript-rebuilt; emitter-appended) ---
"""Pipeline reference for scband-gcn-skip-2-layer-linear-in-out-7567732376252 (READ-ONLY COPY).

The authoritative reference and input builder live on the scoring server;
editing this copy changes nothing except your own understanding.
"""

import jax, jax.numpy as jnp
import numpy as np

N = 10000
E = 320000
D = 128
H = 128
O = 128
SKIP = 0.5
EPS = 1e-5


def setup_inputs(seed: int = 0) -> dict:
    key = jax.random.key(seed)
    ks = jax.random.split(key, 16)
    x = jax.random.normal(ks[0], (N, D), dtype=jnp.float32)
    edge_index = jax.random.randint(ks[1], (2, E), 0, N, dtype=jnp.int32)
    W_in = jax.random.normal(ks[2], (D, H), dtype=jnp.float32) * 0.05
    b_in = jax.random.normal(ks[3], (H,), dtype=jnp.float32) * 0.05
    Wg1 = jax.random.normal(ks[4], (H, H), dtype=jnp.float32) * 0.05
    bg1 = jax.random.normal(ks[5], (H,), dtype=jnp.float32) * 0.05
    g1 = jnp.ones((H,), dtype=jnp.float32)
    be1 = jnp.zeros((H,), dtype=jnp.float32)
    Wg2 = jax.random.normal(ks[6], (H, H), dtype=jnp.float32) * 0.05
    bg2 = jax.random.normal(ks[7], (H,), dtype=jnp.float32) * 0.05
    g2 = jnp.ones((H,), dtype=jnp.float32)
    be2 = jnp.zeros((H,), dtype=jnp.float32)
    W_out = jax.random.normal(ks[8], (H, O), dtype=jnp.float32) * 0.05
    b_out = jax.random.normal(ks[9], (O,), dtype=jnp.float32) * 0.05
    return {"x": x, "edge_index": edge_index, "W_in": W_in, "b_in": b_in,
            "Wg1": Wg1, "bg1": bg1, "g1": g1, "be1": be1,
            "Wg2": Wg2, "bg2": bg2, "g2": g2, "be2": be2,
            "W_out": W_out, "b_out": b_out}


def _gcn_conv(x, edge_index, W, b):
    # PyG GCNConv: add self-loops, symmetric normalization D^-1/2 (A+I) D^-1/2 X W + b
    src = edge_index[0]
    dst = edge_index[1]
    loop = jnp.arange(N, dtype=edge_index.dtype)
    s = jnp.concatenate([src, loop])
    d = jnp.concatenate([dst, loop])
    deg = jnp.zeros((N,), dtype=x.dtype).at[d].add(1.0)
    dinv = jnp.where(deg > 0, jax.lax.rsqrt(deg), 0.0)
    norm = dinv[s] * dinv[d]
    h = x @ W
    msg = jnp.take(h, s, axis=0) * norm[:, None]
    agg = jnp.zeros((N, W.shape[1]), dtype=x.dtype).at[d].add(msg)
    return agg + b


def _bn(x, gamma, beta):
    # BatchNorm1d with batch statistics (training-mode stats, deterministic)
    m = jnp.mean(x, axis=0)
    v = jnp.var(x, axis=0)
    return (x - m) * jax.lax.rsqrt(v + EPS) * gamma + beta


def reference(x, edge_index, W_in, b_in, Wg1, bg1, g1, be1, Wg2, bg2, g2, be2, W_out, b_out):
    h = x @ W_in + b_in
    x_skip = h
    outs = []
    # layer i=1
    h = _gcn_conv(h, edge_index, Wg1, bg1)
    h = _bn(h, g1, be1)
    h = jax.nn.relu(h)
    outs.append(h)
    # layer i=2 (skip connection since i % 2 == 0)
    h = _gcn_conv(h, edge_index, Wg2, bg2)
    h = _bn(h, g2, be2)
    h = h + SKIP * x_skip
    h = jax.nn.relu(h)
    outs.append(h)
    s = outs[0] + outs[1]
    return s @ W_out + b_out

if __name__ == "__main__":
    import jax
    _d = setup_inputs()
    print(jax.jit(kernel)(*tuple(_d.values())))

</pallas_src>

<mosaic_0001>
#map = affine_map<(d0, d1) -> (0, 0, 0, 0)>
#map1 = affine_map<(d0, d1) -> (0, 0)>
module attributes {stable_mosaic.version = 14 : i64} {
  func.func @_deg_body(%arg0: i32, %arg1: i32, %arg2: memref<2x16x80x128xi32, #tpu.memory_space<hbm>>, %arg3: memref<128x16xf32, #tpu.memory_space<hbm>>, %arg4: memref<640x16xf32, #tpu.memory_space<hbm>>, %arg5: memref<2x16x640x16xf32, #tpu.memory_space<hbm>>, %arg6: memref<80x128xi32, #tpu.memory_space<vmem>>, %arg7: memref<128x16xf32, #tpu.memory_space<vmem>>, %arg8: memref<10240x16xf32, #tpu.memory_space<vmem_shared>>, %arg9: memref<!tpu.dma_semaphore, #tpu.memory_space<semaphore_mem>>) attributes {dimension_semantics = [#tpu.dimension_semantics<core_parallel>, #tpu.dimension_semantics<subcore_parallel>], iteration_bounds = array<i64: 2, 16>, scalar_prefetch = 0 : i64, scratch_operands = 4 : i64, tpu.core_type = #tpu.core_type<sc_vector_subcore>, window_params = [{transform_indices = #map}, {transform_indices = #map1}, {transform_indices = #map1}, {transform_indices = #map}]} {
    "tpu.region"() ({
      %run_scoped3A = tpu.sem_alloc : memref<!tpu.dma_semaphore, #tpu.memory_space<semaphore_mem>>
      %dma_start3A = arith.constant 0 : i32
      %dma_start3A_9 = arith.constant 0 : i32
      %dma_start3A_10 = tpu.memref_slice %arg2[%arg0, %arg1, %dma_start3A, %dma_start3A_9] : memref<2x16x80x128xi32, #tpu.memory_space<hbm>> -> memref<1x1x80x128xi32, #tpu.memory_space<hbm>>
      %dma_start3A_11 = tpu.memref_squeeze %dma_start3A_10 : memref<1x1x80x128xi32, #tpu.memory_space<hbm>> -> memref<80x128xi32, #tpu.memory_space<hbm>>
      %dma_start3A_12 = arith.constant 0 : i32
      %dma_start3A_13 = arith.constant 0 : i32
      %dma_start3A_14 = tpu.memref_slice %arg2[%arg0, %arg1, %dma_start3A_12, %dma_start3A_13] : memref<2x16x80x128xi32, #tpu.memory_space<hbm>> -> memref<1x1x80x128xi32, #tpu.memory_space<hbm>>
      %dma_start3A_15 = tpu.memref_squeeze %dma_start3A_14 : memref<1x1x80x128xi32, #tpu.memory_space<hbm>> -> memref<80x128xi32, #tpu.memory_space<hbm>>
      tpu.enqueue_dma source(%dma_start3A_15 : memref<80x128xi32, #tpu.memory_space<hbm>>) target(%arg6 : memref<80x128xi32, #tpu.memory_space<vmem>>) target_semaphore(%run_scoped3A : memref<!tpu.dma_semaphore, #tpu.memory_space<semaphore_mem>>)
      %dma_wait3A = arith.constant 0 : i32
      %dma_wait3A_16 = arith.constant 0 : i32
      %dma_wait3A_17 = tpu.memref_slice %arg2[%arg0, %arg1, %dma_wait3A, %dma_wait3A_16] : memref<2x16x80x128xi32, #tpu.memory_space<hbm>> -> memref<1x1x80x128xi32, #tpu.memory_space<hbm>>
      %dma_wait3A_18 = tpu.memref_squeeze %dma_wait3A_17 : memref<1x1x80x128xi32, #tpu.memory_space<hbm>> -> memref<80x128xi32, #tpu.memory_space<hbm>>
      %dma_wait3A_19 = arith.constant 0 : i32
      %dma_wait3A_20 = arith.constant 0 : i32
      %dma_wait3A_21 = tpu.memref_slice %arg2[%arg0, %arg1, %dma_wait3A_19, %dma_wait3A_20] : memref<2x16x80x128xi32, #tpu.memory_space<hbm>> -> memref<1x1x80x128xi32, #tpu.memory_space<hbm>>
      %dma_wait3A_22 = tpu.memref_squeeze %dma_wait3A_21 : memref<1x1x80x128xi32, #tpu.memory_space<hbm>> -> memref<80x128xi32, #tpu.memory_space<hbm>>
      tpu.wait_dma2 semaphore(%run_scoped3A : memref<!tpu.dma_semaphore, #tpu.memory_space<semaphore_mem>>) src(%dma_wait3A_22 : memref<80x128xi32, #tpu.memory_space<hbm>>) dst(%arg6 : memref<80x128xi32, #tpu.memory_space<vmem>>)
      tpu.yield
    }) : () -> ()
    "tpu.region"() ({
      %run_scoped3A = tpu.sem_alloc : memref<!tpu.dma_semaphore, #tpu.memory_space<semaphore_mem>>
      tpu.enqueue_dma source(%arg3 : memref<128x16xf32, #tpu.memory_space<hbm>>) target(%arg7 : memref<128x16xf32, #tpu.memory_space<vmem>>) target_semaphore(%run_scoped3A : memref<!tpu.dma_semaphore, #tpu.memory_space<semaphore_mem>>)
      tpu.wait_dma2 semaphore(%run_scoped3A : memref<!tpu.dma_semaphore, #tpu.memory_space<semaphore_mem>>) src(%arg3 : memref<128x16xf32, #tpu.memory_space<hbm>>) dst(%arg7 : memref<128x16xf32, #tpu.memory_space<vmem>>)
      tpu.yield
    }) : () -> ()
    %mul3A = arith.constant 640 : i32
    %mul3A_0 = arith.muli %arg1, %mul3A : i32
    "tpu.region"() ({
      %run_scoped3A = tpu.sem_alloc : memref<!tpu.dma_semaphore, #tpu.memory_space<semaphore_mem>>
      %dma_start3A = arith.constant 0 : i32
      %dma_start3A_9 = tpu.memref_slice %arg8[%mul3A_0, %dma_start3A] : memref<10240x16xf32, #tpu.memory_space<vmem_shared>> -> memref<640x16xf32, #tpu.memory_space<vmem_shared>>
      tpu.enqueue_dma source(%arg4 : memref<640x16xf32, #tpu.memory_space<hbm>>) target(%dma_start3A_9 : memref<640x16xf32, #tpu.memory_space<vmem_shared>>) target_semaphore(%run_scoped3A : memref<!tpu.dma_semaphore, #tpu.memory_space<semaphore_mem>>)
      %dma_wait3A = arith.constant 0 : i32
      %dma_wait3A_10 = tpu.memref_slice %arg8[%mul3A_0, %dma_wait3A] : memref<10240x16xf32, #tpu.memory_space<vmem_shared>> -> memref<640x16xf32, #tpu.memory_space<vmem_shared>>
      tpu.wait_dma2 semaphore(%run_scoped3A : memref<!tpu.dma_semaphore, #tpu.memory_space<semaphore_mem>>) src(%arg4 : memref<640x16xf32, #tpu.memory_space<hbm>>) dst(%dma_wait3A_10 : memref<640x16xf32, #tpu.memory_space<vmem_shared>>)
      tpu.yield
    }) : () -> ()
    %barrier3A = arith.constant 0 : index
    tpu.barrier barrier_id(%barrier3A)
    %scan3A = arith.constant 0 : i32
    %scan3A_1 = arith.constant 0 : i32
    %scan3A_2 = arith.constant 10 : i32
    %scan3A_3 = arith.addi %scan3A_1, %scan3A_2 : i32
    %scan3A_4 = arith.constant 1 : i32
    scf.for %scan3A_9 = %scan3A_1 to %scan3A_3 step %scan3A_4  : i32 {
      %mul3A_10 = arith.constant 8 : i32
      %mul3A_11 = arith.muli %mul3A_10, %scan3A_9 : i32
      %add3A = arith.constant 0 : i32
      %add3A_12 = arith.addi %mul3A_11, %add3A : i32
      %dma_start3A = arith.constant 0 : i32
      %dma_start3A_13 = tpu.memref_slice %arg6[%add3A_12, %dma_start3A] : memref<80x128xi32, #tpu.memory_space<vmem>> -> memref<1x128xi32, #tpu.memory_space<vmem>>
      %dma_start3A_14 = tpu.memref_squeeze %dma_start3A_13 : memref<1x128xi32, #tpu.memory_space<vmem>> -> memref<128xi32, #tpu.memory_space<vmem>>
      %dma_start3A_15 = arith.constant 0 : i32
      %dma_start3A_16 = arith.constant 0 : i32
      %dma_start3A_17 = tpu.memref_slice %arg8[%dma_start3A_15, %dma_start3A_16] : memref<10240x16xf32, #tpu.memory_space<vmem_shared>> -> memref<10240x16xf32, #tpu.memory_space<vmem_shared>>
      tpu.enqueue_indirect_dma source(%arg7 : memref<128x16xf32, #tpu.memory_space<vmem>>) target(%dma_start3A_17 : memref<10240x16xf32, #tpu.memory_space<vmem_shared>>) offsets(%dma_start3A_14 : memref<128xi32, #tpu.memory_space<vmem>>) semaphore(%arg9 : memref<!tpu.dma_semaphore, #tpu.memory_space<semaphore_mem>>) {add = true}
      %add3A_18 = arith.constant 1 : i32
      %add3A_19 = arith.addi %mul3A_11, %add3A_18 : i32
      %dma_start3A_20 = arith.constant 0 : i32
      %dma_start3A_21 = tpu.memref_slice %arg6[%add3A_19, %dma_start3A_20] : memref<80x128xi32, #tpu.memory_space<vmem>> -> memref<1x128xi32, #tpu.memory_space<vmem>>
      %dma_start3A_22 = tpu.memref_squeeze %dma_start3A_21 : memref<1x128xi32, #tpu.memory_space<vmem>> -> memref<128xi32, #tpu.memory_space<vmem>>
      %dma_start3A_23 = arith.constant 0 : i32
      %dma_start3A_24 = arith.constant 0 : i32
      %dma_start3A_25 = tpu.memref_slice %arg8[%dma_start3A_23, %dma_start3A_24] : memref<10240x16xf32, #tpu.memory_space<vmem_shared>> -> memref<10240x16xf32, #tpu.memory_space<vmem_shared>>
      tpu.enqueue_indirect_dma source(%arg7 : memref<128x16xf32, #tpu.memory_space<vmem>>) target(%dma_start3A_25 : memref<10240x16xf32, #tpu.memory_space<vmem_shared>>) offsets(%dma_start3A_22 : memref<128xi32, #tpu.memory_space<vmem>>) semaphore(%arg9 : memref<!tpu.dma_semaphore, #tpu.memory_space<semaphore_mem>>) {add = true}
      %add3A_26 = arith.constant 2 : i32
      %add3A_27 = arith.addi %mul3A_11, %add3A_26 : i32
      %dma_start3A_28 = arith.constant 0 : i32
      %dma_start3A_29 = tpu.memref_slice %arg6[%add3A_27, %dma_start3A_28] : memref<80x128xi32, #tpu.memory_space<vmem>> -> memref<1x128xi32, #tpu.memory_space<vmem>>
      %dma_start3A_30 = tpu.memref_squeeze %dma_start3A_29 : memref<1x128xi32, #tpu.memory_space<vmem>> -> memref<128xi32, #tpu.memory_space<vmem>>
      %dma_start3A_31 = arith.constant 0 : i32
      %dma_start3A_32 = arith.constant 0 : i32
      %dma_start3A_33 = tpu.memref_slice %arg8[%dma_start3A_31, %dma_start3A_32] : memref<10240x16xf32, #tpu.memory_space<vmem_shared>> -> memref<10240x16xf32, #tpu.memory_space<vmem_shared>>
      tpu.enqueue_indirect_dma source(%arg7 : memref<128x16xf32, #tpu.memory_space<vmem>>) target(%dma_start3A_33 : memref<10240x16xf32, #tpu.memory_space<vmem_shared>>) offsets(%dma_start3A_30 : memref<128xi32, #tpu.memory_space<vmem>>) semaphore(%arg9 : memref<!tpu.dma_semaphore, #tpu.memory_space<semaphore_mem>>) {add = true}
      %add3A_34 = arith.constant 3 : i32
      %add3A_35 = arith.addi %mul3A_11, %add3A_34 : i32
      %dma_start3A_36 = arith.constant 0 : i32
      %dma_start3A_37 = tpu.memref_slice %arg6[%add3A_35, %dma_start3A_36] : memref<80x128xi32, #tpu.memory_space<vmem>> -> memref<1x128xi32, #tpu.memory_space<vmem>>
      %dma_start3A_38 = tpu.memref_squeeze %dma_start3A_37 : memref<1x128xi32, #tpu.memory_space<vmem>> -> memref<128xi32, #tpu.memory_space<vmem>>
      %dma_start3A_39 = arith.constant 0 : i32
      %dma_start3A_40 = arith.constant 0 : i32
      %dma_start3A_41 = tpu.memref_slice %arg8[%dma_start3A_39, %dma_start3A_40] : memref<10240x16xf32, #tpu.memory_space<vmem_shared>> -> memref<10240x16xf32, #tpu.memory_space<vmem_shared>>
      tpu.enqueue_indirect_dma source(%arg7 : memref<128x16xf32, #tpu.memory_space<vmem>>) target(%dma_start3A_41 : memref<10240x16xf32, #tpu.memory_space<vmem_shared>>) offsets(%dma_start3A_38 : memref<128xi32, #tpu.memory_space<vmem>>) semaphore(%arg9 : memref<!tpu.dma_semaphore, #tpu.memory_space<semaphore_mem>>) {add = true}
      %add3A_42 = arith.constant 4 : i32
      %add3A_43 = arith.addi %mul3A_11, %add3A_42 : i32
      %dma_start3A_44 = arith.constant 0 : i32
      %dma_start3A_45 = tpu.memref_slice %arg6[%add3A_43, %dma_start3A_44] : memref<80x128xi32, #tpu.memory_space<vmem>> -> memref<1x128xi32, #tpu.memory_space<vmem>>
      %dma_start3A_46 = tpu.memref_squeeze %dma_start3A_45 : memref<1x128xi32, #tpu.memory_space<vmem>> -> memref<128xi32, #tpu.memory_space<vmem>>
      %dma_start3A_47 = arith.constant 0 : i32
      %dma_start3A_48 = arith.constant 0 : i32
      %dma_start3A_49 = tpu.memref_slice %arg8[%dma_start3A_47, %dma_start3A_48] : memref<10240x16xf32, #tpu.memory_space<vmem_shared>> -> memref<10240x16xf32, #tpu.memory_space<vmem_shared>>
      tpu.enqueue_indirect_dma source(%arg7 : memref<128x16xf32, #tpu.memory_space<vmem>>) target(%dma_start3A_49 : memref<10240x16xf32, #tpu.memory_space<vmem_shared>>) offsets(%dma_start3A_46 : memref<128xi32, #tpu.memory_space<vmem>>) semaphore(%arg9 : memref<!tpu.dma_semaphore, #tpu.memory_space<semaphore_mem>>) {add = true}
      %add3A_50 = arith.constant 5 : i32
      %add3A_51 = arith.addi %mul3A_11, %add3A_50 : i32
      %dma_start3A_52 = arith.constant 0 : i32
      %dma_start3A_53 = tpu.memref_slice %arg6[%add3A_51, %dma_start3A_52] : memref<80x128xi32, #tpu.memory_space<vmem>> -> memref<1x128xi32, #tpu.memory_space<vmem>>
      %dma_start3A_54 = tpu.memref_squeeze %dma_start3A_53 : memref<1x128xi32, #tpu.memory_space<vmem>> -> memref<128xi32, #tpu.memory_space<vmem>>
      %dma_start3A_55 = arith.constant 0 : i32
      %dma_start3A_56 = arith.constant 0 : i32
      %dma_start3A_57 = tpu.memref_slice %arg8[%dma_start3A_55, %dma_start3A_56] : memref<10240x16xf32, #tpu.memory_space<vmem_shared>> -> memref<10240x16xf32, #tpu.memory_space<vmem_shared>>
      tpu.enqueue_indirect_dma source(%arg7 : memref<128x16xf32, #tpu.memory_space<vmem>>) target(%dma_start3A_57 : memref<10240x16xf32, #tpu.memory_space<vmem_shared>>) offsets(%dma_start3A_54 : memref<128xi32, #tpu.memory_space<vmem>>) semaphore(%arg9 : memref<!tpu.dma_semaphore, #tpu.memory_space<semaphore_mem>>) {add = true}
      %add3A_58 = arith.constant 6 : i32
      %add3A_59 = arith.addi %mul3A_11, %add3A_58 : i32
      %dma_start3A_60 = arith.constant 0 : i32
      %dma_start3A_61 = tpu.memref_slice %arg6[%add3A_59, %dma_start3A_60] : memref<80x128xi32, #tpu.memory_space<vmem>> -> memref<1x128xi32, #tpu.memory_space<vmem>>
      %dma_start3A_62 = tpu.memref_squeeze %dma_start3A_61 : memref<1x128xi32, #tpu.memory_space<vmem>> -> memref<128xi32, #tpu.memory_space<vmem>>
      %dma_start3A_63 = arith.constant 0 : i32
      %dma_start3A_64 = arith.constant 0 : i32
      %dma_start3A_65 = tpu.memref_slice %arg8[%dma_start3A_63, %dma_start3A_64] : memref<10240x16xf32, #tpu.memory_space<vmem_shared>> -> memref<10240x16xf32, #tpu.memory_space<vmem_shared>>
      tpu.enqueue_indirect_dma source(%arg7 : memref<128x16xf32, #tpu.memory_space<vmem>>) target(%dma_start3A_65 : memref<10240x16xf32, #tpu.memory_space<vmem_shared>>) offsets(%dma_start3A_62 : memref<128xi32, #tpu.memory_space<vmem>>) semaphore(%arg9 : memref<!tpu.dma_semaphore, #tpu.memory_space<semaphore_mem>>) {add = true}
      %add3A_66 = arith.constant 7 : i32
      %add3A_67 = arith.addi %mul3A_11, %add3A_66 : i32
      %dma_start3A_68 = arith.constant 0 : i32
      %dma_start3A_69 = tpu.memref_slice %arg6[%add3A_67, %dma_start3A_68] : memref<80x128xi32, #tpu.memory_space<vmem>> -> memref<1x128xi32, #tpu.memory_space<vmem>>
      %dma_start3A_70 = tpu.memref_squeeze %dma_start3A_69 : memref<1x128xi32, #tpu.memory_space<vmem>> -> memref<128xi32, #tpu.memory_space<vmem>>
      %dma_start3A_71 = arith.constant 0 : i32
      %dma_start3A_72 = arith.constant 0 : i32
      %dma_start3A_73 = tpu.memref_slice %arg8[%dma_start3A_71, %dma_start3A_72] : memref<10240x16xf32, #tpu.memory_space<vmem_shared>> -> memref<10240x16xf32, #tpu.memory_space<vmem_shared>>
      tpu.enqueue_indirect_dma source(%arg7 : memref<128x16xf32, #tpu.memory_space<vmem>>) target(%dma_start3A_73 : memref<10240x16xf32, #tpu.memory_space<vmem_shared>>) offsets(%dma_start3A_70 : memref<128xi32, #tpu.memory_space<vmem>>) semaphore(%arg9 : memref<!tpu.dma_semaphore, #tpu.memory_space<semaphore_mem>>) {add = true}
      %add3A_74 = arith.constant 0 : i32
      %add3A_75 = arith.addi %mul3A_11, %add3A_74 : i32
      %dma_wait3A = arith.constant 0 : i32
      %dma_wait3A_76 = tpu.memref_slice %arg6[%add3A_75, %dma_wait3A] : memref<80x128xi32, #tpu.memory_space<vmem>> -> memref<1x128xi32, #tpu.memory_space<vmem>>
      %dma_wait3A_77 = tpu.memref_squeeze %dma_wait3A_76 : memref<1x128xi32, #tpu.memory_space<vmem>> -> memref<128xi32, #tpu.memory_space<vmem>>
      %dma_wait3A_78 = arith.constant 0 : i32
      %dma_wait3A_79 = arith.constant 0 : i32
      %dma_wait3A_80 = tpu.memref_slice %arg8[%dma_wait3A_78, %dma_wait3A_79] : memref<10240x16xf32, #tpu.memory_space<vmem_shared>> -> memref<10240x16xf32, #tpu.memory_space<vmem_shared>>
      tpu.wait_indirect_dma semaphore(%arg9 : memref<!tpu.dma_semaphore, #tpu.memory_space<semaphore_mem>>) src(%arg7 : memref<128x16xf32, #tpu.memory_space<vmem>>) dst(%dma_wait3A_80 : memref<10240x16xf32, #tpu.memory_space<vmem_shared>>)
      %add3A_81 = arith.constant 1 : i32
      %add3A_82 = arith.addi %mul3A_11, %add3A_81 : i32
      %dma_wait3A_83 = arith.constant 0 : i32
      %dma_wait3A_84 = tpu.memref_slice %arg6[%add3A_82, %dma_wait3A_83] : memref<80x128xi32, #tpu.memory_space<vmem>> -> memref<1x128xi32, #tpu.memory_space<vmem>>
      %dma_wait3A_85 = tpu.memref_squeeze %dma_wait3A_84 : memref<1x128xi32, #tpu.memory_space<vmem>> -> memref<128xi32, #tpu.memory_space<vmem>>
      %dma_wait3A_86 = arith.constant 0 : i32
      %dma_wait3A_87 = arith.constant 0 : i32
      %dma_wait3A_88 = tpu.memref_slice %arg8[%dma_wait3A_86, %dma_wait3A_87] : memref<10240x16xf32, #tpu.memory_space<vmem_shared>> -> memref<10240x16xf32, #tpu.memory_space<vmem_shared>>
      tpu.wait_indirect_dma semaphore(%arg9 : memref<!tpu.dma_semaphore, #tpu.memory_space<semaphore_mem>>) src(%arg7 : memref<128x16xf32, #tpu.memory_space<vmem>>) dst(%dma_wait3A_88 : memref<10240x16xf32, #tpu.memory_space<vmem_shared>>)
      %add3A_89 = arith.constant 2 : i32
      %add3A_90 = arith.addi %mul3A_11, %add3A_89 : i32
      %dma_wait3A_91 = arith.constant 0 : i32
      %dma_wait3A_92 = tpu.memref_slice %arg6[%add3A_90, %dma_wait3A_91] : memref<80x128xi32, #tpu.memory_space<vmem>> -> memref<1x128xi32, #tpu.memory_space<vmem>>
      %dma_wait3A_93 = tpu.memref_squeeze %dma_wait3A_92 : memref<1x128xi32, #tpu.memory_space<vmem>> -> memref<128xi32, #tpu.memory_space<vmem>>
      %dma_wait3A_94 = arith.constant 0 : i32
      %dma_wait3A_95 = arith.constant 0 : i32
      %dma_wait3A_96 = tpu.memref_slice %arg8[%dma_wait3A_94, %dma_wait3A_95] : memref<10240x16xf32, #tpu.memory_space<vmem_shared>> -> memref<10240x16xf32, #tpu.memory_space<vmem_shared>>
      tpu.wait_indirect_dma semaphore(%arg9 : memref<!tpu.dma_semaphore, #tpu.memory_space<semaphore_mem>>) src(%arg7 : memref<128x16xf32, #tpu.memory_space<vmem>>) dst(%dma_wait3A_96 : memref<10240x16xf32, #tpu.memory_space<vmem_shared>>)
      %add3A_97 = arith.constant 3 : i32
      %add3A_98 = arith.addi %mul3A_11, %add3A_97 : i32
      %dma_wait3A_99 = arith.constant 0 : i32
      %dma_wait3A_100 = tpu.memref_slice %arg6[%add3A_98, %dma_wait3A_99] : memref<80x128xi32, #tpu.memory_space<vmem>> -> memref<1x128xi32, #tpu.memory_space<vmem>>
      %dma_wait3A_101 = tpu.memref_squeeze %dma_wait3A_100 : memref<1x128xi32, #tpu.memory_space<vmem>> -> memref<128xi32, #tpu.memory_space<vmem>>
      %dma_wait3A_102 = arith.constant 0 : i32
      %dma_wait3A_103 = arith.constant 0 : i32
      %dma_wait3A_104 = tpu.memref_slice %arg8[%dma_wait3A_102, %dma_wait3A_103] : memref<10240x16xf32, #tpu.memory_space<vmem_shared>> -> memref<10240x16xf32, #tpu.memory_space<vmem_shared>>
      tpu.wait_indirect_dma semaphore(%arg9 : memref<!tpu.dma_semaphore, #tpu.memory_space<semaphore_mem>>) src(%arg7 : memref<128x16xf32, #tpu.memory_space<vmem>>) dst(%dma_wait3A_104 : memref<10240x16xf32, #tpu.memory_space<vmem_shared>>)
      %add3A_105 = arith.constant 4 : i32
      %add3A_106 = arith.addi %mul3A_11, %add3A_105 : i32
      %dma_wait3A_107 = arith.constant 0 : i32
      %dma_wait3A_108 = tpu.memref_slice %arg6[%add3A_106, %dma_wait3A_107] : memref<80x128xi32, #tpu.memory_space<vmem>> -> memref<1x128xi32, #tpu.memory_space<vmem>>
      %dma_wait3A_109 = tpu.memref_squeeze %dma_wait3A_108 : memref<1x128xi32, #tpu.memory_space<vmem>> -> memref<128xi32, #tpu.memory_space<vmem>>
      %dma_wait3A_110 = arith.constant 0 : i32
      %dma_wait3A_111 = arith.constant 0 : i32
      %dma_wait3A_112 = tpu.memref_slice %arg8[%dma_wait3A_110, %dma_wait3A_111] : memref<10240x16xf32, #tpu.memory_space<vmem_shared>> -> memref<10240x16xf32, #tpu.memory_space<vmem_shared>>
      tpu.wait_indirect_dma semaphore(%arg9 : memref<!tpu.dma_semaphore, #tpu.memory_space<semaphore_mem>>) src(%arg7 : memref<128x16xf32, #tpu.memory_space<vmem>>) dst(%dma_wait3A_112 : memref<10240x16xf32, #tpu.memory_space<vmem_shared>>)
      %add3A_113 = arith.constant 5 : i32
      %add3A_114 = arith.addi %mul3A_11, %add3A_113 : i32
      %dma_wait3A_115 = arith.constant 0 : i32
      %dma_wait3A_116 = tpu.memref_slice %arg6[%add3A_114, %dma_wait3A_115] : memref<80x128xi32, #tpu.memory_space<vmem>> -> memref<1x128xi32, #tpu.memory_space<vmem>>
      %dma_wait3A_117 = tpu.memref_squeeze %dma_wait3A_116 : memref<1x128xi32, #tpu.memory_space<vmem>> -> memref<128xi32, #tpu.memory_space<vmem>>
      %dma_wait3A_118 = arith.constant 0 : i32
      %dma_wait3A_119 = arith.constant 0 : i32
      %dma_wait3A_120 = tpu.memref_slice %arg8[%dma_wait3A_118, %dma_wait3A_119] : memref<10240x16xf32, #tpu.memory_space<vmem_shared>> -> memref<10240x16xf32, #tpu.memory_space<vmem_shared>>
      tpu.wait_indirect_dma semaphore(%arg9 : memref<!tpu.dma_semaphore, #tpu.memory_space<semaphore_mem>>) src(%arg7 : memref<128x16xf32, #tpu.memory_space<vmem>>) dst(%dma_wait3A_120 : memref<10240x16xf32, #tpu.memory_space<vmem_shared>>)
      %add3A_121 = arith.constant 6 : i32
      %add3A_122 = arith.addi %mul3A_11, %add3A_121 : i32
      %dma_wait3A_123 = arith.constant 0 : i32
      %dma_wait3A_124 = tpu.memref_slice %arg6[%add3A_122, %dma_wait3A_123] : memref<80x128xi32, #tpu.memory_space<vmem>> -> memref<1x128xi32, #tpu.memory_space<vmem>>
      %dma_wait3A_125 = tpu.memref_squeeze %dma_wait3A_124 : memref<1x128xi32, #tpu.memory_space<vmem>> -> memref<128xi32, #tpu.memory_space<vmem>>
      %dma_wait3A_126 = arith.constant 0 : i32
      %dma_wait3A_127 = arith.constant 0 : i32
      %dma_wait3A_128 = tpu.memref_slice %arg8[%dma_wait3A_126, %dma_wait3A_127] : memref<10240x16xf32, #tpu.memory_space<vmem_shared>> -> memref<10240x16xf32, #tpu.memory_space<vmem_shared>>
      tpu.wait_indirect_dma semaphore(%arg9 : memref<!tpu.dma_semaphore, #tpu.memory_space<semaphore_mem>>) src(%arg7 : memref<128x16xf32, #tpu.memory_space<vmem>>) dst(%dma_wait3A_128 : memref<10240x16xf32, #tpu.memory_space<vmem_shared>>)
      %add3A_129 = arith.constant 7 : i32
      %add3A_130 = arith.addi %mul3A_11, %add3A_129 : i32
      %dma_wait3A_131 = arith.constant 0 : i32
      %dma_wait3A_132 = tpu.memref_slice %arg6[%add3A_130, %dma_wait3A_131] : memref<80x128xi32, #tpu.memory_space<vmem>> -> memref<1x128xi32, #tpu.memory_space<vmem>>
      %dma_wait3A_133 = tpu.memref_squeeze %dma_wait3A_132 : memref<1x128xi32, #tpu.memory_space<vmem>> -> memref<128xi32, #tpu.memory_space<vmem>>
      %dma_wait3A_134 = arith.constant 0 : i32
      %dma_wait3A_135 = arith.constant 0 : i32
      %dma_wait3A_136 = tpu.memref_slice %arg8[%dma_wait3A_134, %dma_wait3A_135] : memref<10240x16xf32, #tpu.memory_space<vmem_shared>> -> memref<10240x16xf32, #tpu.memory_space<vmem_shared>>
      tpu.wait_indirect_dma semaphore(%arg9 : memref<!tpu.dma_semaphore, #tpu.memory_space<semaphore_mem>>) src(%arg7 : memref<128x16xf32, #tpu.memory_space<vmem>>) dst(%dma_wait3A_136 : memref<10240x16xf32, #tpu.memory_space<vmem_shared>>)
    }
    %scan3A_5 = arith.constant 10 : i32
    %barrier3A_6 = arith.constant 0 : index
    tpu.barrier barrier_id(%barrier3A_6)
    %mul3A_7 = arith.constant 640 : i32
    %mul3A_8 = arith.muli %arg1, %mul3A_7 : i32
    "tpu.region"() ({
      %run_scoped3A = tpu.sem_alloc : memref<!tpu.dma_semaphore, #tpu.memory_space<semaphore_mem>>
      %dma_start3A = arith.constant 0 : i32
      %dma_start3A_9 = arith.constant 0 : i32
      %dma_start3A_10 = tpu.memref_slice %arg5[%arg0, %arg1, %dma_start3A, %dma_start3A_9] : memref<2x16x640x16xf32, #tpu.memory_space<hbm>> -> memref<1x1x640x16xf32, #tpu.memory_space<hbm>>
      %dma_start3A_11 = tpu.memref_squeeze %dma_start3A_10 : memref<1x1x640x16xf32, #tpu.memory_space<hbm>> -> memref<640x16xf32, #tpu.memory_space<hbm>>
      %dma_start3A_12 = arith.constant 0 : i32
      %dma_start3A_13 = tpu.memref_slice %arg8[%mul3A_8, %dma_start3A_12] : memref<10240x16xf32, #tpu.memory_space<vmem_shared>> -> memref<640x16xf32, #tpu.memory_space<vmem_shared>>
      tpu.enqueue_dma source(%dma_start3A_13 : memref<640x16xf32, #tpu.memory_space<vmem_shared>>) target(%dma_start3A_11 : memref<640x16xf32, #tpu.memory_space<hbm>>) target_semaphore(%run_scoped3A : memref<!tpu.dma_semaphore, #tpu.memory_space<semaphore_mem>>)
      %dma_wait3A = arith.constant 0 : i32
      %dma_wait3A_14 = arith.constant 0 : i32
      %dma_wait3A_15 = tpu.memref_slice %arg5[%arg0, %arg1, %dma_wait3A, %dma_wait3A_14] : memref<2x16x640x16xf32, #tpu.memory_space<hbm>> -> memref<1x1x640x16xf32, #tpu.memory_space<hbm>>
      %dma_wait3A_16 = tpu.memref_squeeze %dma_wait3A_15 : memref<1x1x640x16xf32, #tpu.memory_space<hbm>> -> memref<640x16xf32, #tpu.memory_space<hbm>>
      %dma_wait3A_17 = arith.constant 0 : i32
      %dma_wait3A_18 = tpu.memref_slice %arg8[%mul3A_8, %dma_wait3A_17] : memref<10240x16xf32, #tpu.memory_space<vmem_shared>> -> memref<640x16xf32, #tpu.memory_space<vmem_shared>>
      tpu.wait_dma2 semaphore(%run_scoped3A : memref<!tpu.dma_semaphore, #tpu.memory_space<semaphore_mem>>) src(%dma_wait3A_18 : memref<640x16xf32, #tpu.memory_space<vmem_shared>>) dst(%dma_wait3A_16 : memref<640x16xf32, #tpu.memory_space<hbm>>)
      tpu.yield
    }) : () -> ()
    return
  }
}

#map = affine_map<(d0, d1) -> (0, 0)>
#map1 = affine_map<(d0, d1) -> (0, 0, 0)>
#map2 = affine_map<(d0, d1) -> (0, 0, 0, 0)>
module attributes {stable_mosaic.version = 14 : i64} {
  func.func @_msg_body(%arg0: i32, %arg1: i32, %arg2: memref<40960x32xf32, #tpu.memory_space<hbm>>, %arg3: memref<16x160x128xi32, #tpu.memory_space<hbm>>, %arg4: memref<16x160x128xi32, #tpu.memory_space<hbm>>, %arg5: memref<4x16x5x128xi32, #tpu.memory_space<hbm>>, %arg6: memref<40960x32xf32, #tpu.memory_space<hbm>>, %arg7: memref<160x128xi32, #tpu.memory_space<vmem>>, %arg8: memref<160x128xi32, #tpu.memory_space<vmem>>, %arg9: memref<128x32xf32, #tpu.memory_space<vmem>>, %arg10: memref<128x32xf32, #tpu.memory_space<vmem>>, %arg11: memref<128x32xf32, #tpu.memory_space<vmem>>, %arg12: memref<128x32xf32, #tpu.memory_space<vmem>>, %arg13: memref<5x128xi32, #tpu.memory_space<vmem>>, %arg14: memref<128x32xf32, #tpu.memory_space<vmem>>, %arg15: memref<10240x32xf32, #tpu.memory_space<vmem_shared>>, %arg16: memref<10240x32xf32, #tpu.memory_space<vmem_shared>>, %arg17: memref<!tpu.dma_semaphore, #tpu.memory_space<semaphore_mem>>, %arg18: memref<!tpu.dma_semaphore, #tpu.memory_space<semaphore_mem>>, %arg19: memref<!tpu.dma_semaphore, #tpu.memory_space<semaphore_mem>>, %arg20: memref<!tpu.dma_semaphore, #tpu.memory_space<semaphore_mem>>, %arg21: memref<!tpu.dma_semaphore, #tpu.memory_space<semaphore_mem>>, %arg22: memref<!tpu.dma_semaphore, #tpu.memory_space<semaphore_mem>>, %arg23: memref<!tpu.dma_semaphore, #tpu.memory_space<semaphore_mem>>, %arg24: memref<!tpu.dma_semaphore, #tpu.memory_space<semaphore_mem>>) attributes {dimension_semantics = [#tpu.dimension_semantics<core_parallel>, #tpu.dimension_semantics<subcore_parallel>], iteration_bounds = array<i64: 2, 16>, scalar_prefetch = 0 : i64, scratch_operands = 18 : i64, tpu.core_type = #tpu.core_type<sc_vector_subcore>, window_params = [{transform_indices = #map}, {transform_indices = #map1}, {transform_indices = #map1}, {transform_indices = #map2}, {transform_indices = #map}]} {
    "tpu.region"() ({
      %run_scoped3A = tpu.sem_alloc : memref<!tpu.dma_semaphore, #tpu.memory_space<semaphore_mem>>
      %dma_start3A_490 = arith.constant 0 : i32
      %dma_start3A_491 = arith.constant 0 : i32
      %dma_start3A_492 = tpu.memref_slice %arg3[%arg1, %dma_start3A_490, %dma_start3A_491] : memref<16x160x128xi32, #tpu.memory_space<hbm>> -> memref<1x160x128xi32, #tpu.memory_space<hbm>>
      %dma_start3A_493 = tpu.memref_squeeze %dma_start3A_492 : memref<1x160x128xi32, #tpu.memory_space<hbm>> -> memref<160x128xi32, #tpu.memory_space<hbm>>
      %dma_start3A_494 = arith.constant 0 : i32
      %dma_start3A_495 = arith.constant 0 : i32
      %dma_start3A_496 = tpu.memref_slice %arg3[%arg1, %dma_start3A_494, %dma_start3A_495] : memref<16x160x128xi32, #tpu.memory_space<hbm>> -> memref<1x160x128xi32, #tpu.memory_space<hbm>>
      %dma_start3A_497 = tpu.memref_squeeze %dma_start3A_496 : memref<1x160x128xi32, #tpu.memory_space<hbm>> -> memref<160x128xi32, #tpu.memory_space<hbm>>
      tpu.enqueue_dma source(%dma_start3A_497 : memref<160x128xi32, #tpu.memory_space<hbm>>) target(%arg7 : memref<160x128xi32, #tpu.memory_space<vmem>>) target_semaphore(%run_scoped3A : memref<!tpu.dma_semaphore, #tpu.memory_space<semaphore_mem>>)
      %dma_wait3A_498 = arith.constant 0 : i32
      %dma_wait3A_499 = arith.constant 0 : i32
      %dma_wait3A_500 = tpu.memref_slice %arg3[%arg1, %dma_wait3A_498, %dma_wait3A_499] : memref<16x160x128xi32, #tpu.memory_space<hbm>> -> memref<1x160x128xi32, #tpu.memory_space<hbm>>
      %dma_wait3A_501 = tpu.memref_squeeze %dma_wait3A_500 : memref<1x160x128xi32, #tpu.memory_space<hbm>> -> memref<160x128xi32, #tpu.memory_space<hbm>>
      %dma_wait3A_502 = arith.constant 0 : i32
      %dma_wait3A_503 = arith.constant 0 : i32
      %dma_wait3A_504 = tpu.memref_slice %arg3[%arg1, %dma_wait3A_502, %dma_wait3A_503] : memref<16x160x128xi32, #tpu.memory_space<hbm>> -> memref<1x160x128xi32, #tpu.memory_space<hbm>>
      %dma_wait3A_505 = tpu.memref_squeeze %dma_wait3A_504 : memref<1x160x128xi32, #tpu.memory_space<hbm>> -> memref<160x128xi32, #tpu.memory_space<hbm>>
      tpu.wait_dma2 semaphore(%run_scoped3A : memref<!tpu.dma_semaphore, #tpu.memory_space<semaphore_mem>>) src(%dma_wait3A_505 : memref<160x128xi32, #tpu.memory_space<hbm>>) dst(%arg7 : memref<160x128xi32, #tpu.memory_space<vmem>>)
      tpu.yield
    }) : () -> ()
    "tpu.region"() ({
      %run_scoped3A = tpu.sem_alloc : memref<!tpu.dma_semaphore, #tpu.memory_space<semaphore_mem>>
      %dma_start3A_490 = arith.constant 0 : i32
      %dma_start3A_491 = arith.constant 0 : i32
      %dma_start3A_492 = tpu.memref_slice %arg4[%arg1, %dma_start3A_490, %dma_start3A_491] : memref<16x160x128xi32, #tpu.memory_space<hbm>> -> memref<1x160x128xi32, #tpu.memory_space<hbm>>
      %dma_start3A_493 = tpu.memref_squeeze %dma_start3A_492 : memref<1x160x128xi32, #tpu.memory_space<hbm>> -> memref<160x128xi32, #tpu.memory_space<hbm>>
      %dma_start3A_494 = arith.constant 0 : i32
      %dma_start3A_495 = arith.constant 0 : i32
      %dma_start3A_496 = tpu.memref_slice %arg4[%arg1, %dma_start3A_494, %dma_start3A_495] : memref<16x160x128xi32, #tpu.memory_space<hbm>> -> memref<1x160x128xi32, #tpu.memory_space<hbm>>
      %dma_start3A_497 = tpu.memref_squeeze %dma_start3A_496 : memref<1x160x128xi32, #tpu.memory_space<hbm>> -> memref<160x128xi32, #tpu.memory_space<hbm>>
      tpu.enqueue_dma source(%dma_start3A_497 : memref<160x128xi32, #tpu.memory_space<hbm>>) target(%arg8 : memref<160x128xi32, #tpu.memory_space<vmem>>) target_semaphore(%run_scoped3A : memref<!tpu.dma_semaphore, #tpu.memory_space<semaphore_mem>>)
      %dma_wait3A_498 = arith.constant 0 : i32
      %dma_wait3A_499 = arith.constant 0 : i32
      %dma_wait3A_500 = tpu.memref_slice %arg4[%arg1, %dma_wait3A_498, %dma_wait3A_499] : memref<16x160x128xi32, #tpu.memory_space<hbm>> -> memref<1x160x128xi32, #tpu.memory_space<hbm>>
      %dma_wait3A_501 = tpu.memref_squeeze %dma_wait3A_500 : memref<1x160x128xi32, #tpu.memory_space<hbm>> -> memref<160x128xi32, #tpu.memory_space<hbm>>
      %dma_wait3A_502 = arith.constant 0 : i32
      %dma_wait3A_503 = arith.constant 0 : i32
      %dma_wait3A_504 = tpu.memref_slice %arg4[%arg1, %dma_wait3A_502, %dma_wait3A_503] : memref<16x160x128xi32, #tpu.memory_space<hbm>> -> memref<1x160x128xi32, #tpu.memory_space<hbm>>
      %dma_wait3A_505 = tpu.memref_squeeze %dma_wait3A_504 : memref<1x160x128xi32, #tpu.memory_space<hbm>> -> memref<160x128xi32, #tpu.memory_space<hbm>>
      tpu.wait_dma2 semaphore(%run_scoped3A : memref<!tpu.dma_semaphore, #tpu.memory_space<semaphore_mem>>) src(%dma_wait3A_505 : memref<160x128xi32, #tpu.memory_space<hbm>>) dst(%arg8 : memref<160x128xi32, #tpu.memory_space<vmem>>)
      tpu.yield
    }) : () -> ()
    %mul3A = arith.constant 2 : i32
    %mul3A_0 = arith.muli %mul3A, %arg0 : i32
    %add3A = arith.constant 0 : i32
    %add3A_1 = arith.addi %mul3A_0, %add3A : i32
    "tpu.region"() ({
      %run_scoped3A = tpu.sem_alloc : memref<!tpu.dma_semaphore, #tpu.memory_space<semaphore_mem>>
      %dma_start3A_490 = arith.constant 0 : i32
      %dma_start3A_491 = arith.constant 0 : i32
      %dma_start3A_492 = tpu.memref_slice %arg5[%add3A_1, %arg1, %dma_start3A_490, %dma_start3A_491] : memref<4x16x5x128xi32, #tpu.memory_space<hbm>> -> memref<1x1x5x128xi32, #tpu.memory_space<hbm>>
      %dma_start3A_493 = tpu.memref_squeeze %dma_start3A_492 : memref<1x1x5x128xi32, #tpu.memory_space<hbm>> -> memref<5x128xi32, #tpu.memory_space<hbm>>
      %dma_start3A_494 = arith.constant 0 : i32
      %dma_start3A_495 = arith.constant 0 : i32
      %dma_start3A_496 = tpu.memref_slice %arg5[%add3A_1, %arg1, %dma_start3A_494, %dma_start3A_495] : memref<4x16x5x128xi32, #tpu.memory_space<hbm>> -> memref<1x1x5x128xi32, #tpu.memory_space<hbm>>
      %dma_start3A_497 = tpu.memref_squeeze %dma_start3A_496 : memref<1x1x5x128xi32, #tpu.memory_space<hbm>> -> memref<5x128xi32, #tpu.memory_space<hbm>>
      tpu.enqueue_dma source(%dma_start3A_497 : memref<5x128xi32, #tpu.memory_space<hbm>>) target(%arg13 : memref<5x128xi32, #tpu.memory_space<vmem>>) target_semaphore(%run_scoped3A : memref<!tpu.dma_semaphore, #tpu.memory_space<semaphore_mem>>)
      %dma_wait3A_498 = arith.constant 0 : i32
      %dma_wait3A_499 = arith.constant 0 : i32
      %dma_wait3A_500 = tpu.memref_slice %arg5[%add3A_1, %arg1, %dma_wait3A_498, %dma_wait3A_499] : memref<4x16x5x128xi32, #tpu.memory_space<hbm>> -> memref<1x1x5x128xi32, #tpu.memory_space<hbm>>
      %dma_wait3A_501 = tpu.memref_squeeze %dma_wait3A_500 : memref<1x1x5x128xi32, #tpu.memory_space<hbm>> -> memref<5x128xi32, #tpu.memory_space<hbm>>
      %dma_wait3A_502 = arith.constant 0 : i32
      %dma_wait3A_503 = arith.constant 0 : i32
      %dma_wait3A_504 = tpu.memref_slice %arg5[%add3A_1, %arg1, %dma_wait3A_502, %dma_wait3A_503] : memref<4x16x5x128xi32, #tpu.memory_space<hbm>> -> memref<1x1x5x128xi32, #tpu.memory_space<hbm>>
      %dma_wait3A_505 = tpu.memref_squeeze %dma_wait3A_504 : memref<1x1x5x128xi32, #tpu.memory_space<hbm>> -> memref<5x128xi32, #tpu.memory_space<hbm>>
      tpu.wait_dma2 semaphore(%run_scoped3A : memref<!tpu.dma_semaphore, #tpu.memory_space<semaphore_mem>>) src(%dma_wait3A_505 : memref<5x128xi32, #tpu.memory_space<hbm>>) dst(%arg13 : memref<5x128xi32, #tpu.memory_space<vmem>>)
      tpu.yield
    }) : () -> ()
    %dma_start3A = arith.constant 0 : i32
    %dma_start3A_2 = arith.constant 0 : i32
    %dma_start3A_3 = tpu.memref_slice %arg13[%dma_start3A, %dma_start3A_2] : memref<5x128xi32, #tpu.memory_space<vmem>> -> memref<1x128xi32, #tpu.memory_space<vmem>>
    %dma_start3A_4 = tpu.memref_squeeze %dma_start3A_3 : memref<1x128xi32, #tpu.memory_space<vmem>> -> memref<128xi32, #tpu.memory_space<vmem>>
    %dma_start3A_5 = arith.constant 0 : i32
    %dma_start3A_6 = arith.constant 0 : i32
    %dma_start3A_7 = tpu.memref_slice %arg2[%dma_start3A_5, %dma_start3A_6] : memref<40960x32xf32, #tpu.memory_space<hbm>> -> memref<40960x32xf32, #tpu.memory_space<hbm>>
    tpu.enqueue_indirect_dma source(%dma_start3A_7 : memref<40960x32xf32, #tpu.memory_space<hbm>>) target(%arg14 : memref<128x32xf32, #tpu.memory_space<vmem>>) offsets(%dma_start3A_4 : memref<128xi32, #tpu.memory_space<vmem>>) semaphore(%arg17 : memref<!tpu.dma_semaphore, #tpu.memory_space<semaphore_mem>>)
    %dma_wait3A = arith.constant 0 : i32
    %dma_wait3A_8 = arith.constant 0 : i32
    %dma_wait3A_9 = tpu.memref_slice %arg13[%dma_wait3A, %dma_wait3A_8] : memref<5x128xi32, #tpu.memory_space<vmem>> -> memref<1x128xi32, #tpu.memory_space<vmem>>
    %dma_wait3A_10 = tpu.memref_squeeze %dma_wait3A_9 : memref<1x128xi32, #tpu.memory_space<vmem>> -> memref<128xi32, #tpu.memory_space<vmem>>
    %dma_wait3A_11 = arith.constant 0 : i32
    %dma_wait3A_12 = arith.constant 0 : i32
    %dma_wait3A_13 = tpu.memref_slice %arg2[%dma_wait3A_11, %dma_wait3A_12] : memref<40960x32xf32, #tpu.memory_space<hbm>> -> memref<40960x32xf32, #tpu.memory_space<hbm>>
    tpu.wait_indirect_dma semaphore(%arg17 : memref<!tpu.dma_semaphore, #tpu.memory_space<semaphore_mem>>) src(%dma_wait3A_13 : memref<40960x32xf32, #tpu.memory_space<hbm>>) dst(%arg14 : memref<128x32xf32, #tpu.memory_space<vmem>>)
    %mul3A_14 = arith.constant 640 : i32
    %mul3A_15 = arith.muli %arg1, %mul3A_14 : i32
    %add3A_16 = arith.constant 0 : i32
    %add3A_17 = arith.addi %mul3A_15, %add3A_16 : i32
    "tpu.region"() ({
      %run_scoped3A = tpu.sem_alloc : memref<!tpu.dma_semaphore, #tpu.memory_space<semaphore_mem>>
      %dma_start3A_490 = arith.constant 0 : i32
      %dma_start3A_491 = tpu.memref_slice %arg15[%add3A_17, %dma_start3A_490] : memref<10240x32xf32, #tpu.memory_space<vmem_shared>> -> memref<128x32xf32, #tpu.memory_space<vmem_shared>>
      %dma_start3A_492 = arith.constant 0 : i32
      %dma_start3A_493 = tpu.memref_slice %arg15[%add3A_17, %dma_start3A_492] : memref<10240x32xf32, #tpu.memory_space<vmem_shared>> -> memref<128x32xf32, #tpu.memory_space<vmem_shared>>
      tpu.enqueue_dma source(%arg14 : memref<128x32xf32, #tpu.memory_space<vmem>>) target(%dma_start3A_493 : memref<128x32xf32, #tpu.memory_space<vmem_shared>>) target_semaphore(%run_scoped3A : memref<!tpu.dma_semaphore, #tpu.memory_space<semaphore_mem>>)
      %dma_wait3A_494 = arith.constant 0 : i32
      %dma_wait3A_495 = tpu.memref_slice %arg15[%add3A_17, %dma_wait3A_494] : memref<10240x32xf32, #tpu.memory_space<vmem_shared>> -> memref<128x32xf32, #tpu.memory_space<vmem_shared>>
      %dma_wait3A_496 = arith.constant 0 : i32
      %dma_wait3A_497 = tpu.memref_slice %arg15[%add3A_17, %dma_wait3A_496] : memref<10240x32xf32, #tpu.memory_space<vmem_shared>> -> memref<128x32xf32, #tpu.memory_space<vmem_shared>>
      tpu.wait_dma2 semaphore(%run_scoped3A : memref<!tpu.dma_semaphore, #tpu.memory_space<semaphore_mem>>) src(%arg14 : memref<128x32xf32, #tpu.memory_space<vmem>>) dst(%dma_wait3A_497 : memref<128x32xf32, #tpu.memory_space<vmem_shared>>)
      tpu.yield
    }) : () -> ()
    "tpu.region"() ({
      %run_scoped3A = tpu.sem_alloc : memref<!tpu.dma_semaphore, #tpu.memory_space<semaphore_mem>>
      %dma_start3A_490 = arith.constant 0 : i32
      %dma_start3A_491 = tpu.memref_slice %arg16[%add3A_17, %dma_start3A_490] : memref<10240x32xf32, #tpu.memory_space<vmem_shared>> -> memref<128x32xf32, #tpu.memory_space<vmem_shared>>
      %dma_start3A_492 = arith.constant 0 : i32
      %dma_start3A_493 = tpu.memref_slice %arg16[%add3A_17, %dma_start3A_492] : memref<10240x32xf32, #tpu.memory_space<vmem_shared>> -> memref<128x32xf32, #tpu.memory_space<vmem_shared>>
      tpu.enqueue_dma source(%arg14 : memref<128x32xf32, #tpu.memory_space<vmem>>) target(%dma_start3A_493 : memref<128x32xf32, #tpu.memory_space<vmem_shared>>) target_semaphore(%run_scoped3A : memref<!tpu.dma_semaphore, #tpu.memory_space<semaphore_mem>>)
      %dma_wait3A_494 = arith.constant 0 : i32
      %dma_wait3A_495 = tpu.memref_slice %arg16[%add3A_17, %dma_wait3A_494] : memref<10240x32xf32, #tpu.memory_space<vmem_shared>> -> memref<128x32xf32, #tpu.memory_space<vmem_shared>>
      %dma_wait3A_496 = arith.constant 0 : i32
      %dma_wait3A_497 = tpu.memref_slice %arg16[%add3A_17, %dma_wait3A_496] : memref<10240x32xf32, #tpu.memory_space<vmem_shared>> -> memref<128x32xf32, #tpu.memory_space<vmem_shared>>
      tpu.wait_dma2 semaphore(%run_scoped3A : memref<!tpu.dma_semaphore, #tpu.memory_space<semaphore_mem>>) src(%arg14 : memref<128x32xf32, #tpu.memory_space<vmem>>) dst(%dma_wait3A_497 : memref<128x32xf32, #tpu.memory_space<vmem_shared>>)
      tpu.yield
    }) : () -> ()
    %dma_start3A_18 = arith.constant 1 : i32
    %dma_start3A_19 = arith.constant 0 : i32
    %dma_start3A_20 = tpu.memref_slice %arg13[%dma_start3A_18, %dma_start3A_19] : memref<5x128xi32, #tpu.memory_space<vmem>> -> memref<1x128xi32, #tpu.memory_space<vmem>>
    %dma_start3A_21 = tpu.memref_squeeze %dma_start3A_20 : memref<1x128xi32, #tpu.memory_space<vmem>> -> memref<128xi32, #tpu.memory_space<vmem>>
    %dma_start3A_22 = arith.constant 0 : i32
    %dma_start3A_23 = arith.constant 0 : i32
    %dma_start3A_24 = tpu.memref_slice %arg2[%dma_start3A_22, %dma_start3A_23] : memref<40960x32xf32, #tpu.memory_space<hbm>> -> memref<40960x32xf32, #tpu.memory_space<hbm>>
    tpu.enqueue_indirect_dma source(%dma_start3A_24 : memref<40960x32xf32, #tpu.memory_space<hbm>>) target(%arg14 : memref<128x32xf32, #tpu.memory_space<vmem>>) offsets(%dma_start3A_21 : memref<128xi32, #tpu.memory_space<vmem>>) semaphore(%arg17 : memref<!tpu.dma_semaphore, #tpu.memory_space<semaphore_mem>>)
    %dma_wait3A_25 = arith.constant 1 : i32
    %dma_wait3A_26 = arith.constant 0 : i32
    %dma_wait3A_27 = tpu.memref_slice %arg13[%dma_wait3A_25, %dma_wait3A_26] : memref<5x128xi32, #tpu.memory_space<vmem>> -> memref<1x128xi32, #tpu.memory_space<vmem>>
    %dma_wait3A_28 = tpu.memref_squeeze %dma_wait3A_27 : memref<1x128xi32, #tpu.memory_space<vmem>> -> memref<128xi32, #tpu.memory_space<vmem>>
    %dma_wait3A_29 = arith.constant 0 : i32
    %dma_wait3A_30 = arith.constant 0 : i32
    %dma_wait3A_31 = tpu.memref_slice %arg2[%dma_wait3A_29, %dma_wait3A_30] : memref<40960x32xf32, #tpu.memory_space<hbm>> -> memref<40960x32xf32, #tpu.memory_space<hbm>>
    tpu.wait_indirect_dma semaphore(%arg17 : memref<!tpu.dma_semaphore, #tpu.memory_space<semaphore_mem>>) src(%dma_wait3A_31 : memref<40960x32xf32, #tpu.memory_space<hbm>>) dst(%arg14 : memref<128x32xf32, #tpu.memory_space<vmem>>)
    %mul3A_32 = arith.constant 640 : i32
    %mul3A_33 = arith.muli %arg1, %mul3A_32 : i32
    %add3A_34 = arith.constant 128 : i32
    %add3A_35 = arith.addi %mul3A_33, %add3A_34 : i32
    "tpu.region"() ({
      %run_scoped3A = tpu.sem_alloc : memref<!tpu.dma_semaphore, #tpu.memory_space<semaphore_mem>>
      %dma_start3A_490 = arith.constant 0 : i32
      %dma_start3A_491 = tpu.memref_slice %arg15[%add3A_35, %dma_start3A_490] : memref<10240x32xf32, #tpu.memory_space<vmem_shared>> -> memref<128x32xf32, #tpu.memory_space<vmem_shared>>
      %dma_start3A_492 = arith.constant 0 : i32
      %dma_start3A_493 = tpu.memref_slice %arg15[%add3A_35, %dma_start3A_492] : memref<10240x32xf32, #tpu.memory_space<vmem_shared>> -> memref<128x32xf32, #tpu.memory_space<vmem_shared>>
      tpu.enqueue_dma source(%arg14 : memref<128x32xf32, #tpu.memory_space<vmem>>) target(%dma_start3A_493 : memref<128x32xf32, #tpu.memory_space<vmem_shared>>) target_semaphore(%run_scoped3A : memref<!tpu.dma_semaphore, #tpu.memory_space<semaphore_mem>>)
      %dma_wait3A_494 = arith.constant 0 : i32
      %dma_wait3A_495 = tpu.memref_slice %arg15[%add3A_35, %dma_wait3A_494] : memref<10240x32xf32, #tpu.memory_space<vmem_shared>> -> memref<128x32xf32, #tpu.memory_space<vmem_shared>>
      %dma_wait3A_496 = arith.constant 0 : i32
      %dma_wait3A_497 = tpu.memref_slice %arg15[%add3A_35, %dma_wait3A_496] : memref<10240x32xf32, #tpu.memory_space<vmem_shared>> -> memref<128x32xf32, #tpu.memory_space<vmem_shared>>
      tpu.wait_dma2 semaphore(%run_scoped3A : memref<!tpu.dma_semaphore, #tpu.memory_space<semaphore_mem>>) src(%arg14 : memref<128x32xf32, #tpu.memory_space<vmem>>) dst(%dma_wait3A_497 : memref<128x32xf32, #tpu.memory_space<vmem_shared>>)
      tpu.yield
    }) : () -> ()
    "tpu.region"() ({
      %run_scoped3A = tpu.sem_alloc : memref<!tpu.dma_semaphore, #tpu.memory_space<semaphore_mem>>
      %dma_start3A_490 = arith.constant 0 : i32
      %dma_start3A_491 = tpu.memref_slice %arg16[%add3A_35, %dma_start3A_490] : memref<10240x32xf32, #tpu.memory_space<vmem_shared>> -> memref<128x32xf32, #tpu.memory_space<vmem_shared>>
      %dma_start3A_492 = arith.constant 0 : i32
      %dma_start3A_493 = tpu.memref_slice %arg16[%add3A_35, %dma_start3A_492] : memref<10240x32xf32, #tpu.memory_space<vmem_shared>> -> memref<128x32xf32, #tpu.memory_space<vmem_shared>>
      tpu.enqueue_dma source(%arg14 : memref<128x32xf32, #tpu.memory_space<vmem>>) target(%dma_start3A_493 : memref<128x32xf32, #tpu.memory_space<vmem_shared>>) target_semaphore(%run_scoped3A : memref<!tpu.dma_semaphore, #tpu.memory_space<semaphore_mem>>)
      %dma_wait3A_494 = arith.constant 0 : i32
      %dma_wait3A_495 = tpu.memref_slice %arg16[%add3A_35, %dma_wait3A_494] : memref<10240x32xf32, #tpu.memory_space<vmem_shared>> -> memref<128x32xf32, #tpu.memory_space<vmem_shared>>
      %dma_wait3A_496 = arith.constant 0 : i32
      %dma_wait3A_497 = tpu.memref_slice %arg16[%add3A_35, %dma_wait3A_496] : memref<10240x32xf32, #tpu.memory_space<vmem_shared>> -> memref<128x32xf32, #tpu.memory_space<vmem_shared>>
      tpu.wait_dma2 semaphore(%run_scoped3A : memref<!tpu.dma_semaphore, #tpu.memory_space<semaphore_mem>>) src(%arg14 : memref<128x32xf32, #tpu.memory_space<vmem>>) dst(%dma_wait3A_497 : memref<128x32xf32, #tpu.memory_space<vmem_shared>>)
      tpu.yield
    }) : () -> ()
    %dma_start3A_36 = arith.constant 2 : i32
    %dma_start3A_37 = arith.constant 0 : i32
    %dma_start3A_38 = tpu.memref_slice %arg13[%dma_start3A_36, %dma_start3A_37] : memref<5x128xi32, #tpu.memory_space<vmem>> -> memref<1x128xi32, #tpu.memory_space<vmem>>
    %dma_start3A_39 = tpu.memref_squeeze %dma_start3A_38 : memref<1x128xi32, #tpu.memory_space<vmem>> -> memref<128xi32, #tpu.memory_space<vmem>>
    %dma_start3A_40 = arith.constant 0 : i32
    %dma_start3A_41 = arith.constant 0 : i32
    %dma_start3A_42 = tpu.memref_slice %arg2[%dma_start3A_40, %dma_start3A_41] : memref<40960x32xf32, #tpu.memory_space<hbm>> -> memref<40960x32xf32, #tpu.memory_space<hbm>>
    tpu.enqueue_indirect_dma source(%dma_start3A_42 : memref<40960x32xf32, #tpu.memory_space<hbm>>) target(%arg14 : memref<128x32xf32, #tpu.memory_space<vmem>>) offsets(%dma_start3A_39 : memref<128xi32, #tpu.memory_space<vmem>>) semaphore(%arg17 : memref<!tpu.dma_semaphore, #tpu.memory_space<semaphore_mem>>)
    %dma_wait3A_43 = arith.constant 2 : i32
    %dma_wait3A_44 = arith.constant 0 : i32
    %dma_wait3A_45 = tpu.memref_slice %arg13[%dma_wait3A_43, %dma_wait3A_44] : memref<5x128xi32, #tpu.memory_space<vmem>> -> memref<1x128xi32, #tpu.memory_space<vmem>>
    %dma_wait3A_46 = tpu.memref_squeeze %dma_wait3A_45 : memref<1x128xi32, #tpu.memory_space<vmem>> -> memref<128xi32, #tpu.memory_space<vmem>>
    %dma_wait3A_47 = arith.constant 0 : i32
    %dma_wait3A_48 = arith.constant 0 : i32
    %dma_wait3A_49 = tpu.memref_slice %arg2[%dma_wait3A_47, %dma_wait3A_48] : memref<40960x32xf32, #tpu.memory_space<hbm>> -> memref<40960x32xf32, #tpu.memory_space<hbm>>
    tpu.wait_indirect_dma semaphore(%arg17 : memref<!tpu.dma_semaphore, #tpu.memory_space<semaphore_mem>>) src(%dma_wait3A_49 : memref<40960x32xf32, #tpu.memory_space<hbm>>) dst(%arg14 : memref<128x32xf32, #tpu.memory_space<vmem>>)
    %mul3A_50 = arith.constant 640 : i32
    %mul3A_51 = arith.muli %arg1, %mul3A_50 : i32
    %add3A_52 = arith.constant 256 : i32
    %add3A_53 = arith.addi %mul3A_51, %add3A_52 : i32
    "tpu.region"() ({
      %run_scoped3A = tpu.sem_alloc : memref<!tpu.dma_semaphore, #tpu.memory_space<semaphore_mem>>
      %dma_start3A_490 = arith.constant 0 : i32
      %dma_start3A_491 = tpu.memref_slice %arg15[%add3A_53, %dma_start3A_490] : memref<10240x32xf32, #tpu.memory_space<vmem_shared>> -> memref<128x32xf32, #tpu.memory_space<vmem_shared>>
      %dma_start3A_492 = arith.constant 0 : i32
      %dma_start3A_493 = tpu.memref_slice %arg15[%add3A_53, %dma_start3A_492] : memref<10240x32xf32, #tpu.memory_space<vmem_shared>> -> memref<128x32xf32, #tpu.memory_space<vmem_shared>>
      tpu.enqueue_dma source(%arg14 : memref<128x32xf32, #tpu.memory_space<vmem>>) target(%dma_start3A_493 : memref<128x32xf32, #tpu.memory_space<vmem_shared>>) target_semaphore(%run_scoped3A : memref<!tpu.dma_semaphore, #tpu.memory_space<semaphore_mem>>)
      %dma_wait3A_494 = arith.constant 0 : i32
      %dma_wait3A_495 = tpu.memref_slice %arg15[%add3A_53, %dma_wait3A_494] : memref<10240x32xf32, #tpu.memory_space<vmem_shared>> -> memref<128x32xf32, #tpu.memory_space<vmem_shared>>
      %dma_wait3A_496 = arith.constant 0 : i32
      %dma_wait3A_497 = tpu.memref_slice %arg15[%add3A_53, %dma_wait3A_496] : memref<10240x32xf32, #tpu.memory_space<vmem_shared>> -> memref<128x32xf32, #tpu.memory_space<vmem_shared>>
      tpu.wait_dma2 semaphore(%run_scoped3A : memref<!tpu.dma_semaphore, #tpu.memory_space<semaphore_mem>>) src(%arg14 : memref<128x32xf32, #tpu.memory_space<vmem>>) dst(%dma_wait3A_497 : memref<128x32xf32, #tpu.memory_space<vmem_shared>>)
      tpu.yield
    }) : () -> ()
    "tpu.region"() ({
      %run_scoped3A = tpu.sem_alloc : memref<!tpu.dma_semaphore, #tpu.memory_space<semaphore_mem>>
      %dma_start3A_490 = arith.constant 0 : i32
      %dma_start3A_491 = tpu.memref_slice %arg16[%add3A_53, %dma_start3A_490] : memref<10240x32xf32, #tpu.memory_space<vmem_shared>> -> memref<128x32xf32, #tpu.memory_space<vmem_shared>>
      %dma_start3A_492 = arith.constant 0 : i32
      %dma_start3A_493 = tpu.memref_slice %arg16[%add3A_53, %dma_start3A_492] : memref<10240x32xf32, #tpu.memory_space<vmem_shared>> -> memref<128x32xf32, #tpu.memory_space<vmem_shared>>
      tpu.enqueue_dma source(%arg14 : memref<128x32xf32, #tpu.memory_space<vmem>>) target(%dma_start3A_493 : memref<128x32xf32, #tpu.memory_space<vmem_shared>>) target_semaphore(%run_scoped3A : memref<!tpu.dma_semaphore, #tpu.memory_space<semaphore_mem>>)
      %dma_wait3A_494 = arith.constant 0 : i32
      %dma_wait3A_495 = tpu.memref_slice %arg16[%add3A_53, %dma_wait3A_494] : memref<10240x32xf32, #tpu.memory_space<vmem_shared>> -> memref<128x32xf32, #tpu.memory_space<vmem_shared>>
      %dma_wait3A_496 = arith.constant 0 : i32
      %dma_wait3A_497 = tpu.memref_slice %arg16[%add3A_53, %dma_wait3A_496] : memref<10240x32xf32, #tpu.memory_space<vmem_shared>> -> memref<128x32xf32, #tpu.memory_space<vmem_shared>>
      tpu.wait_dma2 semaphore(%run_scoped3A : memref<!tpu.dma_semaphore, #tpu.memory_space<semaphore_mem>>) src(%arg14 : memref<128x32xf32, #tpu.memory_space<vmem>>) dst(%dma_wait3A_497 : memref<128x32xf32, #tpu.memory_space<vmem_shared>>)
      tpu.yield
    }) : () -> ()
    %dma_start3A_54 = arith.constant 3 : i32
    %dma_start3A_55 = arith.constant 0 : i32
    %dma_start3A_56 = tpu.memref_slice %arg13[%dma_start3A_54, %dma_start3A_55] : memref<5x128xi32, #tpu.memory_space<vmem>> -> memref<1x128xi32, #tpu.memory_space<vmem>>
    %dma_start3A_57 = tpu.memref_squeeze %dma_start3A_56 : memref<1x128xi32, #tpu.memory_space<vmem>> -> memref<128xi32, #tpu.memory_space<vmem>>
    %dma_start3A_58 = arith.constant 0 : i32
    %dma_start3A_59 = arith.constant 0 : i32
    %dma_start3A_60 = tpu.memref_slice %arg2[%dma_start3A_58, %dma_start3A_59] : memref<40960x32xf32, #tpu.memory_space<hbm>> -> memref<40960x32xf32, #tpu.memory_space<hbm>>
    tpu.enqueue_indirect_dma source(%dma_start3A_60 : memref<40960x32xf32, #tpu.memory_space<hbm>>) target(%arg14 : memref<128x32xf32, #tpu.memory_space<vmem>>) offsets(%dma_start3A_57 : memref<128xi32, #tpu.memory_space<vmem>>) semaphore(%arg17 : memref<!tpu.dma_semaphore, #tpu.memory_space<semaphore_mem>>)
    %dma_wait3A_61 = arith.constant 3 : i32
    %dma_wait3A_62 = arith.constant 0 : i32
    %dma_wait3A_63 = tpu.memref_slice %arg13[%dma_wait3A_61, %dma_wait3A_62] : memref<5x128xi32, #tpu.memory_space<vmem>> -> memref<1x128xi32, #tpu.memory_space<vmem>>
    %dma_wait3A_64 = tpu.memref_squeeze %dma_wait3A_63 : memref<1x128xi32, #tpu.memory_space<vmem>> -> memref<128xi32, #tpu.memory_space<vmem>>
    %dma_wait3A_65 = arith.constant 0 : i32
    %dma_wait3A_66 = arith.constant 0 : i32
    %dma_wait3A_67 = tpu.memref_slice %arg2[%dma_wait3A_65, %dma_wait3A_66] : memref<40960x32xf32, #tpu.memory_space<hbm>> -> memref<40960x32xf32, #tpu.memory_space<hbm>>
    tpu.wait_indirect_dma semaphore(%arg17 : memref<!tpu.dma_semaphore, #tpu.memory_space<semaphore_mem>>) src(%dma_wait3A_67 : memref<40960x32xf32, #tpu.memory_space<hbm>>) dst(%arg14 : memref<128x32xf32, #tpu.memory_space<vmem>>)
    %mul3A_68 = arith.constant 640 : i32
    %mul3A_69 = arith.muli %arg1, %mul3A_68 : i32
    %add3A_70 = arith.constant 384 : i32
    %add3A_71 = arith.addi %mul3A_69, %add3A_70 : i32
    "tpu.region"() ({
      %run_scoped3A = tpu.sem_alloc : memref<!tpu.dma_semaphore, #tpu.memory_space<semaphore_mem>>
      %dma_start3A_490 = arith.constant 0 : i32
      %dma_start3A_491 = tpu.memref_slice %arg15[%add3A_71, %dma_start3A_490] : memref<10240x32xf32, #tpu.memory_space<vmem_shared>> -> memref<128x32xf32, #tpu.memory_space<vmem_shared>>
      %dma_start3A_492 = arith.constant 0 : i32
      %dma_start3A_493 = tpu.memref_slice %arg15[%add3A_71, %dma_start3A_492] : memref<10240x32xf32, #tpu.memory_space<vmem_shared>> -> memref<128x32xf32, #tpu.memory_space<vmem_shared>>
      tpu.enqueue_dma source(%arg14 : memref<128x32xf32, #tpu.memory_space<vmem>>) target(%dma_start3A_493 : memref<128x32xf32, #tpu.memory_space<vmem_shared>>) target_semaphore(%run_scoped3A : memref<!tpu.dma_semaphore, #tpu.memory_space<semaphore_mem>>)
      %dma_wait3A_494 = arith.constant 0 : i32
      %dma_wait3A_495 = tpu.memref_slice %arg15[%add3A_71, %dma_wait3A_494] : memref<10240x32xf32, #tpu.memory_space<vmem_shared>> -> memref<128x32xf32, #tpu.memory_space<vmem_shared>>
      %dma_wait3A_496 = arith.constant 0 : i32
      %dma_wait3A_497 = tpu.memref_slice %arg15[%add3A_71, %dma_wait3A_496] : memref<10240x32xf32, #tpu.memory_space<vmem_shared>> -> memref<128x32xf32, #tpu.memory_space<vmem_shared>>
      tpu.wait_dma2 semaphore(%run_scoped3A : memref<!tpu.dma_semaphore, #tpu.memory_space<semaphore_mem>>) src(%arg14 : memref<128x32xf32, #tpu.memory_space<vmem>>) dst(%dma_wait3A_497 : memref<128x32xf32, #tpu.memory_space<vmem_shared>>)
      tpu.yield
    }) : () -> ()
    "tpu.region"() ({
      %run_scoped3A = tpu.sem_alloc : memref<!tpu.dma_semaphore, #tpu.memory_space<semaphore_mem>>
      %dma_start3A_490 = arith.constant 0 : i32
      %dma_start3A_491 = tpu.memref_slice %arg16[%add3A_71, %dma_start3A_490] : memref<10240x32xf32, #tpu.memory_space<vmem_shared>> -> memref<128x32xf32, #tpu.memory_space<vmem_shared>>
      %dma_start3A_492 = arith.constant 0 : i32
      %dma_start3A_493 = tpu.memref_slice %arg16[%add3A_71, %dma_start3A_492] : memref<10240x32xf32, #tpu.memory_space<vmem_shared>> -> memref<128x32xf32, #tpu.memory_space<vmem_shared>>
      tpu.enqueue_dma source(%arg14 : memref<128x32xf32, #tpu.memory_space<vmem>>) target(%dma_start3A_493 : memref<128x32xf32, #tpu.memory_space<vmem_shared>>) target_semaphore(%run_scoped3A : memref<!tpu.dma_semaphore, #tpu.memory_space<semaphore_mem>>)
      %dma_wait3A_494 = arith.constant 0 : i32
      %dma_wait3A_495 = tpu.memref_slice %arg16[%add3A_71, %dma_wait3A_494] : memref<10240x32xf32, #tpu.memory_space<vmem_shared>> -> memref<128x32xf32, #tpu.memory_space<vmem_shared>>
      %dma_wait3A_496 = arith.constant 0 : i32
      %dma_wait3A_497 = tpu.memref_slice %arg16[%add3A_71, %dma_wait3A_496] : memref<10240x32xf32, #tpu.memory_space<vmem_shared>> -> memref<128x32xf32, #tpu.memory_space<vmem_shared>>
      tpu.wait_dma2 semaphore(%run_scoped3A : memref<!tpu.dma_semaphore, #tpu.memory_space<semaphore_mem>>) src(%arg14 : memref<128x32xf32, #tpu.memory_space<vmem>>) dst(%dma_wait3A_497 : memref<128x32xf32, #tpu.memory_space<vmem_shared>>)
      tpu.yield
    }) : () -> ()
    %dma_start3A_72 = arith.constant 4 : i32
    %dma_start3A_73 = arith.constant 0 : i32
    %dma_start3A_74 = tpu.memref_slice %arg13[%dma_start3A_72, %dma_start3A_73] : memref<5x128xi32, #tpu.memory_space<vmem>> -> memref<1x128xi32, #tpu.memory_space<vmem>>
    %dma_start3A_75 = tpu.memref_squeeze %dma_start3A_74 : memref<1x128xi32, #tpu.memory_space<vmem>> -> memref<128xi32, #tpu.memory_space<vmem>>
    %dma_start3A_76 = arith.constant 0 : i32
    %dma_start3A_77 = arith.constant 0 : i32
    %dma_start3A_78 = tpu.memref_slice %arg2[%dma_start3A_76, %dma_start3A_77] : memref<40960x32xf32, #tpu.memory_space<hbm>> -> memref<40960x32xf32, #tpu.memory_space<hbm>>
    tpu.enqueue_indirect_dma source(%dma_start3A_78 : memref<40960x32xf32, #tpu.memory_space<hbm>>) target(%arg14 : memref<128x32xf32, #tpu.memory_space<vmem>>) offsets(%dma_start3A_75 : memref<128xi32, #tpu.memory_space<vmem>>) semaphore(%arg17 : memref<!tpu.dma_semaphore, #tpu.memory_space<semaphore_mem>>)
    %dma_wait3A_79 = arith.constant 4 : i32
    %dma_wait3A_80 = arith.constant 0 : i32
    %dma_wait3A_81 = tpu.memref_slice %arg13[%dma_wait3A_79, %dma_wait3A_80] : memref<5x128xi32, #tpu.memory_space<vmem>> -> memref<1x128xi32, #tpu.memory_space<vmem>>
    %dma_wait3A_82 = tpu.memref_squeeze %dma_wait3A_81 : memref<1x128xi32, #tpu.memory_space<vmem>> -> memref<128xi32, #tpu.memory_space<vmem>>
    %dma_wait3A_83 = arith.constant 0 : i32
    %dma_wait3A_84 = arith.constant 0 : i32
    %dma_wait3A_85 = tpu.memref_slice %arg2[%dma_wait3A_83, %dma_wait3A_84] : memref<40960x32xf32, #tpu.memory_space<hbm>> -> memref<40960x32xf32, #tpu.memory_space<hbm>>
    tpu.wait_indirect_dma semaphore(%arg17 : memref<!tpu.dma_semaphore, #tpu.memory_space<semaphore_mem>>) src(%dma_wait3A_85 : memref<40960x32xf32, #tpu.memory_space<hbm>>) dst(%arg14 : memref<128x32xf32, #tpu.memory_space<vmem>>)
    %mul3A_86 = arith.constant 640 : i32
    %mul3A_87 = arith.muli %arg1, %mul3A_86 : i32
    %add3A_88 = arith.constant 512 : i32
    %add3A_89 = arith.addi %mul3A_87, %add3A_88 : i32
    "tpu.region"() ({
      %run_scoped3A = tpu.sem_alloc : memref<!tpu.dma_semaphore, #tpu.memory_space<semaphore_mem>>
      %dma_start3A_490 = arith.constant 0 : i32
      %dma_start3A_491 = tpu.memref_slice %arg15[%add3A_89, %dma_start3A_490] : memref<10240x32xf32, #tpu.memory_space<vmem_shared>> -> memref<128x32xf32, #tpu.memory_space<vmem_shared>>
      %dma_start3A_492 = arith.constant 0 : i32
      %dma_start3A_493 = tpu.memref_slice %arg15[%add3A_89, %dma_start3A_492] : memref<10240x32xf32, #tpu.memory_space<vmem_shared>> -> memref<128x32xf32, #tpu.memory_space<vmem_shared>>
      tpu.enqueue_dma source(%arg14 : memref<128x32xf32, #tpu.memory_space<vmem>>) target(%dma_start3A_493 : memref<128x32xf32, #tpu.memory_space<vmem_shared>>) target_semaphore(%run_scoped3A : memref<!tpu.dma_semaphore, #tpu.memory_space<semaphore_mem>>)
      %dma_wait3A_494 = arith.constant 0 : i32
      %dma_wait3A_495 = tpu.memref_slice %arg15[%add3A_89, %dma_wait3A_494] : memref<10240x32xf32, #tpu.memory_space<vmem_shared>> -> memref<128x32xf32, #tpu.memory_space<vmem_shared>>
      %dma_wait3A_496 = arith.constant 0 : i32
      %dma_wait3A_497 = tpu.memref_slice %arg15[%add3A_89, %dma_wait3A_496] : memref<10240x32xf32, #tpu.memory_space<vmem_shared>> -> memref<128x32xf32, #tpu.memory_space<vmem_shared>>
      tpu.wait_dma2 semaphore(%run_scoped3A : memref<!tpu.dma_semaphore, #tpu.memory_space<semaphore_mem>>) src(%arg14 : memref<128x32xf32, #tpu.memory_space<vmem>>) dst(%dma_wait3A_497 : memref<128x32xf32, #tpu.memory_space<vmem_shared>>)
      tpu.yield
    }) : () -> ()
    "tpu.region"() ({
      %run_scoped3A = tpu.sem_alloc : memref<!tpu.dma_semaphore, #tpu.memory_space<semaphore_mem>>
      %dma_start3A_490 = arith.constant 0 : i32
      %dma_start3A_491 = tpu.memref_slice %arg16[%add3A_89, %dma_start3A_490] : memref<10240x32xf32, #tpu.memory_space<vmem_shared>> -> memref<128x32xf32, #tpu.memory_space<vmem_shared>>
      %dma_start3A_492 = arith.constant 0 : i32
      %dma_start3A_493 = tpu.memref_slice %arg16[%add3A_89, %dma_start3A_492] : memref<10240x32xf32, #tpu.memory_space<vmem_shared>> -> memref<128x32xf32, #tpu.memory_space<vmem_shared>>
      tpu.enqueue_dma source(%arg14 : memref<128x32xf32, #tpu.memory_space<vmem>>) target(%dma_start3A_493 : memref<128x32xf32, #tpu.memory_space<vmem_shared>>) target_semaphore(%run_scoped3A : memref<!tpu.dma_semaphore, #tpu.memory_space<semaphore_mem>>)
      %dma_wait3A_494 = arith.constant 0 : i32
      %dma_wait3A_495 = tpu.memref_slice %arg16[%add3A_89, %dma_wait3A_494] : memref<10240x32xf32, #tpu.memory_space<vmem_shared>> -> memref<128x32xf32, #tpu.memory_space<vmem_shared>>
      %dma_wait3A_496 = arith.constant 0 : i32
      %dma_wait3A_497 = tpu.memref_slice %arg16[%add3A_89, %dma_wait3A_496] : memref<10240x32xf32, #tpu.memory_space<vmem_shared>> -> memref<128x32xf32, #tpu.memory_space<vmem_shared>>
      tpu.wait_dma2 semaphore(%run_scoped3A : memref<!tpu.dma_semaphore, #tpu.memory_space<semaphore_mem>>) src(%arg14 : memref<128x32xf32, #tpu.memory_space<vmem>>) dst(%dma_wait3A_497 : memref<128x32xf32, #tpu.memory_space<vmem_shared>>)
      tpu.yield
    }) : () -> ()
    %barrier3A = arith.constant 0 : index
    tpu.barrier barrier_id(%barrier3A)
    %dma_start3A_90 = arith.constant 0 : i32
    %dma_start3A_91 = arith.constant 0 : i32
    %dma_start3A_92 = tpu.memref_slice %arg7[%dma_start3A_90, %dma_start3A_91] : memref<160x128xi32, #tpu.memory_space<vmem>> -> memref<1x128xi32, #tpu.memory_space<vmem>>
    %dma_start3A_93 = tpu.memref_squeeze %dma_start3A_92 : memref<1x128xi32, #tpu.memory_space<vmem>> -> memref<128xi32, #tpu.memory_space<vmem>>
    %dma_start3A_94 = arith.constant 0 : i32
    %dma_start3A_95 = arith.constant 0 : i32
    %dma_start3A_96 = tpu.memref_slice %arg15[%dma_start3A_94, %dma_start3A_95] : memref<10240x32xf32, #tpu.memory_space<vmem_shared>> -> memref<10240x32xf32, #tpu.memory_space<vmem_shared>>
    tpu.enqueue_indirect_dma source(%dma_start3A_96 : memref<10240x32xf32, #tpu.memory_space<vmem_shared>>) target(%arg9 : memref<128x32xf32, #tpu.memory_space<vmem>>) offsets(%dma_start3A_93 : memref<128xi32, #tpu.memory_space<vmem>>) semaphore(%arg17 : memref<!tpu.dma_semaphore, #tpu.memory_space<semaphore_mem>>)
    %dma_start3A_97 = arith.constant 1 : i32
    %dma_start3A_98 = arith.constant 0 : i32
    %dma_start3A_99 = tpu.memref_slice %arg7[%dma_start3A_97, %dma_start3A_98] : memref<160x128xi32, #tpu.memory_space<vmem>> -> memref<1x128xi32, #tpu.memory_space<vmem>>
    %dma_start3A_100 = tpu.memref_squeeze %dma_start3A_99 : memref<1x128xi32, #tpu.memory_space<vmem>> -> memref<128xi32, #tpu.memory_space<vmem>>
    %dma_start3A_101 = arith.constant 0 : i32
    %dma_start3A_102 = arith.constant 0 : i32
    %dma_start3A_103 = tpu.memref_slice %arg15[%dma_start3A_101, %dma_start3A_102] : memref<10240x32xf32, #tpu.memory_space<vmem_shared>> -> memref<10240x32xf32, #tpu.memory_space<vmem_shared>>
    tpu.enqueue_indirect_dma source(%dma_start3A_103 : memref<10240x32xf32, #tpu.memory_space<vmem_shared>>) target(%arg10 : memref<128x32xf32, #tpu.memory_space<vmem>>) offsets(%dma_start3A_100 : memref<128xi32, #tpu.memory_space<vmem>>) semaphore(%arg18 : memref<!tpu.dma_semaphore, #tpu.memory_space<semaphore_mem>>)
    %dma_start3A_104 = arith.constant 2 : i32
    %dma_start3A_105 = arith.constant 0 : i32
    %dma_start3A_106 = tpu.memref_slice %arg7[%dma_start3A_104, %dma_start3A_105] : memref<160x128xi32, #tpu.memory_space<vmem>> -> memref<1x128xi32, #tpu.memory_space<vmem>>
    %dma_start3A_107 = tpu.memref_squeeze %dma_start3A_106 : memref<1x128xi32, #tpu.memory_space<vmem>> -> memref<128xi32, #tpu.memory_space<vmem>>
    %dma_start3A_108 = arith.constant 0 : i32
    %dma_start3A_109 = arith.constant 0 : i32
    %dma_start3A_110 = tpu.memref_slice %arg15[%dma_start3A_108, %dma_start3A_109] : memref<10240x32xf32, #tpu.memory_space<vmem_shared>> -> memref<10240x32xf32, #tpu.memory_space<vmem_shared>>
    tpu.enqueue_indirect_dma source(%dma_start3A_110 : memref<10240x32xf32, #tpu.memory_space<vmem_shared>>) target(%arg11 : memref<128x32xf32, #tpu.memory_space<vmem>>) offsets(%dma_start3A_107 : memref<128xi32, #tpu.memory_space<vmem>>) semaphore(%arg19 : memref<!tpu.dma_semaphore, #tpu.memory_space<semaphore_mem>>)
    %dma_start3A_111 = arith.constant 3 : i32
    %dma_start3A_112 = arith.constant 0 : i32
    %dma_start3A_113 = tpu.memref_slice %arg7[%dma_start3A_111, %dma_start3A_112] : memref<160x128xi32, #tpu.memory_space<vmem>> -> memref<1x128xi32, #tpu.memory_space<vmem>>
    %dma_start3A_114 = tpu.memref_squeeze %dma_start3A_113 : memref<1x128xi32, #tpu.memory_space<vmem>> -> memref<128xi32, #tpu.memory_space<vmem>>
    %dma_start3A_115 = arith.constant 0 : i32
    %dma_start3A_116 = arith.constant 0 : i32
    %dma_start3A_117 = tpu.memref_slice %arg15[%dma_start3A_115, %dma_start3A_116] : memref<10240x32xf32, #tpu.memory_space<vmem_shared>> -> memref<10240x32xf32, #tpu.memory_space<vmem_shared>>
    tpu.enqueue_indirect_dma source(%dma_start3A_117 : memref<10240x32xf32, #tpu.memory_space<vmem_shared>>) target(%arg12 : memref<128x32xf32, #tpu.memory_space<vmem>>) offsets(%dma_start3A_114 : memref<128xi32, #tpu.memory_space<vmem>>) semaphore(%arg20 : memref<!tpu.dma_semaphore, #tpu.memory_space<semaphore_mem>>)
    %scan3A = arith.constant 0 : i32
    %scan3A_118 = arith.constant 0 : i32
    %scan3A_119 = arith.constant 40 : i32
    %scan3A_120 = arith.addi %scan3A_118, %scan3A_119 : i32
    %scan3A_121 = arith.constant 1 : i32
    scf.for %scan3A_490 = %scan3A_118 to %scan3A_120 step %scan3A_121  : i32 {
      %mul3A_491 = arith.constant 4 : i32
      %mul3A_492 = arith.muli %mul3A_491, %scan3A_490 : i32
      %add3A_493 = arith.constant 0 : i32
      %add3A_494 = arith.addi %mul3A_492, %add3A_493 : i32
      %dma_wait3A_495 = arith.constant 0 : i32
      %dma_wait3A_496 = tpu.memref_slice %arg7[%add3A_494, %dma_wait3A_495] : memref<160x128xi32, #tpu.memory_space<vmem>> -> memref<1x128xi32, #tpu.memory_space<vmem>>
      %dma_wait3A_497 = tpu.memref_squeeze %dma_wait3A_496 : memref<1x128xi32, #tpu.memory_space<vmem>> -> memref<128xi32, #tpu.memory_space<vmem>>
      %dma_wait3A_498 = arith.constant 0 : i32
      %dma_wait3A_499 = arith.constant 0 : i32
      %dma_wait3A_500 = tpu.memref_slice %arg15[%dma_wait3A_498, %dma_wait3A_499] : memref<10240x32xf32, #tpu.memory_space<vmem_shared>> -> memref<10240x32xf32, #tpu.memory_space<vmem_shared>>
      tpu.wait_indirect_dma semaphore(%arg17 : memref<!tpu.dma_semaphore, #tpu.memory_space<semaphore_mem>>) src(%dma_wait3A_500 : memref<10240x32xf32, #tpu.memory_space<vmem_shared>>) dst(%arg9 : memref<128x32xf32, #tpu.memory_space<vmem>>)
      %add3A_501 = arith.constant 0 : i32
      %add3A_502 = arith.addi %mul3A_492, %add3A_501 : i32
      %dma_start3A_503 = arith.constant 0 : i32
      %dma_start3A_504 = tpu.memref_slice %arg8[%add3A_502, %dma_start3A_503] : memref<160x128xi32, #tpu.memory_space<vmem>> -> memref<1x128xi32, #tpu.memory_space<vmem>>
      %dma_start3A_505 = tpu.memref_squeeze %dma_start3A_504 : memref<1x128xi32, #tpu.memory_space<vmem>> -> memref<128xi32, #tpu.memory_space<vmem>>
      %dma_start3A_506 = arith.constant 0 : i32
      %dma_start3A_507 = arith.constant 0 : i32
      %dma_start3A_508 = tpu.memref_slice %arg16[%dma_start3A_506, %dma_start3A_507] : memref<10240x32xf32, #tpu.memory_space<vmem_shared>> -> memref<10240x32xf32, #tpu.memory_space<vmem_shared>>
      tpu.enqueue_indirect_dma source(%arg9 : memref<128x32xf32, #tpu.memory_space<vmem>>) target(%dma_start3A_508 : memref<10240x32xf32, #tpu.memory_space<vmem_shared>>) offsets(%dma_start3A_505 : memref<128xi32, #tpu.memory_space<vmem>>) semaphore(%arg21 : memref<!tpu.dma_semaphore, #tpu.memory_space<semaphore_mem>>) {add = true}
      %add3A_509 = arith.constant 1 : i32
      %add3A_510 = arith.addi %mul3A_492, %add3A_509 : i32
      %dma_wait3A_511 = arith.constant 0 : i32
      %dma_wait3A_512 = tpu.memref_slice %arg7[%add3A_510, %dma_wait3A_511] : memref<160x128xi32, #tpu.memory_space<vmem>> -> memref<1x128xi32, #tpu.memory_space<vmem>>
      %dma_wait3A_513 = tpu.memref_squeeze %dma_wait3A_512 : memref<1x128xi32, #tpu.memory_space<vmem>> -> memref<128xi32, #tpu.memory_space<vmem>>
      %dma_wait3A_514 = arith.constant 0 : i32
      %dma_wait3A_515 = arith.constant 0 : i32
      %dma_wait3A_516 = tpu.memref_slice %arg15[%dma_wait3A_514, %dma_wait3A_515] : memref<10240x32xf32, #tpu.memory_space<vmem_shared>> -> memref<10240x32xf32, #tpu.memory_space<vmem_shared>>
      tpu.wait_indirect_dma semaphore(%arg18 : memref<!tpu.dma_semaphore, #tpu.memory_space<semaphore_mem>>) src(%dma_wait3A_516 : memref<10240x32xf32, #tpu.memory_space<vmem_shared>>) dst(%arg10 : memref<128x32xf32, #tpu.memory_space<vmem>>)
      %add3A_517 = arith.constant 1 : i32
      %add3A_518 = arith.addi %mul3A_492, %add3A_517 : i32
      %dma_start3A_519 = arith.constant 0 : i32
      %dma_start3A_520 = tpu.memref_slice %arg8[%add3A_518, %dma_start3A_519] : memref<160x128xi32, #tpu.memory_space<vmem>> -> memref<1x128xi32, #tpu.memory_space<vmem>>
      %dma_start3A_521 = tpu.memref_squeeze %dma_start3A_520 : memref<1x128xi32, #tpu.memory_space<vmem>> -> memref<128xi32, #tpu.memory_space<vmem>>
      %dma_start3A_522 = arith.constant 0 : i32
      %dma_start3A_523 = arith.constant 0 : i32
      %dma_start3A_524 = tpu.memref_slice %arg16[%dma_start3A_522, %dma_start3A_523] : memref<10240x32xf32, #tpu.memory_space<vmem_shared>> -> memref<10240x32xf32, #tpu.memory_space<vmem_shared>>
      tpu.enqueue_indirect_dma source(%arg10 : memref<128x32xf32, #tpu.memory_space<vmem>>) target(%dma_start3A_524 : memref<10240x32xf32, #tpu.memory_space<vmem_shared>>) offsets(%dma_start3A_521 : memref<128xi32, #tpu.memory_space<vmem>>) semaphore(%arg22 : memref<!tpu.dma_semaphore, #tpu.memory_space<semaphore_mem>>) {add = true}
      %add3A_525 = arith.constant 2 : i32
      %add3A_526 = arith.addi %mul3A_492, %add3A_525 : i32
      %dma_wait3A_527 = arith.constant 0 : i32
      %dma_wait3A_528 = tpu.memref_slice %arg7[%add3A_526, %dma_wait3A_527] : memref<160x128xi32, #tpu.memory_space<vmem>> -> memref<1x128xi32, #tpu.memory_space<vmem>>
      %dma_wait3A_529 = tpu.memref_squeeze %dma_wait3A_528 : memref<1x128xi32, #tpu.memory_space<vmem>> -> memref<128xi32, #tpu.memory_space<vmem>>
      %dma_wait3A_530 = arith.constant 0 : i32
      %dma_wait3A_531 = arith.constant 0 : i32
      %dma_wait3A_532 = tpu.memref_slice %arg15[%dma_wait3A_530, %dma_wait3A_531] : memref<10240x32xf32, #tpu.memory_space<vmem_shared>> -> memref<10240x32xf32, #tpu.memory_space<vmem_shared>>
      tpu.wait_indirect_dma semaphore(%arg19 : memref<!tpu.dma_semaphore, #tpu.memory_space<semaphore_mem>>) src(%dma_wait3A_532 : memref<10240x32xf32, #tpu.memory_space<vmem_shared>>) dst(%arg11 : memref<128x32xf32, #tpu.memory_space<vmem>>)
      %add3A_533 = arith.constant 2 : i32
      %add3A_534 = arith.addi %mul3A_492, %add3A_533 : i32
      %dma_start3A_535 = arith.constant 0 : i32
      %dma_start3A_536 = tpu.memref_slice %arg8[%add3A_534, %dma_start3A_535] : memref<160x128xi32, #tpu.memory_space<vmem>> -> memref<1x128xi32, #tpu.memory_space<vmem>>
      %dma_start3A_537 = tpu.memref_squeeze %dma_start3A_536 : memref<1x128xi32, #tpu.memory_space<vmem>> -> memref<128xi32, #tpu.memory_space<vmem>>
      %dma_start3A_538 = arith.constant 0 : i32
      %dma_start3A_539 = arith.constant 0 : i32
      %dma_start3A_540 = tpu.memref_slice %arg16[%dma_start3A_538, %dma_start3A_539] : memref<10240x32xf32, #tpu.memory_space<vmem_shared>> -> memref<10240x32xf32, #tpu.memory_space<vmem_shared>>
      tpu.enqueue_indirect_dma source(%arg11 : memref<128x32xf32, #tpu.memory_space<vmem>>) target(%dma_start3A_540 : memref<10240x32xf32, #tpu.memory_space<vmem_shared>>) offsets(%dma_start3A_537 : memref<128xi32, #tpu.memory_space<vmem>>) semaphore(%arg23 : memref<!tpu.dma_semaphore, #tpu.memory_space<semaphore_mem>>) {add = true}
      %add3A_541 = arith.constant 3 : i32
      %add3A_542 = arith.addi %mul3A_492, %add3A_541 : i32
      %dma_wait3A_543 = arith.constant 0 : i32
      %dma_wait3A_544 = tpu.memref_slice %arg7[%add3A_542, %dma_wait3A_543] : memref<160x128xi32, #tpu.memory_space<vmem>> -> memref<1x128xi32, #tpu.memory_space<vmem>>
      %dma_wait3A_545 = tpu.memref_squeeze %dma_wait3A_544 : memref<1x128xi32, #tpu.memory_space<vmem>> -> memref<128xi32, #tpu.memory_space<vmem>>
      %dma_wait3A_546 = arith.constant 0 : i32
      %dma_wait3A_547 = arith.constant 0 : i32
      %dma_wait3A_548 = tpu.memref_slice %arg15[%dma_wait3A_546, %dma_wait3A_547] : memref<10240x32xf32, #tpu.memory_space<vmem_shared>> -> memref<10240x32xf32, #tpu.memory_space<vmem_shared>>
      tpu.wait_indirect_dma semaphore(%arg20 : memref<!tpu.dma_semaphore, #tpu.memory_space<semaphore_mem>>) src(%dma_wait3A_548 : memref<10240x32xf32, #tpu.memory_space<vmem_shared>>) dst(%arg12 : memref<128x32xf32, #tpu.memory_space<vmem>>)
      %add3A_549 = arith.constant 3 : i32
      %add3A_550 = arith.addi %mul3A_492, %add3A_549 : i32
      %dma_start3A_551 = arith.constant 0 : i32
      %dma_start3A_552 = tpu.memref_slice %arg8[%add3A_550, %dma_start3A_551] : memref<160x128xi32, #tpu.memory_space<vmem>> -> memref<1x128xi32, #tpu.memory_space<vmem>>
      %dma_start3A_553 = tpu.memref_squeeze %dma_start3A_552 : memref<1x128xi32, #tpu.memory_space<vmem>> -> memref<128xi32, #tpu.memory_space<vmem>>
      %dma_start3A_554 = arith.constant 0 : i32
      %dma_start3A_555 = arith.constant 0 : i32
      %dma_start3A_556 = tpu.memref_slice %arg16[%dma_start3A_554, %dma_start3A_555] : memref<10240x32xf32, #tpu.memory_space<vmem_shared>> -> memref<10240x32xf32, #tpu.memory_space<vmem_shared>>
      tpu.enqueue_indirect_dma source(%arg12 : memref<128x32xf32, #tpu.memory_space<vmem>>) target(%dma_start3A_556 : memref<10240x32xf32, #tpu.memory_space<vmem_shared>>) offsets(%dma_start3A_553 : memref<128xi32, #tpu.memory_space<vmem>>) semaphore(%arg24 : memref<!tpu.dma_semaphore, #tpu.memory_space<semaphore_mem>>) {add = true}
      %lt3A = arith.constant 39 : i32
      %lt3A_557 = arith.cmpi slt, %scan3A_490, %lt3A : i32
      %convert_element_type3A = arith.extui %lt3A_557 : i1 to i32
      %cond3A = arith.constant 0 : i32
      %cond3A_558 = arith.cmpi ne, %convert_element_type3A, %cond3A : i32
      scf.if %cond3A_558 {
        %add3A_559 = arith.constant 0 : i32
        %add3A_560 = arith.addi %mul3A_492, %add3A_559 : i32
        %dma_wait3A_561 = arith.constant 0 : i32
        %dma_wait3A_562 = tpu.memref_slice %arg8[%add3A_560, %dma_wait3A_561] : memref<160x128xi32, #tpu.memory_space<vmem>> -> memref<1x128xi32, #tpu.memory_space<vmem>>
        %dma_wait3A_563 = tpu.memref_squeeze %dma_wait3A_562 : memref<1x128xi32, #tpu.memory_space<vmem>> -> memref<128xi32, #tpu.memory_space<vmem>>
        %dma_wait3A_564 = arith.constant 0 : i32
        %dma_wait3A_565 = arith.constant 0 : i32
        %dma_wait3A_566 = tpu.memref_slice %arg16[%dma_wait3A_564, %dma_wait3A_565] : memref<10240x32xf32, #tpu.memory_space<vmem_shared>> -> memref<10240x32xf32, #tpu.memory_space<vmem_shared>>
        tpu.wait_indirect_dma semaphore(%arg21 : memref<!tpu.dma_semaphore, #tpu.memory_space<semaphore_mem>>) src(%arg9 : memref<128x32xf32, #tpu.memory_space<vmem>>) dst(%dma_wait3A_566 : memref<10240x32xf32, #tpu.memory_space<vmem_shared>>)
        %add3A_567 = arith.constant 4 : i32
        %add3A_568 = arith.addi %mul3A_492, %add3A_567 : i32
        %add3A_569 = arith.constant 0 : i32
        %add3A_570 = arith.addi %add3A_568, %add3A_569 : i32
        %dma_start3A_571 = arith.constant 0 : i32
        %dma_start3A_572 = tpu.memref_slice %arg7[%add3A_570, %dma_start3A_571] : memref<160x128xi32, #tpu.memory_space<vmem>> -> memref<1x128xi32, #tpu.memory_space<vmem>>
        %dma_start3A_573 = tpu.memref_squeeze %dma_start3A_572 : memref<1x128xi32, #tpu.memory_space<vmem>> -> memref<128xi32, #tpu.memory_space<vmem>>
        %dma_start3A_574 = arith.constant 0 : i32
        %dma_start3A_575 = arith.constant 0 : i32
        %dma_start3A_576 = tpu.memref_slice %arg15[%dma_start3A_574, %dma_start3A_575] : memref<10240x32xf32, #tpu.memory_space<vmem_shared>> -> memref<10240x32xf32, #tpu.memory_space<vmem_shared>>
        tpu.enqueue_indirect_dma source(%dma_start3A_576 : memref<10240x32xf32, #tpu.memory_space<vmem_shared>>) target(%arg9 : memref<128x32xf32, #tpu.memory_space<vmem>>) offsets(%dma_start3A_573 : memref<128xi32, #tpu.memory_space<vmem>>) semaphore(%arg17 : memref<!tpu.dma_semaphore, #tpu.memory_space<semaphore_mem>>)
        %add3A_577 = arith.constant 1 : i32
        %add3A_578 = arith.addi %mul3A_492, %add3A_577 : i32
        %dma_wait3A_579 = arith.constant 0 : i32
        %dma_wait3A_580 = tpu.memref_slice %arg8[%add3A_578, %dma_wait3A_579] : memref<160x128xi32, #tpu.memory_space<vmem>> -> memref<1x128xi32, #tpu.memory_space<vmem>>
        %dma_wait3A_581 = tpu.memref_squeeze %dma_wait3A_580 : memref<1x128xi32, #tpu.memory_space<vmem>> -> memref<128xi32, #tpu.memory_space<vmem>>
        %dma_wait3A_582 = arith.constant 0 : i32
        %dma_wait3A_583 = arith.constant 0 : i32
        %dma_wait3A_584 = tpu.memref_slice %arg16[%dma_wait3A_582, %dma_wait3A_583] : memref<10240x32xf32, #tpu.memory_space<vmem_shared>> -> memref<10240x32xf32, #tpu.memory_space<vmem_shared>>
        tpu.wait_indirect_dma semaphore(%arg22 : memref<!tpu.dma_semaphore, #tpu.memory_space<semaphore_mem>>) src(%arg10 : memref<128x32xf32, #tpu.memory_space<vmem>>) dst(%dma_wait3A_584 : memref<10240x32xf32, #tpu.memory_space<vmem_shared>>)
        %add3A_585 = arith.constant 4 : i32
        %add3A_586 = arith.addi %mul3A_492, %add3A_585 : i32
        %add3A_587 = arith.constant 1 : i32
        %add3A_588 = arith.addi %add3A_586, %add3A_587 : i32
        %dma_start3A_589 = arith.constant 0 : i32
        %dma_start3A_590 = tpu.memref_slice %arg7[%add3A_588, %dma_start3A_589] : memref<160x128xi32, #tpu.memory_space<vmem>> -> memref<1x128xi32, #tpu.memory_space<vmem>>
        %dma_start3A_591 = tpu.memref_squeeze %dma_start3A_590 : memref<1x128xi32, #tpu.memory_space<vmem>> -> memref<128xi32, #tpu.memory_space<vmem>>
        %dma_start3A_592 = arith.constant 0 : i32
        %dma_start3A_593 = arith.constant 0 : i32
        %dma_start3A_594 = tpu.memref_slice %arg15[%dma_start3A_592, %dma_start3A_593] : memref<10240x32xf32, #tpu.memory_space<vmem_shared>> -> memref<10240x32xf32, #tpu.memory_space<vmem_shared>>
        tpu.enqueue_indirect_dma source(%dma_start3A_594 : memref<10240x32xf32, #tpu.memory_space<vmem_shared>>) target(%arg10 : memref<128x32xf32, #tpu.memory_space<vmem>>) offsets(%dma_start3A_591 : memref<128xi32, #tpu.memory_space<vmem>>) semaphore(%arg18 : memref<!tpu.dma_semaphore, #tpu.memory_space<semaphore_mem>>)
        %add3A_595 = arith.constant 2 : i32
        %add3A_596 = arith.addi %mul3A_492, %add3A_595 : i32
        %dma_wait3A_597 = arith.constant 0 : i32
        %dma_wait3A_598 = tpu.memref_slice %arg8[%add3A_596, %dma_wait3A_597] : memref<160x128xi32, #tpu.memory_space<vmem>> -> memref<1x128xi32, #tpu.memory_space<vmem>>
        %dma_wait3A_599 = tpu.memref_squeeze %dma_wait3A_598 : memref<1x128xi32, #tpu.memory_space<vmem>> -> memref<128xi32, #tpu.memory_space<vmem>>
        %dma_wait3A_600 = arith.constant 0 : i32
        %dma_wait3A_601 = arith.constant 0 : i32
        %dma_wait3A_602 = tpu.memref_slice %arg16[%dma_wait3A_600, %dma_wait3A_601] : memref<10240x32xf32, #tpu.memory_space<vmem_shared>> -> memref<10240x32xf32, #tpu.memory_space<vmem_shared>>
        tpu.wait_indirect_dma semaphore(%arg23 : memref<!tpu.dma_semaphore, #tpu.memory_space<semaphore_mem>>) src(%arg11 : memref<128x32xf32, #tpu.memory_space<vmem>>) dst(%dma_wait3A_602 : memref<10240x32xf32, #tpu.memory_space<vmem_shared>>)
        %add3A_603 = arith.constant 4 : i32
        %add3A_604 = arith.addi %mul3A_492, %add3A_603 : i32
        %add3A_605 = arith.constant 2 : i32
        %add3A_606 = arith.addi %add3A_604, %add3A_605 : i32
        %dma_start3A_607 = arith.constant 0 : i32
        %dma_start3A_608 = tpu.memref_slice %arg7[%add3A_606, %dma_start3A_607] : memref<160x128xi32, #tpu.memory_space<vmem>> -> memref<1x128xi32, #tpu.memory_space<vmem>>
        %dma_start3A_609 = tpu.memref_squeeze %dma_start3A_608 : memref<1x128xi32, #tpu.memory_space<vmem>> -> memref<128xi32, #tpu.memory_space<vmem>>
        %dma_start3A_610 = arith.constant 0 : i32
        %dma_start3A_611 = arith.constant 0 : i32
        %dma_start3A_612 = tpu.memref_slice %arg15[%dma_start3A_610, %dma_start3A_611] : memref<10240x32xf32, #tpu.memory_space<vmem_shared>> -> memref<10240x32xf32, #tpu.memory_space<vmem_shared>>
        tpu.enqueue_indirect_dma source(%dma_start3A_612 : memref<10240x32xf32, #tpu.memory_space<vmem_shared>>) target(%arg11 : memref<128x32xf32, #tpu.memory_space<vmem>>) offsets(%dma_start3A_609 : memref<128xi32, #tpu.memory_space<vmem>>) semaphore(%arg19 : memref<!tpu.dma_semaphore, #tpu.memory_space<semaphore_mem>>)
        %add3A_613 = arith.constant 3 : i32
        %add3A_614 = arith.addi %mul3A_492, %add3A_613 : i32
        %dma_wait3A_615 = arith.constant 0 : i32
        %dma_wait3A_616 = tpu.memref_slice %arg8[%add3A_614, %dma_wait3A_615] : memref<160x128xi32, #tpu.memory_space<vmem>> -> memref<1x128xi32, #tpu.memory_space<vmem>>
        %dma_wait3A_617 = tpu.memref_squeeze %dma_wait3A_616 : memref<1x128xi32, #tpu.memory_space<vmem>> -> memref<128xi32, #tpu.memory_space<vmem>>
        %dma_wait3A_618 = arith.constant 0 : i32
        %dma_wait3A_619 = arith.constant 0 : i32
        %dma_wait3A_620 = tpu.memref_slice %arg16[%dma_wait3A_618, %dma_wait3A_619] : memref<10240x32xf32, #tpu.memory_space<vmem_shared>> -> memref<10240x32xf32, #tpu.memory_space<vmem_shared>>
        tpu.wait_indirect_dma semaphore(%arg24 : memref<!tpu.dma_semaphore, #tpu.memory_space<semaphore_mem>>) src(%arg12 : memref<128x32xf32, #tpu.memory_space<vmem>>) dst(%dma_wait3A_620 : memref<10240x32xf32, #tpu.memory_space<vmem_shared>>)
        %add3A_621 = arith.constant 4 : i32
        %add3A_622 = arith.addi %mul3A_492, %add3A_621 : i32
        %add3A_623 = arith.constant 3 : i32
        %add3A_624 = arith.addi %add3A_622, %add3A_623 : i32
        %dma_start3A_625 = arith.constant 0 : i32
        %dma_start3A_626 = tpu.memref_slice %arg7[%add3A_624, %dma_start3A_625] : memref<160x128xi32, #tpu.memory_space<vmem>> -> memref<1x128xi32, #tpu.memory_space<vmem>>
        %dma_start3A_627 = tpu.memref_squeeze %dma_start3A_626 : memref<1x128xi32, #tpu.memory_space<vmem>> -> memref<128xi32, #tpu.memory_space<vmem>>
        %dma_start3A_628 = arith.constant 0 : i32
        %dma_start3A_629 = arith.constant 0 : i32
        %dma_start3A_630 = tpu.memref_slice %arg15[%dma_start3A_628, %dma_start3A_629] : memref<10240x32xf32, #tpu.memory_space<vmem_shared>> -> memref<10240x32xf32, #tpu.memory_space<vmem_shared>>
        tpu.enqueue_indirect_dma source(%dma_start3A_630 : memref<10240x32xf32, #tpu.memory_space<vmem_shared>>) target(%arg12 : memref<128x32xf32, #tpu.memory_space<vmem>>) offsets(%dma_start3A_627 : memref<128xi32, #tpu.memory_space<vmem>>) semaphore(%arg20 : memref<!tpu.dma_semaphore, #tpu.memory_space<semaphore_mem>>)
      } else {
      }
    }
    %scan3A_122 = arith.constant 40 : i32
    %dma_wait3A_123 = arith.constant 156 : i32
    %dma_wait3A_124 = arith.constant 0 : i32
    %dma_wait3A_125 = tpu.memref_slice %arg8[%dma_wait3A_123, %dma_wait3A_124] : memref<160x128xi32, #tpu.memory_space<vmem>> -> memref<1x128xi32, #tpu.memory_space<vmem>>
    %dma_wait3A_126 = tpu.memref_squeeze %dma_wait3A_125 : memref<1x128xi32, #tpu.memory_space<vmem>> -> memref<128xi32, #tpu.memory_space<vmem>>
    %dma_wait3A_127 = arith.constant 0 : i32
    %dma_wait3A_128 = arith.constant 0 : i32
    %dma_wait3A_129 = tpu.memref_slice %arg16[%dma_wait3A_127, %dma_wait3A_128] : memref<10240x32xf32, #tpu.memory_space<vmem_shared>> -> memref<10240x32xf32, #tpu.memory_space<vmem_shared>>
    tpu.wait_indirect_dma semaphore(%arg21 : memref<!tpu.dma_semaphore, #tpu.memory_space<semaphore_mem>>) src(%arg9 : memref<128x32xf32, #tpu.memory_space<vmem>>) dst(%dma_wait3A_129 : memref<10240x32xf32, #tpu.memory_space<vmem_shared>>)
    %dma_wait3A_130 = arith.constant 157 : i32
    %dma_wait3A_131 = arith.constant 0 : i32
    %dma_wait3A_132 = tpu.memref_slice %arg8[%dma_wait3A_130, %dma_wait3A_131] : memref<160x128xi32, #tpu.memory_space<vmem>> -> memref<1x128xi32, #tpu.memory_space<vmem>>
    %dma_wait3A_133 = tpu.memref_squeeze %dma_wait3A_132 : memref<1x128xi32, #tpu.memory_space<vmem>> -> memref<128xi32, #tpu.memory_space<vmem>>
    %dma_wait3A_134 = arith.constant 0 : i32
    %dma_wait3A_135 = arith.constant 0 : i32
    %dma_wait3A_136 = tpu.memref_slice %arg16[%dma_wait3A_134, %dma_wait3A_135] : memref<10240x32xf32, #tpu.memory_space<vmem_shared>> -> memref<10240x32xf32, #tpu.memory_space<vmem_shared>>
    tpu.wait_indirect_dma semaphore(%arg22 : memref<!tpu.dma_semaphore, #tpu.memory_space<semaphore_mem>>) src(%arg10 : memref<128x32xf32, #tpu.memory_space<vmem>>) dst(%dma_wait3A_136 : memref<10240x32xf32, #tpu.memory_space<vmem_shared>>)
    %dma_wait3A_137 = arith.constant 158 : i32
    %dma_wait3A_138 = arith.constant 0 : i32
    %dma_wait3A_139 = tpu.memref_slice %arg8[%dma_wait3A_137, %dma_wait3A_138] : memref<160x128xi32, #tpu.memory_space<vmem>> -> memref<1x128xi32, #tpu.memory_space<vmem>>
    %dma_wait3A_140 = tpu.memref_squeeze %dma_wait3A_139 : memref<1x128xi32, #tpu.memory_space<vmem>> -> memref<128xi32, #tpu.memory_space<vmem>>
    %dma_wait3A_141 = arith.constant 0 : i32
    %dma_wait3A_142 = arith.constant 0 : i32
    %dma_wait3A_143 = tpu.memref_slice %arg16[%dma_wait3A_141, %dma_wait3A_142] : memref<10240x32xf32, #tpu.memory_space<vmem_shared>> -> memref<10240x32xf32, #tpu.memory_space<vmem_shared>>
    tpu.wait_indirect_dma semaphore(%arg23 : memref<!tpu.dma_semaphore, #tpu.memory_space<semaphore_mem>>) src(%arg11 : memref<128x32xf32, #tpu.memory_space<vmem>>) dst(%dma_wait3A_143 : memref<10240x32xf32, #tpu.memory_space<vmem_shared>>)
    %dma_wait3A_144 = arith.constant 159 : i32
    %dma_wait3A_145 = arith.constant 0 : i32
    %dma_wait3A_146 = tpu.memref_slice %arg8[%dma_wait3A_144, %dma_wait3A_145] : memref<160x128xi32, #tpu.memory_space<vmem>> -> memref<1x128xi32, #tpu.memory_space<vmem>>
    %dma_wait3A_147 = tpu.memref_squeeze %dma_wait3A_146 : memref<1x128xi32, #tpu.memory_space<vmem>> -> memref<128xi32, #tpu.memory_space<vmem>>
    %dma_wait3A_148 = arith.constant 0 : i32
    %dma_wait3A_149 = arith.constant 0 : i32
    %dma_wait3A_150 = tpu.memref_slice %arg16[%dma_wait3A_148, %dma_wait3A_149] : memref<10240x32xf32, #tpu.memory_space<vmem_shared>> -> memref<10240x32xf32, #tpu.memory_space<vmem_shared>>
    tpu.wait_indirect_dma semaphore(%arg24 : memref<!tpu.dma_semaphore, #tpu.memory_space<semaphore_mem>>) src(%arg12 : memref<128x32xf32, #tpu.memory_space<vmem>>) dst(%dma_wait3A_150 : memref<10240x32xf32, #tpu.memory_space<vmem_shared>>)
    %barrier3A_151 = arith.constant 0 : index
    tpu.barrier barrier_id(%barrier3A_151)
    %mul3A_152 = arith.constant 640 : i32
    %mul3A_153 = arith.muli %arg1, %mul3A_152 : i32
    %add3A_154 = arith.constant 0 : i32
    %add3A_155 = arith.addi %mul3A_153, %add3A_154 : i32
    "tpu.region"() ({
      %run_scoped3A = tpu.sem_alloc : memref<!tpu.dma_semaphore, #tpu.memory_space<semaphore_mem>>
      %dma_start3A_490 = arith.constant 0 : i32
      %dma_start3A_491 = tpu.memref_slice %arg16[%add3A_155, %dma_start3A_490] : memref<10240x32xf32, #tpu.memory_space<vmem_shared>> -> memref<128x32xf32, #tpu.memory_space<vmem_shared>>
      %dma_start3A_492 = arith.constant 0 : i32
      %dma_start3A_493 = tpu.memref_slice %arg16[%add3A_155, %dma_start3A_492] : memref<10240x32xf32, #tpu.memory_space<vmem_shared>> -> memref<128x32xf32, #tpu.memory_space<vmem_shared>>
      tpu.enqueue_dma source(%dma_start3A_493 : memref<128x32xf32, #tpu.memory_space<vmem_shared>>) target(%arg14 : memref<128x32xf32, #tpu.memory_space<vmem>>) target_semaphore(%run_scoped3A : memref<!tpu.dma_semaphore, #tpu.memory_space<semaphore_mem>>)
      %dma_wait3A_494 = arith.constant 0 : i32
      %dma_wait3A_495 = tpu.memref_slice %arg16[%add3A_155, %dma_wait3A_494] : memref<10240x32xf32, #tpu.memory_space<vmem_shared>> -> memref<128x32xf32, #tpu.memory_space<vmem_shared>>
      %dma_wait3A_496 = arith.constant 0 : i32
      %dma_wait3A_497 = tpu.memref_slice %arg16[%add3A_155, %dma_wait3A_496] : memref<10240x32xf32, #tpu.memory_space<vmem_shared>> -> memref<128x32xf32, #tpu.memory_space<vmem_shared>>
      tpu.wait_dma2 semaphore(%run_scoped3A : memref<!tpu.dma_semaphore, #tpu.memory_space<semaphore_mem>>) src(%dma_wait3A_497 : memref<128x32xf32, #tpu.memory_space<vmem_shared>>) dst(%arg14 : memref<128x32xf32, #tpu.memory_space<vmem>>)
      tpu.yield
    }) : () -> ()
    %dma_start3A_156 = arith.constant 0 : i32
    %dma_start3A_157 = arith.constant 0 : i32
    %dma_start3A_158 = tpu.memref_slice %arg13[%dma_start3A_156, %dma_start3A_157] : memref<5x128xi32, #tpu.memory_space<vmem>> -> memref<1x128xi32, #tpu.memory_space<vmem>>
    %dma_start3A_159 = tpu.memref_squeeze %dma_start3A_158 : memref<1x128xi32, #tpu.memory_space<vmem>> -> memref<128xi32, #tpu.memory_space<vmem>>
    %dma_start3A_160 = arith.constant 0 : i32
    %dma_start3A_161 = arith.constant 0 : i32
    %dma_start3A_162 = tpu.memref_slice %arg6[%dma_start3A_160, %dma_start3A_161] : memref<40960x32xf32, #tpu.memory_space<hbm>> -> memref<40960x32xf32, #tpu.memory_space<hbm>>
    tpu.enqueue_indirect_dma source(%arg14 : memref<128x32xf32, #tpu.memory_space<vmem>>) target(%dma_start3A_162 : memref<40960x32xf32, #tpu.memory_space<hbm>>) offsets(%dma_start3A_159 : memref<128xi32, #tpu.memory_space<vmem>>) semaphore(%arg21 : memref<!tpu.dma_semaphore, #tpu.memory_space<semaphore_mem>>)
    %dma_wait3A_163 = arith.constant 0 : i32
    %dma_wait3A_164 = arith.constant 0 : i32
    %dma_wait3A_165 = tpu.memref_slice %arg13[%dma_wait3A_163, %dma_wait3A_164] : memref<5x128xi32, #tpu.memory_space<vmem>> -> memref<1x128xi32, #tpu.memory_space<vmem>>
    %dma_wait3A_166 = tpu.memref_squeeze %dma_wait3A_165 : memref<1x128xi32, #tpu.memory_space<vmem>> -> memref<128xi32, #tpu.memory_space<vmem>>
    %dma_wait3A_167 = arith.constant 0 : i32
    %dma_wait3A_168 = arith.constant 0 : i32
    %dma_wait3A_169 = tpu.memref_slice %arg6[%dma_wait3A_167, %dma_wait3A_168] : memref<40960x32xf32, #tpu.memory_space<hbm>> -> memref<40960x32xf32, #tpu.memory_space<hbm>>
    tpu.wait_indirect_dma semaphore(%arg21 : memref<!tpu.dma_semaphore, #tpu.memory_space<semaphore_mem>>) src(%arg14 : memref<128x32xf32, #tpu.memory_space<vmem>>) dst(%dma_wait3A_169 : memref<40960x32xf32, #tpu.memory_space<hbm>>)
    %mul3A_170 = arith.constant 640 : i32
    %mul3A_171 = arith.muli %arg1, %mul3A_170 : i32
    %add3A_172 = arith.constant 128 : i32
    %add3A_173 = arith.addi %mul3A_171, %add3A_172 : i32
    "tpu.region"() ({
      %run_scoped3A = tpu.sem_alloc : memref<!tpu.dma_semaphore, #tpu.memory_space<semaphore_mem>>
      %dma_start3A_490 = arith.constant 0 : i32
      %dma_start3A_491 = tpu.memref_slice %arg16[%add3A_173, %dma_start3A_490] : memref<10240x32xf32, #tpu.memory_space<vmem_shared>> -> memref<128x32xf32, #tpu.memory_space<vmem_shared>>
      %dma_start3A_492 = arith.constant 0 : i32
      %dma_start3A_493 = tpu.memref_slice %arg16[%add3A_173, %dma_start3A_492] : memref<10240x32xf32, #tpu.memory_space<vmem_shared>> -> memref<128x32xf32, #tpu.memory_space<vmem_shared>>
      tpu.enqueue_dma source(%dma_start3A_493 : memref<128x32xf32, #tpu.memory_space<vmem_shared>>) target(%arg14 : memref<128x32xf32, #tpu.memory_space<vmem>>) target_semaphore(%run_scoped3A : memref<!tpu.dma_semaphore, #tpu.memory_space<semaphore_mem>>)
      %dma_wait3A_494 = arith.constant 0 : i32
      %dma_wait3A_495 = tpu.memref_slice %arg16[%add3A_173, %dma_wait3A_494] : memref<10240x32xf32, #tpu.memory_space<vmem_shared>> -> memref<128x32xf32, #tpu.memory_space<vmem_shared>>
      %dma_wait3A_496 = arith.constant 0 : i32
      %dma_wait3A_497 = tpu.memref_slice %arg16[%add3A_173, %dma_wait3A_496] : memref<10240x32xf32, #tpu.memory_space<vmem_shared>> -> memref<128x32xf32, #tpu.memory_space<vmem_shared>>
      tpu.wait_dma2 semaphore(%run_scoped3A : memref<!tpu.dma_semaphore, #tpu.memory_space<semaphore_mem>>) src(%dma_wait3A_497 : memref<128x32xf32, #tpu.memory_space<vmem_shared>>) dst(%arg14 : memref<128x32xf32, #tpu.memory_space<vmem>>)
      tpu.yield
    }) : () -> ()
    %dma_start3A_174 = arith.constant 1 : i32
    %dma_start3A_175 = arith.constant 0 : i32
    %dma_start3A_176 = tpu.memref_slice %arg13[%dma_start3A_174, %dma_start3A_175] : memref<5x128xi32, #tpu.memory_space<vmem>> -> memref<1x128xi32, #tpu.memory_space<vmem>>
    %dma_start3A_177 = tpu.memref_squeeze %dma_start3A_176 : memref<1x128xi32, #tpu.memory_space<vmem>> -> memref<128xi32, #tpu.memory_space<vmem>>
    %dma_start3A_178 = arith.constant 0 : i32
    %dma_start3A_179 = arith.constant 0 : i32
    %dma_start3A_180 = tpu.memref_slice %arg6[%dma_start3A_178, %dma_start3A_179] : memref<40960x32xf32, #tpu.memory_space<hbm>> -> memref<40960x32xf32, #tpu.memory_space<hbm>>
    tpu.enqueue_indirect_dma source(%arg14 : memref<128x32xf32, #tpu.memory_space<vmem>>) target(%dma_start3A_180 : memref<40960x32xf32, #tpu.memory_space<hbm>>) offsets(%dma_start3A_177 : memref<128xi32, #tpu.memory_space<vmem>>) semaphore(%arg21 : memref<!tpu.dma_semaphore, #tpu.memory_space<semaphore_mem>>)
    %dma_wait3A_181 = arith.constant 1 : i32
    %dma_wait3A_182 = arith.constant 0 : i32
    %dma_wait3A_183 = tpu.memref_slice %arg13[%dma_wait3A_181, %dma_wait3A_182] : memref<5x128xi32, #tpu.memory_space<vmem>> -> memref<1x128xi32, #tpu.memory_space<vmem>>
    %dma_wait3A_184 = tpu.memref_squeeze %dma_wait3A_183 : memref<1x128xi32, #tpu.memory_space<vmem>> -> memref<128xi32, #tpu.memory_space<vmem>>
    %dma_wait3A_185 = arith.constant 0 : i32
    %dma_wait3A_186 = arith.constant 0 : i32
    %dma_wait3A_187 = tpu.memref_slice %arg6[%dma_wait3A_185, %dma_wait3A_186] : memref<40960x32xf32, #tpu.memory_space<hbm>> -> memref<40960x32xf32, #tpu.memory_space<hbm>>
    tpu.wait_indirect_dma semaphore(%arg21 : memref<!tpu.dma_semaphore, #tpu.memory_space<semaphore_mem>>) src(%arg14 : memref<128x32xf32, #tpu.memory_space<vmem>>) dst(%dma_wait3A_187 : memref<40960x32xf32, #tpu.memory_space<hbm>>)
    %mul3A_188 = arith.constant 640 : i32
    %mul3A_189 = arith.muli %arg1, %mul3A_188 : i32
    %add3A_190 = arith.constant 256 : i32
    %add3A_191 = arith.addi %mul3A_189, %add3A_190 : i32
    "tpu.region"() ({
      %run_scoped3A = tpu.sem_alloc : memref<!tpu.dma_semaphore, #tpu.memory_space<semaphore_mem>>
      %dma_start3A_490 = arith.constant 0 : i32
      %dma_start3A_491 = tpu.memref_slice %arg16[%add3A_191, %dma_start3A_490] : memref<10240x32xf32, #tpu.memory_space<vmem_shared>> -> memref<128x32xf32, #tpu.memory_space<vmem_shared>>
      %dma_start3A_492 = arith.constant 0 : i32
      %dma_start3A_493 = tpu.memref_slice %arg16[%add3A_191, %dma_start3A_492] : memref<10240x32xf32, #tpu.memory_space<vmem_shared>> -> memref<128x32xf32, #tpu.memory_space<vmem_shared>>
      tpu.enqueue_dma source(%dma_start3A_493 : memref<128x32xf32, #tpu.memory_space<vmem_shared>>) target(%arg14 : memref<128x32xf32, #tpu.memory_space<vmem>>) target_semaphore(%run_scoped3A : memref<!tpu.dma_semaphore, #tpu.memory_space<semaphore_mem>>)
      %dma_wait3A_494 = arith.constant 0 : i32
      %dma_wait3A_495 = tpu.memref_slice %arg16[%add3A_191, %dma_wait3A_494] : memref<10240x32xf32, #tpu.memory_space<vmem_shared>> -> memref<128x32xf32, #tpu.memory_space<vmem_shared>>
      %dma_wait3A_496 = arith.constant 0 : i32
      %dma_wait3A_497 = tpu.memref_slice %arg16[%add3A_191, %dma_wait3A_496] : memref<10240x32xf32, #tpu.memory_space<vmem_shared>> -> memref<128x32xf32, #tpu.memory_space<vmem_shared>>
      tpu.wait_dma2 semaphore(%run_scoped3A : memref<!tpu.dma_semaphore, #tpu.memory_space<semaphore_mem>>) src(%dma_wait3A_497 : memref<128x32xf32, #tpu.memory_space<vmem_shared>>) dst(%arg14 : memref<128x32xf32, #tpu.memory_space<vmem>>)
      tpu.yield
    }) : () -> ()
    %dma_start3A_192 = arith.constant 2 : i32
    %dma_start3A_193 = arith.constant 0 : i32
    %dma_start3A_194 = tpu.memref_slice %arg13[%dma_start3A_192, %dma_start3A_193] : memref<5x128xi32, #tpu.memory_space<vmem>> -> memref<1x128xi32, #tpu.memory_space<vmem>>
    %dma_start3A_195 = tpu.memref_squeeze %dma_start3A_194 : memref<1x128xi32, #tpu.memory_space<vmem>> -> memref<128xi32, #tpu.memory_space<vmem>>
    %dma_start3A_196 = arith.constant 0 : i32
    %dma_start3A_197 = arith.constant 0 : i32
    %dma_start3A_198 = tpu.memref_slice %arg6[%dma_start3A_196, %dma_start3A_197] : memref<40960x32xf32, #tpu.memory_space<hbm>> -> memref<40960x32xf32, #tpu.memory_space<hbm>>
    tpu.enqueue_indirect_dma source(%arg14 : memref<128x32xf32, #tpu.memory_space<vmem>>) target(%dma_start3A_198 : memref<40960x32xf32, #tpu.memory_space<hbm>>) offsets(%dma_start3A_195 : memref<128xi32, #tpu.memory_space<vmem>>) semaphore(%arg21 : memref<!tpu.dma_semaphore, #tpu.memory_space<semaphore_mem>>)
    %dma_wait3A_199 = arith.constant 2 : i32
    %dma_wait3A_200 = arith.constant 0 : i32
    %dma_wait3A_201 = tpu.memref_slice %arg13[%dma_wait3A_199, %dma_wait3A_200] : memref<5x128xi32, #tpu.memory_space<vmem>> -> memref<1x128xi32, #tpu.memory_space<vmem>>
    %dma_wait3A_202 = tpu.memref_squeeze %dma_wait3A_201 : memref<1x128xi32, #tpu.memory_space<vmem>> -> memref<128xi32, #tpu.memory_space<vmem>>
    %dma_wait3A_203 = arith.constant 0 : i32
    %dma_wait3A_204 = arith.constant 0 : i32
    %dma_wait3A_205 = tpu.memref_slice %arg6[%dma_wait3A_203, %dma_wait3A_204] : memref<40960x32xf32, #tpu.memory_space<hbm>> -> memref<40960x32xf32, #tpu.memory_space<hbm>>
    tpu.wait_indirect_dma semaphore(%arg21 : memref<!tpu.dma_semaphore, #tpu.memory_space<semaphore_mem>>) src(%arg14 : memref<128x32xf32, #tpu.memory_space<vmem>>) dst(%dma_wait3A_205 : memref<40960x32xf32, #tpu.memory_space<hbm>>)
    %mul3A_206 = arith.constant 640 : i32
    %mul3A_207 = arith.muli %arg1, %mul3A_206 : i32
    %add3A_208 = arith.constant 384 : i32
    %add3A_209 = arith.addi %mul3A_207, %add3A_208 : i32
    "tpu.region"() ({
      %run_scoped3A = tpu.sem_alloc : memref<!tpu.dma_semaphore, #tpu.memory_space<semaphore_mem>>
      %dma_start3A_490 = arith.constant 0 : i32
      %dma_start3A_491 = tpu.memref_slice %arg16[%add3A_209, %dma_start3A_490] : memref<10240x32xf32, #tpu.memory_space<vmem_shared>> -> memref<128x32xf32, #tpu.memory_space<vmem_shared>>
      %dma_start3A_492 = arith.constant 0 : i32
      %dma_start3A_493 = tpu.memref_slice %arg16[%add3A_209, %dma_start3A_492] : memref<10240x32xf32, #tpu.memory_space<vmem_shared>> -> memref<128x32xf32, #tpu.memory_space<vmem_shared>>
      tpu.enqueue_dma source(%dma_start3A_493 : memref<128x32xf32, #tpu.memory_space<vmem_shared>>) target(%arg14 : memref<128x32xf32, #tpu.memory_space<vmem>>) target_semaphore(%run_scoped3A : memref<!tpu.dma_semaphore, #tpu.memory_space<semaphore_mem>>)
      %dma_wait3A_494 = arith.constant 0 : i32
      %dma_wait3A_495 = tpu.memref_slice %arg16[%add3A_209, %dma_wait3A_494] : memref<10240x32xf32, #tpu.memory_space<vmem_shared>> -> memref<128x32xf32, #tpu.memory_space<vmem_shared>>
      %dma_wait3A_496 = arith.constant 0 : i32
      %dma_wait3A_497 = tpu.memref_slice %arg16[%add3A_209, %dma_wait3A_496] : memref<10240x32xf32, #tpu.memory_space<vmem_shared>> -> memref<128x32xf32, #tpu.memory_space<vmem_shared>>
      tpu.wait_dma2 semaphore(%run_scoped3A : memref<!tpu.dma_semaphore, #tpu.memory_space<semaphore_mem>>) src(%dma_wait3A_497 : memref<128x32xf32, #tpu.memory_space<vmem_shared>>) dst(%arg14 : memref<128x32xf32, #tpu.memory_space<vmem>>)
      tpu.yield
    }) : () -> ()
    %dma_start3A_210 = arith.constant 3 : i32
    %dma_start3A_211 = arith.constant 0 : i32
    %dma_start3A_212 = tpu.memref_slice %arg13[%dma_start3A_210, %dma_start3A_211] : memref<5x128xi32, #tpu.memory_space<vmem>> -> memref<1x128xi32, #tpu.memory_space<vmem>>
    %dma_start3A_213 = tpu.memref_squeeze %dma_start3A_212 : memref<1x128xi32, #tpu.memory_space<vmem>> -> memref<128xi32, #tpu.memory_space<vmem>>
    %dma_start3A_214 = arith.constant 0 : i32
    %dma_start3A_215 = arith.constant 0 : i32
    %dma_start3A_216 = tpu.memref_slice %arg6[%dma_start3A_214, %dma_start3A_215] : memref<40960x32xf32, #tpu.memory_space<hbm>> -> memref<40960x32xf32, #tpu.memory_space<hbm>>
    tpu.enqueue_indirect_dma source(%arg14 : memref<128x32xf32, #tpu.memory_space<vmem>>) target(%dma_start3A_216 : memref<40960x32xf32, #tpu.memory_space<hbm>>) offsets(%dma_start3A_213 : memref<128xi32, #tpu.memory_space<vmem>>) semaphore(%arg21 : memref<!tpu.dma_semaphore, #tpu.memory_space<semaphore_mem>>)
    %dma_wait3A_217 = arith.constant 3 : i32
    %dma_wait3A_218 = arith.constant 0 : i32
    %dma_wait3A_219 = tpu.memref_slice %arg13[%dma_wait3A_217, %dma_wait3A_218] : memref<5x128xi32, #tpu.memory_space<vmem>> -> memref<1x128xi32, #tpu.memory_space<vmem>>
    %dma_wait3A_220 = tpu.memref_squeeze %dma_wait3A_219 : memref<1x128xi32, #tpu.memory_space<vmem>> -> memref<128xi32, #tpu.memory_space<vmem>>
    %dma_wait3A_221 = arith.constant 0 : i32
    %dma_wait3A_222 = arith.constant 0 : i32
    %dma_wait3A_223 = tpu.memref_slice %arg6[%dma_wait3A_221, %dma_wait3A_222] : memref<40960x32xf32, #tpu.memory_space<hbm>> -> memref<40960x32xf32, #tpu.memory_space<hbm>>
    tpu.wait_indirect_dma semaphore(%arg21 : memref<!tpu.dma_semaphore, #tpu.memory_space<semaphore_mem>>) src(%arg14 : memref<128x32xf32, #tpu.memory_space<vmem>>) dst(%dma_wait3A_223 : memref<40960x32xf32, #tpu.memory_space<hbm>>)
    %mul3A_224 = arith.constant 640 : i32
    %mul3A_225 = arith.muli %arg1, %mul3A_224 : i32
    %add3A_226 = arith.constant 512 : i32
    %add3A_227 = arith.addi %mul3A_225, %add3A_226 : i32
    "tpu.region"() ({
      %run_scoped3A = tpu.sem_alloc : memref<!tpu.dma_semaphore, #tpu.memory_space<semaphore_mem>>
      %dma_start3A_490 = arith.constant 0 : i32
      %dma_start3A_491 = tpu.memref_slice %arg16[%add3A_227, %dma_start3A_490] : memref<10240x32xf32, #tpu.memory_space<vmem_shared>> -> memref<128x32xf32, #tpu.memory_space<vmem_shared>>
      %dma_start3A_492 = arith.constant 0 : i32
      %dma_start3A_493 = tpu.memref_slice %arg16[%add3A_227, %dma_start3A_492] : memref<10240x32xf32, #tpu.memory_space<vmem_shared>> -> memref<128x32xf32, #tpu.memory_space<vmem_shared>>
      tpu.enqueue_dma source(%dma_start3A_493 : memref<128x32xf32, #tpu.memory_space<vmem_shared>>) target(%arg14 : memref<128x32xf32, #tpu.memory_space<vmem>>) target_semaphore(%run_scoped3A : memref<!tpu.dma_semaphore, #tpu.memory_space<semaphore_mem>>)
      %dma_wait3A_494 = arith.constant 0 : i32
      %dma_wait3A_495 = tpu.memref_slice %arg16[%add3A_227, %dma_wait3A_494] : memref<10240x32xf32, #tpu.memory_space<vmem_shared>> -> memref<128x32xf32, #tpu.memory_space<vmem_shared>>
      %dma_wait3A_496 = arith.constant 0 : i32
      %dma_wait3A_497 = tpu.memref_slice %arg16[%add3A_227, %dma_wait3A_496] : memref<10240x32xf32, #tpu.memory_space<vmem_shared>> -> memref<128x32xf32, #tpu.memory_space<vmem_shared>>
      tpu.wait_dma2 semaphore(%run_scoped3A : memref<!tpu.dma_semaphore, #tpu.memory_space<semaphore_mem>>) src(%dma_wait3A_497 : memref<128x32xf32, #tpu.memory_space<vmem_shared>>) dst(%arg14 : memref<128x32xf32, #tpu.memory_space<vmem>>)
      tpu.yield
    }) : () -> ()
    %dma_start3A_228 = arith.constant 4 : i32
    %dma_start3A_229 = arith.constant 0 : i32
    %dma_start3A_230 = tpu.memref_slice %arg13[%dma_start3A_228, %dma_start3A_229] : memref<5x128xi32, #tpu.memory_space<vmem>> -> memref<1x128xi32, #tpu.memory_space<vmem>>
    %dma_start3A_231 = tpu.memref_squeeze %dma_start3A_230 : memref<1x128xi32, #tpu.memory_space<vmem>> -> memref<128xi32, #tpu.memory_space<vmem>>
    %dma_start3A_232 = arith.constant 0 : i32
    %dma_start3A_233 = arith.constant 0 : i32
    %dma_start3A_234 = tpu.memref_slice %arg6[%dma_start3A_232, %dma_start3A_233] : memref<40960x32xf32, #tpu.memory_space<hbm>> -> memref<40960x32xf32, #tpu.memory_space<hbm>>
    tpu.enqueue_indirect_dma source(%arg14 : memref<128x32xf32, #tpu.memory_space<vmem>>) target(%dma_start3A_234 : memref<40960x32xf32, #tpu.memory_space<hbm>>) offsets(%dma_start3A_231 : memref<128xi32, #tpu.memory_space<vmem>>) semaphore(%arg21 : memref<!tpu.dma_semaphore, #tpu.memory_space<semaphore_mem>>)
    %dma_wait3A_235 = arith.constant 4 : i32
    %dma_wait3A_236 = arith.constant 0 : i32
    %dma_wait3A_237 = tpu.memref_slice %arg13[%dma_wait3A_235, %dma_wait3A_236] : memref<5x128xi32, #tpu.memory_space<vmem>> -> memref<1x128xi32, #tpu.memory_space<vmem>>
    %dma_wait3A_238 = tpu.memref_squeeze %dma_wait3A_237 : memref<1x128xi32, #tpu.memory_space<vmem>> -> memref<128xi32, #tpu.memory_space<vmem>>
    %dma_wait3A_239 = arith.constant 0 : i32
    %dma_wait3A_240 = arith.constant 0 : i32
    %dma_wait3A_241 = tpu.memref_slice %arg6[%dma_wait3A_239, %dma_wait3A_240] : memref<40960x32xf32, #tpu.memory_space<hbm>> -> memref<40960x32xf32, #tpu.memory_space<hbm>>
    tpu.wait_indirect_dma semaphore(%arg21 : memref<!tpu.dma_semaphore, #tpu.memory_space<semaphore_mem>>) src(%arg14 : memref<128x32xf32, #tpu.memory_space<vmem>>) dst(%dma_wait3A_241 : memref<40960x32xf32, #tpu.memory_space<hbm>>)
    %mul3A_242 = arith.constant 2 : i32
    %mul3A_243 = arith.muli %mul3A_242, %arg0 : i32
    %add3A_244 = arith.constant 1 : i32
    %add3A_245 = arith.addi %mul3A_243, %add3A_244 : i32
    "tpu.region"() ({
      %run_scoped3A = tpu.sem_alloc : memref<!tpu.dma_semaphore, #tpu.memory_space<semaphore_mem>>
      %dma_start3A_490 = arith.constant 0 : i32
      %dma_start3A_491 = arith.constant 0 : i32
      %dma_start3A_492 = tpu.memref_slice %arg5[%add3A_245, %arg1, %dma_start3A_490, %dma_start3A_491] : memref<4x16x5x128xi32, #tpu.memory_space<hbm>> -> memref<1x1x5x128xi32, #tpu.memory_space<hbm>>
      %dma_start3A_493 = tpu.memref_squeeze %dma_start3A_492 : memref<1x1x5x128xi32, #tpu.memory_space<hbm>> -> memref<5x128xi32, #tpu.memory_space<hbm>>
      %dma_start3A_494 = arith.constant 0 : i32
      %dma_start3A_495 = arith.constant 0 : i32
      %dma_start3A_496 = tpu.memref_slice %arg5[%add3A_245, %arg1, %dma_start3A_494, %dma_start3A_495] : memref<4x16x5x128xi32, #tpu.memory_space<hbm>> -> memref<1x1x5x128xi32, #tpu.memory_space<hbm>>
      %dma_start3A_497 = tpu.memref_squeeze %dma_start3A_496 : memref<1x1x5x128xi32, #tpu.memory_space<hbm>> -> memref<5x128xi32, #tpu.memory_space<hbm>>
      tpu.enqueue_dma source(%dma_start3A_497 : memref<5x128xi32, #tpu.memory_space<hbm>>) target(%arg13 : memref<5x128xi32, #tpu.memory_space<vmem>>) target_semaphore(%run_scoped3A : memref<!tpu.dma_semaphore, #tpu.memory_space<semaphore_mem>>)
      %dma_wait3A_498 = arith.constant 0 : i32
      %dma_wait3A_499 = arith.constant 0 : i32
      %dma_wait3A_500 = tpu.memref_slice %arg5[%add3A_245, %arg1, %dma_wait3A_498, %dma_wait3A_499] : memref<4x16x5x128xi32, #tpu.memory_space<hbm>> -> memref<1x1x5x128xi32, #tpu.memory_space<hbm>>
      %dma_wait3A_501 = tpu.memref_squeeze %dma_wait3A_500 : memref<1x1x5x128xi32, #tpu.memory_space<hbm>> -> memref<5x128xi32, #tpu.memory_space<hbm>>
      %dma_wait3A_502 = arith.constant 0 : i32
      %dma_wait3A_503 = arith.constant 0 : i32
      %dma_wait3A_504 = tpu.memref_slice %arg5[%add3A_245, %arg1, %dma_wait3A_502, %dma_wait3A_503] : memref<4x16x5x128xi32, #tpu.memory_space<hbm>> -> memref<1x1x5x128xi32, #tpu.memory_space<hbm>>
      %dma_wait3A_505 = tpu.memref_squeeze %dma_wait3A_504 : memref<1x1x5x128xi32, #tpu.memory_space<hbm>> -> memref<5x128xi32, #tpu.memory_space<hbm>>
      tpu.wait_dma2 semaphore(%run_scoped3A : memref<!tpu.dma_semaphore, #tpu.memory_space<semaphore_mem>>) src(%dma_wait3A_505 : memref<5x128xi32, #tpu.memory_space<hbm>>) dst(%arg13 : memref<5x128xi32, #tpu.memory_space<vmem>>)
      tpu.yield
    }) : () -> ()
    %dma_start3A_246 = arith.constant 0 : i32
    %dma_start3A_247 = arith.constant 0 : i32
    %dma_start3A_248 = tpu.memref_slice %arg13[%dma_start3A_246, %dma_start3A_247] : memref<5x128xi32, #tpu.memory_space<vmem>> -> memref<1x128xi32, #tpu.memory_space<vmem>>
    %dma_start3A_249 = tpu.memref_squeeze %dma_start3A_248 : memref<1x128xi32, #tpu.memory_space<vmem>> -> memref<128xi32, #tpu.memory_space<vmem>>
    %dma_start3A_250 = arith.constant 0 : i32
    %dma_start3A_251 = arith.constant 0 : i32
    %dma_start3A_252 = tpu.memref_slice %arg2[%dma_start3A_250, %dma_start3A_251] : memref<40960x32xf32, #tpu.memory_space<hbm>> -> memref<40960x32xf32, #tpu.memory_space<hbm>>
    tpu.enqueue_indirect_dma source(%dma_start3A_252 : memref<40960x32xf32, #tpu.memory_space<hbm>>) target(%arg14 : memref<128x32xf32, #tpu.memory_space<vmem>>) offsets(%dma_start3A_249 : memref<128xi32, #tpu.memory_space<vmem>>) semaphore(%arg17 : memref<!tpu.dma_semaphore, #tpu.memory_space<semaphore_mem>>)
    %dma_wait3A_253 = arith.constant 0 : i32
    %dma_wait3A_254 = arith.constant 0 : i32
    %dma_wait3A_255 = tpu.memref_slice %arg13[%dma_wait3A_253, %dma_wait3A_254] : memref<5x128xi32, #tpu.memory_space<vmem>> -> memref<1x128xi32, #tpu.memory_space<vmem>>
    %dma_wait3A_256 = tpu.memref_squeeze %dma_wait3A_255 : memref<1x128xi32, #tpu.memory_space<vmem>> -> memref<128xi32, #tpu.memory_space<vmem>>
    %dma_wait3A_257 = arith.constant 0 : i32
    %dma_wait3A_258 = arith.constant 0 : i32
    %dma_wait3A_259 = tpu.memref_slice %arg2[%dma_wait3A_257, %dma_wait3A_258] : memref<40960x32xf32, #tpu.memory_space<hbm>> -> memref<40960x32xf32, #tpu.memory_space<hbm>>
    tpu.wait_indirect_dma semaphore(%arg17 : memref<!tpu.dma_semaphore, #tpu.memory_space<semaphore_mem>>) src(%dma_wait3A_259 : memref<40960x32xf32, #tpu.memory_space<hbm>>) dst(%arg14 : memref<128x32xf32, #tpu.memory_space<vmem>>)
    %mul3A_260 = arith.constant 640 : i32
    %mul3A_261 = arith.muli %arg1, %mul3A_260 : i32
    %add3A_262 = arith.constant 0 : i32
    %add3A_263 = arith.addi %mul3A_261, %add3A_262 : i32
    "tpu.region"() ({
      %run_scoped3A = tpu.sem_alloc : memref<!tpu.dma_semaphore, #tpu.memory_space<semaphore_mem>>
      %dma_start3A_490 = arith.constant 0 : i32
      %dma_start3A_491 = tpu.memref_slice %arg15[%add3A_263, %dma_start3A_490] : memref<10240x32xf32, #tpu.memory_space<vmem_shared>> -> memref<128x32xf32, #tpu.memory_space<vmem_shared>>
      %dma_start3A_492 = arith.constant 0 : i32
      %dma_start3A_493 = tpu.memref_slice %arg15[%add3A_263, %dma_start3A_492] : memref<10240x32xf32, #tpu.memory_space<vmem_shared>> -> memref<128x32xf32, #tpu.memory_space<vmem_shared>>
      tpu.enqueue_dma source(%arg14 : memref<128x32xf32, #tpu.memory_space<vmem>>) target(%dma_start3A_493 : memref<128x32xf32, #tpu.memory_space<vmem_shared>>) target_semaphore(%run_scoped3A : memref<!tpu.dma_semaphore, #tpu.memory_space<semaphore_mem>>)
      %dma_wait3A_494 = arith.constant 0 : i32
      %dma_wait3A_495 = tpu.memref_slice %arg15[%add3A_263, %dma_wait3A_494] : memref<10240x32xf32, #tpu.memory_space<vmem_shared>> -> memref<128x32xf32, #tpu.memory_space<vmem_shared>>
      %dma_wait3A_496 = arith.constant 0 : i32
      %dma_wait3A_497 = tpu.memref_slice %arg15[%add3A_263, %dma_wait3A_496] : memref<10240x32xf32, #tpu.memory_space<vmem_shared>> -> memref<128x32xf32, #tpu.memory_space<vmem_shared>>
      tpu.wait_dma2 semaphore(%run_scoped3A : memref<!tpu.dma_semaphore, #tpu.memory_space<semaphore_mem>>) src(%arg14 : memref<128x32xf32, #tpu.memory_space<vmem>>) dst(%dma_wait3A_497 : memref<128x32xf32, #tpu.memory_space<vmem_shared>>)
      tpu.yield
    }) : () -> ()
    "tpu.region"() ({
      %run_scoped3A = tpu.sem_alloc : memref<!tpu.dma_semaphore, #tpu.memory_space<semaphore_mem>>
      %dma_start3A_490 = arith.constant 0 : i32
      %dma_start3A_491 = tpu.memref_slice %arg16[%add3A_263, %dma_start3A_490] : memref<10240x32xf32, #tpu.memory_space<vmem_shared>> -> memref<128x32xf32, #tpu.memory_space<vmem_shared>>
      %dma_start3A_492 = arith.constant 0 : i32
      %dma_start3A_493 = tpu.memref_slice %arg16[%add3A_263, %dma_start3A_492] : memref<10240x32xf32, #tpu.memory_space<vmem_shared>> -> memref<128x32xf32, #tpu.memory_space<vmem_shared>>
      tpu.enqueue_dma source(%arg14 : memref<128x32xf32, #tpu.memory_space<vmem>>) target(%dma_start3A_493 : memref<128x32xf32, #tpu.memory_space<vmem_shared>>) target_semaphore(%run_scoped3A : memref<!tpu.dma_semaphore, #tpu.memory_space<semaphore_mem>>)
      %dma_wait3A_494 = arith.constant 0 : i32
      %dma_wait3A_495 = tpu.memref_slice %arg16[%add3A_263, %dma_wait3A_494] : memref<10240x32xf32, #tpu.memory_space<vmem_shared>> -> memref<128x32xf32, #tpu.memory_space<vmem_shared>>
      %dma_wait3A_496 = arith.constant 0 : i32
      %dma_wait3A_497 = tpu.memref_slice %arg16[%add3A_263, %dma_wait3A_496] : memref<10240x32xf32, #tpu.memory_space<vmem_shared>> -> memref<128x32xf32, #tpu.memory_space<vmem_shared>>
      tpu.wait_dma2 semaphore(%run_scoped3A : memref<!tpu.dma_semaphore, #tpu.memory_space<semaphore_mem>>) src(%arg14 : memref<128x32xf32, #tpu.memory_space<vmem>>) dst(%dma_wait3A_497 : memref<128x32xf32, #tpu.memory_space<vmem_shared>>)
      tpu.yield
    }) : () -> ()
    %dma_start3A_264 = arith.constant 1 : i32
    %dma_start3A_265 = arith.constant 0 : i32
    %dma_start3A_266 = tpu.memref_slice %arg13[%dma_start3A_264, %dma_start3A_265] : memref<5x128xi32, #tpu.memory_space<vmem>> -> memref<1x128xi32, #tpu.memory_space<vmem>>
    %dma_start3A_267 = tpu.memref_squeeze %dma_start3A_266 : memref<1x128xi32, #tpu.memory_space<vmem>> -> memref<128xi32, #tpu.memory_space<vmem>>
    %dma_start3A_268 = arith.constant 0 : i32
    %dma_start3A_269 = arith.constant 0 : i32
    %dma_start3A_270 = tpu.memref_slice %arg2[%dma_start3A_268, %dma_start3A_269] : memref<40960x32xf32, #tpu.memory_space<hbm>> -> memref<40960x32xf32, #tpu.memory_space<hbm>>
    tpu.enqueue_indirect_dma source(%dma_start3A_270 : memref<40960x32xf32, #tpu.memory_space<hbm>>) target(%arg14 : memref<128x32xf32, #tpu.memory_space<vmem>>) offsets(%dma_start3A_267 : memref<128xi32, #tpu.memory_space<vmem>>) semaphore(%arg17 : memref<!tpu.dma_semaphore, #tpu.memory_space<semaphore_mem>>)
    %dma_wait3A_271 = arith.constant 1 : i32
    %dma_wait3A_272 = arith.constant 0 : i32
    %dma_wait3A_273 = tpu.memref_slice %arg13[%dma_wait3A_271, %dma_wait3A_272] : memref<5x128xi32, #tpu.memory_space<vmem>> -> memref<1x128xi32, #tpu.memory_space<vmem>>
    %dma_wait3A_274 = tpu.memref_squeeze %dma_wait3A_273 : memref<1x128xi32, #tpu.memory_space<vmem>> -> memref<128xi32, #tpu.memory_space<vmem>>
    %dma_wait3A_275 = arith.constant 0 : i32
    %dma_wait3A_276 = arith.constant 0 : i32
    %dma_wait3A_277 = tpu.memref_slice %arg2[%dma_wait3A_275, %dma_wait3A_276] : memref<40960x32xf32, #tpu.memory_space<hbm>> -> memref<40960x32xf32, #tpu.memory_space<hbm>>
    tpu.wait_indirect_dma semaphore(%arg17 : memref<!tpu.dma_semaphore, #tpu.memory_space<semaphore_mem>>) src(%dma_wait3A_277 : memref<40960x32xf32, #tpu.memory_space<hbm>>) dst(%arg14 : memref<128x32xf32, #tpu.memory_space<vmem>>)
    %mul3A_278 = arith.constant 640 : i32
    %mul3A_279 = arith.muli %arg1, %mul3A_278 : i32
    %add3A_280 = arith.constant 128 : i32
    %add3A_281 = arith.addi %mul3A_279, %add3A_280 : i32
    "tpu.region"() ({
      %run_scoped3A = tpu.sem_alloc : memref<!tpu.dma_semaphore, #tpu.memory_space<semaphore_mem>>
      %dma_start3A_490 = arith.constant 0 : i32
      %dma_start3A_491 = tpu.memref_slice %arg15[%add3A_281, %dma_start3A_490] : memref<10240x32xf32, #tpu.memory_space<vmem_shared>> -> memref<128x32xf32, #tpu.memory_space<vmem_shared>>
      %dma_start3A_492 = arith.constant 0 : i32
      %dma_start3A_493 = tpu.memref_slice %arg15[%add3A_281, %dma_start3A_492] : memref<10240x32xf32, #tpu.memory_space<vmem_shared>> -> memref<128x32xf32, #tpu.memory_space<vmem_shared>>
      tpu.enqueue_dma source(%arg14 : memref<128x32xf32, #tpu.memory_space<vmem>>) target(%dma_start3A_493 : memref<128x32xf32, #tpu.memory_space<vmem_shared>>) target_semaphore(%run_scoped3A : memref<!tpu.dma_semaphore, #tpu.memory_space<semaphore_mem>>)
      %dma_wait3A_494 = arith.constant 0 : i32
      %dma_wait3A_495 = tpu.memref_slice %arg15[%add3A_281, %dma_wait3A_494] : memref<10240x32xf32, #tpu.memory_space<vmem_shared>> -> memref<128x32xf32, #tpu.memory_space<vmem_shared>>
      %dma_wait3A_496 = arith.constant 0 : i32
      %dma_wait3A_497 = tpu.memref_slice %arg15[%add3A_281, %dma_wait3A_496] : memref<10240x32xf32, #tpu.memory_space<vmem_shared>> -> memref<128x32xf32, #tpu.memory_space<vmem_shared>>
      tpu.wait_dma2 semaphore(%run_scoped3A : memref<!tpu.dma_semaphore, #tpu.memory_space<semaphore_mem>>) src(%arg14 : memref<128x32xf32, #tpu.memory_space<vmem>>) dst(%dma_wait3A_497 : memref<128x32xf32, #tpu.memory_space<vmem_shared>>)
      tpu.yield
    }) : () -> ()
    "tpu.region"() ({
      %run_scoped3A = tpu.sem_alloc : memref<!tpu.dma_semaphore, #tpu.memory_space<semaphore_mem>>
      %dma_start3A_490 = arith.constant 0 : i32
      %dma_start3A_491 = tpu.memref_slice %arg16[%add3A_281, %dma_start3A_490] : memref<10240x32xf32, #tpu.memory_space<vmem_shared>> -> memref<128x32xf32, #tpu.memory_space<vmem_shared>>
      %dma_start3A_492 = arith.constant 0 : i32
      %dma_start3A_493 = tpu.memref_slice %arg16[%add3A_281, %dma_start3A_492] : memref<10240x32xf32, #tpu.memory_space<vmem_shared>> -> memref<128x32xf32, #tpu.memory_space<vmem_shared>>
      tpu.enqueue_dma source(%arg14 : memref<128x32xf32, #tpu.memory_space<vmem>>) target(%dma_start3A_493 : memref<128x32xf32, #tpu.memory_space<vmem_shared>>) target_semaphore(%run_scoped3A : memref<!tpu.dma_semaphore, #tpu.memory_space<semaphore_mem>>)
      %dma_wait3A_494 = arith.constant 0 : i32
      %dma_wait3A_495 = tpu.memref_slice %arg16[%add3A_281, %dma_wait3A_494] : memref<10240x32xf32, #tpu.memory_space<vmem_shared>> -> memref<128x32xf32, #tpu.memory_space<vmem_shared>>
      %dma_wait3A_496 = arith.constant 0 : i32
      %dma_wait3A_497 = tpu.memref_slice %arg16[%add3A_281, %dma_wait3A_496] : memref<10240x32xf32, #tpu.memory_space<vmem_shared>> -> memref<128x32xf32, #tpu.memory_space<vmem_shared>>
      tpu.wait_dma2 semaphore(%run_scoped3A : memref<!tpu.dma_semaphore, #tpu.memory_space<semaphore_mem>>) src(%arg14 : memref<128x32xf32, #tpu.memory_space<vmem>>) dst(%dma_wait3A_497 : memref<128x32xf32, #tpu.memory_space<vmem_shared>>)
      tpu.yield
    }) : () -> ()
    %dma_start3A_282 = arith.constant 2 : i32
    %dma_start3A_283 = arith.constant 0 : i32
    %dma_start3A_284 = tpu.memref_slice %arg13[%dma_start3A_282, %dma_start3A_283] : memref<5x128xi32, #tpu.memory_space<vmem>> -> memref<1x128xi32, #tpu.memory_space<vmem>>
    %dma_start3A_285 = tpu.memref_squeeze %dma_start3A_284 : memref<1x128xi32, #tpu.memory_space<vmem>> -> memref<128xi32, #tpu.memory_space<vmem>>
    %dma_start3A_286 = arith.constant 0 : i32
    %dma_start3A_287 = arith.constant 0 : i32
    %dma_start3A_288 = tpu.memref_slice %arg2[%dma_start3A_286, %dma_start3A_287] : memref<40960x32xf32, #tpu.memory_space<hbm>> -> memref<40960x32xf32, #tpu.memory_space<hbm>>
    tpu.enqueue_indirect_dma source(%dma_start3A_288 : memref<40960x32xf32, #tpu.memory_space<hbm>>) target(%arg14 : memref<128x32xf32, #tpu.memory_space<vmem>>) offsets(%dma_start3A_285 : memref<128xi32, #tpu.memory_space<vmem>>) semaphore(%arg17 : memref<!tpu.dma_semaphore, #tpu.memory_space<semaphore_mem>>)
    %dma_wait3A_289 = arith.constant 2 : i32
    %dma_wait3A_290 = arith.constant 0 : i32
    %dma_wait3A_291 = tpu.memref_slice %arg13[%dma_wait3A_289, %dma_wait3A_290] : memref<5x128xi32, #tpu.memory_space<vmem>> -> memref<1x128xi32, #tpu.memory_space<vmem>>
    %dma_wait3A_292 = tpu.memref_squeeze %dma_wait3A_291 : memref<1x128xi32, #tpu.memory_space<vmem>> -> memref<128xi32, #tpu.memory_space<vmem>>
    %dma_wait3A_293 = arith.constant 0 : i32
    %dma_wait3A_294 = arith.constant 0 : i32
    %dma_wait3A_295 = tpu.memref_slice %arg2[%dma_wait3A_293, %dma_wait3A_294] : memref<40960x32xf32, #tpu.memory_space<hbm>> -> memref<40960x32xf32, #tpu.memory_space<hbm>>
    tpu.wait_indirect_dma semaphore(%arg17 : memref<!tpu.dma_semaphore, #tpu.memory_space<semaphore_mem>>) src(%dma_wait3A_295 : memref<40960x32xf32, #tpu.memory_space<hbm>>) dst(%arg14 : memref<128x32xf32, #tpu.memory_space<vmem>>)
    %mul3A_296 = arith.constant 640 : i32
    %mul3A_297 = arith.muli %arg1, %mul3A_296 : i32
    %add3A_298 = arith.constant 256 : i32
    %add3A_299 = arith.addi %mul3A_297, %add3A_298 : i32
    "tpu.region"() ({
      %run_scoped3A = tpu.sem_alloc : memref<!tpu.dma_semaphore, #tpu.memory_space<semaphore_mem>>
      %dma_start3A_490 = arith.constant 0 : i32
      %dma_start3A_491 = tpu.memref_slice %arg15[%add3A_299, %dma_start3A_490] : memref<10240x32xf32, #tpu.memory_space<vmem_shared>> -> memref<128x32xf32, #tpu.memory_space<vmem_shared>>
      %dma_start3A_492 = arith.constant 0 : i32
      %dma_start3A_493 = tpu.memref_slice %arg15[%add3A_299, %dma_start3A_492] : memref<10240x32xf32, #tpu.memory_space<vmem_shared>> -> memref<128x32xf32, #tpu.memory_space<vmem_shared>>
      tpu.enqueue_dma source(%arg14 : memref<128x32xf32, #tpu.memory_space<vmem>>) target(%dma_start3A_493 : memref<128x32xf32, #tpu.memory_space<vmem_shared>>) target_semaphore(%run_scoped3A : memref<!tpu.dma_semaphore, #tpu.memory_space<semaphore_mem>>)
      %dma_wait3A_494 = arith.constant 0 : i32
      %dma_wait3A_495 = tpu.memref_slice %arg15[%add3A_299, %dma_wait3A_494] : memref<10240x32xf32, #tpu.memory_space<vmem_shared>> -> memref<128x32xf32, #tpu.memory_space<vmem_shared>>
      %dma_wait3A_496 = arith.constant 0 : i32
      %dma_wait3A_497 = tpu.memref_slice %arg15[%add3A_299, %dma_wait3A_496] : memref<10240x32xf32, #tpu.memory_space<vmem_shared>> -> memref<128x32xf32, #tpu.memory_space<vmem_shared>>
      tpu.wait_dma2 semaphore(%run_scoped3A : memref<!tpu.dma_semaphore, #tpu.memory_space<semaphore_mem>>) src(%arg14 : memref<128x32xf32, #tpu.memory_space<vmem>>) dst(%dma_wait3A_497 : memref<128x32xf32, #tpu.memory_space<vmem_shared>>)
      tpu.yield
    }) : () -> ()
    "tpu.region"() ({
      %run_scoped3A = tpu.sem_alloc : memref<!tpu.dma_semaphore, #tpu.memory_space<semaphore_mem>>
      %dma_start3A_490 = arith.constant 0 : i32
      %dma_start3A_491 = tpu.memref_slice %arg16[%add3A_299, %dma_start3A_490] : memref<10240x32xf32, #tpu.memory_space<vmem_shared>> -> memref<128x32xf32, #tpu.memory_space<vmem_shared>>
      %dma_start3A_492 = arith.constant 0 : i32
      %dma_start3A_493 = tpu.memref_slice %arg16[%add3A_299, %dma_start3A_492] : memref<10240x32xf32, #tpu.memory_space<vmem_shared>> -> memref<128x32xf32, #tpu.memory_space<vmem_shared>>
      tpu.enqueue_dma source(%arg14 : memref<128x32xf32, #tpu.memory_space<vmem>>) target(%dma_start3A_493 : memref<128x32xf32, #tpu.memory_space<vmem_shared>>) target_semaphore(%run_scoped3A : memref<!tpu.dma_semaphore, #tpu.memory_space<semaphore_mem>>)
      %dma_wait3A_494 = arith.constant 0 : i32
      %dma_wait3A_495 = tpu.memref_slice %arg16[%add3A_299, %dma_wait3A_494] : memref<10240x32xf32, #tpu.memory_space<vmem_shared>> -> memref<128x32xf32, #tpu.memory_space<vmem_shared>>
      %dma_wait3A_496 = arith.constant 0 : i32
      %dma_wait3A_497 = tpu.memref_slice %arg16[%add3A_299, %dma_wait3A_496] : memref<10240x32xf32, #tpu.memory_space<vmem_shared>> -> memref<128x32xf32, #tpu.memory_space<vmem_shared>>
      tpu.wait_dma2 semaphore(%run_scoped3A : memref<!tpu.dma_semaphore, #tpu.memory_space<semaphore_mem>>) src(%arg14 : memref<128x32xf32, #tpu.memory_space<vmem>>) dst(%dma_wait3A_497 : memref<128x32xf32, #tpu.memory_space<vmem_shared>>)
      tpu.yield
    }) : () -> ()
    %dma_start3A_300 = arith.constant 3 : i32
    %dma_start3A_301 = arith.constant 0 : i32
    %dma_start3A_302 = tpu.memref_slice %arg13[%dma_start3A_300, %dma_start3A_301] : memref<5x128xi32, #tpu.memory_space<vmem>> -> memref<1x128xi32, #tpu.memory_space<vmem>>
    %dma_start3A_303 = tpu.memref_squeeze %dma_start3A_302 : memref<1x128xi32, #tpu.memory_space<vmem>> -> memref<128xi32, #tpu.memory_space<vmem>>
    %dma_start3A_304 = arith.constant 0 : i32
    %dma_start3A_305 = arith.constant 0 : i32
    %dma_start3A_306 = tpu.memref_slice %arg2[%dma_start3A_304, %dma_start3A_305] : memref<40960x32xf32, #tpu.memory_space<hbm>> -> memref<40960x32xf32, #tpu.memory_space<hbm>>
    tpu.enqueue_indirect_dma source(%dma_start3A_306 : memref<40960x32xf32, #tpu.memory_space<hbm>>) target(%arg14 : memref<128x32xf32, #tpu.memory_space<vmem>>) offsets(%dma_start3A_303 : memref<128xi32, #tpu.memory_space<vmem>>) semaphore(%arg17 : memref<!tpu.dma_semaphore, #tpu.memory_space<semaphore_mem>>)
    %dma_wait3A_307 = arith.constant 3 : i32
    %dma_wait3A_308 = arith.constant 0 : i32
    %dma_wait3A_309 = tpu.memref_slice %arg13[%dma_wait3A_307, %dma_wait3A_308] : memref<5x128xi32, #tpu.memory_space<vmem>> -> memref<1x128xi32, #tpu.memory_space<vmem>>
    %dma_wait3A_310 = tpu.memref_squeeze %dma_wait3A_309 : memref<1x128xi32, #tpu.memory_space<vmem>> -> memref<128xi32, #tpu.memory_space<vmem>>
    %dma_wait3A_311 = arith.constant 0 : i32
    %dma_wait3A_312 = arith.constant 0 : i32
    %dma_wait3A_313 = tpu.memref_slice %arg2[%dma_wait3A_311, %dma_wait3A_312] : memref<40960x32xf32, #tpu.memory_space<hbm>> -> memref<40960x32xf32, #tpu.memory_space<hbm>>
    tpu.wait_indirect_dma semaphore(%arg17 : memref<!tpu.dma_semaphore, #tpu.memory_space<semaphore_mem>>) src(%dma_wait3A_313 : memref<40960x32xf32, #tpu.memory_space<hbm>>) dst(%arg14 : memref<128x32xf32, #tpu.memory_space<vmem>>)
    %mul3A_314 = arith.constant 640 : i32
    %mul3A_315 = arith.muli %arg1, %mul3A_314 : i32
    %add3A_316 = arith.constant 384 : i32
    %add3A_317 = arith.addi %mul3A_315, %add3A_316 : i32
    "tpu.region"() ({
      %run_scoped3A = tpu.sem_alloc : memref<!tpu.dma_semaphore, #tpu.memory_space<semaphore_mem>>
      %dma_start3A_490 = arith.constant 0 : i32
      %dma_start3A_491 = tpu.memref_slice %arg15[%add3A_317, %dma_start3A_490] : memref<10240x32xf32, #tpu.memory_space<vmem_shared>> -> memref<128x32xf32, #tpu.memory_space<vmem_shared>>
      %dma_start3A_492 = arith.constant 0 : i32
      %dma_start3A_493 = tpu.memref_slice %arg15[%add3A_317, %dma_start3A_492] : memref<10240x32xf32, #tpu.memory_space<vmem_shared>> -> memref<128x32xf32, #tpu.memory_space<vmem_shared>>
      tpu.enqueue_dma source(%arg14 : memref<128x32xf32, #tpu.memory_space<vmem>>) target(%dma_start3A_493 : memref<128x32xf32, #tpu.memory_space<vmem_shared>>) target_semaphore(%run_scoped3A : memref<!tpu.dma_semaphore, #tpu.memory_space<semaphore_mem>>)
      %dma_wait3A_494 = arith.constant 0 : i32
      %dma_wait3A_495 = tpu.memref_slice %arg15[%add3A_317, %dma_wait3A_494] : memref<10240x32xf32, #tpu.memory_space<vmem_shared>> -> memref<128x32xf32, #tpu.memory_space<vmem_shared>>
      %dma_wait3A_496 = arith.constant 0 : i32
      %dma_wait3A_497 = tpu.memref_slice %arg15[%add3A_317, %dma_wait3A_496] : memref<10240x32xf32, #tpu.memory_space<vmem_shared>> -> memref<128x32xf32, #tpu.memory_space<vmem_shared>>
      tpu.wait_dma2 semaphore(%run_scoped3A : memref<!tpu.dma_semaphore, #tpu.memory_space<semaphore_mem>>) src(%arg14 : memref<128x32xf32, #tpu.memory_space<vmem>>) dst(%dma_wait3A_497 : memref<128x32xf32, #tpu.memory_space<vmem_shared>>)
      tpu.yield
    }) : () -> ()
    "tpu.region"() ({
      %run_scoped3A = tpu.sem_alloc : memref<!tpu.dma_semaphore, #tpu.memory_space<semaphore_mem>>
      %dma_start3A_490 = arith.constant 0 : i32
      %dma_start3A_491 = tpu.memref_slice %arg16[%add3A_317, %dma_start3A_490] : memref<10240x32xf32, #tpu.memory_space<vmem_shared>> -> memref<128x32xf32, #tpu.memory_space<vmem_shared>>
      %dma_start3A_492 = arith.constant 0 : i32
      %dma_start3A_493 = tpu.memref_slice %arg16[%add3A_317, %dma_start3A_492] : memref<10240x32xf32, #tpu.memory_space<vmem_shared>> -> memref<128x32xf32, #tpu.memory_space<vmem_shared>>
      tpu.enqueue_dma source(%arg14 : memref<128x32xf32, #tpu.memory_space<vmem>>) target(%dma_start3A_493 : memref<128x32xf32, #tpu.memory_space<vmem_shared>>) target_semaphore(%run_scoped3A : memref<!tpu.dma_semaphore, #tpu.memory_space<semaphore_mem>>)
      %dma_wait3A_494 = arith.constant 0 : i32
      %dma_wait3A_495 = tpu.memref_slice %arg16[%add3A_317, %dma_wait3A_494] : memref<10240x32xf32, #tpu.memory_space<vmem_shared>> -> memref<128x32xf32, #tpu.memory_space<vmem_shared>>
      %dma_wait3A_496 = arith.constant 0 : i32
      %dma_wait3A_497 = tpu.memref_slice %arg16[%add3A_317, %dma_wait3A_496] : memref<10240x32xf32, #tpu.memory_space<vmem_shared>> -> memref<128x32xf32, #tpu.memory_space<vmem_shared>>
      tpu.wait_dma2 semaphore(%run_scoped3A : memref<!tpu.dma_semaphore, #tpu.memory_space<semaphore_mem>>) src(%arg14 : memref<128x32xf32, #tpu.memory_space<vmem>>) dst(%dma_wait3A_497 : memref<128x32xf32, #tpu.memory_space<vmem_shared>>)
      tpu.yield
    }) : () -> ()
    %dma_start3A_318 = arith.constant 4 : i32
    %dma_start3A_319 = arith.constant 0 : i32
    %dma_start3A_320 = tpu.memref_slice %arg13[%dma_start3A_318, %dma_start3A_319] : memref<5x128xi32, #tpu.memory_space<vmem>> -> memref<1x128xi32, #tpu.memory_space<vmem>>
    %dma_start3A_321 = tpu.memref_squeeze %dma_start3A_320 : memref<1x128xi32, #tpu.memory_space<vmem>> -> memref<128xi32, #tpu.memory_space<vmem>>
    %dma_start3A_322 = arith.constant 0 : i32
    %dma_start3A_323 = arith.constant 0 : i32
    %dma_start3A_324 = tpu.memref_slice %arg2[%dma_start3A_322, %dma_start3A_323] : memref<40960x32xf32, #tpu.memory_space<hbm>> -> memref<40960x32xf32, #tpu.memory_space<hbm>>
    tpu.enqueue_indirect_dma source(%dma_start3A_324 : memref<40960x32xf32, #tpu.memory_space<hbm>>) target(%arg14 : memref<128x32xf32, #tpu.memory_space<vmem>>) offsets(%dma_start3A_321 : memref<128xi32, #tpu.memory_space<vmem>>) semaphore(%arg17 : memref<!tpu.dma_semaphore, #tpu.memory_space<semaphore_mem>>)
    %dma_wait3A_325 = arith.constant 4 : i32
    %dma_wait3A_326 = arith.constant 0 : i32
    %dma_wait3A_327 = tpu.memref_slice %arg13[%dma_wait3A_325, %dma_wait3A_326] : memref<5x128xi32, #tpu.memory_space<vmem>> -> memref<1x128xi32, #tpu.memory_space<vmem>>
    %dma_wait3A_328 = tpu.memref_squeeze %dma_wait3A_327 : memref<1x128xi32, #tpu.memory_space<vmem>> -> memref<128xi32, #tpu.memory_space<vmem>>
    %dma_wait3A_329 = arith.constant 0 : i32
    %dma_wait3A_330 = arith.constant 0 : i32
    %dma_wait3A_331 = tpu.memref_slice %arg2[%dma_wait3A_329, %dma_wait3A_330] : memref<40960x32xf32, #tpu.memory_space<hbm>> -> memref<40960x32xf32, #tpu.memory_space<hbm>>
    tpu.wait_indirect_dma semaphore(%arg17 : memref<!tpu.dma_semaphore, #tpu.memory_space<semaphore_mem>>) src(%dma_wait3A_331 : memref<40960x32xf32, #tpu.memory_space<hbm>>) dst(%arg14 : memref<128x32xf32, #tpu.memory_space<vmem>>)
    %mul3A_332 = arith.constant 640 : i32
    %mul3A_333 = arith.muli %arg1, %mul3A_332 : i32
    %add3A_334 = arith.constant 512 : i32
    %add3A_335 = arith.addi %mul3A_333, %add3A_334 : i32
    "tpu.region"() ({
      %run_scoped3A = tpu.sem_alloc : memref<!tpu.dma_semaphore, #tpu.memory_space<semaphore_mem>>
      %dma_start3A_490 = arith.constant 0 : i32
      %dma_start3A_491 = tpu.memref_slice %arg15[%add3A_335, %dma_start3A_490] : memref<10240x32xf32, #tpu.memory_space<vmem_shared>> -> memref<128x32xf32, #tpu.memory_space<vmem_shared>>
      %dma_start3A_492 = arith.constant 0 : i32
      %dma_start3A_493 = tpu.memref_slice %arg15[%add3A_335, %dma_start3A_492] : memref<10240x32xf32, #tpu.memory_space<vmem_shared>> -> memref<128x32xf32, #tpu.memory_space<vmem_shared>>
      tpu.enqueue_dma source(%arg14 : memref<128x32xf32, #tpu.memory_space<vmem>>) target(%dma_start3A_493 : memref<128x32xf32, #tpu.memory_space<vmem_shared>>) target_semaphore(%run_scoped3A : memref<!tpu.dma_semaphore, #tpu.memory_space<semaphore_mem>>)
      %dma_wait3A_494 = arith.constant 0 : i32
      %dma_wait3A_495 = tpu.memref_slice %arg15[%add3A_335, %dma_wait3A_494] : memref<10240x32xf32, #tpu.memory_space<vmem_shared>> -> memref<128x32xf32, #tpu.memory_space<vmem_shared>>
      %dma_wait3A_496 = arith.constant 0 : i32
      %dma_wait3A_497 = tpu.memref_slice %arg15[%add3A_335, %dma_wait3A_496] : memref<10240x32xf32, #tpu.memory_space<vmem_shared>> -> memref<128x32xf32, #tpu.memory_space<vmem_shared>>
      tpu.wait_dma2 semaphore(%run_scoped3A : memref<!tpu.dma_semaphore, #tpu.memory_space<semaphore_mem>>) src(%arg14 : memref<128x32xf32, #tpu.memory_space<vmem>>) dst(%dma_wait3A_497 : memref<128x32xf32, #tpu.memory_space<vmem_shared>>)
      tpu.yield
    }) : () -> ()
    "tpu.region"() ({
      %run_scoped3A = tpu.sem_alloc : memref<!tpu.dma_semaphore, #tpu.memory_space<semaphore_mem>>
      %dma_start3A_490 = arith.constant 0 : i32
      %dma_start3A_491 = tpu.memref_slice %arg16[%add3A_335, %dma_start3A_490] : memref<10240x32xf32, #tpu.memory_space<vmem_shared>> -> memref<128x32xf32, #tpu.memory_space<vmem_shared>>
      %dma_start3A_492 = arith.constant 0 : i32
      %dma_start3A_493 = tpu.memref_slice %arg16[%add3A_335, %dma_start3A_492] : memref<10240x32xf32, #tpu.memory_space<vmem_shared>> -> memref<128x32xf32, #tpu.memory_space<vmem_shared>>
      tpu.enqueue_dma source(%arg14 : memref<128x32xf32, #tpu.memory_space<vmem>>) target(%dma_start3A_493 : memref<128x32xf32, #tpu.memory_space<vmem_shared>>) target_semaphore(%run_scoped3A : memref<!tpu.dma_semaphore, #tpu.memory_space<semaphore_mem>>)
      %dma_wait3A_494 = arith.constant 0 : i32
      %dma_wait3A_495 = tpu.memref_slice %arg16[%add3A_335, %dma_wait3A_494] : memref<10240x32xf32, #tpu.memory_space<vmem_shared>> -> memref<128x32xf32, #tpu.memory_space<vmem_shared>>
      %dma_wait3A_496 = arith.constant 0 : i32
      %dma_wait3A_497 = tpu.memref_slice %arg16[%add3A_335, %dma_wait3A_496] : memref<10240x32xf32, #tpu.memory_space<vmem_shared>> -> memref<128x32xf32, #tpu.memory_space<vmem_shared>>
      tpu.wait_dma2 semaphore(%run_scoped3A : memref<!tpu.dma_semaphore, #tpu.memory_space<semaphore_mem>>) src(%arg14 : memref<128x32xf32, #tpu.memory_space<vmem>>) dst(%dma_wait3A_497 : memref<128x32xf32, #tpu.memory_space<vmem_shared>>)
      tpu.yield
    }) : () -> ()
    %barrier3A_336 = arith.constant 0 : index
    tpu.barrier barrier_id(%barrier3A_336)
    %dma_start3A_337 = arith.constant 0 : i32
    %dma_start3A_338 = arith.constant 0 : i32
    %dma_start3A_339 = tpu.memref_slice %arg7[%dma_start3A_337, %dma_start3A_338] : memref<160x128xi32, #tpu.memory_space<vmem>> -> memref<1x128xi32, #tpu.memory_space<vmem>>
    %dma_start3A_340 = tpu.memref_squeeze %dma_start3A_339 : memref<1x128xi32, #tpu.memory_space<vmem>> -> memref<128xi32, #tpu.memory_space<vmem>>
    %dma_start3A_341 = arith.constant 0 : i32
    %dma_start3A_342 = arith.constant 0 : i32
    %dma_start3A_343 = tpu.memref_slice %arg15[%dma_start3A_341, %dma_start3A_342] : memref<10240x32xf32, #tpu.memory_space<vmem_shared>> -> memref<10240x32xf32, #tpu.memory_space<vmem_shared>>
    tpu.enqueue_indirect_dma source(%dma_start3A_343 : memref<10240x32xf32, #tpu.memory_space<vmem_shared>>) target(%arg9 : memref<128x32xf32, #tpu.memory_space<vmem>>) offsets(%dma_start3A_340 : memref<128xi32, #tpu.memory_space<vmem>>) semaphore(%arg17 : memref<!tpu.dma_semaphore, #tpu.memory_space<semaphore_mem>>)
    %dma_start3A_344 = arith.constant 1 : i32
    %dma_start3A_345 = arith.constant 0 : i32
    %dma_start3A_346 = tpu.memref_slice %arg7[%dma_start3A_344, %dma_start3A_345] : memref<160x128xi32, #tpu.memory_space<vmem>> -> memref<1x128xi32, #tpu.memory_space<vmem>>
    %dma_start3A_347 = tpu.memref_squeeze %dma_start3A_346 : memref<1x128xi32, #tpu.memory_space<vmem>> -> memref<128xi32, #tpu.memory_space<vmem>>
    %dma_start3A_348 = arith.constant 0 : i32
    %dma_start3A_349 = arith.constant 0 : i32
    %dma_start3A_350 = tpu.memref_slice %arg15[%dma_start3A_348, %dma_start3A_349] : memref<10240x32xf32, #tpu.memory_space<vmem_shared>> -> memref<10240x32xf32, #tpu.memory_space<vmem_shared>>
    tpu.enqueue_indirect_dma source(%dma_start3A_350 : memref<10240x32xf32, #tpu.memory_space<vmem_shared>>) target(%arg10 : memref<128x32xf32, #tpu.memory_space<vmem>>) offsets(%dma_start3A_347 : memref<128xi32, #tpu.memory_space<vmem>>) semaphore(%arg18 : memref<!tpu.dma_semaphore, #tpu.memory_space<semaphore_mem>>)
    %dma_start3A_351 = arith.constant 2 : i32
    %dma_start3A_352 = arith.constant 0 : i32
    %dma_start3A_353 = tpu.memref_slice %arg7[%dma_start3A_351, %dma_start3A_352] : memref<160x128xi32, #tpu.memory_space<vmem>> -> memref<1x128xi32, #tpu.memory_space<vmem>>
    %dma_start3A_354 = tpu.memref_squeeze %dma_start3A_353 : memref<1x128xi32, #tpu.memory_space<vmem>> -> memref<128xi32, #tpu.memory_space<vmem>>
    %dma_start3A_355 = arith.constant 0 : i32
    %dma_start3A_356 = arith.constant 0 : i32
    %dma_start3A_357 = tpu.memref_slice %arg15[%dma_start3A_355, %dma_start3A_356] : memref<10240x32xf32, #tpu.memory_space<vmem_shared>> -> memref<10240x32xf32, #tpu.memory_space<vmem_shared>>
    tpu.enqueue_indirect_dma source(%dma_start3A_357 : memref<10240x32xf32, #tpu.memory_space<vmem_shared>>) target(%arg11 : memref<128x32xf32, #tpu.memory_space<vmem>>) offsets(%dma_start3A_354 : memref<128xi32, #tpu.memory_space<vmem>>) semaphore(%arg19 : memref<!tpu.dma_semaphore, #tpu.memory_space<semaphore_mem>>)
    %dma_start3A_358 = arith.constant 3 : i32
    %dma_start3A_359 = arith.constant 0 : i32
    %dma_start3A_360 = tpu.memref_slice %arg7[%dma_start3A_358, %dma_start3A_359] : memref<160x128xi32, #tpu.memory_space<vmem>> -> memref<1x128xi32, #tpu.memory_space<vmem>>
    %dma_start3A_361 = tpu.memref_squeeze %dma_start3A_360 : memref<1x128xi32, #tpu.memory_space<vmem>> -> memref<128xi32, #tpu.memory_space<vmem>>
    %dma_start3A_362 = arith.constant 0 : i32
    %dma_start3A_363 = arith.constant 0 : i32
    %dma_start3A_364 = tpu.memref_slice %arg15[%dma_start3A_362, %dma_start3A_363] : memref<10240x32xf32, #tpu.memory_space<vmem_shared>> -> memref<10240x32xf32, #tpu.memory_space<vmem_shared>>
    tpu.enqueue_indirect_dma source(%dma_start3A_364 : memref<10240x32xf32, #tpu.memory_space<vmem_shared>>) target(%arg12 : memref<128x32xf32, #tpu.memory_space<vmem>>) offsets(%dma_start3A_361 : memref<128xi32, #tpu.memory_space<vmem>>) semaphore(%arg20 : memref<!tpu.dma_semaphore, #tpu.memory_space<semaphore_mem>>)
    %scan3A_365 = arith.constant 0 : i32
    %scan3A_366 = arith.constant 0 : i32
    %scan3A_367 = arith.constant 40 : i32
    %scan3A_368 = arith.addi %scan3A_366, %scan3A_367 : i32
    %scan3A_369 = arith.constant 1 : i32
    scf.for %scan3A_490 = %scan3A_366 to %scan3A_368 step %scan3A_369  : i32 {
      %mul3A_491 = arith.constant 4 : i32
      %mul3A_492 = arith.muli %mul3A_491, %scan3A_490 : i32
      %add3A_493 = arith.constant 0 : i32
      %add3A_494 = arith.addi %mul3A_492, %add3A_493 : i32
      %dma_wait3A_495 = arith.constant 0 : i32
      %dma_wait3A_496 = tpu.memref_slice %arg7[%add3A_494, %dma_wait3A_495] : memref<160x128xi32, #tpu.memory_space<vmem>> -> memref<1x128xi32, #tpu.memory_space<vmem>>
      %dma_wait3A_497 = tpu.memref_squeeze %dma_wait3A_496 : memref<1x128xi32, #tpu.memory_space<vmem>> -> memref<128xi32, #tpu.memory_space<vmem>>
      %dma_wait3A_498 = arith.constant 0 : i32
      %dma_wait3A_499 = arith.constant 0 : i32
      %dma_wait3A_500 = tpu.memref_slice %arg15[%dma_wait3A_498, %dma_wait3A_499] : memref<10240x32xf32, #tpu.memory_space<vmem_shared>> -> memref<10240x32xf32, #tpu.memory_space<vmem_shared>>
      tpu.wait_indirect_dma semaphore(%arg17 : memref<!tpu.dma_semaphore, #tpu.memory_space<semaphore_mem>>) src(%dma_wait3A_500 : memref<10240x32xf32, #tpu.memory_space<vmem_shared>>) dst(%arg9 : memref<128x32xf32, #tpu.memory_space<vmem>>)
      %add3A_501 = arith.constant 0 : i32
      %add3A_502 = arith.addi %mul3A_492, %add3A_501 : i32
      %dma_start3A_503 = arith.constant 0 : i32
      %dma_start3A_504 = tpu.memref_slice %arg8[%add3A_502, %dma_start3A_503] : memref<160x128xi32, #tpu.memory_space<vmem>> -> memref<1x128xi32, #tpu.memory_space<vmem>>
      %dma_start3A_505 = tpu.memref_squeeze %dma_start3A_504 : memref<1x128xi32, #tpu.memory_space<vmem>> -> memref<128xi32, #tpu.memory_space<vmem>>
      %dma_start3A_506 = arith.constant 0 : i32
      %dma_start3A_507 = arith.constant 0 : i32
      %dma_start3A_508 = tpu.memref_slice %arg16[%dma_start3A_506, %dma_start3A_507] : memref<10240x32xf32, #tpu.memory_space<vmem_shared>> -> memref<10240x32xf32, #tpu.memory_space<vmem_shared>>
      tpu.enqueue_indirect_dma source(%arg9 : memref<128x32xf32, #tpu.memory_space<vmem>>) target(%dma_start3A_508 : memref<10240x32xf32, #tpu.memory_space<vmem_shared>>) offsets(%dma_start3A_505 : memref<128xi32, #tpu.memory_space<vmem>>) semaphore(%arg21 : memref<!tpu.dma_semaphore, #tpu.memory_space<semaphore_mem>>) {add = true}
      %add3A_509 = arith.constant 1 : i32
      %add3A_510 = arith.addi %mul3A_492, %add3A_509 : i32
      %dma_wait3A_511 = arith.constant 0 : i32
      %dma_wait3A_512 = tpu.memref_slice %arg7[%add3A_510, %dma_wait3A_511] : memref<160x128xi32, #tpu.memory_space<vmem>> -> memref<1x128xi32, #tpu.memory_space<vmem>>
      %dma_wait3A_513 = tpu.memref_squeeze %dma_wait3A_512 : memref<1x128xi32, #tpu.memory_space<vmem>> -> memref<128xi32, #tpu.memory_space<vmem>>
      %dma_wait3A_514 = arith.constant 0 : i32
      %dma_wait3A_515 = arith.constant 0 : i32
      %dma_wait3A_516 = tpu.memref_slice %arg15[%dma_wait3A_514, %dma_wait3A_515] : memref<10240x32xf32, #tpu.memory_space<vmem_shared>> -> memref<10240x32xf32, #tpu.memory_space<vmem_shared>>
      tpu.wait_indirect_dma semaphore(%arg18 : memref<!tpu.dma_semaphore, #tpu.memory_space<semaphore_mem>>) src(%dma_wait3A_516 : memref<10240x32xf32, #tpu.memory_space<vmem_shared>>) dst(%arg10 : memref<128x32xf32, #tpu.memory_space<vmem>>)
      %add3A_517 = arith.constant 1 : i32
      %add3A_518 = arith.addi %mul3A_492, %add3A_517 : i32
      %dma_start3A_519 = arith.constant 0 : i32
      %dma_start3A_520 = tpu.memref_slice %arg8[%add3A_518, %dma_start3A_519] : memref<160x128xi32, #tpu.memory_space<vmem>> -> memref<1x128xi32, #tpu.memory_space<vmem>>
      %dma_start3A_521 = tpu.memref_squeeze %dma_start3A_520 : memref<1x128xi32, #tpu.memory_space<vmem>> -> memref<128xi32, #tpu.memory_space<vmem>>
      %dma_start3A_522 = arith.constant 0 : i32
      %dma_start3A_523 = arith.constant 0 : i32
      %dma_start3A_524 = tpu.memref_slice %arg16[%dma_start3A_522, %dma_start3A_523] : memref<10240x32xf32, #tpu.memory_space<vmem_shared>> -> memref<10240x32xf32, #tpu.memory_space<vmem_shared>>
      tpu.enqueue_indirect_dma source(%arg10 : memref<128x32xf32, #tpu.memory_space<vmem>>) target(%dma_start3A_524 : memref<10240x32xf32, #tpu.memory_space<vmem_shared>>) offsets(%dma_start3A_521 : memref<128xi32, #tpu.memory_space<vmem>>) semaphore(%arg22 : memref<!tpu.dma_semaphore, #tpu.memory_space<semaphore_mem>>) {add = true}
      %add3A_525 = arith.constant 2 : i32
      %add3A_526 = arith.addi %mul3A_492, %add3A_525 : i32
      %dma_wait3A_527 = arith.constant 0 : i32
      %dma_wait3A_528 = tpu.memref_slice %arg7[%add3A_526, %dma_wait3A_527] : memref<160x128xi32, #tpu.memory_space<vmem>> -> memref<1x128xi32, #tpu.memory_space<vmem>>
      %dma_wait3A_529 = tpu.memref_squeeze %dma_wait3A_528 : memref<1x128xi32, #tpu.memory_space<vmem>> -> memref<128xi32, #tpu.memory_space<vmem>>
      %dma_wait3A_530 = arith.constant 0 : i32
      %dma_wait3A_531 = arith.constant 0 : i32
      %dma_wait3A_532 = tpu.memref_slice %arg15[%dma_wait3A_530, %dma_wait3A_531] : memref<10240x32xf32, #tpu.memory_space<vmem_shared>> -> memref<10240x32xf32, #tpu.memory_space<vmem_shared>>
      tpu.wait_indirect_dma semaphore(%arg19 : memref<!tpu.dma_semaphore, #tpu.memory_space<semaphore_mem>>) src(%dma_wait3A_532 : memref<10240x32xf32, #tpu.memory_space<vmem_shared>>) dst(%arg11 : memref<128x32xf32, #tpu.memory_space<vmem>>)
      %add3A_533 = arith.constant 2 : i32
      %add3A_534 = arith.addi %mul3A_492, %add3A_533 : i32
      %dma_start3A_535 = arith.constant 0 : i32
      %dma_start3A_536 = tpu.memref_slice %arg8[%add3A_534, %dma_start3A_535] : memref<160x128xi32, #tpu.memory_space<vmem>> -> memref<1x128xi32, #tpu.memory_space<vmem>>
      %dma_start3A_537 = tpu.memref_squeeze %dma_start3A_536 : memref<1x128xi32, #tpu.memory_space<vmem>> -> memref<128xi32, #tpu.memory_space<vmem>>
      %dma_start3A_538 = arith.constant 0 : i32
      %dma_start3A_539 = arith.constant 0 : i32
      %dma_start3A_540 = tpu.memref_slice %arg16[%dma_start3A_538, %dma_start3A_539] : memref<10240x32xf32, #tpu.memory_space<vmem_shared>> -> memref<10240x32xf32, #tpu.memory_space<vmem_shared>>
      tpu.enqueue_indirect_dma source(%arg11 : memref<128x32xf32, #tpu.memory_space<vmem>>) target(%dma_start3A_540 : memref<10240x32xf32, #tpu.memory_space<vmem_shared>>) offsets(%dma_start3A_537 : memref<128xi32, #tpu.memory_space<vmem>>) semaphore(%arg23 : memref<!tpu.dma_semaphore, #tpu.memory_space<semaphore_mem>>) {add = true}
      %add3A_541 = arith.constant 3 : i32
      %add3A_542 = arith.addi %mul3A_492, %add3A_541 : i32
      %dma_wait3A_543 = arith.constant 0 : i32
      %dma_wait3A_544 = tpu.memref_slice %arg7[%add3A_542, %dma_wait3A_543] : memref<160x128xi32, #tpu.memory_space<vmem>> -> memref<1x128xi32, #tpu.memory_space<vmem>>
      %dma_wait3A_545 = tpu.memref_squeeze %dma_wait3A_544 : memref<1x128xi32, #tpu.memory_space<vmem>> -> memref<128xi32, #tpu.memory_space<vmem>>
      %dma_wait3A_546 = arith.constant 0 : i32
      %dma_wait3A_547 = arith.constant 0 : i32
      %dma_wait3A_548 = tpu.memref_slice %arg15[%dma_wait3A_546, %dma_wait3A_547] : memref<10240x32xf32, #tpu.memory_space<vmem_shared>> -> memref<10240x32xf32, #tpu.memory_space<vmem_shared>>
      tpu.wait_indirect_dma semaphore(%arg20 : memref<!tpu.dma_semaphore, #tpu.memory_space<semaphore_mem>>) src(%dma_wait3A_548 : memref<10240x32xf32, #tpu.memory_space<vmem_shared>>) dst(%arg12 : memref<128x32xf32, #tpu.memory_space<vmem>>)
      %add3A_549 = arith.constant 3 : i32
      %add3A_550 = arith.addi %mul3A_492, %add3A_549 : i32
      %dma_start3A_551 = arith.constant 0 : i32
      %dma_start3A_552 = tpu.memref_slice %arg8[%add3A_550, %dma_start3A_551] : memref<160x128xi32, #tpu.memory_space<vmem>> -> memref<1x128xi32, #tpu.memory_space<vmem>>
      %dma_start3A_553 = tpu.memref_squeeze %dma_start3A_552 : memref<1x128xi32, #tpu.memory_space<vmem>> -> memref<128xi32, #tpu.memory_space<vmem>>
      %dma_start3A_554 = arith.constant 0 : i32
      %dma_start3A_555 = arith.constant 0 : i32
      %dma_start3A_556 = tpu.memref_slice %arg16[%dma_start3A_554, %dma_start3A_555] : memref<10240x32xf32, #tpu.memory_space<vmem_shared>> -> memref<10240x32xf32, #tpu.memory_space<vmem_shared>>
      tpu.enqueue_indirect_dma source(%arg12 : memref<128x32xf32, #tpu.memory_space<vmem>>) target(%dma_start3A_556 : memref<10240x32xf32, #tpu.memory_space<vmem_shared>>) offsets(%dma_start3A_553 : memref<128xi32, #tpu.memory_space<vmem>>) semaphore(%arg24 : memref<!tpu.dma_semaphore, #tpu.memory_space<semaphore_mem>>) {add = true}
      %lt3A = arith.constant 39 : i32
      %lt3A_557 = arith.cmpi slt, %scan3A_490, %lt3A : i32
      %convert_element_type3A = arith.extui %lt3A_557 : i1 to i32
      %cond3A = arith.constant 0 : i32
      %cond3A_558 = arith.cmpi ne, %convert_element_type3A, %cond3A : i32
      scf.if %cond3A_558 {
        %add3A_559 = arith.constant 0 : i32
        %add3A_560 = arith.addi %mul3A_492, %add3A_559 : i32
        %dma_wait3A_561 = arith.constant 0 : i32
        %dma_wait3A_562 = tpu.memref_slice %arg8[%add3A_560, %dma_wait3A_561] : memref<160x128xi32, #tpu.memory_space<vmem>> -> memref<1x128xi32, #tpu.memory_space<vmem>>
        %dma_wait3A_563 = tpu.memref_squeeze %dma_wait3A_562 : memref<1x128xi32, #tpu.memory_space<vmem>> -> memref<128xi32, #tpu.memory_space<vmem>>
        %dma_wait3A_564 = arith.constant 0 : i32
        %dma_wait3A_565 = arith.constant 0 : i32
        %dma_wait3A_566 = tpu.memref_slice %arg16[%dma_wait3A_564, %dma_wait3A_565] : memref<10240x32xf32, #tpu.memory_space<vmem_shared>> -> memref<10240x32xf32, #tpu.memory_space<vmem_shared>>
        tpu.wait_indirect_dma semaphore(%arg21 : memref<!tpu.dma_semaphore, #tpu.memory_space<semaphore_mem>>) src(%arg9 : memref<128x32xf32, #tpu.memory_space<vmem>>) dst(%dma_wait3A_566 : memref<10240x32xf32, #tpu.memory_space<vmem_shared>>)
        %add3A_567 = arith.constant 4 : i32
        %add3A_568 = arith.addi %mul3A_492, %add3A_567 : i32
        %add3A_569 = arith.constant 0 : i32
        %add3A_570 = arith.addi %add3A_568, %add3A_569 : i32
        %dma_start3A_571 = arith.constant 0 : i32
        %dma_start3A_572 = tpu.memref_slice %arg7[%add3A_570, %dma_start3A_571] : memref<160x128xi32, #tpu.memory_space<vmem>> -> memref<1x128xi32, #tpu.memory_space<vmem>>
        %dma_start3A_573 = tpu.memref_squeeze %dma_start3A_572 : memref<1x128xi32, #tpu.memory_space<vmem>> -> memref<128xi32, #tpu.memory_space<vmem>>
        %dma_start3A_574 = arith.constant 0 : i32
        %dma_start3A_575 = arith.constant 0 : i32
        %dma_start3A_576 = tpu.memref_slice %arg15[%dma_start3A_574, %dma_start3A_575] : memref<10240x32xf32, #tpu.memory_space<vmem_shared>> -> memref<10240x32xf32, #tpu.memory_space<vmem_shared>>
        tpu.enqueue_indirect_dma source(%dma_start3A_576 : memref<10240x32xf32, #tpu.memory_space<vmem_shared>>) target(%arg9 : memref<128x32xf32, #tpu.memory_space<vmem>>) offsets(%dma_start3A_573 : memref<128xi32, #tpu.memory_space<vmem>>) semaphore(%arg17 : memref<!tpu.dma_semaphore, #tpu.memory_space<semaphore_mem>>)
        %add3A_577 = arith.constant 1 : i32
        %add3A_578 = arith.addi %mul3A_492, %add3A_577 : i32
        %dma_wait3A_579 = arith.constant 0 : i32
        %dma_wait3A_580 = tpu.memref_slice %arg8[%add3A_578, %dma_wait3A_579] : memref<160x128xi32, #tpu.memory_space<vmem>> -> memref<1x128xi32, #tpu.memory_space<vmem>>
        %dma_wait3A_581 = tpu.memref_squeeze %dma_wait3A_580 : memref<1x128xi32, #tpu.memory_space<vmem>> -> memref<128xi32, #tpu.memory_space<vmem>>
        %dma_wait3A_582 = arith.constant 0 : i32
        %dma_wait3A_583 = arith.constant 0 : i32
        %dma_wait3A_584 = tpu.memref_slice %arg16[%dma_wait3A_582, %dma_wait3A_583] : memref<10240x32xf32, #tpu.memory_space<vmem_shared>> -> memref<10240x32xf32, #tpu.memory_space<vmem_shared>>
        tpu.wait_indirect_dma semaphore(%arg22 : memref<!tpu.dma_semaphore, #tpu.memory_space<semaphore_mem>>) src(%arg10 : memref<128x32xf32, #tpu.memory_space<vmem>>) dst(%dma_wait3A_584 : memref<10240x32xf32, #tpu.memory_space<vmem_shared>>)
        %add3A_585 = arith.constant 4 : i32
        %add3A_586 = arith.addi %mul3A_492, %add3A_585 : i32
        %add3A_587 = arith.constant 1 : i32
        %add3A_588 = arith.addi %add3A_586, %add3A_587 : i32
        %dma_start3A_589 = arith.constant 0 : i32
        %dma_start3A_590 = tpu.memref_slice %arg7[%add3A_588, %dma_start3A_589] : memref<160x128xi32, #tpu.memory_space<vmem>> -> memref<1x128xi32, #tpu.memory_space<vmem>>
        %dma_start3A_591 = tpu.memref_squeeze %dma_start3A_590 : memref<1x128xi32, #tpu.memory_space<vmem>> -> memref<128xi32, #tpu.memory_space<vmem>>
        %dma_start3A_592 = arith.constant 0 : i32
        %dma_start3A_593 = arith.constant 0 : i32
        %dma_start3A_594 = tpu.memref_slice %arg15[%dma_start3A_592, %dma_start3A_593] : memref<10240x32xf32, #tpu.memory_space<vmem_shared>> -> memref<10240x32xf32, #tpu.memory_space<vmem_shared>>
        tpu.enqueue_indirect_dma source(%dma_start3A_594 : memref<10240x32xf32, #tpu.memory_space<vmem_shared>>) target(%arg10 : memref<128x32xf32, #tpu.memory_space<vmem>>) offsets(%dma_start3A_591 : memref<128xi32, #tpu.memory_space<vmem>>) semaphore(%arg18 : memref<!tpu.dma_semaphore, #tpu.memory_space<semaphore_mem>>)
        %add3A_595 = arith.constant 2 : i32
        %add3A_596 = arith.addi %mul3A_492, %add3A_595 : i32
        %dma_wait3A_597 = arith.constant 0 : i32
        %dma_wait3A_598 = tpu.memref_slice %arg8[%add3A_596, %dma_wait3A_597] : memref<160x128xi32, #tpu.memory_space<vmem>> -> memref<1x128xi32, #tpu.memory_space<vmem>>
        %dma_wait3A_599 = tpu.memref_squeeze %dma_wait3A_598 : memref<1x128xi32, #tpu.memory_space<vmem>> -> memref<128xi32, #tpu.memory_space<vmem>>
        %dma_wait3A_600 = arith.constant 0 : i32
        %dma_wait3A_601 = arith.constant 0 : i32
        %dma_wait3A_602 = tpu.memref_slice %arg16[%dma_wait3A_600, %dma_wait3A_601] : memref<10240x32xf32, #tpu.memory_space<vmem_shared>> -> memref<10240x32xf32, #tpu.memory_space<vmem_shared>>
        tpu.wait_indirect_dma semaphore(%arg23 : memref<!tpu.dma_semaphore, #tpu.memory_space<semaphore_mem>>) src(%arg11 : memref<128x32xf32, #tpu.memory_space<vmem>>) dst(%dma_wait3A_602 : memref<10240x32xf32, #tpu.memory_space<vmem_shared>>)
        %add3A_603 = arith.constant 4 : i32
        %add3A_604 = arith.addi %mul3A_492, %add3A_603 : i32
        %add3A_605 = arith.constant 2 : i32
        %add3A_606 = arith.addi %add3A_604, %add3A_605 : i32
        %dma_start3A_607 = arith.constant 0 : i32
        %dma_start3A_608 = tpu.memref_slice %arg7[%add3A_606, %dma_start3A_607] : memref<160x128xi32, #tpu.memory_space<vmem>> -> memref<1x128xi32, #tpu.memory_space<vmem>>
        %dma_start3A_609 = tpu.memref_squeeze %dma_start3A_608 : memref<1x128xi32, #tpu.memory_space<vmem>> -> memref<128xi32, #tpu.memory_space<vmem>>
        %dma_start3A_610 = arith.constant 0 : i32
        %dma_start3A_611 = arith.constant 0 : i32
        %dma_start3A_612 = tpu.memref_slice %arg15[%dma_start3A_610, %dma_start3A_611] : memref<10240x32xf32, #tpu.memory_space<vmem_shared>> -> memref<10240x32xf32, #tpu.memory_space<vmem_shared>>
        tpu.enqueue_indirect_dma source(%dma_start3A_612 : memref<10240x32xf32, #tpu.memory_space<vmem_shared>>) target(%arg11 : memref<128x32xf32, #tpu.memory_space<vmem>>) offsets(%dma_start3A_609 : memref<128xi32, #tpu.memory_space<vmem>>) semaphore(%arg19 : memref<!tpu.dma_semaphore, #tpu.memory_space<semaphore_mem>>)
        %add3A_613 = arith.constant 3 : i32
        %add3A_614 = arith.addi %mul3A_492, %add3A_613 : i32
        %dma_wait3A_615 = arith.constant 0 : i32
        %dma_wait3A_616 = tpu.memref_slice %arg8[%add3A_614, %dma_wait3A_615] : memref<160x128xi32, #tpu.memory_space<vmem>> -> memref<1x128xi32, #tpu.memory_space<vmem>>
        %dma_wait3A_617 = tpu.memref_squeeze %dma_wait3A_616 : memref<1x128xi32, #tpu.memory_space<vmem>> -> memref<128xi32, #tpu.memory_space<vmem>>
        %dma_wait3A_618 = arith.constant 0 : i32
        %dma_wait3A_619 = arith.constant 0 : i32
        %dma_wait3A_620 = tpu.memref_slice %arg16[%dma_wait3A_618, %dma_wait3A_619] : memref<10240x32xf32, #tpu.memory_space<vmem_shared>> -> memref<10240x32xf32, #tpu.memory_space<vmem_shared>>
        tpu.wait_indirect_dma semaphore(%arg24 : memref<!tpu.dma_semaphore, #tpu.memory_space<semaphore_mem>>) src(%arg12 : memref<128x32xf32, #tpu.memory_space<vmem>>) dst(%dma_wait3A_620 : memref<10240x32xf32, #tpu.memory_space<vmem_shared>>)
        %add3A_621 = arith.constant 4 : i32
        %add3A_622 = arith.addi %mul3A_492, %add3A_621 : i32
        %add3A_623 = arith.constant 3 : i32
        %add3A_624 = arith.addi %add3A_622, %add3A_623 : i32
        %dma_start3A_625 = arith.constant 0 : i32
        %dma_start3A_626 = tpu.memref_slice %arg7[%add3A_624, %dma_start3A_625] : memref<160x128xi32, #tpu.memory_space<vmem>> -> memref<1x128xi32, #tpu.memory_space<vmem>>
        %dma_start3A_627 = tpu.memref_squeeze %dma_start3A_626 : memref<1x128xi32, #tpu.memory_space<vmem>> -> memref<128xi32, #tpu.memory_space<vmem>>
        %dma_start3A_628 = arith.constant 0 : i32
        %dma_start3A_629 = arith.constant 0 : i32
        %dma_start3A_630 = tpu.memref_slice %arg15[%dma_start3A_628, %dma_start3A_629] : memref<10240x32xf32, #tpu.memory_space<vmem_shared>> -> memref<10240x32xf32, #tpu.memory_space<vmem_shared>>
        tpu.enqueue_indirect_dma source(%dma_start3A_630 : memref<10240x32xf32, #tpu.memory_space<vmem_shared>>) target(%arg12 : memref<128x32xf32, #tpu.memory_space<vmem>>) offsets(%dma_start3A_627 : memref<128xi32, #tpu.memory_space<vmem>>) semaphore(%arg20 : memref<!tpu.dma_semaphore, #tpu.memory_space<semaphore_mem>>)
      } else {
      }
    }
    %scan3A_370 = arith.constant 40 : i32
    %dma_wait3A_371 = arith.constant 156 : i32
    %dma_wait3A_372 = arith.constant 0 : i32
    %dma_wait3A_373 = tpu.memref_slice %arg8[%dma_wait3A_371, %dma_wait3A_372] : memref<160x128xi32, #tpu.memory_space<vmem>> -> memref<1x128xi32, #tpu.memory_space<vmem>>
    %dma_wait3A_374 = tpu.memref_squeeze %dma_wait3A_373 : memref<1x128xi32, #tpu.memory_space<vmem>> -> memref<128xi32, #tpu.memory_space<vmem>>
    %dma_wait3A_375 = arith.constant 0 : i32
    %dma_wait3A_376 = arith.constant 0 : i32
    %dma_wait3A_377 = tpu.memref_slice %arg16[%dma_wait3A_375, %dma_wait3A_376] : memref<10240x32xf32, #tpu.memory_space<vmem_shared>> -> memref<10240x32xf32, #tpu.memory_space<vmem_shared>>
    tpu.wait_indirect_dma semaphore(%arg21 : memref<!tpu.dma_semaphore, #tpu.memory_space<semaphore_mem>>) src(%arg9 : memref<128x32xf32, #tpu.memory_space<vmem>>) dst(%dma_wait3A_377 : memref<10240x32xf32, #tpu.memory_space<vmem_shared>>)
    %dma_wait3A_378 = arith.constant 157 : i32
    %dma_wait3A_379 = arith.constant 0 : i32
    %dma_wait3A_380 = tpu.memref_slice %arg8[%dma_wait3A_378, %dma_wait3A_379] : memref<160x128xi32, #tpu.memory_space<vmem>> -> memref<1x128xi32, #tpu.memory_space<vmem>>
    %dma_wait3A_381 = tpu.memref_squeeze %dma_wait3A_380 : memref<1x128xi32, #tpu.memory_space<vmem>> -> memref<128xi32, #tpu.memory_space<vmem>>
    %dma_wait3A_382 = arith.constant 0 : i32
    %dma_wait3A_383 = arith.constant 0 : i32
    %dma_wait3A_384 = tpu.memref_slice %arg16[%dma_wait3A_382, %dma_wait3A_383] : memref<10240x32xf32, #tpu.memory_space<vmem_shared>> -> memref<10240x32xf32, #tpu.memory_space<vmem_shared>>
    tpu.wait_indirect_dma semaphore(%arg22 : memref<!tpu.dma_semaphore, #tpu.memory_space<semaphore_mem>>) src(%arg10 : memref<128x32xf32, #tpu.memory_space<vmem>>) dst(%dma_wait3A_384 : memref<10240x32xf32, #tpu.memory_space<vmem_shared>>)
    %dma_wait3A_385 = arith.constant 158 : i32
    %dma_wait3A_386 = arith.constant 0 : i32
    %dma_wait3A_387 = tpu.memref_slice %arg8[%dma_wait3A_385, %dma_wait3A_386] : memref<160x128xi32, #tpu.memory_space<vmem>> -> memref<1x128xi32, #tpu.memory_space<vmem>>
    %dma_wait3A_388 = tpu.memref_squeeze %dma_wait3A_387 : memref<1x128xi32, #tpu.memory_space<vmem>> -> memref<128xi32, #tpu.memory_space<vmem>>
    %dma_wait3A_389 = arith.constant 0 : i32
    %dma_wait3A_390 = arith.constant 0 : i32
    %dma_wait3A_391 = tpu.memref_slice %arg16[%dma_wait3A_389, %dma_wait3A_390] : memref<10240x32xf32, #tpu.memory_space<vmem_shared>> -> memref<10240x32xf32, #tpu.memory_space<vmem_shared>>
    tpu.wait_indirect_dma semaphore(%arg23 : memref<!tpu.dma_semaphore, #tpu.memory_space<semaphore_mem>>) src(%arg11 : memref<128x32xf32, #tpu.memory_space<vmem>>) dst(%dma_wait3A_391 : memref<10240x32xf32, #tpu.memory_space<vmem_shared>>)
    %dma_wait3A_392 = arith.constant 159 : i32
    %dma_wait3A_393 = arith.constant 0 : i32
    %dma_wait3A_394 = tpu.memref_slice %arg8[%dma_wait3A_392, %dma_wait3A_393] : memref<160x128xi32, #tpu.memory_space<vmem>> -> memref<1x128xi32, #tpu.memory_space<vmem>>
    %dma_wait3A_395 = tpu.memref_squeeze %dma_wait3A_394 : memref<1x128xi32, #tpu.memory_space<vmem>> -> memref<128xi32, #tpu.memory_space<vmem>>
    %dma_wait3A_396 = arith.constant 0 : i32
    %dma_wait3A_397 = arith.constant 0 : i32
    %dma_wait3A_398 = tpu.memref_slice %arg16[%dma_wait3A_396, %dma_wait3A_397] : memref<10240x32xf32, #tpu.memory_space<vmem_shared>> -> memref<10240x32xf32, #tpu.memory_space<vmem_shared>>
    tpu.wait_indirect_dma semaphore(%arg24 : memref<!tpu.dma_semaphore, #tpu.memory_space<semaphore_mem>>) src(%arg12 : memref<128x32xf32, #tpu.memory_space<vmem>>) dst(%dma_wait3A_398 : memref<10240x32xf32, #tpu.memory_space<vmem_shared>>)
    %barrier3A_399 = arith.constant 0 : index
    tpu.barrier barrier_id(%barrier3A_399)
    %mul3A_400 = arith.constant 640 : i32
    %mul3A_401 = arith.muli %arg1, %mul3A_400 : i32
    %add3A_402 = arith.constant 0 : i32
    %add3A_403 = arith.addi %mul3A_401, %add3A_402 : i32
    "tpu.region"() ({
      %run_scoped3A = tpu.sem_alloc : memref<!tpu.dma_semaphore, #tpu.memory_space<semaphore_mem>>
      %dma_start3A_490 = arith.constant 0 : i32
      %dma_start3A_491 = tpu.memref_slice %arg16[%add3A_403, %dma_start3A_490] : memref<10240x32xf32, #tpu.memory_space<vmem_shared>> -> memref<128x32xf32, #tpu.memory_space<vmem_shared>>
      %dma_start3A_492 = arith.constant 0 : i32
      %dma_start3A_493 = tpu.memref_slice %arg16[%add3A_403, %dma_start3A_492] : memref<10240x32xf32, #tpu.memory_space<vmem_shared>> -> memref<128x32xf32, #tpu.memory_space<vmem_shared>>
      tpu.enqueue_dma source(%dma_start3A_493 : memref<128x32xf32, #tpu.memory_space<vmem_shared>>) target(%arg14 : memref<128x32xf32, #tpu.memory_space<vmem>>) target_semaphore(%run_scoped3A : memref<!tpu.dma_semaphore, #tpu.memory_space<semaphore_mem>>)
      %dma_wait3A_494 = arith.constant 0 : i32
      %dma_wait3A_495 = tpu.memref_slice %arg16[%add3A_403, %dma_wait3A_494] : memref<10240x32xf32, #tpu.memory_space<vmem_shared>> -> memref<128x32xf32, #tpu.memory_space<vmem_shared>>
      %dma_wait3A_496 = arith.constant 0 : i32
      %dma_wait3A_497 = tpu.memref_slice %arg16[%add3A_403, %dma_wait3A_496] : memref<10240x32xf32, #tpu.memory_space<vmem_shared>> -> memref<128x32xf32, #tpu.memory_space<vmem_shared>>
      tpu.wait_dma2 semaphore(%run_scoped3A : memref<!tpu.dma_semaphore, #tpu.memory_space<semaphore_mem>>) src(%dma_wait3A_497 : memref<128x32xf32, #tpu.memory_space<vmem_shared>>) dst(%arg14 : memref<128x32xf32, #tpu.memory_space<vmem>>)
      tpu.yield
    }) : () -> ()
    %dma_start3A_404 = arith.constant 0 : i32
    %dma_start3A_405 = arith.constant 0 : i32
    %dma_start3A_406 = tpu.memref_slice %arg13[%dma_start3A_404, %dma_start3A_405] : memref<5x128xi32, #tpu.memory_space<vmem>> -> memref<1x128xi32, #tpu.memory_space<vmem>>
    %dma_start3A_407 = tpu.memref_squeeze %dma_start3A_406 : memref<1x128xi32, #tpu.memory_space<vmem>> -> memref<128xi32, #tpu.memory_space<vmem>>
    %dma_start3A_408 = arith.constant 0 : i32
    %dma_start3A_409 = arith.constant 0 : i32
    %dma_start3A_410 = tpu.memref_slice %arg6[%dma_start3A_408, %dma_start3A_409] : memref<40960x32xf32, #tpu.memory_space<hbm>> -> memref<40960x32xf32, #tpu.memory_space<hbm>>
    tpu.enqueue_indirect_dma source(%arg14 : memref<128x32xf32, #tpu.memory_space<vmem>>) target(%dma_start3A_410 : memref<40960x32xf32, #tpu.memory_space<hbm>>) offsets(%dma_start3A_407 : memref<128xi32, #tpu.memory_space<vmem>>) semaphore(%arg21 : memref<!tpu.dma_semaphore, #tpu.memory_space<semaphore_mem>>)
    %dma_wait3A_411 = arith.constant 0 : i32
    %dma_wait3A_412 = arith.constant 0 : i32
    %dma_wait3A_413 = tpu.memref_slice %arg13[%dma_wait3A_411, %dma_wait3A_412] : memref<5x128xi32, #tpu.memory_space<vmem>> -> memref<1x128xi32, #tpu.memory_space<vmem>>
    %dma_wait3A_414 = tpu.memref_squeeze %dma_wait3A_413 : memref<1x128xi32, #tpu.memory_space<vmem>> -> memref<128xi32, #tpu.memory_space<vmem>>
    %dma_wait3A_415 = arith.constant 0 : i32
    %dma_wait3A_416 = arith.constant 0 : i32
    %dma_wait3A_417 = tpu.memref_slice %arg6[%dma_wait3A_415, %dma_wait3A_416] : memref<40960x32xf32, #tpu.memory_space<hbm>> -> memref<40960x32xf32, #tpu.memory_space<hbm>>
    tpu.wait_indirect_dma semaphore(%arg21 : memref<!tpu.dma_semaphore, #tpu.memory_space<semaphore_mem>>) src(%arg14 : memref<128x32xf32, #tpu.memory_space<vmem>>) dst(%dma_wait3A_417 : memref<40960x32xf32, #tpu.memory_space<hbm>>)
    %mul3A_418 = arith.constant 640 : i32
    %mul3A_419 = arith.muli %arg1, %mul3A_418 : i32
    %add3A_420 = arith.constant 128 : i32
    %add3A_421 = arith.addi %mul3A_419, %add3A_420 : i32
    "tpu.region"() ({
      %run_scoped3A = tpu.sem_alloc : memref<!tpu.dma_semaphore, #tpu.memory_space<semaphore_mem>>
      %dma_start3A_490 = arith.constant 0 : i32
      %dma_start3A_491 = tpu.memref_slice %arg16[%add3A_421, %dma_start3A_490] : memref<10240x32xf32, #tpu.memory_space<vmem_shared>> -> memref<128x32xf32, #tpu.memory_space<vmem_shared>>
      %dma_start3A_492 = arith.constant 0 : i32
      %dma_start3A_493 = tpu.memref_slice %arg16[%add3A_421, %dma_start3A_492] : memref<10240x32xf32, #tpu.memory_space<vmem_shared>> -> memref<128x32xf32, #tpu.memory_space<vmem_shared>>
      tpu.enqueue_dma source(%dma_start3A_493 : memref<128x32xf32, #tpu.memory_space<vmem_shared>>) target(%arg14 : memref<128x32xf32, #tpu.memory_space<vmem>>) target_semaphore(%run_scoped3A : memref<!tpu.dma_semaphore, #tpu.memory_space<semaphore_mem>>)
      %dma_wait3A_494 = arith.constant 0 : i32
      %dma_wait3A_495 = tpu.memref_slice %arg16[%add3A_421, %dma_wait3A_494] : memref<10240x32xf32, #tpu.memory_space<vmem_shared>> -> memref<128x32xf32, #tpu.memory_space<vmem_shared>>
      %dma_wait3A_496 = arith.constant 0 : i32
      %dma_wait3A_497 = tpu.memref_slice %arg16[%add3A_421, %dma_wait3A_496] : memref<10240x32xf32, #tpu.memory_space<vmem_shared>> -> memref<128x32xf32, #tpu.memory_space<vmem_shared>>
      tpu.wait_dma2 semaphore(%run_scoped3A : memref<!tpu.dma_semaphore, #tpu.memory_space<semaphore_mem>>) src(%dma_wait3A_497 : memref<128x32xf32, #tpu.memory_space<vmem_shared>>) dst(%arg14 : memref<128x32xf32, #tpu.memory_space<vmem>>)
      tpu.yield
    }) : () -> ()
    %dma_start3A_422 = arith.constant 1 : i32
    %dma_start3A_423 = arith.constant 0 : i32
    %dma_start3A_424 = tpu.memref_slice %arg13[%dma_start3A_422, %dma_start3A_423] : memref<5x128xi32, #tpu.memory_space<vmem>> -> memref<1x128xi32, #tpu.memory_space<vmem>>
    %dma_start3A_425 = tpu.memref_squeeze %dma_start3A_424 : memref<1x128xi32, #tpu.memory_space<vmem>> -> memref<128xi32, #tpu.memory_space<vmem>>
    %dma_start3A_426 = arith.constant 0 : i32
    %dma_start3A_427 = arith.constant 0 : i32
    %dma_start3A_428 = tpu.memref_slice %arg6[%dma_start3A_426, %dma_start3A_427] : memref<40960x32xf32, #tpu.memory_space<hbm>> -> memref<40960x32xf32, #tpu.memory_space<hbm>>
    tpu.enqueue_indirect_dma source(%arg14 : memref<128x32xf32, #tpu.memory_space<vmem>>) target(%dma_start3A_428 : memref<40960x32xf32, #tpu.memory_space<hbm>>) offsets(%dma_start3A_425 : memref<128xi32, #tpu.memory_space<vmem>>) semaphore(%arg21 : memref<!tpu.dma_semaphore, #tpu.memory_space<semaphore_mem>>)
    %dma_wait3A_429 = arith.constant 1 : i32
    %dma_wait3A_430 = arith.constant 0 : i32
    %dma_wait3A_431 = tpu.memref_slice %arg13[%dma_wait3A_429, %dma_wait3A_430] : memref<5x128xi32, #tpu.memory_space<vmem>> -> memref<1x128xi32, #tpu.memory_space<vmem>>
    %dma_wait3A_432 = tpu.memref_squeeze %dma_wait3A_431 : memref<1x128xi32, #tpu.memory_space<vmem>> -> memref<128xi32, #tpu.memory_space<vmem>>
    %dma_wait3A_433 = arith.constant 0 : i32
    %dma_wait3A_434 = arith.constant 0 : i32
    %dma_wait3A_435 = tpu.memref_slice %arg6[%dma_wait3A_433, %dma_wait3A_434] : memref<40960x32xf32, #tpu.memory_space<hbm>> -> memref<40960x32xf32, #tpu.memory_space<hbm>>
    tpu.wait_indirect_dma semaphore(%arg21 : memref<!tpu.dma_semaphore, #tpu.memory_space<semaphore_mem>>) src(%arg14 : memref<128x32xf32, #tpu.memory_space<vmem>>) dst(%dma_wait3A_435 : memref<40960x32xf32, #tpu.memory_space<hbm>>)
    %mul3A_436 = arith.constant 640 : i32
    %mul3A_437 = arith.muli %arg1, %mul3A_436 : i32
    %add3A_438 = arith.constant 256 : i32
    %add3A_439 = arith.addi %mul3A_437, %add3A_438 : i32
    "tpu.region"() ({
      %run_scoped3A = tpu.sem_alloc : memref<!tpu.dma_semaphore, #tpu.memory_space<semaphore_mem>>
      %dma_start3A_490 = arith.constant 0 : i32
      %dma_start3A_491 = tpu.memref_slice %arg16[%add3A_439, %dma_start3A_490] : memref<10240x32xf32, #tpu.memory_space<vmem_shared>> -> memref<128x32xf32, #tpu.memory_space<vmem_shared>>
      %dma_start3A_492 = arith.constant 0 : i32
      %dma_start3A_493 = tpu.memref_slice %arg16[%add3A_439, %dma_start3A_492] : memref<10240x32xf32, #tpu.memory_space<vmem_shared>> -> memref<128x32xf32, #tpu.memory_space<vmem_shared>>
      tpu.enqueue_dma source(%dma_start3A_493 : memref<128x32xf32, #tpu.memory_space<vmem_shared>>) target(%arg14 : memref<128x32xf32, #tpu.memory_space<vmem>>) target_semaphore(%run_scoped3A : memref<!tpu.dma_semaphore, #tpu.memory_space<semaphore_mem>>)
      %dma_wait3A_494 = arith.constant 0 : i32
      %dma_wait3A_495 = tpu.memref_slice %arg16[%add3A_439, %dma_wait3A_494] : memref<10240x32xf32, #tpu.memory_space<vmem_shared>> -> memref<128x32xf32, #tpu.memory_space<vmem_shared>>
      %dma_wait3A_496 = arith.constant 0 : i32
      %dma_wait3A_497 = tpu.memref_slice %arg16[%add3A_439, %dma_wait3A_496] : memref<10240x32xf32, #tpu.memory_space<vmem_shared>> -> memref<128x32xf32, #tpu.memory_space<vmem_shared>>
      tpu.wait_dma2 semaphore(%run_scoped3A : memref<!tpu.dma_semaphore, #tpu.memory_space<semaphore_mem>>) src(%dma_wait3A_497 : memref<128x32xf32, #tpu.memory_space<vmem_shared>>) dst(%arg14 : memref<128x32xf32, #tpu.memory_space<vmem>>)
      tpu.yield
    }) : () -> ()
    %dma_start3A_440 = arith.constant 2 : i32
    %dma_start3A_441 = arith.constant 0 : i32
    %dma_start3A_442 = tpu.memref_slice %arg13[%dma_start3A_440, %dma_start3A_441] : memref<5x128xi32, #tpu.memory_space<vmem>> -> memref<1x128xi32, #tpu.memory_space<vmem>>
    %dma_start3A_443 = tpu.memref_squeeze %dma_start3A_442 : memref<1x128xi32, #tpu.memory_space<vmem>> -> memref<128xi32, #tpu.memory_space<vmem>>
    %dma_start3A_444 = arith.constant 0 : i32
    %dma_start3A_445 = arith.constant 0 : i32
    %dma_start3A_446 = tpu.memref_slice %arg6[%dma_start3A_444, %dma_start3A_445] : memref<40960x32xf32, #tpu.memory_space<hbm>> -> memref<40960x32xf32, #tpu.memory_space<hbm>>
    tpu.enqueue_indirect_dma source(%arg14 : memref<128x32xf32, #tpu.memory_space<vmem>>) target(%dma_start3A_446 : memref<40960x32xf32, #tpu.memory_space<hbm>>) offsets(%dma_start3A_443 : memref<128xi32, #tpu.memory_space<vmem>>) semaphore(%arg21 : memref<!tpu.dma_semaphore, #tpu.memory_space<semaphore_mem>>)
    %dma_wait3A_447 = arith.constant 2 : i32
    %dma_wait3A_448 = arith.constant 0 : i32
    %dma_wait3A_449 = tpu.memref_slice %arg13[%dma_wait3A_447, %dma_wait3A_448] : memref<5x128xi32, #tpu.memory_space<vmem>> -> memref<1x128xi32, #tpu.memory_space<vmem>>
    %dma_wait3A_450 = tpu.memref_squeeze %dma_wait3A_449 : memref<1x128xi32, #tpu.memory_space<vmem>> -> memref<128xi32, #tpu.memory_space<vmem>>
    %dma_wait3A_451 = arith.constant 0 : i32
    %dma_wait3A_452 = arith.constant 0 : i32
    %dma_wait3A_453 = tpu.memref_slice %arg6[%dma_wait3A_451, %dma_wait3A_452] : memref<40960x32xf32, #tpu.memory_space<hbm>> -> memref<40960x32xf32, #tpu.memory_space<hbm>>
    tpu.wait_indirect_dma semaphore(%arg21 : memref<!tpu.dma_semaphore, #tpu.memory_space<semaphore_mem>>) src(%arg14 : memref<128x32xf32, #tpu.memory_space<vmem>>) dst(%dma_wait3A_453 : memref<40960x32xf32, #tpu.memory_space<hbm>>)
    %mul3A_454 = arith.constant 640 : i32
    %mul3A_455 = arith.muli %arg1, %mul3A_454 : i32
    %add3A_456 = arith.constant 384 : i32
    %add3A_457 = arith.addi %mul3A_455, %add3A_456 : i32
    "tpu.region"() ({
      %run_scoped3A = tpu.sem_alloc : memref<!tpu.dma_semaphore, #tpu.memory_space<semaphore_mem>>
      %dma_start3A_490 = arith.constant 0 : i32
      %dma_start3A_491 = tpu.memref_slice %arg16[%add3A_457, %dma_start3A_490] : memref<10240x32xf32, #tpu.memory_space<vmem_shared>> -> memref<128x32xf32, #tpu.memory_space<vmem_shared>>
      %dma_start3A_492 = arith.constant 0 : i32
      %dma_start3A_493 = tpu.memref_slice %arg16[%add3A_457, %dma_start3A_492] : memref<10240x32xf32, #tpu.memory_space<vmem_shared>> -> memref<128x32xf32, #tpu.memory_space<vmem_shared>>
      tpu.enqueue_dma source(%dma_start3A_493 : memref<128x32xf32, #tpu.memory_space<vmem_shared>>) target(%arg14 : memref<128x32xf32, #tpu.memory_space<vmem>>) target_semaphore(%run_scoped3A : memref<!tpu.dma_semaphore, #tpu.memory_space<semaphore_mem>>)
      %dma_wait3A_494 = arith.constant 0 : i32
      %dma_wait3A_495 = tpu.memref_slice %arg16[%add3A_457, %dma_wait3A_494] : memref<10240x32xf32, #tpu.memory_space<vmem_shared>> -> memref<128x32xf32, #tpu.memory_space<vmem_shared>>
      %dma_wait3A_496 = arith.constant 0 : i32
      %dma_wait3A_497 = tpu.memref_slice %arg16[%add3A_457, %dma_wait3A_496] : memref<10240x32xf32, #tpu.memory_space<vmem_shared>> -> memref<128x32xf32, #tpu.memory_space<vmem_shared>>
      tpu.wait_dma2 semaphore(%run_scoped3A : memref<!tpu.dma_semaphore, #tpu.memory_space<semaphore_mem>>) src(%dma_wait3A_497 : memref<128x32xf32, #tpu.memory_space<vmem_shared>>) dst(%arg14 : memref<128x32xf32, #tpu.memory_space<vmem>>)
      tpu.yield
    }) : () -> ()
    %dma_start3A_458 = arith.constant 3 : i32
    %dma_start3A_459 = arith.constant 0 : i32
    %dma_start3A_460 = tpu.memref_slice %arg13[%dma_start3A_458, %dma_start3A_459] : memref<5x128xi32, #tpu.memory_space<vmem>> -> memref<1x128xi32, #tpu.memory_space<vmem>>
    %dma_start3A_461 = tpu.memref_squeeze %dma_start3A_460 : memref<1x128xi32, #tpu.memory_space<vmem>> -> memref<128xi32, #tpu.memory_space<vmem>>
    %dma_start3A_462 = arith.constant 0 : i32
    %dma_start3A_463 = arith.constant 0 : i32
    %dma_start3A_464 = tpu.memref_slice %arg6[%dma_start3A_462, %dma_start3A_463] : memref<40960x32xf32, #tpu.memory_space<hbm>> -> memref<40960x32xf32, #tpu.memory_space<hbm>>
    tpu.enqueue_indirect_dma source(%arg14 : memref<128x32xf32, #tpu.memory_space<vmem>>) target(%dma_start3A_464 : memref<40960x32xf32, #tpu.memory_space<hbm>>) offsets(%dma_start3A_461 : memref<128xi32, #tpu.memory_space<vmem>>) semaphore(%arg21 : memref<!tpu.dma_semaphore, #tpu.memory_space<semaphore_mem>>)
    %dma_wait3A_465 = arith.constant 3 : i32
    %dma_wait3A_466 = arith.constant 0 : i32
    %dma_wait3A_467 = tpu.memref_slice %arg13[%dma_wait3A_465, %dma_wait3A_466] : memref<5x128xi32, #tpu.memory_space<vmem>> -> memref<1x128xi32, #tpu.memory_space<vmem>>
    %dma_wait3A_468 = tpu.memref_squeeze %dma_wait3A_467 : memref<1x128xi32, #tpu.memory_space<vmem>> -> memref<128xi32, #tpu.memory_space<vmem>>
    %dma_wait3A_469 = arith.constant 0 : i32
    %dma_wait3A_470 = arith.constant 0 : i32
    %dma_wait3A_471 = tpu.memref_slice %arg6[%dma_wait3A_469, %dma_wait3A_470] : memref<40960x32xf32, #tpu.memory_space<hbm>> -> memref<40960x32xf32, #tpu.memory_space<hbm>>
    tpu.wait_indirect_dma semaphore(%arg21 : memref<!tpu.dma_semaphore, #tpu.memory_space<semaphore_mem>>) src(%arg14 : memref<128x32xf32, #tpu.memory_space<vmem>>) dst(%dma_wait3A_471 : memref<40960x32xf32, #tpu.memory_space<hbm>>)
    %mul3A_472 = arith.constant 640 : i32
    %mul3A_473 = arith.muli %arg1, %mul3A_472 : i32
    %add3A_474 = arith.constant 512 : i32
    %add3A_475 = arith.addi %mul3A_473, %add3A_474 : i32
    "tpu.region"() ({
      %run_scoped3A = tpu.sem_alloc : memref<!tpu.dma_semaphore, #tpu.memory_space<semaphore_mem>>
      %dma_start3A_490 = arith.constant 0 : i32
      %dma_start3A_491 = tpu.memref_slice %arg16[%add3A_475, %dma_start3A_490] : memref<10240x32xf32, #tpu.memory_space<vmem_shared>> -> memref<128x32xf32, #tpu.memory_space<vmem_shared>>
      %dma_start3A_492 = arith.constant 0 : i32
      %dma_start3A_493 = tpu.memref_slice %arg16[%add3A_475, %dma_start3A_492] : memref<10240x32xf32, #tpu.memory_space<vmem_shared>> -> memref<128x32xf32, #tpu.memory_space<vmem_shared>>
      tpu.enqueue_dma source(%dma_start3A_493 : memref<128x32xf32, #tpu.memory_space<vmem_shared>>) target(%arg14 : memref<128x32xf32, #tpu.memory_space<vmem>>) target_semaphore(%run_scoped3A : memref<!tpu.dma_semaphore, #tpu.memory_space<semaphore_mem>>)
      %dma_wait3A_494 = arith.constant 0 : i32
      %dma_wait3A_495 = tpu.memref_slice %arg16[%add3A_475, %dma_wait3A_494] : memref<10240x32xf32, #tpu.memory_space<vmem_shared>> -> memref<128x32xf32, #tpu.memory_space<vmem_shared>>
      %dma_wait3A_496 = arith.constant 0 : i32
      %dma_wait3A_497 = tpu.memref_slice %arg16[%add3A_475, %dma_wait3A_496] : memref<10240x32xf32, #tpu.memory_space<vmem_shared>> -> memref<128x32xf32, #tpu.memory_space<vmem_shared>>
      tpu.wait_dma2 semaphore(%run_scoped3A : memref<!tpu.dma_semaphore, #tpu.memory_space<semaphore_mem>>) src(%dma_wait3A_497 : memref<128x32xf32, #tpu.memory_space<vmem_shared>>) dst(%arg14 : memref<128x32xf32, #tpu.memory_space<vmem>>)
      tpu.yield
    }) : () -> ()
    %dma_start3A_476 = arith.constant 4 : i32
    %dma_start3A_477 = arith.constant 0 : i32
    %dma_start3A_478 = tpu.memref_slice %arg13[%dma_start3A_476, %dma_start3A_477] : memref<5x128xi32, #tpu.memory_space<vmem>> -> memref<1x128xi32, #tpu.memory_space<vmem>>
    %dma_start3A_479 = tpu.memref_squeeze %dma_start3A_478 : memref<1x128xi32, #tpu.memory_space<vmem>> -> memref<128xi32, #tpu.memory_space<vmem>>
    %dma_start3A_480 = arith.constant 0 : i32
    %dma_start3A_481 = arith.constant 0 : i32
    %dma_start3A_482 = tpu.memref_slice %arg6[%dma_start3A_480, %dma_start3A_481] : memref<40960x32xf32, #tpu.memory_space<hbm>> -> memref<40960x32xf32, #tpu.memory_space<hbm>>
    tpu.enqueue_indirect_dma source(%arg14 : memref<128x32xf32, #tpu.memory_space<vmem>>) target(%dma_start3A_482 : memref<40960x32xf32, #tpu.memory_space<hbm>>) offsets(%dma_start3A_479 : memref<128xi32, #tpu.memory_space<vmem>>) semaphore(%arg21 : memref<!tpu.dma_semaphore, #tpu.memory_space<semaphore_mem>>)
    %dma_wait3A_483 = arith.constant 4 : i32
    %dma_wait3A_484 = arith.constant 0 : i32
    %dma_wait3A_485 = tpu.memref_slice %arg13[%dma_wait3A_483, %dma_wait3A_484] : memref<5x128xi32, #tpu.memory_space<vmem>> -> memref<1x128xi32, #tpu.memory_space<vmem>>
    %dma_wait3A_486 = tpu.memref_squeeze %dma_wait3A_485 : memref<1x128xi32, #tpu.memory_space<vmem>> -> memref<128xi32, #tpu.memory_space<vmem>>
    %dma_wait3A_487 = arith.constant 0 : i32
    %dma_wait3A_488 = arith.constant 0 : i32
    %dma_wait3A_489 = tpu.memref_slice %arg6[%dma_wait3A_487, %dma_wait3A_488] : memref<40960x32xf32, #tpu.memory_space<hbm>> -> memref<40960x32xf32, #tpu.memory_space<hbm>>
    tpu.wait_indirect_dma semaphore(%arg21 : memref<!tpu.dma_semaphore, #tpu.memory_space<semaphore_mem>>) src(%arg14 : memref<128x32xf32, #tpu.memory_space<vmem>>) dst(%dma_wait3A_489 : memref<40960x32xf32, #tpu.memory_space<hbm>>)
    return
  }
}

#map = affine_map<(d0, d1) -> (0, 0)>
#map1 = affine_map<(d0, d1) -> (0, 0, 0)>
#map2 = affine_map<(d0, d1) -> (0, 0, 0, 0)>
module attributes {stable_mosaic.version = 14 : i64} {
  func.func @_msg_body(%arg0: i32, %arg1: i32, %arg2: memref<40960x32xf32, #tpu.memory_space<hbm>>, %arg3: memref<16x160x128xi32, #tpu.memory_space<hbm>>, %arg4: memref<16x160x128xi32, #tpu.memory_space<hbm>>, %arg5: memref<4x16x5x128xi32, #tpu.memory_space<hbm>>, %arg6: memref<40960x32xf32, #tpu.memory_space<hbm>>, %arg7: memref<160x128xi32, #tpu.memory_space<vmem>>, %arg8: memref<160x128xi32, #tpu.memory_space<vmem>>, %arg9: memref<128x32xf32, #tpu.memory_space<vmem>>, %arg10: memref<128x32xf32, #tpu.memory_space<vmem>>, %arg11: memref<128x32xf32, #tpu.memory_space<vmem>>, %arg12: memref<128x32xf32, #tpu.memory_space<vmem>>, %arg13: memref<5x128xi32, #tpu.memory_space<vmem>>, %arg14: memref<128x32xf32, #tpu.memory_space<vmem>>, %arg15: memref<10240x32xf32, #tpu.memory_space<vmem_shared>>, %arg16: memref<10240x32xf32, #tpu.memory_space<vmem_shared>>, %arg17: memref<!tpu.dma_semaphore, #tpu.memory_space<semaphore_mem>>, %arg18: memref<!tpu.dma_semaphore, #tpu.memory_space<semaphore_mem>>, %arg19: memref<!tpu.dma_semaphore, #tpu.memory_space<semaphore_mem>>, %arg20: memref<!tpu.dma_semaphore, #tpu.memory_space<semaphore_mem>>, %arg21: memref<!tpu.dma_semaphore, #tpu.memory_space<semaphore_mem>>, %arg22: memref<!tpu.dma_semaphore, #tpu.memory_space<semaphore_mem>>, %arg23: memref<!tpu.dma_semaphore, #tpu.memory_space<semaphore_mem>>, %arg24: memref<!tpu.dma_semaphore, #tpu.memory_space<semaphore_mem>>) attributes {dimension_semantics = [#tpu.dimension_semantics<core_parallel>, #tpu.dimension_semantics<subcore_parallel>], iteration_bounds = array<i64: 2, 16>, scalar_prefetch = 0 : i64, scratch_operands = 18 : i64, tpu.core_type = #tpu.core_type<sc_vector_subcore>, window_params = [{transform_indices = #map}, {transform_indices = #map1}, {transform_indices = #map1}, {transform_indices = #map2}, {transform_indices = #map}]} {
    "tpu.region"() ({
      %run_scoped3A = tpu.sem_alloc : memref<!tpu.dma_semaphore, #tpu.memory_space<semaphore_mem>>
      %dma_start3A_490 = arith.constant 0 : i32
      %dma_start3A_491 = arith.constant 0 : i32
      %dma_start3A_492 = tpu.memref_slice %arg3[%arg1, %dma_start3A_490, %dma_start3A_491] : memref<16x160x128xi32, #tpu.memory_space<hbm>> -> memref<1x160x128xi32, #tpu.memory_space<hbm>>
      %dma_start3A_493 = tpu.memref_squeeze %dma_start3A_492 : memref<1x160x128xi32, #tpu.memory_space<hbm>> -> memref<160x128xi32, #tpu.memory_space<hbm>>
      %dma_start3A_494 = arith.constant 0 : i32
      %dma_start3A_495 = arith.constant 0 : i32
      %dma_start3A_496 = tpu.memref_slice %arg3[%arg1, %dma_start3A_494, %dma_start3A_495] : memref<16x160x128xi32, #tpu.memory_space<hbm>> -> memref<1x160x128xi32, #tpu.memory_space<hbm>>
      %dma_start3A_497 = tpu.memref_squeeze %dma_start3A_496 : memref<1x160x128xi32, #tpu.memory_space<hbm>> -> memref<160x128xi32, #tpu.memory_space<hbm>>
      tpu.enqueue_dma source(%dma_start3A_497 : memref<160x128xi32, #tpu.memory_space<hbm>>) target(%arg7 : memref<160x128xi32, #tpu.memory_space<vmem>>) target_semaphore(%run_scoped3A : memref<!tpu.dma_semaphore, #tpu.memory_space<semaphore_mem>>)
      %dma_wait3A_498 = arith.constant 0 : i32
      %dma_wait3A_499 = arith.constant 0 : i32
      %dma_wait3A_500 = tpu.memref_slice %arg3[%arg1, %dma_wait3A_498, %dma_wait3A_499] : memref<16x160x128xi32, #tpu.memory_space<hbm>> -> memref<1x160x128xi32, #tpu.memory_space<hbm>>
      %dma_wait3A_501 = tpu.memref_squeeze %dma_wait3A_500 : memref<1x160x128xi32, #tpu.memory_space<hbm>> -> memref<160x128xi32, #tpu.memory_space<hbm>>
      %dma_wait3A_502 = arith.constant 0 : i32
      %dma_wait3A_503 = arith.constant 0 : i32
      %dma_wait3A_504 = tpu.memref_slice %arg3[%arg1, %dma_wait3A_502, %dma_wait3A_503] : memref<16x160x128xi32, #tpu.memory_space<hbm>> -> memref<1x160x128xi32, #tpu.memory_space<hbm>>
      %dma_wait3A_505 = tpu.memref_squeeze %dma_wait3A_504 : memref<1x160x128xi32, #tpu.memory_space<hbm>> -> memref<160x128xi32, #tpu.memory_space<hbm>>
      tpu.wait_dma2 semaphore(%run_scoped3A : memref<!tpu.dma_semaphore, #tpu.memory_space<semaphore_mem>>) src(%dma_wait3A_505 : memref<160x128xi32, #tpu.memory_space<hbm>>) dst(%arg7 : memref<160x128xi32, #tpu.memory_space<vmem>>)
      tpu.yield
    }) : () -> ()
    "tpu.region"() ({
      %run_scoped3A = tpu.sem_alloc : memref<!tpu.dma_semaphore, #tpu.memory_space<semaphore_mem>>
      %dma_start3A_490 = arith.constant 0 : i32
      %dma_start3A_491 = arith.constant 0 : i32
      %dma_start3A_492 = tpu.memref_slice %arg4[%arg1, %dma_start3A_490, %dma_start3A_491] : memref<16x160x128xi32, #tpu.memory_space<hbm>> -> memref<1x160x128xi32, #tpu.memory_space<hbm>>
      %dma_start3A_493 = tpu.memref_squeeze %dma_start3A_492 : memref<1x160x128xi32, #tpu.memory_space<hbm>> -> memref<160x128xi32, #tpu.memory_space<hbm>>
      %dma_start3A_494 = arith.constant 0 : i32
      %dma_start3A_495 = arith.constant 0 : i32
      %dma_start3A_496 = tpu.memref_slice %arg4[%arg1, %dma_start3A_494, %dma_start3A_495] : memref<16x160x128xi32, #tpu.memory_space<hbm>> -> memref<1x160x128xi32, #tpu.memory_space<hbm>>
      %dma_start3A_497 = tpu.memref_squeeze %dma_start3A_496 : memref<1x160x128xi32, #tpu.memory_space<hbm>> -> memref<160x128xi32, #tpu.memory_space<hbm>>
      tpu.enqueue_dma source(%dma_start3A_497 : memref<160x128xi32, #tpu.memory_space<hbm>>) target(%arg8 : memref<160x128xi32, #tpu.memory_space<vmem>>) target_semaphore(%run_scoped3A : memref<!tpu.dma_semaphore, #tpu.memory_space<semaphore_mem>>)
      %dma_wait3A_498 = arith.constant 0 : i32
      %dma_wait3A_499 = arith.constant 0 : i32
      %dma_wait3A_500 = tpu.memref_slice %arg4[%arg1, %dma_wait3A_498, %dma_wait3A_499] : memref<16x160x128xi32, #tpu.memory_space<hbm>> -> memref<1x160x128xi32, #tpu.memory_space<hbm>>
      %dma_wait3A_501 = tpu.memref_squeeze %dma_wait3A_500 : memref<1x160x128xi32, #tpu.memory_space<hbm>> -> memref<160x128xi32, #tpu.memory_space<hbm>>
      %dma_wait3A_502 = arith.constant 0 : i32
      %dma_wait3A_503 = arith.constant 0 : i32
      %dma_wait3A_504 = tpu.memref_slice %arg4[%arg1, %dma_wait3A_502, %dma_wait3A_503] : memref<16x160x128xi32, #tpu.memory_space<hbm>> -> memref<1x160x128xi32, #tpu.memory_space<hbm>>
      %dma_wait3A_505 = tpu.memref_squeeze %dma_wait3A_504 : memref<1x160x128xi32, #tpu.memory_space<hbm>> -> memref<160x128xi32, #tpu.memory_space<hbm>>
      tpu.wait_dma2 semaphore(%run_scoped3A : memref<!tpu.dma_semaphore, #tpu.memory_space<semaphore_mem>>) src(%dma_wait3A_505 : memref<160x128xi32, #tpu.memory_space<hbm>>) dst(%arg8 : memref<160x128xi32, #tpu.memory_space<vmem>>)
      tpu.yield
    }) : () -> ()
    %mul3A = arith.constant 2 : i32
    %mul3A_0 = arith.muli %mul3A, %arg0 : i32
    %add3A = arith.constant 0 : i32
    %add3A_1 = arith.addi %mul3A_0, %add3A : i32
    "tpu.region"() ({
      %run_scoped3A = tpu.sem_alloc : memref<!tpu.dma_semaphore, #tpu.memory_space<semaphore_mem>>
      %dma_start3A_490 = arith.constant 0 : i32
      %dma_start3A_491 = arith.constant 0 : i32
      %dma_start3A_492 = tpu.memref_slice %arg5[%add3A_1, %arg1, %dma_start3A_490, %dma_start3A_491] : memref<4x16x5x128xi32, #tpu.memory_space<hbm>> -> memref<1x1x5x128xi32, #tpu.memory_space<hbm>>
      %dma_start3A_493 = tpu.memref_squeeze %dma_start3A_492 : memref<1x1x5x128xi32, #tpu.memory_space<hbm>> -> memref<5x128xi32, #tpu.memory_space<hbm>>
      %dma_start3A_494 = arith.constant 0 : i32
      %dma_start3A_495 = arith.constant 0 : i32
      %dma_start3A_496 = tpu.memref_slice %arg5[%add3A_1, %arg1, %dma_start3A_494, %dma_start3A_495] : memref<4x16x5x128xi32, #tpu.memory_space<hbm>> -> memref<1x1x5x128xi32, #tpu.memory_space<hbm>>
      %dma_start3A_497 = tpu.memref_squeeze %dma_start3A_496 : memref<1x1x5x128xi32, #tpu.memory_space<hbm>> -> memref<5x128xi32, #tpu.memory_space<hbm>>
      tpu.enqueue_dma source(%dma_start3A_497 : memref<5x128xi32, #tpu.memory_space<hbm>>) target(%arg13 : memref<5x128xi32, #tpu.memory_space<vmem>>) target_semaphore(%run_scoped3A : memref<!tpu.dma_semaphore, #tpu.memory_space<semaphore_mem>>)
      %dma_wait3A_498 = arith.constant 0 : i32
      %dma_wait3A_499 = arith.constant 0 : i32
      %dma_wait3A_500 = tpu.memref_slice %arg5[%add3A_1, %arg1, %dma_wait3A_498, %dma_wait3A_499] : memref<4x16x5x128xi32, #tpu.memory_space<hbm>> -> memref<1x1x5x128xi32, #tpu.memory_space<hbm>>
      %dma_wait3A_501 = tpu.memref_squeeze %dma_wait3A_500 : memref<1x1x5x128xi32, #tpu.memory_space<hbm>> -> memref<5x128xi32, #tpu.memory_space<hbm>>
      %dma_wait3A_502 = arith.constant 0 : i32
      %dma_wait3A_503 = arith.constant 0 : i32
      %dma_wait3A_504 = tpu.memref_slice %arg5[%add3A_1, %arg1, %dma_wait3A_502, %dma_wait3A_503] : memref<4x16x5x128xi32, #tpu.memory_space<hbm>> -> memref<1x1x5x128xi32, #tpu.memory_space<hbm>>
      %dma_wait3A_505 = tpu.memref_squeeze %dma_wait3A_504 : memref<1x1x5x128xi32, #tpu.memory_space<hbm>> -> memref<5x128xi32, #tpu.memory_space<hbm>>
      tpu.wait_dma2 semaphore(%run_scoped3A : memref<!tpu.dma_semaphore, #tpu.memory_space<semaphore_mem>>) src(%dma_wait3A_505 : memref<5x128xi32, #tpu.memory_space<hbm>>) dst(%arg13 : memref<5x128xi32, #tpu.memory_space<vmem>>)
      tpu.yield
    }) : () -> ()
    %dma_start3A = arith.constant 0 : i32
    %dma_start3A_2 = arith.constant 0 : i32
    %dma_start3A_3 = tpu.memref_slice %arg13[%dma_start3A, %dma_start3A_2] : memref<5x128xi32, #tpu.memory_space<vmem>> -> memref<1x128xi32, #tpu.memory_space<vmem>>
    %dma_start3A_4 = tpu.memref_squeeze %dma_start3A_3 : memref<1x128xi32, #tpu.memory_space<vmem>> -> memref<128xi32, #tpu.memory_space<vmem>>
    %dma_start3A_5 = arith.constant 0 : i32
    %dma_start3A_6 = arith.constant 0 : i32
    %dma_start3A_7 = tpu.memref_slice %arg2[%dma_start3A_5, %dma_start3A_6] : memref<40960x32xf32, #tpu.memory_space<hbm>> -> memref<40960x32xf32, #tpu.memory_space<hbm>>
    tpu.enqueue_indirect_dma source(%dma_start3A_7 : memref<40960x32xf32, #tpu.memory_space<hbm>>) target(%arg14 : memref<128x32xf32, #tpu.memory_space<vmem>>) offsets(%dma_start3A_4 : memref<128xi32, #tpu.memory_space<vmem>>) semaphore(%arg17 : memref<!tpu.dma_semaphore, #tpu.memory_space<semaphore_mem>>)
    %dma_wait3A = arith.constant 0 : i32
    %dma_wait3A_8 = arith.constant 0 : i32
    %dma_wait3A_9 = tpu.memref_slice %arg13[%dma_wait3A, %dma_wait3A_8] : memref<5x128xi32, #tpu.memory_space<vmem>> -> memref<1x128xi32, #tpu.memory_space<vmem>>
    %dma_wait3A_10 = tpu.memref_squeeze %dma_wait3A_9 : memref<1x128xi32, #tpu.memory_space<vmem>> -> memref<128xi32, #tpu.memory_space<vmem>>
    %dma_wait3A_11 = arith.constant 0 : i32
    %dma_wait3A_12 = arith.constant 0 : i32
    %dma_wait3A_13 = tpu.memref_slice %arg2[%dma_wait3A_11, %dma_wait3A_12] : memref<40960x32xf32, #tpu.memory_space<hbm>> -> memref<40960x32xf32, #tpu.memory_space<hbm>>
    tpu.wait_indirect_dma semaphore(%arg17 : memref<!tpu.dma_semaphore, #tpu.memory_space<semaphore_mem>>) src(%dma_wait3A_13 : memref<40960x32xf32, #tpu.memory_space<hbm>>) dst(%arg14 : memref<128x32xf32, #tpu.memory_space<vmem>>)
    %mul3A_14 = arith.constant 640 : i32
    %mul3A_15 = arith.muli %arg1, %mul3A_14 : i32
    %add3A_16 = arith.constant 0 : i32
    %add3A_17 = arith.addi %mul3A_15, %add3A_16 : i32
    "tpu.region"() ({
      %run_scoped3A = tpu.sem_alloc : memref<!tpu.dma_semaphore, #tpu.memory_space<semaphore_mem>>
      %dma_start3A_490 = arith.constant 0 : i32
      %dma_start3A_491 = tpu.memref_slice %arg15[%add3A_17, %dma_start3A_490] : memref<10240x32xf32, #tpu.memory_space<vmem_shared>> -> memref<128x32xf32, #tpu.memory_space<vmem_shared>>
      %dma_start3A_492 = arith.constant 0 : i32
      %dma_start3A_493 = tpu.memref_slice %arg15[%add3A_17, %dma_start3A_492] : memref<10240x32xf32, #tpu.memory_space<vmem_shared>> -> memref<128x32xf32, #tpu.memory_space<vmem_shared>>
      tpu.enqueue_dma source(%arg14 : memref<128x32xf32, #tpu.memory_space<vmem>>) target(%dma_start3A_493 : memref<128x32xf32, #tpu.memory_space<vmem_shared>>) target_semaphore(%run_scoped3A : memref<!tpu.dma_semaphore, #tpu.memory_space<semaphore_mem>>)
      %dma_wait3A_494 = arith.constant 0 : i32
      %dma_wait3A_495 = tpu.memref_slice %arg15[%add3A_17, %dma_wait3A_494] : memref<10240x32xf32, #tpu.memory_space<vmem_shared>> -> memref<128x32xf32, #tpu.memory_space<vmem_shared>>
      %dma_wait3A_496 = arith.constant 0 : i32
      %dma_wait3A_497 = tpu.memref_slice %arg15[%add3A_17, %dma_wait3A_496] : memref<10240x32xf32, #tpu.memory_space<vmem_shared>> -> memref<128x32xf32, #tpu.memory_space<vmem_shared>>
      tpu.wait_dma2 semaphore(%run_scoped3A : memref<!tpu.dma_semaphore, #tpu.memory_space<semaphore_mem>>) src(%arg14 : memref<128x32xf32, #tpu.memory_space<vmem>>) dst(%dma_wait3A_497 : memref<128x32xf32, #tpu.memory_space<vmem_shared>>)
      tpu.yield
    }) : () -> ()
    "tpu.region"() ({
      %run_scoped3A = tpu.sem_alloc : memref<!tpu.dma_semaphore, #tpu.memory_space<semaphore_mem>>
      %dma_start3A_490 = arith.constant 0 : i32
      %dma_start3A_491 = tpu.memref_slice %arg16[%add3A_17, %dma_start3A_490] : memref<10240x32xf32, #tpu.memory_space<vmem_shared>> -> memref<128x32xf32, #tpu.memory_space<vmem_shared>>
      %dma_start3A_492 = arith.constant 0 : i32
      %dma_start3A_493 = tpu.memref_slice %arg16[%add3A_17, %dma_start3A_492] : memref<10240x32xf32, #tpu.memory_space<vmem_shared>> -> memref<128x32xf32, #tpu.memory_space<vmem_shared>>
      tpu.enqueue_dma source(%arg14 : memref<128x32xf32, #tpu.memory_space<vmem>>) target(%dma_start3A_493 : memref<128x32xf32, #tpu.memory_space<vmem_shared>>) target_semaphore(%run_scoped3A : memref<!tpu.dma_semaphore, #tpu.memory_space<semaphore_mem>>)
      %dma_wait3A_494 = arith.constant 0 : i32
      %dma_wait3A_495 = tpu.memref_slice %arg16[%add3A_17, %dma_wait3A_494] : memref<10240x32xf32, #tpu.memory_space<vmem_shared>> -> memref<128x32xf32, #tpu.memory_space<vmem_shared>>
      %dma_wait3A_496 = arith.constant 0 : i32
      %dma_wait3A_497 = tpu.memref_slice %arg16[%add3A_17, %dma_wait3A_496] : memref<10240x32xf32, #tpu.memory_space<vmem_shared>> -> memref<128x32xf32, #tpu.memory_space<vmem_shared>>
      tpu.wait_dma2 semaphore(%run_scoped3A : memref<!tpu.dma_semaphore, #tpu.memory_space<semaphore_mem>>) src(%arg14 : memref<128x32xf32, #tpu.memory_space<vmem>>) dst(%dma_wait3A_497 : memref<128x32xf32, #tpu.memory_space<vmem_shared>>)
      tpu.yield
    }) : () -> ()
    %dma_start3A_18 = arith.constant 1 : i32
    %dma_start3A_19 = arith.constant 0 : i32
    %dma_start3A_20 = tpu.memref_slice %arg13[%dma_start3A_18, %dma_start3A_19] : memref<5x128xi32, #tpu.memory_space<vmem>> -> memref<1x128xi32, #tpu.memory_space<vmem>>
    %dma_start3A_21 = tpu.memref_squeeze %dma_start3A_20 : memref<1x128xi32, #tpu.memory_space<vmem>> -> memref<128xi32, #tpu.memory_space<vmem>>
    %dma_start3A_22 = arith.constant 0 : i32
    %dma_start3A_23 = arith.constant 0 : i32
    %dma_start3A_24 = tpu.memref_slice %arg2[%dma_start3A_22, %dma_start3A_23] : memref<40960x32xf32, #tpu.memory_space<hbm>> -> memref<40960x32xf32, #tpu.memory_space<hbm>>
    tpu.enqueue_indirect_dma source(%dma_start3A_24 : memref<40960x32xf32, #tpu.memory_space<hbm>>) target(%arg14 : memref<128x32xf32, #tpu.memory_space<vmem>>) offsets(%dma_start3A_21 : memref<128xi32, #tpu.memory_space<vmem>>) semaphore(%arg17 : memref<!tpu.dma_semaphore, #tpu.memory_space<semaphore_mem>>)
    %dma_wait3A_25 = arith.constant 1 : i32
    %dma_wait3A_26 = arith.constant 0 : i32
    %dma_wait3A_27 = tpu.memref_slice %arg13[%dma_wait3A_25, %dma_wait3A_26] : memref<5x128xi32, #tpu.memory_space<vmem>> -> memref<1x128xi32, #tpu.memory_space<vmem>>
    %dma_wait3A_28 = tpu.memref_squeeze %dma_wait3A_27 : memref<1x128xi32, #tpu.memory_space<vmem>> -> memref<128xi32, #tpu.memory_space<vmem>>
    %dma_wait3A_29 = arith.constant 0 : i32
    %dma_wait3A_30 = arith.constant 0 : i32
    %dma_wait3A_31 = tpu.memref_slice %arg2[%dma_wait3A_29, %dma_wait3A_30] : memref<40960x32xf32, #tpu.memory_space<hbm>> -> memref<40960x32xf32, #tpu.memory_space<hbm>>
    tpu.wait_indirect_dma semaphore(%arg17 : memref<!tpu.dma_semaphore, #tpu.memory_space<semaphore_mem>>) src(%dma_wait3A_31 : memref<40960x32xf32, #tpu.memory_space<hbm>>) dst(%arg14 : memref<128x32xf32, #tpu.memory_space<vmem>>)
    %mul3A_32 = arith.constant 640 : i32
    %mul3A_33 = arith.muli %arg1, %mul3A_32 : i32
    %add3A_34 = arith.constant 128 : i32
    %add3A_35 = arith.addi %mul3A_33, %add3A_34 : i32
    "tpu.region"() ({
      %run_scoped3A = tpu.sem_alloc : memref<!tpu.dma_semaphore, #tpu.memory_space<semaphore_mem>>
      %dma_start3A_490 = arith.constant 0 : i32
      %dma_start3A_491 = tpu.memref_slice %arg15[%add3A_35, %dma_start3A_490] : memref<10240x32xf32, #tpu.memory_space<vmem_shared>> -> memref<128x32xf32, #tpu.memory_space<vmem_shared>>
      %dma_start3A_492 = arith.constant 0 : i32
      %dma_start3A_493 = tpu.memref_slice %arg15[%add3A_35, %dma_start3A_492] : memref<10240x32xf32, #tpu.memory_space<vmem_shared>> -> memref<128x32xf32, #tpu.memory_space<vmem_shared>>
      tpu.enqueue_dma source(%arg14 : memref<128x32xf32, #tpu.memory_space<vmem>>) target(%dma_start3A_493 : memref<128x32xf32, #tpu.memory_space<vmem_shared>>) target_semaphore(%run_scoped3A : memref<!tpu.dma_semaphore, #tpu.memory_space<semaphore_mem>>)
      %dma_wait3A_494 = arith.constant 0 : i32
      %dma_wait3A_495 = tpu.memref_slice %arg15[%add3A_35, %dma_wait3A_494] : memref<10240x32xf32, #tpu.memory_space<vmem_shared>> -> memref<128x32xf32, #tpu.memory_space<vmem_shared>>
      %dma_wait3A_496 = arith.constant 0 : i32
      %dma_wait3A_497 = tpu.memref_slice %arg15[%add3A_35, %dma_wait3A_496] : memref<10240x32xf32, #tpu.memory_space<vmem_shared>> -> memref<128x32xf32, #tpu.memory_space<vmem_shared>>
      tpu.wait_dma2 semaphore(%run_scoped3A : memref<!tpu.dma_semaphore, #tpu.memory_space<semaphore_mem>>) src(%arg14 : memref<128x32xf32, #tpu.memory_space<vmem>>) dst(%dma_wait3A_497 : memref<128x32xf32, #tpu.memory_space<vmem_shared>>)
      tpu.yield
    }) : () -> ()
    "tpu.region"() ({
      %run_scoped3A = tpu.sem_alloc : memref<!tpu.dma_semaphore, #tpu.memory_space<semaphore_mem>>
      %dma_start3A_490 = arith.constant 0 : i32
      %dma_start3A_491 = tpu.memref_slice %arg16[%add3A_35, %dma_start3A_490] : memref<10240x32xf32, #tpu.memory_space<vmem_shared>> -> memref<128x32xf32, #tpu.memory_space<vmem_shared>>
      %dma_start3A_492 = arith.constant 0 : i32
      %dma_start3A_493 = tpu.memref_slice %arg16[%add3A_35, %dma_start3A_492] : memref<10240x32xf32, #tpu.memory_space<vmem_shared>> -> memref<128x32xf32, #tpu.memory_space<vmem_shared>>
      tpu.enqueue_dma source(%arg14 : memref<128x32xf32, #tpu.memory_space<vmem>>) target(%dma_start3A_493 : memref<128x32xf32, #tpu.memory_space<vmem_shared>>) target_semaphore(%run_scoped3A : memref<!tpu.dma_semaphore, #tpu.memory_space<semaphore_mem>>)
      %dma_wait3A_494 = arith.constant 0 : i32
      %dma_wait3A_495 = tpu.memref_slice %arg16[%add3A_35, %dma_wait3A_494] : memref<10240x32xf32, #tpu.memory_space<vmem_shared>> -> memref<128x32xf32, #tpu.memory_space<vmem_shared>>
      %dma_wait3A_496 = arith.constant 0 : i32
      %dma_wait3A_497 = tpu.memref_slice %arg16[%add3A_35, %dma_wait3A_496] : memref<10240x32xf32, #tpu.memory_space<vmem_shared>> -> memref<128x32xf32, #tpu.memory_space<vmem_shared>>
      tpu.wait_dma2 semaphore(%run_scoped3A : memref<!tpu.dma_semaphore, #tpu.memory_space<semaphore_mem>>) src(%arg14 : memref<128x32xf32, #tpu.memory_space<vmem>>) dst(%dma_wait3A_497 : memref<128x32xf32, #tpu.memory_space<vmem_shared>>)
      tpu.yield
    }) : () -> ()
    %dma_start3A_36 = arith.constant 2 : i32
    %dma_start3A_37 = arith.constant 0 : i32
    %dma_start3A_38 = tpu.memref_slice %arg13[%dma_start3A_36, %dma_start3A_37] : memref<5x128xi32, #tpu.memory_space<vmem>> -> memref<1x128xi32, #tpu.memory_space<vmem>>
    %dma_start3A_39 = tpu.memref_squeeze %dma_start3A_38 : memref<1x128xi32, #tpu.memory_space<vmem>> -> memref<128xi32, #tpu.memory_space<vmem>>
    %dma_start3A_40 = arith.constant 0 : i32
    %dma_start3A_41 = arith.constant 0 : i32
    %dma_start3A_42 = tpu.memref_slice %arg2[%dma_start3A_40, %dma_start3A_41] : memref<40960x32xf32, #tpu.memory_space<hbm>> -> memref<40960x32xf32, #tpu.memory_space<hbm>>
    tpu.enqueue_indirect_dma source(%dma_start3A_42 : memref<40960x32xf32, #tpu.memory_space<hbm>>) target(%arg14 : memref<128x32xf32, #tpu.memory_space<vmem>>) offsets(%dma_start3A_39 : memref<128xi32, #tpu.memory_space<vmem>>) semaphore(%arg17 : memref<!tpu.dma_semaphore, #tpu.memory_space<semaphore_mem>>)
    %dma_wait3A_43 = arith.constant 2 : i32
    %dma_wait3A_44 = arith.constant 0 : i32
    %dma_wait3A_45 = tpu.memref_slice %arg13[%dma_wait3A_43, %dma_wait3A_44] : memref<5x128xi32, #tpu.memory_space<vmem>> -> memref<1x128xi32, #tpu.memory_space<vmem>>
    %dma_wait3A_46 = tpu.memref_squeeze %dma_wait3A_45 : memref<1x128xi32, #tpu.memory_space<vmem>> -> memref<128xi32, #tpu.memory_space<vmem>>
    %dma_wait3A_47 = arith.constant 0 : i32
    %dma_wait3A_48 = arith.constant 0 : i32
    %dma_wait3A_49 = tpu.memref_slice %arg2[%dma_wait3A_47, %dma_wait3A_48] : memref<40960x32xf32, #tpu.memory_space<hbm>> -> memref<40960x32xf32, #tpu.memory_space<hbm>>
    tpu.wait_indirect_dma semaphore(%arg17 : memref<!tpu.dma_semaphore, #tpu.memory_space<semaphore_mem>>) src(%dma_wait3A_49 : memref<40960x32xf32, #tpu.memory_space<hbm>>) dst(%arg14 : memref<128x32xf32, #tpu.memory_space<vmem>>)
    %mul3A_50 = arith.constant 640 : i32
    %mul3A_51 = arith.muli %arg1, %mul3A_50 : i32
    %add3A_52 = arith.constant 256 : i32
    %add3A_53 = arith.addi %mul3A_51, %add3A_52 : i32
    "tpu.region"() ({
      %run_scoped3A = tpu.sem_alloc : memref<!tpu.dma_semaphore, #tpu.memory_space<semaphore_mem>>
      %dma_start3A_490 = arith.constant 0 : i32
      %dma_start3A_491 = tpu.memref_slice %arg15[%add3A_53, %dma_start3A_490] : memref<10240x32xf32, #tpu.memory_space<vmem_shared>> -> memref<128x32xf32, #tpu.memory_space<vmem_shared>>
      %dma_start3A_492 = arith.constant 0 : i32
      %dma_start3A_493 = tpu.memref_slice %arg15[%add3A_53, %dma_start3A_492] : memref<10240x32xf32, #tpu.memory_space<vmem_shared>> -> memref<128x32xf32, #tpu.memory_space<vmem_shared>>
      tpu.enqueue_dma source(%arg14 : memref<128x32xf32, #tpu.memory_space<vmem>>) target(%dma_start3A_493 : memref<128x32xf32, #tpu.memory_space<vmem_shared>>) target_semaphore(%run_scoped3A : memref<!tpu.dma_semaphore, #tpu.memory_space<semaphore_mem>>)
      %dma_wait3A_494 = arith.constant 0 : i32
      %dma_wait3A_495 = tpu.memref_slice %arg15[%add3A_53, %dma_wait3A_494] : memref<10240x32xf32, #tpu.memory_space<vmem_shared>> -> memref<128x32xf32, #tpu.memory_space<vmem_shared>>
      %dma_wait3A_496 = arith.constant 0 : i32
      %dma_wait3A_497 = tpu.memref_slice %arg15[%add3A_53, %dma_wait3A_496] : memref<10240x32xf32, #tpu.memory_space<vmem_shared>> -> memref<128x32xf32, #tpu.memory_space<vmem_shared>>
      tpu.wait_dma2 semaphore(%run_scoped3A : memref<!tpu.dma_semaphore, #tpu.memory_space<semaphore_mem>>) src(%arg14 : memref<128x32xf32, #tpu.memory_space<vmem>>) dst(%dma_wait3A_497 : memref<128x32xf32, #tpu.memory_space<vmem_shared>>)
      tpu.yield
    }) : () -> ()
    "tpu.region"() ({
      %run_scoped3A = tpu.sem_alloc : memref<!tpu.dma_semaphore, #tpu.memory_space<semaphore_mem>>
      %dma_start3A_490 = arith.constant 0 : i32
      %dma_start3A_491 = tpu.memref_slice %arg16[%add3A_53, %dma_start3A_490] : memref<10240x32xf32, #tpu.memory_space<vmem_shared>> -> memref<128x32xf32, #tpu.memory_space<vmem_shared>>
      %dma_start3A_492 = arith.constant 0 : i32
      %dma_start3A_493 = tpu.memref_slice %arg16[%add3A_53, %dma_start3A_492] : memref<10240x32xf32, #tpu.memory_space<vmem_shared>> -> memref<128x32xf32, #tpu.memory_space<vmem_shared>>
      tpu.enqueue_dma source(%arg14 : memref<128x32xf32, #tpu.memory_space<vmem>>) target(%dma_start3A_493 : memref<128x32xf32, #tpu.memory_space<vmem_shared>>) target_semaphore(%run_scoped3A : memref<!tpu.dma_semaphore, #tpu.memory_space<semaphore_mem>>)
      %dma_wait3A_494 = arith.constant 0 : i32
      %dma_wait3A_495 = tpu.memref_slice %arg16[%add3A_53, %dma_wait3A_494] : memref<10240x32xf32, #tpu.memory_space<vmem_shared>> -> memref<128x32xf32, #tpu.memory_space<vmem_shared>>
      %dma_wait3A_496 = arith.constant 0 : i32
      %dma_wait3A_497 = tpu.memref_slice %arg16[%add3A_53, %dma_wait3A_496] : memref<10240x32xf32, #tpu.memory_space<vmem_shared>> -> memref<128x32xf32, #tpu.memory_space<vmem_shared>>
      tpu.wait_dma2 semaphore(%run_scoped3A : memref<!tpu.dma_semaphore, #tpu.memory_space<semaphore_mem>>) src(%arg14 : memref<128x32xf32, #tpu.memory_space<vmem>>) dst(%dma_wait3A_497 : memref<128x32xf32, #tpu.memory_space<vmem_shared>>)
      tpu.yield
    }) : () -> ()
    %dma_start3A_54 = arith.constant 3 : i32
    %dma_start3A_55 = arith.constant 0 : i32
    %dma_start3A_56 = tpu.memref_slice %arg13[%dma_start3A_54, %dma_start3A_55] : memref<5x128xi32, #tpu.memory_space<vmem>> -> memref<1x128xi32, #tpu.memory_space<vmem>>
    %dma_start3A_57 = tpu.memref_squeeze %dma_start3A_56 : memref<1x128xi32, #tpu.memory_space<vmem>> -> memref<128xi32, #tpu.memory_space<vmem>>
    %dma_start3A_58 = arith.constant 0 : i32
    %dma_start3A_59 = arith.constant 0 : i32
    %dma_start3A_60 = tpu.memref_slice %arg2[%dma_start3A_58, %dma_start3A_59] : memref<40960x32xf32, #tpu.memory_space<hbm>> -> memref<40960x32xf32, #tpu.memory_space<hbm>>
    tpu.enqueue_indirect_dma source(%dma_start3A_60 : memref<40960x32xf32, #tpu.memory_space<hbm>>) target(%arg14 : memref<128x32xf32, #tpu.memory_space<vmem>>) offsets(%dma_start3A_57 : memref<128xi32, #tpu.memory_space<vmem>>) semaphore(%arg17 : memref<!tpu.dma_semaphore, #tpu.memory_space<semaphore_mem>>)
    %dma_wait3A_61 = arith.constant 3 : i32
    %dma_wait3A_62 = arith.constant 0 : i32
    %dma_wait3A_63 = tpu.memref_slice %arg13[%dma_wait3A_61, %dma_wait3A_62] : memref<5x128xi32, #tpu.memory_space<vmem>> -> memref<1x128xi32, #tpu.memory_space<vmem>>
    %dma_wait3A_64 = tpu.memref_squeeze %dma_wait3A_63 : memref<1x128xi32, #tpu.memory_space<vmem>> -> memref<128xi32, #tpu.memory_space<vmem>>
    %dma_wait3A_65 = arith.constant 0 : i32
    %dma_wait3A_66 = arith.constant 0 : i32
    %dma_wait3A_67 = tpu.memref_slice %arg2[%dma_wait3A_65, %dma_wait3A_66] : memref<40960x32xf32, #tpu.memory_space<hbm>> -> memref<40960x32xf32, #tpu.memory_space<hbm>>
    tpu.wait_indirect_dma semaphore(%arg17 : memref<!tpu.dma_semaphore, #tpu.memory_space<semaphore_mem>>) src(%dma_wait3A_67 : memref<40960x32xf32, #tpu.memory_space<hbm>>) dst(%arg14 : memref<128x32xf32, #tpu.memory_space<vmem>>)
    %mul3A_68 = arith.constant 640 : i32
    %mul3A_69 = arith.muli %arg1, %mul3A_68 : i32
    %add3A_70 = arith.constant 384 : i32
    %add3A_71 = arith.addi %mul3A_69, %add3A_70 : i32
    "tpu.region"() ({
      %run_scoped3A = tpu.sem_alloc : memref<!tpu.dma_semaphore, #tpu.memory_space<semaphore_mem>>
      %dma_start3A_490 = arith.constant 0 : i32
      %dma_start3A_491 = tpu.memref_slice %arg15[%add3A_71, %dma_start3A_490] : memref<10240x32xf32, #tpu.memory_space<vmem_shared>> -> memref<128x32xf32, #tpu.memory_space<vmem_shared>>
      %dma_start3A_492 = arith.constant 0 : i32
      %dma_start3A_493 = tpu.memref_slice %arg15[%add3A_71, %dma_start3A_492] : memref<10240x32xf32, #tpu.memory_space<vmem_shared>> -> memref<128x32xf32, #tpu.memory_space<vmem_shared>>
      tpu.enqueue_dma source(%arg14 : memref<128x32xf32, #tpu.memory_space<vmem>>) target(%dma_start3A_493 : memref<128x32xf32, #tpu.memory_space<vmem_shared>>) target_semaphore(%run_scoped3A : memref<!tpu.dma_semaphore, #tpu.memory_space<semaphore_mem>>)
      %dma_wait3A_494 = arith.constant 0 : i32
      %dma_wait3A_495 = tpu.memref_slice %arg15[%add3A_71, %dma_wait3A_494] : memref<10240x32xf32, #tpu.memory_space<vmem_shared>> -> memref<128x32xf32, #tpu.memory_space<vmem_shared>>
      %dma_wait3A_496 = arith.constant 0 : i32
      %dma_wait3A_497 = tpu.memref_slice %arg15[%add3A_71, %dma_wait3A_496] : memref<10240x32xf32, #tpu.memory_space<vmem_shared>> -> memref<128x32xf32, #tpu.memory_space<vmem_shared>>
      tpu.wait_dma2 semaphore(%run_scoped3A : memref<!tpu.dma_semaphore, #tpu.memory_space<semaphore_mem>>) src(%arg14 : memref<128x32xf32, #tpu.memory_space<vmem>>) dst(%dma_wait3A_497 : memref<128x32xf32, #tpu.memory_space<vmem_shared>>)
      tpu.yield
    }) : () -> ()
    "tpu.region"() ({
      %run_scoped3A = tpu.sem_alloc : memref<!tpu.dma_semaphore, #tpu.memory_space<semaphore_mem>>
      %dma_start3A_490 = arith.constant 0 : i32
      %dma_start3A_491 = tpu.memref_slice %arg16[%add3A_71, %dma_start3A_490] : memref<10240x32xf32, #tpu.memory_space<vmem_shared>> -> memref<128x32xf32, #tpu.memory_space<vmem_shared>>
      %dma_start3A_492 = arith.constant 0 : i32
      %dma_start3A_493 = tpu.memref_slice %arg16[%add3A_71, %dma_start3A_492] : memref<10240x32xf32, #tpu.memory_space<vmem_shared>> -> memref<128x32xf32, #tpu.memory_space<vmem_shared>>
      tpu.enqueue_dma source(%arg14 : memref<128x32xf32, #tpu.memory_space<vmem>>) target(%dma_start3A_493 : memref<128x32xf32, #tpu.memory_space<vmem_shared>>) target_semaphore(%run_scoped3A : memref<!tpu.dma_semaphore, #tpu.memory_space<semaphore_mem>>)
      %dma_wait3A_494 = arith.constant 0 : i32
      %dma_wait3A_495 = tpu.memref_slice %arg16[%add3A_71, %dma_wait3A_494] : memref<10240x32xf32, #tpu.memory_space<vmem_shared>> -> memref<128x32xf32, #tpu.memory_space<vmem_shared>>
      %dma_wait3A_496 = arith.constant 0 : i32
      %dma_wait3A_497 = tpu.memref_slice %arg16[%add3A_71, %dma_wait3A_496] : memref<10240x32xf32, #tpu.memory_space<vmem_shared>> -> memref<128x32xf32, #tpu.memory_space<vmem_shared>>
      tpu.wait_dma2 semaphore(%run_scoped3A : memref<!tpu.dma_semaphore, #tpu.memory_space<semaphore_mem>>) src(%arg14 : memref<128x32xf32, #tpu.memory_space<vmem>>) dst(%dma_wait3A_497 : memref<128x32xf32, #tpu.memory_space<vmem_shared>>)
      tpu.yield
    }) : () -> ()
    %dma_start3A_72 = arith.constant 4 : i32
    %dma_start3A_73 = arith.constant 0 : i32
    %dma_start3A_74 = tpu.memref_slice %arg13[%dma_start3A_72, %dma_start3A_73] : memref<5x128xi32, #tpu.memory_space<vmem>> -> memref<1x128xi32, #tpu.memory_space<vmem>>
    %dma_start3A_75 = tpu.memref_squeeze %dma_start3A_74 : memref<1x128xi32, #tpu.memory_space<vmem>> -> memref<128xi32, #tpu.memory_space<vmem>>
    %dma_start3A_76 = arith.constant 0 : i32
    %dma_start3A_77 = arith.constant 0 : i32
    %dma_start3A_78 = tpu.memref_slice %arg2[%dma_start3A_76, %dma_start3A_77] : memref<40960x32xf32, #tpu.memory_space<hbm>> -> memref<40960x32xf32, #tpu.memory_space<hbm>>
    tpu.enqueue_indirect_dma source(%dma_start3A_78 : memref<40960x32xf32, #tpu.memory_space<hbm>>) target(%arg14 : memref<128x32xf32, #tpu.memory_space<vmem>>) offsets(%dma_start3A_75 : memref<128xi32, #tpu.memory_space<vmem>>) semaphore(%arg17 : memref<!tpu.dma_semaphore, #tpu.memory_space<semaphore_mem>>)
    %dma_wait3A_79 = arith.constant 4 : i32
    %dma_wait3A_80 = arith.constant 0 : i32
    %dma_wait3A_81 = tpu.memref_slice %arg13[%dma_wait3A_79, %dma_wait3A_80] : memref<5x128xi32, #tpu.memory_space<vmem>> -> memref<1x128xi32, #tpu.memory_space<vmem>>
    %dma_wait3A_82 = tpu.memref_squeeze %dma_wait3A_81 : memref<1x128xi32, #tpu.memory_space<vmem>> -> memref<128xi32, #tpu.memory_space<vmem>>
    %dma_wait3A_83 = arith.constant 0 : i32
    %dma_wait3A_84 = arith.constant 0 : i32
    %dma_wait3A_85 = tpu.memref_slice %arg2[%dma_wait3A_83, %dma_wait3A_84] : memref<40960x32xf32, #tpu.memory_space<hbm>> -> memref<40960x32xf32, #tpu.memory_space<hbm>>
    tpu.wait_indirect_dma semaphore(%arg17 : memref<!tpu.dma_semaphore, #tpu.memory_space<semaphore_mem>>) src(%dma_wait3A_85 : memref<40960x32xf32, #tpu.memory_space<hbm>>) dst(%arg14 : memref<128x32xf32, #tpu.memory_space<vmem>>)
    %mul3A_86 = arith.constant 640 : i32
    %mul3A_87 = arith.muli %arg1, %mul3A_86 : i32
    %add3A_88 = arith.constant 512 : i32
    %add3A_89 = arith.addi %mul3A_87, %add3A_88 : i32
    "tpu.region"() ({
      %run_scoped3A = tpu.sem_alloc : memref<!tpu.dma_semaphore, #tpu.memory_space<semaphore_mem>>
      %dma_start3A_490 = arith.constant 0 : i32
      %dma_start3A_491 = tpu.memref_slice %arg15[%add3A_89, %dma_start3A_490] : memref<10240x32xf32, #tpu.memory_space<vmem_shared>> -> memref<128x32xf32, #tpu.memory_space<vmem_shared>>
      %dma_start3A_492 = arith.constant 0 : i32
      %dma_start3A_493 = tpu.memref_slice %arg15[%add3A_89, %dma_start3A_492] : memref<10240x32xf32, #tpu.memory_space<vmem_shared>> -> memref<128x32xf32, #tpu.memory_space<vmem_shared>>
      tpu.enqueue_dma source(%arg14 : memref<128x32xf32, #tpu.memory_space<vmem>>) target(%dma_start3A_493 : memref<128x32xf32, #tpu.memory_space<vmem_shared>>) target_semaphore(%run_scoped3A : memref<!tpu.dma_semaphore, #tpu.memory_space<semaphore_mem>>)
      %dma_wait3A_494 = arith.constant 0 : i32
      %dma_wait3A_495 = tpu.memref_slice %arg15[%add3A_89, %dma_wait3A_494] : memref<10240x32xf32, #tpu.memory_space<vmem_shared>> -> memref<128x32xf32, #tpu.memory_space<vmem_shared>>
      %dma_wait3A_496 = arith.constant 0 : i32
      %dma_wait3A_497 = tpu.memref_slice %arg15[%add3A_89, %dma_wait3A_496] : memref<10240x32xf32, #tpu.memory_space<vmem_shared>> -> memref<128x32xf32, #tpu.memory_space<vmem_shared>>
      tpu.wait_dma2 semaphore(%run_scoped3A : memref<!tpu.dma_semaphore, #tpu.memory_space<semaphore_mem>>) src(%arg14 : memref<128x32xf32, #tpu.memory_space<vmem>>) dst(%dma_wait3A_497 : memref<128x32xf32, #tpu.memory_space<vmem_shared>>)
      tpu.yield
    }) : () -> ()
    "tpu.region"() ({
      %run_scoped3A = tpu.sem_alloc : memref<!tpu.dma_semaphore, #tpu.memory_space<semaphore_mem>>
      %dma_start3A_490 = arith.constant 0 : i32
      %dma_start3A_491 = tpu.memref_slice %arg16[%add3A_89, %dma_start3A_490] : memref<10240x32xf32, #tpu.memory_space<vmem_shared>> -> memref<128x32xf32, #tpu.memory_space<vmem_shared>>
      %dma_start3A_492 = arith.constant 0 : i32
      %dma_start3A_493 = tpu.memref_slice %arg16[%add3A_89, %dma_start3A_492] : memref<10240x32xf32, #tpu.memory_space<vmem_shared>> -> memref<128x32xf32, #tpu.memory_space<vmem_shared>>
      tpu.enqueue_dma source(%arg14 : memref<128x32xf32, #tpu.memory_space<vmem>>) target(%dma_start3A_493 : memref<128x32xf32, #tpu.memory_space<vmem_shared>>) target_semaphore(%run_scoped3A : memref<!tpu.dma_semaphore, #tpu.memory_space<semaphore_mem>>)
      %dma_wait3A_494 = arith.constant 0 : i32
      %dma_wait3A_495 = tpu.memref_slice %arg16[%add3A_89, %dma_wait3A_494] : memref<10240x32xf32, #tpu.memory_space<vmem_shared>> -> memref<128x32xf32, #tpu.memory_space<vmem_shared>>
      %dma_wait3A_496 = arith.constant 0 : i32
      %dma_wait3A_497 = tpu.memref_slice %arg16[%add3A_89, %dma_wait3A_496] : memref<10240x32xf32, #tpu.memory_space<vmem_shared>> -> memref<128x32xf32, #tpu.memory_space<vmem_shared>>
      tpu.wait_dma2 semaphore(%run_scoped3A : memref<!tpu.dma_semaphore, #tpu.memory_space<semaphore_mem>>) src(%arg14 : memref<128x32xf32, #tpu.memory_space<vmem>>) dst(%dma_wait3A_497 : memref<128x32xf32, #tpu.memory_space<vmem_shared>>)
      tpu.yield
    }) : () -> ()
    %barrier3A = arith.constant 0 : index
    tpu.barrier barrier_id(%barrier3A)
    %dma_start3A_90 = arith.constant 0 : i32
    %dma_start3A_91 = arith.constant 0 : i32
    %dma_start3A_92 = tpu.memref_slice %arg7[%dma_start3A_90, %dma_start3A_91] : memref<160x128xi32, #tpu.memory_space<vmem>> -> memref<1x128xi32, #tpu.memory_space<vmem>>
    %dma_start3A_93 = tpu.memref_squeeze %dma_start3A_92 : memref<1x128xi32, #tpu.memory_space<vmem>> -> memref<128xi32, #tpu.memory_space<vmem>>
    %dma_start3A_94 = arith.constant 0 : i32
    %dma_start3A_95 = arith.constant 0 : i32
    %dma_start3A_96 = tpu.memref_slice %arg15[%dma_start3A_94, %dma_start3A_95] : memref<10240x32xf32, #tpu.memory_space<vmem_shared>> -> memref<10240x32xf32, #tpu.memory_space<vmem_shared>>
    tpu.enqueue_indirect_dma source(%dma_start3A_96 : memref<10240x32xf32, #tpu.memory_space<vmem_shared>>) target(%arg9 : memref<128x32xf32, #tpu.memory_space<vmem>>) offsets(%dma_start3A_93 : memref<128xi32, #tpu.memory_space<vmem>>) semaphore(%arg17 : memref<!tpu.dma_semaphore, #tpu.memory_space<semaphore_mem>>)
    %dma_start3A_97 = arith.constant 1 : i32
    %dma_start3A_98 = arith.constant 0 : i32
    %dma_start3A_99 = tpu.memref_slice %arg7[%dma_start3A_97, %dma_start3A_98] : memref<160x128xi32, #tpu.memory_space<vmem>> -> memref<1x128xi32, #tpu.memory_space<vmem>>
    %dma_start3A_100 = tpu.memref_squeeze %dma_start3A_99 : memref<1x128xi32, #tpu.memory_space<vmem>> -> memref<128xi32, #tpu.memory_space<vmem>>
    %dma_start3A_101 = arith.constant 0 : i32
    %dma_start3A_102 = arith.constant 0 : i32
    %dma_start3A_103 = tpu.memref_slice %arg15[%dma_start3A_101, %dma_start3A_102] : memref<10240x32xf32, #tpu.memory_space<vmem_shared>> -> memref<10240x32xf32, #tpu.memory_space<vmem_shared>>
    tpu.enqueue_indirect_dma source(%dma_start3A_103 : memref<10240x32xf32, #tpu.memory_space<vmem_shared>>) target(%arg10 : memref<128x32xf32, #tpu.memory_space<vmem>>) offsets(%dma_start3A_100 : memref<128xi32, #tpu.memory_space<vmem>>) semaphore(%arg18 : memref<!tpu.dma_semaphore, #tpu.memory_space<semaphore_mem>>)
    %dma_start3A_104 = arith.constant 2 : i32
    %dma_start3A_105 = arith.constant 0 : i32
    %dma_start3A_106 = tpu.memref_slice %arg7[%dma_start3A_104, %dma_start3A_105] : memref<160x128xi32, #tpu.memory_space<vmem>> -> memref<1x128xi32, #tpu.memory_space<vmem>>
    %dma_start3A_107 = tpu.memref_squeeze %dma_start3A_106 : memref<1x128xi32, #tpu.memory_space<vmem>> -> memref<128xi32, #tpu.memory_space<vmem>>
    %dma_start3A_108 = arith.constant 0 : i32
    %dma_start3A_109 = arith.constant 0 : i32
    %dma_start3A_110 = tpu.memref_slice %arg15[%dma_start3A_108, %dma_start3A_109] : memref<10240x32xf32, #tpu.memory_space<vmem_shared>> -> memref<10240x32xf32, #tpu.memory_space<vmem_shared>>
    tpu.enqueue_indirect_dma source(%dma_start3A_110 : memref<10240x32xf32, #tpu.memory_space<vmem_shared>>) target(%arg11 : memref<128x32xf32, #tpu.memory_space<vmem>>) offsets(%dma_start3A_107 : memref<128xi32, #tpu.memory_space<vmem>>) semaphore(%arg19 : memref<!tpu.dma_semaphore, #tpu.memory_space<semaphore_mem>>)
    %dma_start3A_111 = arith.constant 3 : i32
    %dma_start3A_112 = arith.constant 0 : i32
    %dma_start3A_113 = tpu.memref_slice %arg7[%dma_start3A_111, %dma_start3A_112] : memref<160x128xi32, #tpu.memory_space<vmem>> -> memref<1x128xi32, #tpu.memory_space<vmem>>
    %dma_start3A_114 = tpu.memref_squeeze %dma_start3A_113 : memref<1x128xi32, #tpu.memory_space<vmem>> -> memref<128xi32, #tpu.memory_space<vmem>>
    %dma_start3A_115 = arith.constant 0 : i32
    %dma_start3A_116 = arith.constant 0 : i32
    %dma_start3A_117 = tpu.memref_slice %arg15[%dma_start3A_115, %dma_start3A_116] : memref<10240x32xf32, #tpu.memory_space<vmem_shared>> -> memref<10240x32xf32, #tpu.memory_space<vmem_shared>>
    tpu.enqueue_indirect_dma source(%dma_start3A_117 : memref<10240x32xf32, #tpu.memory_space<vmem_shared>>) target(%arg12 : memref<128x32xf32, #tpu.memory_space<vmem>>) offsets(%dma_start3A_114 : memref<128xi32, #tpu.memory_space<vmem>>) semaphore(%arg20 : memref<!tpu.dma_semaphore, #tpu.memory_space<semaphore_mem>>)
    %scan3A = arith.constant 0 : i32
    %scan3A_118 = arith.constant 0 : i32
    %scan3A_119 = arith.constant 40 : i32
    %scan3A_120 = arith.addi %scan3A_118, %scan3A_119 : i32
    %scan3A_121 = arith.constant 1 : i32
    scf.for %scan3A_490 = %scan3A_118 to %scan3A_120 step %scan3A_121  : i32 {
      %mul3A_491 = arith.constant 4 : i32
      %mul3A_492 = arith.muli %mul3A_491, %scan3A_490 : i32
      %add3A_493 = arith.constant 0 : i32
      %add3A_494 = arith.addi %mul3A_492, %add3A_493 : i32
      %dma_wait3A_495 = arith.constant 0 : i32
      %dma_wait3A_496 = tpu.memref_slice %arg7[%add3A_494, %dma_wait3A_495] : memref<160x128xi32, #tpu.memory_space<vmem>> -> memref<1x128xi32, #tpu.memory_space<vmem>>
      %dma_wait3A_497 = tpu.memref_squeeze %dma_wait3A_496 : memref<1x128xi32, #tpu.memory_space<vmem>> -> memref<128xi32, #tpu.memory_space<vmem>>
      %dma_wait3A_498 = arith.constant 0 : i32
      %dma_wait3A_499 = arith.constant 0 : i32
      %dma_wait3A_500 = tpu.memref_slice %arg15[%dma_wait3A_498, %dma_wait3A_499] : memref<10240x32xf32, #tpu.memory_space<vmem_shared>> -> memref<10240x32xf32, #tpu.memory_space<vmem_shared>>
      tpu.wait_indirect_dma semaphore(%arg17 : memref<!tpu.dma_semaphore, #tpu.memory_space<semaphore_mem>>) src(%dma_wait3A_500 : memref<10240x32xf32, #tpu.memory_space<vmem_shared>>) dst(%arg9 : memref<128x32xf32, #tpu.memory_space<vmem>>)
      %add3A_501 = arith.constant 0 : i32
      %add3A_502 = arith.addi %mul3A_492, %add3A_501 : i32
      %dma_start3A_503 = arith.constant 0 : i32
      %dma_start3A_504 = tpu.memref_slice %arg8[%add3A_502, %dma_start3A_503] : memref<160x128xi32, #tpu.memory_space<vmem>> -> memref<1x128xi32, #tpu.memory_space<vmem>>
      %dma_start3A_505 = tpu.memref_squeeze %dma_start3A_504 : memref<1x128xi32, #tpu.memory_space<vmem>> -> memref<128xi32, #tpu.memory_space<vmem>>
      %dma_start3A_506 = arith.constant 0 : i32
      %dma_start3A_507 = arith.constant 0 : i32
      %dma_start3A_508 = tpu.memref_slice %arg16[%dma_start3A_506, %dma_start3A_507] : memref<10240x32xf32, #tpu.memory_space<vmem_shared>> -> memref<10240x32xf32, #tpu.memory_space<vmem_shared>>
      tpu.enqueue_indirect_dma source(%arg9 : memref<128x32xf32, #tpu.memory_space<vmem>>) target(%dma_start3A_508 : memref<10240x32xf32, #tpu.memory_space<vmem_shared>>) offsets(%dma_start3A_505 : memref<128xi32, #tpu.memory_space<vmem>>) semaphore(%arg21 : memref<!tpu.dma_semaphore, #tpu.memory_space<semaphore_mem>>) {add = true}
      %add3A_509 = arith.constant 1 : i32
      %add3A_510 = arith.addi %mul3A_492, %add3A_509 : i32
      %dma_wait3A_511 = arith.constant 0 : i32
      %dma_wait3A_512 = tpu.memref_slice %arg7[%add3A_510, %dma_wait3A_511] : memref<160x128xi32, #tpu.memory_space<vmem>> -> memref<1x128xi32, #tpu.memory_space<vmem>>
      %dma_wait3A_513 = tpu.memref_squeeze %dma_wait3A_512 : memref<1x128xi32, #tpu.memory_space<vmem>> -> memref<128xi32, #tpu.memory_space<vmem>>
      %dma_wait3A_514 = arith.constant 0 : i32
      %dma_wait3A_515 = arith.constant 0 : i32
      %dma_wait3A_516 = tpu.memref_slice %arg15[%dma_wait3A_514, %dma_wait3A_515] : memref<10240x32xf32, #tpu.memory_space<vmem_shared>> -> memref<10240x32xf32, #tpu.memory_space<vmem_shared>>
      tpu.wait_indirect_dma semaphore(%arg18 : memref<!tpu.dma_semaphore, #tpu.memory_space<semaphore_mem>>) src(%dma_wait3A_516 : memref<10240x32xf32, #tpu.memory_space<vmem_shared>>) dst(%arg10 : memref<128x32xf32, #tpu.memory_space<vmem>>)
      %add3A_517 = arith.constant 1 : i32
      %add3A_518 = arith.addi %mul3A_492, %add3A_517 : i32
      %dma_start3A_519 = arith.constant 0 : i32
      %dma_start3A_520 = tpu.memref_slice %arg8[%add3A_518, %dma_start3A_519] : memref<160x128xi32, #tpu.memory_space<vmem>> -> memref<1x128xi32, #tpu.memory_space<vmem>>
      %dma_start3A_521 = tpu.memref_squeeze %dma_start3A_520 : memref<1x128xi32, #tpu.memory_space<vmem>> -> memref<128xi32, #tpu.memory_space<vmem>>
      %dma_start3A_522 = arith.constant 0 : i32
      %dma_start3A_523 = arith.constant 0 : i32
      %dma_start3A_524 = tpu.memref_slice %arg16[%dma_start3A_522, %dma_start3A_523] : memref<10240x32xf32, #tpu.memory_space<vmem_shared>> -> memref<10240x32xf32, #tpu.memory_space<vmem_shared>>
      tpu.enqueue_indirect_dma source(%arg10 : memref<128x32xf32, #tpu.memory_space<vmem>>) target(%dma_start3A_524 : memref<10240x32xf32, #tpu.memory_space<vmem_shared>>) offsets(%dma_start3A_521 : memref<128xi32, #tpu.memory_space<vmem>>) semaphore(%arg22 : memref<!tpu.dma_semaphore, #tpu.memory_space<semaphore_mem>>) {add = true}
      %add3A_525 = arith.constant 2 : i32
      %add3A_526 = arith.addi %mul3A_492, %add3A_525 : i32
      %dma_wait3A_527 = arith.constant 0 : i32
      %dma_wait3A_528 = tpu.memref_slice %arg7[%add3A_526, %dma_wait3A_527] : memref<160x128xi32, #tpu.memory_space<vmem>> -> memref<1x128xi32, #tpu.memory_space<vmem>>
      %dma_wait3A_529 = tpu.memref_squeeze %dma_wait3A_528 : memref<1x128xi32, #tpu.memory_space<vmem>> -> memref<128xi32, #tpu.memory_space<vmem>>
      %dma_wait3A_530 = arith.constant 0 : i32
      %dma_wait3A_531 = arith.constant 0 : i32
      %dma_wait3A_532 = tpu.memref_slice %arg15[%dma_wait3A_530, %dma_wait3A_531] : memref<10240x32xf32, #tpu.memory_space<vmem_shared>> -> memref<10240x32xf32, #tpu.memory_space<vmem_shared>>
      tpu.wait_indirect_dma semaphore(%arg19 : memref<!tpu.dma_semaphore, #tpu.memory_space<semaphore_mem>>) src(%dma_wait3A_532 : memref<10240x32xf32, #tpu.memory_space<vmem_shared>>) dst(%arg11 : memref<128x32xf32, #tpu.memory_space<vmem>>)
      %add3A_533 = arith.constant 2 : i32
      %add3A_534 = arith.addi %mul3A_492, %add3A_533 : i32
      %dma_start3A_535 = arith.constant 0 : i32
      %dma_start3A_536 = tpu.memref_slice %arg8[%add3A_534, %dma_start3A_535] : memref<160x128xi32, #tpu.memory_space<vmem>> -> memref<1x128xi32, #tpu.memory_space<vmem>>
      %dma_start3A_537 = tpu.memref_squeeze %dma_start3A_536 : memref<1x128xi32, #tpu.memory_space<vmem>> -> memref<128xi32, #tpu.memory_space<vmem>>
      %dma_start3A_538 = arith.constant 0 : i32
      %dma_start3A_539 = arith.constant 0 : i32
      %dma_start3A_540 = tpu.memref_slice %arg16[%dma_start3A_538, %dma_start3A_539] : memref<10240x32xf32, #tpu.memory_space<vmem_shared>> -> memref<10240x32xf32, #tpu.memory_space<vmem_shared>>
      tpu.enqueue_indirect_dma source(%arg11 : memref<128x32xf32, #tpu.memory_space<vmem>>) target(%dma_start3A_540 : memref<10240x32xf32, #tpu.memory_space<vmem_shared>>) offsets(%dma_start3A_537 : memref<128xi32, #tpu.memory_space<vmem>>) semaphore(%arg23 : memref<!tpu.dma_semaphore, #tpu.memory_space<semaphore_mem>>) {add = true}
      %add3A_541 = arith.constant 3 : i32
      %add3A_542 = arith.addi %mul3A_492, %add3A_541 : i32
      %dma_wait3A_543 = arith.constant 0 : i32
      %dma_wait3A_544 = tpu.memref_slice %arg7[%add3A_542, %dma_wait3A_543] : memref<160x128xi32, #tpu.memory_space<vmem>> -> memref<1x128xi32, #tpu.memory_space<vmem>>
      %dma_wait3A_545 = tpu.memref_squeeze %dma_wait3A_544 : memref<1x128xi32, #tpu.memory_space<vmem>> -> memref<128xi32, #tpu.memory_space<vmem>>
      %dma_wait3A_546 = arith.constant 0 : i32
      %dma_wait3A_547 = arith.constant 0 : i32
      %dma_wait3A_548 = tpu.memref_slice %arg15[%dma_wait3A_546, %dma_wait3A_547] : memref<10240x32xf32, #tpu.memory_space<vmem_shared>> -> memref<10240x32xf32, #tpu.memory_space<vmem_shared>>
      tpu.wait_indirect_dma semaphore(%arg20 : memref<!tpu.dma_semaphore, #tpu.memory_space<semaphore_mem>>) src(%dma_wait3A_548 : memref<10240x32xf32, #tpu.memory_space<vmem_shared>>) dst(%arg12 : memref<128x32xf32, #tpu.memory_space<vmem>>)
      %add3A_549 = arith.constant 3 : i32
      %add3A_550 = arith.addi %mul3A_492, %add3A_549 : i32
      %dma_start3A_551 = arith.constant 0 : i32
      %dma_start3A_552 = tpu.memref_slice %arg8[%add3A_550, %dma_start3A_551] : memref<160x128xi32, #tpu.memory_space<vmem>> -> memref<1x128xi32, #tpu.memory_space<vmem>>
      %dma_start3A_553 = tpu.memref_squeeze %dma_start3A_552 : memref<1x128xi32, #tpu.memory_space<vmem>> -> memref<128xi32, #tpu.memory_space<vmem>>
      %dma_start3A_554 = arith.constant 0 : i32
      %dma_start3A_555 = arith.constant 0 : i32
      %dma_start3A_556 = tpu.memref_slice %arg16[%dma_start3A_554, %dma_start3A_555] : memref<10240x32xf32, #tpu.memory_space<vmem_shared>> -> memref<10240x32xf32, #tpu.memory_space<vmem_shared>>
      tpu.enqueue_indirect_dma source(%arg12 : memref<128x32xf32, #tpu.memory_space<vmem>>) target(%dma_start3A_556 : memref<10240x32xf32, #tpu.memory_space<vmem_shared>>) offsets(%dma_start3A_553 : memref<128xi32, #tpu.memory_space<vmem>>) semaphore(%arg24 : memref<!tpu.dma_semaphore, #tpu.memory_space<semaphore_mem>>) {add = true}
      %lt3A = arith.constant 39 : i32
      %lt3A_557 = arith.cmpi slt, %scan3A_490, %lt3A : i32
      %convert_element_type3A = arith.extui %lt3A_557 : i1 to i32
      %cond3A = arith.constant 0 : i32
      %cond3A_558 = arith.cmpi ne, %convert_element_type3A, %cond3A : i32
      scf.if %cond3A_558 {
        %add3A_559 = arith.constant 0 : i32
        %add3A_560 = arith.addi %mul3A_492, %add3A_559 : i32
        %dma_wait3A_561 = arith.constant 0 : i32
        %dma_wait3A_562 = tpu.memref_slice %arg8[%add3A_560, %dma_wait3A_561] : memref<160x128xi32, #tpu.memory_space<vmem>> -> memref<1x128xi32, #tpu.memory_space<vmem>>
        %dma_wait3A_563 = tpu.memref_squeeze %dma_wait3A_562 : memref<1x128xi32, #tpu.memory_space<vmem>> -> memref<128xi32, #tpu.memory_space<vmem>>
        %dma_wait3A_564 = arith.constant 0 : i32
        %dma_wait3A_565 = arith.constant 0 : i32
        %dma_wait3A_566 = tpu.memref_slice %arg16[%dma_wait3A_564, %dma_wait3A_565] : memref<10240x32xf32, #tpu.memory_space<vmem_shared>> -> memref<10240x32xf32, #tpu.memory_space<vmem_shared>>
        tpu.wait_indirect_dma semaphore(%arg21 : memref<!tpu.dma_semaphore, #tpu.memory_space<semaphore_mem>>) src(%arg9 : memref<128x32xf32, #tpu.memory_space<vmem>>) dst(%dma_wait3A_566 : memref<10240x32xf32, #tpu.memory_space<vmem_shared>>)
        %add3A_567 = arith.constant 4 : i32
        %add3A_568 = arith.addi %mul3A_492, %add3A_567 : i32
        %add3A_569 = arith.constant 0 : i32
        %add3A_570 = arith.addi %add3A_568, %add3A_569 : i32
        %dma_start3A_571 = arith.constant 0 : i32
        %dma_start3A_572 = tpu.memref_slice %arg7[%add3A_570, %dma_start3A_571] : memref<160x128xi32, #tpu.memory_space<vmem>> -> memref<1x128xi32, #tpu.memory_space<vmem>>
        %dma_start3A_573 = tpu.memref_squeeze %dma_start3A_572 : memref<1x128xi32, #tpu.memory_space<vmem>> -> memref<128xi32, #tpu.memory_space<vmem>>
        %dma_start3A_574 = arith.constant 0 : i32
        %dma_start3A_575 = arith.constant 0 : i32
        %dma_start3A_576 = tpu.memref_slice %arg15[%dma_start3A_574, %dma_start3A_575] : memref<10240x32xf32, #tpu.memory_space<vmem_shared>> -> memref<10240x32xf32, #tpu.memory_space<vmem_shared>>
        tpu.enqueue_indirect_dma source(%dma_start3A_576 : memref<10240x32xf32, #tpu.memory_space<vmem_shared>>) target(%arg9 : memref<128x32xf32, #tpu.memory_space<vmem>>) offsets(%dma_start3A_573 : memref<128xi32, #tpu.memory_space<vmem>>) semaphore(%arg17 : memref<!tpu.dma_semaphore, #tpu.memory_space<semaphore_mem>>)
        %add3A_577 = arith.constant 1 : i32
        %add3A_578 = arith.addi %mul3A_492, %add3A_577 : i32
        %dma_wait3A_579 = arith.constant 0 : i32
        %dma_wait3A_580 = tpu.memref_slice %arg8[%add3A_578, %dma_wait3A_579] : memref<160x128xi32, #tpu.memory_space<vmem>> -> memref<1x128xi32, #tpu.memory_space<vmem>>
        %dma_wait3A_581 = tpu.memref_squeeze %dma_wait3A_580 : memref<1x128xi32, #tpu.memory_space<vmem>> -> memref<128xi32, #tpu.memory_space<vmem>>
        %dma_wait3A_582 = arith.constant 0 : i32
        %dma_wait3A_583 = arith.constant 0 : i32
        %dma_wait3A_584 = tpu.memref_slice %arg16[%dma_wait3A_582, %dma_wait3A_583] : memref<10240x32xf32, #tpu.memory_space<vmem_shared>> -> memref<10240x32xf32, #tpu.memory_space<vmem_shared>>
        tpu.wait_indirect_dma semaphore(%arg22 : memref<!tpu.dma_semaphore, #tpu.memory_space<semaphore_mem>>) src(%arg10 : memref<128x32xf32, #tpu.memory_space<vmem>>) dst(%dma_wait3A_584 : memref<10240x32xf32, #tpu.memory_space<vmem_shared>>)
        %add3A_585 = arith.constant 4 : i32
        %add3A_586 = arith.addi %mul3A_492, %add3A_585 : i32
        %add3A_587 = arith.constant 1 : i32
        %add3A_588 = arith.addi %add3A_586, %add3A_587 : i32
        %dma_start3A_589 = arith.constant 0 : i32
        %dma_start3A_590 = tpu.memref_slice %arg7[%add3A_588, %dma_start3A_589] : memref<160x128xi32, #tpu.memory_space<vmem>> -> memref<1x128xi32, #tpu.memory_space<vmem>>
        %dma_start3A_591 = tpu.memref_squeeze %dma_start3A_590 : memref<1x128xi32, #tpu.memory_space<vmem>> -> memref<128xi32, #tpu.memory_space<vmem>>
        %dma_start3A_592 = arith.constant 0 : i32
        %dma_start3A_593 = arith.constant 0 : i32
        %dma_start3A_594 = tpu.memref_slice %arg15[%dma_start3A_592, %dma_start3A_593] : memref<10240x32xf32, #tpu.memory_space<vmem_shared>> -> memref<10240x32xf32, #tpu.memory_space<vmem_shared>>
        tpu.enqueue_indirect_dma source(%dma_start3A_594 : memref<10240x32xf32, #tpu.memory_space<vmem_shared>>) target(%arg10 : memref<128x32xf32, #tpu.memory_space<vmem>>) offsets(%dma_start3A_591 : memref<128xi32, #tpu.memory_space<vmem>>) semaphore(%arg18 : memref<!tpu.dma_semaphore, #tpu.memory_space<semaphore_mem>>)
        %add3A_595 = arith.constant 2 : i32
        %add3A_596 = arith.addi %mul3A_492, %add3A_595 : i32
        %dma_wait3A_597 = arith.constant 0 : i32
        %dma_wait3A_598 = tpu.memref_slice %arg8[%add3A_596, %dma_wait3A_597] : memref<160x128xi32, #tpu.memory_space<vmem>> -> memref<1x128xi32, #tpu.memory_space<vmem>>
        %dma_wait3A_599 = tpu.memref_squeeze %dma_wait3A_598 : memref<1x128xi32, #tpu.memory_space<vmem>> -> memref<128xi32, #tpu.memory_space<vmem>>
        %dma_wait3A_600 = arith.constant 0 : i32
        %dma_wait3A_601 = arith.constant 0 : i32
        %dma_wait3A_602 = tpu.memref_slice %arg16[%dma_wait3A_600, %dma_wait3A_601] : memref<10240x32xf32, #tpu.memory_space<vmem_shared>> -> memref<10240x32xf32, #tpu.memory_space<vmem_shared>>
        tpu.wait_indirect_dma semaphore(%arg23 : memref<!tpu.dma_semaphore, #tpu.memory_space<semaphore_mem>>) src(%arg11 : memref<128x32xf32, #tpu.memory_space<vmem>>) dst(%dma_wait3A_602 : memref<10240x32xf32, #tpu.memory_space<vmem_shared>>)
        %add3A_603 = arith.constant 4 : i32
        %add3A_604 = arith.addi %mul3A_492, %add3A_603 : i32
        %add3A_605 = arith.constant 2 : i32
        %add3A_606 = arith.addi %add3A_604, %add3A_605 : i32
        %dma_start3A_607 = arith.constant 0 : i32
        %dma_start3A_608 = tpu.memref_slice %arg7[%add3A_606, %dma_start3A_607] : memref<160x128xi32, #tpu.memory_space<vmem>> -> memref<1x128xi32, #tpu.memory_space<vmem>>
        %dma_start3A_609 = tpu.memref_squeeze %dma_start3A_608 : memref<1x128xi32, #tpu.memory_space<vmem>> -> memref<128xi32, #tpu.memory_space<vmem>>
        %dma_start3A_610 = arith.constant 0 : i32
        %dma_start3A_611 = arith.constant 0 : i32
        %dma_start3A_612 = tpu.memref_slice %arg15[%dma_start3A_610, %dma_start3A_611] : memref<10240x32xf32, #tpu.memory_space<vmem_shared>> -> memref<10240x32xf32, #tpu.memory_space<vmem_shared>>
        tpu.enqueue_indirect_dma source(%dma_start3A_612 : memref<10240x32xf32, #tpu.memory_space<vmem_shared>>) target(%arg11 : memref<128x32xf32, #tpu.memory_space<vmem>>) offsets(%dma_start3A_609 : memref<128xi32, #tpu.memory_space<vmem>>) semaphore(%arg19 : memref<!tpu.dma_semaphore, #tpu.memory_space<semaphore_mem>>)
        %add3A_613 = arith.constant 3 : i32
        %add3A_614 = arith.addi %mul3A_492, %add3A_613 : i32
        %dma_wait3A_615 = arith.constant 0 : i32
        %dma_wait3A_616 = tpu.memref_slice %arg8[%add3A_614, %dma_wait3A_615] : memref<160x128xi32, #tpu.memory_space<vmem>> -> memref<1x128xi32, #tpu.memory_space<vmem>>
        %dma_wait3A_617 = tpu.memref_squeeze %dma_wait3A_616 : memref<1x128xi32, #tpu.memory_space<vmem>> -> memref<128xi32, #tpu.memory_space<vmem>>
        %dma_wait3A_618 = arith.constant 0 : i32
        %dma_wait3A_619 = arith.constant 0 : i32
        %dma_wait3A_620 = tpu.memref_slice %arg16[%dma_wait3A_618, %dma_wait3A_619] : memref<10240x32xf32, #tpu.memory_space<vmem_shared>> -> memref<10240x32xf32, #tpu.memory_space<vmem_shared>>
        tpu.wait_indirect_dma semaphore(%arg24 : memref<!tpu.dma_semaphore, #tpu.memory_space<semaphore_mem>>) src(%arg12 : memref<128x32xf32, #tpu.memory_space<vmem>>) dst(%dma_wait3A_620 : memref<10240x32xf32, #tpu.memory_space<vmem_shared>>)
        %add3A_621 = arith.constant 4 : i32
        %add3A_622 = arith.addi %mul3A_492, %add3A_621 : i32
        %add3A_623 = arith.constant 3 : i32
        %add3A_624 = arith.addi %add3A_622, %add3A_623 : i32
        %dma_start3A_625 = arith.constant 0 : i32
        %dma_start3A_626 = tpu.memref_slice %arg7[%add3A_624, %dma_start3A_625] : memref<160x128xi32, #tpu.memory_space<vmem>> -> memref<1x128xi32, #tpu.memory_space<vmem>>
        %dma_start3A_627 = tpu.memref_squeeze %dma_start3A_626 : memref<1x128xi32, #tpu.memory_space<vmem>> -> memref<128xi32, #tpu.memory_space<vmem>>
        %dma_start3A_628 = arith.constant 0 : i32
        %dma_start3A_629 = arith.constant 0 : i32
        %dma_start3A_630 = tpu.memref_slice %arg15[%dma_start3A_628, %dma_start3A_629] : memref<10240x32xf32, #tpu.memory_space<vmem_shared>> -> memref<10240x32xf32, #tpu.memory_space<vmem_shared>>
        tpu.enqueue_indirect_dma source(%dma_start3A_630 : memref<10240x32xf32, #tpu.memory_space<vmem_shared>>) target(%arg12 : memref<128x32xf32, #tpu.memory_space<vmem>>) offsets(%dma_start3A_627 : memref<128xi32, #tpu.memory_space<vmem>>) semaphore(%arg20 : memref<!tpu.dma_semaphore, #tpu.memory_space<semaphore_mem>>)
      } else {
      }
    }
    %scan3A_122 = arith.constant 40 : i32
    %dma_wait3A_123 = arith.constant 156 : i32
    %dma_wait3A_124 = arith.constant 0 : i32
    %dma_wait3A_125 = tpu.memref_slice %arg8[%dma_wait3A_123, %dma_wait3A_124] : memref<160x128xi32, #tpu.memory_space<vmem>> -> memref<1x128xi32, #tpu.memory_space<vmem>>
    %dma_wait3A_126 = tpu.memref_squeeze %dma_wait3A_125 : memref<1x128xi32, #tpu.memory_space<vmem>> -> memref<128xi32, #tpu.memory_space<vmem>>
    %dma_wait3A_127 = arith.constant 0 : i32
    %dma_wait3A_128 = arith.constant 0 : i32
    %dma_wait3A_129 = tpu.memref_slice %arg16[%dma_wait3A_127, %dma_wait3A_128] : memref<10240x32xf32, #tpu.memory_space<vmem_shared>> -> memref<10240x32xf32, #tpu.memory_space<vmem_shared>>
    tpu.wait_indirect_dma semaphore(%arg21 : memref<!tpu.dma_semaphore, #tpu.memory_space<semaphore_mem>>) src(%arg9 : memref<128x32xf32, #tpu.memory_space<vmem>>) dst(%dma_wait3A_129 : memref<10240x32xf32, #tpu.memory_space<vmem_shared>>)
    %dma_wait3A_130 = arith.constant 157 : i32
    %dma_wait3A_131 = arith.constant 0 : i32
    %dma_wait3A_132 = tpu.memref_slice %arg8[%dma_wait3A_130, %dma_wait3A_131] : memref<160x128xi32, #tpu.memory_space<vmem>> -> memref<1x128xi32, #tpu.memory_space<vmem>>
    %dma_wait3A_133 = tpu.memref_squeeze %dma_wait3A_132 : memref<1x128xi32, #tpu.memory_space<vmem>> -> memref<128xi32, #tpu.memory_space<vmem>>
    %dma_wait3A_134 = arith.constant 0 : i32
    %dma_wait3A_135 = arith.constant 0 : i32
    %dma_wait3A_136 = tpu.memref_slice %arg16[%dma_wait3A_134, %dma_wait3A_135] : memref<10240x32xf32, #tpu.memory_space<vmem_shared>> -> memref<10240x32xf32, #tpu.memory_space<vmem_shared>>
    tpu.wait_indirect_dma semaphore(%arg22 : memref<!tpu.dma_semaphore, #tpu.memory_space<semaphore_mem>>) src(%arg10 : memref<128x32xf32, #tpu.memory_space<vmem>>) dst(%dma_wait3A_136 : memref<10240x32xf32, #tpu.memory_space<vmem_shared>>)
    %dma_wait3A_137 = arith.constant 158 : i32
    %dma_wait3A_138 = arith.constant 0 : i32
    %dma_wait3A_139 = tpu.memref_slice %arg8[%dma_wait3A_137, %dma_wait3A_138] : memref<160x128xi32, #tpu.memory_space<vmem>> -> memref<1x128xi32, #tpu.memory_space<vmem>>
    %dma_wait3A_140 = tpu.memref_squeeze %dma_wait3A_139 : memref<1x128xi32, #tpu.memory_space<vmem>> -> memref<128xi32, #tpu.memory_space<vmem>>
    %dma_wait3A_141 = arith.constant 0 : i32
    %dma_wait3A_142 = arith.constant 0 : i32
    %dma_wait3A_143 = tpu.memref_slice %arg16[%dma_wait3A_141, %dma_wait3A_142] : memref<10240x32xf32, #tpu.memory_space<vmem_shared>> -> memref<10240x32xf32, #tpu.memory_space<vmem_shared>>
    tpu.wait_indirect_dma semaphore(%arg23 : memref<!tpu.dma_semaphore, #tpu.memory_space<semaphore_mem>>) src(%arg11 : memref<128x32xf32, #tpu.memory_space<vmem>>) dst(%dma_wait3A_143 : memref<10240x32xf32, #tpu.memory_space<vmem_shared>>)
    %dma_wait3A_144 = arith.constant 159 : i32
    %dma_wait3A_145 = arith.constant 0 : i32
    %dma_wait3A_146 = tpu.memref_slice %arg8[%dma_wait3A_144, %dma_wait3A_145] : memref<160x128xi32, #tpu.memory_space<vmem>> -> memref<1x128xi32, #tpu.memory_space<vmem>>
    %dma_wait3A_147 = tpu.memref_squeeze %dma_wait3A_146 : memref<1x128xi32, #tpu.memory_space<vmem>> -> memref<128xi32, #tpu.memory_space<vmem>>
    %dma_wait3A_148 = arith.constant 0 : i32
    %dma_wait3A_149 = arith.constant 0 : i32
    %dma_wait3A_150 = tpu.memref_slice %arg16[%dma_wait3A_148, %dma_wait3A_149] : memref<10240x32xf32, #tpu.memory_space<vmem_shared>> -> memref<10240x32xf32, #tpu.memory_space<vmem_shared>>
    tpu.wait_indirect_dma semaphore(%arg24 : memref<!tpu.dma_semaphore, #tpu.memory_space<semaphore_mem>>) src(%arg12 : memref<128x32xf32, #tpu.memory_space<vmem>>) dst(%dma_wait3A_150 : memref<10240x32xf32, #tpu.memory_space<vmem_shared>>)
    %barrier3A_151 = arith.constant 0 : index
    tpu.barrier barrier_id(%barrier3A_151)
    %mul3A_152 = arith.constant 640 : i32
    %mul3A_153 = arith.muli %arg1, %mul3A_152 : i32
    %add3A_154 = arith.constant 0 : i32
    %add3A_155 = arith.addi %mul3A_153, %add3A_154 : i32
    "tpu.region"() ({
      %run_scoped3A = tpu.sem_alloc : memref<!tpu.dma_semaphore, #tpu.memory_space<semaphore_mem>>
      %dma_start3A_490 = arith.constant 0 : i32
      %dma_start3A_491 = tpu.memref_slice %arg16[%add3A_155, %dma_start3A_490] : memref<10240x32xf32, #tpu.memory_space<vmem_shared>> -> memref<128x32xf32, #tpu.memory_space<vmem_shared>>
      %dma_start3A_492 = arith.constant 0 : i32
      %dma_start3A_493 = tpu.memref_slice %arg16[%add3A_155, %dma_start3A_492] : memref<10240x32xf32, #tpu.memory_space<vmem_shared>> -> memref<128x32xf32, #tpu.memory_space<vmem_shared>>
      tpu.enqueue_dma source(%dma_start3A_493 : memref<128x32xf32, #tpu.memory_space<vmem_shared>>) target(%arg14 : memref<128x32xf32, #tpu.memory_space<vmem>>) target_semaphore(%run_scoped3A : memref<!tpu.dma_semaphore, #tpu.memory_space<semaphore_mem>>)
      %dma_wait3A_494 = arith.constant 0 : i32
      %dma_wait3A_495 = tpu.memref_slice %arg16[%add3A_155, %dma_wait3A_494] : memref<10240x32xf32, #tpu.memory_space<vmem_shared>> -> memref<128x32xf32, #tpu.memory_space<vmem_shared>>
      %dma_wait3A_496 = arith.constant 0 : i32
      %dma_wait3A_497 = tpu.memref_slice %arg16[%add3A_155, %dma_wait3A_496] : memref<10240x32xf32, #tpu.memory_space<vmem_shared>> -> memref<128x32xf32, #tpu.memory_space<vmem_shared>>
      tpu.wait_dma2 semaphore(%run_scoped3A : memref<!tpu.dma_semaphore, #tpu.memory_space<semaphore_mem>>) src(%dma_wait3A_497 : memref<128x32xf32, #tpu.memory_space<vmem_shared>>) dst(%arg14 : memref<128x32xf32, #tpu.memory_space<vmem>>)
      tpu.yield
    }) : () -> ()
    %dma_start3A_156 = arith.constant 0 : i32
    %dma_start3A_157 = arith.constant 0 : i32
    %dma_start3A_158 = tpu.memref_slice %arg13[%dma_start3A_156, %dma_start3A_157] : memref<5x128xi32, #tpu.memory_space<vmem>> -> memref<1x128xi32, #tpu.memory_space<vmem>>
    %dma_start3A_159 = tpu.memref_squeeze %dma_start3A_158 : memref<1x128xi32, #tpu.memory_space<vmem>> -> memref<128xi32, #tpu.memory_space<vmem>>
    %dma_start3A_160 = arith.constant 0 : i32
    %dma_start3A_161 = arith.constant 0 : i32
    %dma_start3A_162 = tpu.memref_slice %arg6[%dma_start3A_160, %dma_start3A_161] : memref<40960x32xf32, #tpu.memory_space<hbm>> -> memref<40960x32xf32, #tpu.memory_space<hbm>>
    tpu.enqueue_indirect_dma source(%arg14 : memref<128x32xf32, #tpu.memory_space<vmem>>) target(%dma_start3A_162 : memref<40960x32xf32, #tpu.memory_space<hbm>>) offsets(%dma_start3A_159 : memref<128xi32, #tpu.memory_space<vmem>>) semaphore(%arg21 : memref<!tpu.dma_semaphore, #tpu.memory_space<semaphore_mem>>)
    %dma_wait3A_163 = arith.constant 0 : i32
    %dma_wait3A_164 = arith.constant 0 : i32
    %dma_wait3A_165 = tpu.memref_slice %arg13[%dma_wait3A_163, %dma_wait3A_164] : memref<5x128xi32, #tpu.memory_space<vmem>> -> memref<1x128xi32, #tpu.memory_space<vmem>>
    %dma_wait3A_166 = tpu.memref_squeeze %dma_wait3A_165 : memref<1x128xi32, #tpu.memory_space<vmem>> -> memref<128xi32, #tpu.memory_space<vmem>>
    %dma_wait3A_167 = arith.constant 0 : i32
    %dma_wait3A_168 = arith.constant 0 : i32
    %dma_wait3A_169 = tpu.memref_slice %arg6[%dma_wait3A_167, %dma_wait3A_168] : memref<40960x32xf32, #tpu.memory_space<hbm>> -> memref<40960x32xf32, #tpu.memory_space<hbm>>
    tpu.wait_indirect_dma semaphore(%arg21 : memref<!tpu.dma_semaphore, #tpu.memory_space<semaphore_mem>>) src(%arg14 : memref<128x32xf32, #tpu.memory_space<vmem>>) dst(%dma_wait3A_169 : memref<40960x32xf32, #tpu.memory_space<hbm>>)
    %mul3A_170 = arith.constant 640 : i32
    %mul3A_171 = arith.muli %arg1, %mul3A_170 : i32
    %add3A_172 = arith.constant 128 : i32
    %add3A_173 = arith.addi %mul3A_171, %add3A_172 : i32
    "tpu.region"() ({
      %run_scoped3A = tpu.sem_alloc : memref<!tpu.dma_semaphore, #tpu.memory_space<semaphore_mem>>
      %dma_start3A_490 = arith.constant 0 : i32
      %dma_start3A_491 = tpu.memref_slice %arg16[%add3A_173, %dma_start3A_490] : memref<10240x32xf32, #tpu.memory_space<vmem_shared>> -> memref<128x32xf32, #tpu.memory_space<vmem_shared>>
      %dma_start3A_492 = arith.constant 0 : i32
      %dma_start3A_493 = tpu.memref_slice %arg16[%add3A_173, %dma_start3A_492] : memref<10240x32xf32, #tpu.memory_space<vmem_shared>> -> memref<128x32xf32, #tpu.memory_space<vmem_shared>>
      tpu.enqueue_dma source(%dma_start3A_493 : memref<128x32xf32, #tpu.memory_space<vmem_shared>>) target(%arg14 : memref<128x32xf32, #tpu.memory_space<vmem>>) target_semaphore(%run_scoped3A : memref<!tpu.dma_semaphore, #tpu.memory_space<semaphore_mem>>)
      %dma_wait3A_494 = arith.constant 0 : i32
      %dma_wait3A_495 = tpu.memref_slice %arg16[%add3A_173, %dma_wait3A_494] : memref<10240x32xf32, #tpu.memory_space<vmem_shared>> -> memref<128x32xf32, #tpu.memory_space<vmem_shared>>
      %dma_wait3A_496 = arith.constant 0 : i32
      %dma_wait3A_497 = tpu.memref_slice %arg16[%add3A_173, %dma_wait3A_496] : memref<10240x32xf32, #tpu.memory_space<vmem_shared>> -> memref<128x32xf32, #tpu.memory_space<vmem_shared>>
      tpu.wait_dma2 semaphore(%run_scoped3A : memref<!tpu.dma_semaphore, #tpu.memory_space<semaphore_mem>>) src(%dma_wait3A_497 : memref<128x32xf32, #tpu.memory_space<vmem_shared>>) dst(%arg14 : memref<128x32xf32, #tpu.memory_space<vmem>>)
      tpu.yield
    }) : () -> ()
    %dma_start3A_174 = arith.constant 1 : i32
    %dma_start3A_175 = arith.constant 0 : i32
    %dma_start3A_176 = tpu.memref_slice %arg13[%dma_start3A_174, %dma_start3A_175] : memref<5x128xi32, #tpu.memory_space<vmem>> -> memref<1x128xi32, #tpu.memory_space<vmem>>
    %dma_start3A_177 = tpu.memref_squeeze %dma_start3A_176 : memref<1x128xi32, #tpu.memory_space<vmem>> -> memref<128xi32, #tpu.memory_space<vmem>>
    %dma_start3A_178 = arith.constant 0 : i32
    %dma_start3A_179 = arith.constant 0 : i32
    %dma_start3A_180 = tpu.memref_slice %arg6[%dma_start3A_178, %dma_start3A_179] : memref<40960x32xf32, #tpu.memory_space<hbm>> -> memref<40960x32xf32, #tpu.memory_space<hbm>>
    tpu.enqueue_indirect_dma source(%arg14 : memref<128x32xf32, #tpu.memory_space<vmem>>) target(%dma_start3A_180 : memref<40960x32xf32, #tpu.memory_space<hbm>>) offsets(%dma_start3A_177 : memref<128xi32, #tpu.memory_space<vmem>>) semaphore(%arg21 : memref<!tpu.dma_semaphore, #tpu.memory_space<semaphore_mem>>)
    %dma_wait3A_181 = arith.constant 1 : i32
    %dma_wait3A_182 = arith.constant 0 : i32
    %dma_wait3A_183 = tpu.memref_slice %arg13[%dma_wait3A_181, %dma_wait3A_182] : memref<5x128xi32, #tpu.memory_space<vmem>> -> memref<1x128xi32, #tpu.memory_space<vmem>>
    %dma_wait3A_184 = tpu.memref_squeeze %dma_wait3A_183 : memref<1x128xi32, #tpu.memory_space<vmem>> -> memref<128xi32, #tpu.memory_space<vmem>>
    %dma_wait3A_185 = arith.constant 0 : i32
    %dma_wait3A_186 = arith.constant 0 : i32
    %dma_wait3A_187 = tpu.memref_slice %arg6[%dma_wait3A_185, %dma_wait3A_186] : memref<40960x32xf32, #tpu.memory_space<hbm>> -> memref<40960x32xf32, #tpu.memory_space<hbm>>
    tpu.wait_indirect_dma semaphore(%arg21 : memref<!tpu.dma_semaphore, #tpu.memory_space<semaphore_mem>>) src(%arg14 : memref<128x32xf32, #tpu.memory_space<vmem>>) dst(%dma_wait3A_187 : memref<40960x32xf32, #tpu.memory_space<hbm>>)
    %mul3A_188 = arith.constant 640 : i32
    %mul3A_189 = arith.muli %arg1, %mul3A_188 : i32
    %add3A_190 = arith.constant 256 : i32
    %add3A_191 = arith.addi %mul3A_189, %add3A_190 : i32
    "tpu.region"() ({
      %run_scoped3A = tpu.sem_alloc : memref<!tpu.dma_semaphore, #tpu.memory_space<semaphore_mem>>
      %dma_start3A_490 = arith.constant 0 : i32
      %dma_start3A_491 = tpu.memref_slice %arg16[%add3A_191, %dma_start3A_490] : memref<10240x32xf32, #tpu.memory_space<vmem_shared>> -> memref<128x32xf32, #tpu.memory_space<vmem_shared>>
      %dma_start3A_492 = arith.constant 0 : i32
      %dma_start3A_493 = tpu.memref_slice %arg16[%add3A_191, %dma_start3A_492] : memref<10240x32xf32, #tpu.memory_space<vmem_shared>> -> memref<128x32xf32, #tpu.memory_space<vmem_shared>>
      tpu.enqueue_dma source(%dma_start3A_493 : memref<128x32xf32, #tpu.memory_space<vmem_shared>>) target(%arg14 : memref<128x32xf32, #tpu.memory_space<vmem>>) target_semaphore(%run_scoped3A : memref<!tpu.dma_semaphore, #tpu.memory_space<semaphore_mem>>)
      %dma_wait3A_494 = arith.constant 0 : i32
      %dma_wait3A_495 = tpu.memref_slice %arg16[%add3A_191, %dma_wait3A_494] : memref<10240x32xf32, #tpu.memory_space<vmem_shared>> -> memref<128x32xf32, #tpu.memory_space<vmem_shared>>
      %dma_wait3A_496 = arith.constant 0 : i32
      %dma_wait3A_497 = tpu.memref_slice %arg16[%add3A_191, %dma_wait3A_496] : memref<10240x32xf32, #tpu.memory_space<vmem_shared>> -> memref<128x32xf32, #tpu.memory_space<vmem_shared>>
      tpu.wait_dma2 semaphore(%run_scoped3A : memref<!tpu.dma_semaphore, #tpu.memory_space<semaphore_mem>>) src(%dma_wait3A_497 : memref<128x32xf32, #tpu.memory_space<vmem_shared>>) dst(%arg14 : memref<128x32xf32, #tpu.memory_space<vmem>>)
      tpu.yield
    }) : () -> ()
    %dma_start3A_192 = arith.constant 2 : i32
    %dma_start3A_193 = arith.constant 0 : i32
    %dma_start3A_194 = tpu.memref_slice %arg13[%dma_start3A_192, %dma_start3A_193] : memref<5x128xi32, #tpu.memory_space<vmem>> -> memref<1x128xi32, #tpu.memory_space<vmem>>
    %dma_start3A_195 = tpu.memref_squeeze %dma_start3A_194 : memref<1x128xi32, #tpu.memory_space<vmem>> -> memref<128xi32, #tpu.memory_space<vmem>>
    %dma_start3A_196 = arith.constant 0 : i32
    %dma_start3A_197 = arith.constant 0 : i32
    %dma_start3A_198 = tpu.memref_slice %arg6[%dma_start3A_196, %dma_start3A_197] : memref<40960x32xf32, #tpu.memory_space<hbm>> -> memref<40960x32xf32, #tpu.memory_space<hbm>>
    tpu.enqueue_indirect_dma source(%arg14 : memref<128x32xf32, #tpu.memory_space<vmem>>) target(%dma_start3A_198 : memref<40960x32xf32, #tpu.memory_space<hbm>>) offsets(%dma_start3A_195 : memref<128xi32, #tpu.memory_space<vmem>>) semaphore(%arg21 : memref<!tpu.dma_semaphore, #tpu.memory_space<semaphore_mem>>)
    %dma_wait3A_199 = arith.constant 2 : i32
    %dma_wait3A_200 = arith.constant 0 : i32
    %dma_wait3A_201 = tpu.memref_slice %arg13[%dma_wait3A_199, %dma_wait3A_200] : memref<5x128xi32, #tpu.memory_space<vmem>> -> memref<1x128xi32, #tpu.memory_space<vmem>>
    %dma_wait3A_202 = tpu.memref_squeeze %dma_wait3A_201 : memref<1x128xi32, #tpu.memory_space<vmem>> -> memref<128xi32, #tpu.memory_space<vmem>>
    %dma_wait3A_203 = arith.constant 0 : i32
    %dma_wait3A_204 = arith.constant 0 : i32
    %dma_wait3A_205 = tpu.memref_slice %arg6[%dma_wait3A_203, %dma_wait3A_204] : memref<40960x32xf32, #tpu.memory_space<hbm>> -> memref<40960x32xf32, #tpu.memory_space<hbm>>
    tpu.wait_indirect_dma semaphore(%arg21 : memref<!tpu.dma_semaphore, #tpu.memory_space<semaphore_mem>>) src(%arg14 : memref<128x32xf32, #tpu.memory_space<vmem>>) dst(%dma_wait3A_205 : memref<40960x32xf32, #tpu.memory_space<hbm>>)
    %mul3A_206 = arith.constant 640 : i32
    %mul3A_207 = arith.muli %arg1, %mul3A_206 : i32
    %add3A_208 = arith.constant 384 : i32
    %add3A_209 = arith.addi %mul3A_207, %add3A_208 : i32
    "tpu.region"() ({
      %run_scoped3A = tpu.sem_alloc : memref<!tpu.dma_semaphore, #tpu.memory_space<semaphore_mem>>
      %dma_start3A_490 = arith.constant 0 : i32
      %dma_start3A_491 = tpu.memref_slice %arg16[%add3A_209, %dma_start3A_490] : memref<10240x32xf32, #tpu.memory_space<vmem_shared>> -> memref<128x32xf32, #tpu.memory_space<vmem_shared>>
      %dma_start3A_492 = arith.constant 0 : i32
      %dma_start3A_493 = tpu.memref_slice %arg16[%add3A_209, %dma_start3A_492] : memref<10240x32xf32, #tpu.memory_space<vmem_shared>> -> memref<128x32xf32, #tpu.memory_space<vmem_shared>>
      tpu.enqueue_dma source(%dma_start3A_493 : memref<128x32xf32, #tpu.memory_space<vmem_shared>>) target(%arg14 : memref<128x32xf32, #tpu.memory_space<vmem>>) target_semaphore(%run_scoped3A : memref<!tpu.dma_semaphore, #tpu.memory_space<semaphore_mem>>)
      %dma_wait3A_494 = arith.constant 0 : i32
      %dma_wait3A_495 = tpu.memref_slice %arg16[%add3A_209, %dma_wait3A_494] : memref<10240x32xf32, #tpu.memory_space<vmem_shared>> -> memref<128x32xf32, #tpu.memory_space<vmem_shared>>
      %dma_wait3A_496 = arith.constant 0 : i32
      %dma_wait3A_497 = tpu.memref_slice %arg16[%add3A_209, %dma_wait3A_496] : memref<10240x32xf32, #tpu.memory_space<vmem_shared>> -> memref<128x32xf32, #tpu.memory_space<vmem_shared>>
      tpu.wait_dma2 semaphore(%run_scoped3A : memref<!tpu.dma_semaphore, #tpu.memory_space<semaphore_mem>>) src(%dma_wait3A_497 : memref<128x32xf32, #tpu.memory_space<vmem_shared>>) dst(%arg14 : memref<128x32xf32, #tpu.memory_space<vmem>>)
      tpu.yield
    }) : () -> ()
    %dma_start3A_210 = arith.constant 3 : i32
    %dma_start3A_211 = arith.constant 0 : i32
    %dma_start3A_212 = tpu.memref_slice %arg13[%dma_start3A_210, %dma_start3A_211] : memref<5x128xi32, #tpu.memory_space<vmem>> -> memref<1x128xi32, #tpu.memory_space<vmem>>
    %dma_start3A_213 = tpu.memref_squeeze %dma_start3A_212 : memref<1x128xi32, #tpu.memory_space<vmem>> -> memref<128xi32, #tpu.memory_space<vmem>>
    %dma_start3A_214 = arith.constant 0 : i32
    %dma_start3A_215 = arith.constant 0 : i32
    %dma_start3A_216 = tpu.memref_slice %arg6[%dma_start3A_214, %dma_start3A_215] : memref<40960x32xf32, #tpu.memory_space<hbm>> -> memref<40960x32xf32, #tpu.memory_space<hbm>>
    tpu.enqueue_indirect_dma source(%arg14 : memref<128x32xf32, #tpu.memory_space<vmem>>) target(%dma_start3A_216 : memref<40960x32xf32, #tpu.memory_space<hbm>>) offsets(%dma_start3A_213 : memref<128xi32, #tpu.memory_space<vmem>>) semaphore(%arg21 : memref<!tpu.dma_semaphore, #tpu.memory_space<semaphore_mem>>)
    %dma_wait3A_217 = arith.constant 3 : i32
    %dma_wait3A_218 = arith.constant 0 : i32
    %dma_wait3A_219 = tpu.memref_slice %arg13[%dma_wait3A_217, %dma_wait3A_218] : memref<5x128xi32, #tpu.memory_space<vmem>> -> memref<1x128xi32, #tpu.memory_space<vmem>>
    %dma_wait3A_220 = tpu.memref_squeeze %dma_wait3A_219 : memref<1x128xi32, #tpu.memory_space<vmem>> -> memref<128xi32, #tpu.memory_space<vmem>>
    %dma_wait3A_221 = arith.constant 0 : i32
    %dma_wait3A_222 = arith.constant 0 : i32
    %dma_wait3A_223 = tpu.memref_slice %arg6[%dma_wait3A_221, %dma_wait3A_222] : memref<40960x32xf32, #tpu.memory_space<hbm>> -> memref<40960x32xf32, #tpu.memory_space<hbm>>
    tpu.wait_indirect_dma semaphore(%arg21 : memref<!tpu.dma_semaphore, #tpu.memory_space<semaphore_mem>>) src(%arg14 : memref<128x32xf32, #tpu.memory_space<vmem>>) dst(%dma_wait3A_223 : memref<40960x32xf32, #tpu.memory_space<hbm>>)
    %mul3A_224 = arith.constant 640 : i32
    %mul3A_225 = arith.muli %arg1, %mul3A_224 : i32
    %add3A_226 = arith.constant 512 : i32
    %add3A_227 = arith.addi %mul3A_225, %add3A_226 : i32
    "tpu.region"() ({
      %run_scoped3A = tpu.sem_alloc : memref<!tpu.dma_semaphore, #tpu.memory_space<semaphore_mem>>
      %dma_start3A_490 = arith.constant 0 : i32
      %dma_start3A_491 = tpu.memref_slice %arg16[%add3A_227, %dma_start3A_490] : memref<10240x32xf32, #tpu.memory_space<vmem_shared>> -> memref<128x32xf32, #tpu.memory_space<vmem_shared>>
      %dma_start3A_492 = arith.constant 0 : i32
      %dma_start3A_493 = tpu.memref_slice %arg16[%add3A_227, %dma_start3A_492] : memref<10240x32xf32, #tpu.memory_space<vmem_shared>> -> memref<128x32xf32, #tpu.memory_space<vmem_shared>>
      tpu.enqueue_dma source(%dma_start3A_493 : memref<128x32xf32, #tpu.memory_space<vmem_shared>>) target(%arg14 : memref<128x32xf32, #tpu.memory_space<vmem>>) target_semaphore(%run_scoped3A : memref<!tpu.dma_semaphore, #tpu.memory_space<semaphore_mem>>)
      %dma_wait3A_494 = arith.constant 0 : i32
      %dma_wait3A_495 = tpu.memref_slice %arg16[%add3A_227, %dma_wait3A_494] : memref<10240x32xf32, #tpu.memory_space<vmem_shared>> -> memref<128x32xf32, #tpu.memory_space<vmem_shared>>
      %dma_wait3A_496 = arith.constant 0 : i32
      %dma_wait3A_497 = tpu.memref_slice %arg16[%add3A_227, %dma_wait3A_496] : memref<10240x32xf32, #tpu.memory_space<vmem_shared>> -> memref<128x32xf32, #tpu.memory_space<vmem_shared>>
      tpu.wait_dma2 semaphore(%run_scoped3A : memref<!tpu.dma_semaphore, #tpu.memory_space<semaphore_mem>>) src(%dma_wait3A_497 : memref<128x32xf32, #tpu.memory_space<vmem_shared>>) dst(%arg14 : memref<128x32xf32, #tpu.memory_space<vmem>>)
      tpu.yield
    }) : () -> ()
    %dma_start3A_228 = arith.constant 4 : i32
    %dma_start3A_229 = arith.constant 0 : i32
    %dma_start3A_230 = tpu.memref_slice %arg13[%dma_start3A_228, %dma_start3A_229] : memref<5x128xi32, #tpu.memory_space<vmem>> -> memref<1x128xi32, #tpu.memory_space<vmem>>
    %dma_start3A_231 = tpu.memref_squeeze %dma_start3A_230 : memref<1x128xi32, #tpu.memory_space<vmem>> -> memref<128xi32, #tpu.memory_space<vmem>>
    %dma_start3A_232 = arith.constant 0 : i32
    %dma_start3A_233 = arith.constant 0 : i32
    %dma_start3A_234 = tpu.memref_slice %arg6[%dma_start3A_232, %dma_start3A_233] : memref<40960x32xf32, #tpu.memory_space<hbm>> -> memref<40960x32xf32, #tpu.memory_space<hbm>>
    tpu.enqueue_indirect_dma source(%arg14 : memref<128x32xf32, #tpu.memory_space<vmem>>) target(%dma_start3A_234 : memref<40960x32xf32, #tpu.memory_space<hbm>>) offsets(%dma_start3A_231 : memref<128xi32, #tpu.memory_space<vmem>>) semaphore(%arg21 : memref<!tpu.dma_semaphore, #tpu.memory_space<semaphore_mem>>)
    %dma_wait3A_235 = arith.constant 4 : i32
    %dma_wait3A_236 = arith.constant 0 : i32
    %dma_wait3A_237 = tpu.memref_slice %arg13[%dma_wait3A_235, %dma_wait3A_236] : memref<5x128xi32, #tpu.memory_space<vmem>> -> memref<1x128xi32, #tpu.memory_space<vmem>>
    %dma_wait3A_238 = tpu.memref_squeeze %dma_wait3A_237 : memref<1x128xi32, #tpu.memory_space<vmem>> -> memref<128xi32, #tpu.memory_space<vmem>>
    %dma_wait3A_239 = arith.constant 0 : i32
    %dma_wait3A_240 = arith.constant 0 : i32
    %dma_wait3A_241 = tpu.memref_slice %arg6[%dma_wait3A_239, %dma_wait3A_240] : memref<40960x32xf32, #tpu.memory_space<hbm>> -> memref<40960x32xf32, #tpu.memory_space<hbm>>
    tpu.wait_indirect_dma semaphore(%arg21 : memref<!tpu.dma_semaphore, #tpu.memory_space<semaphore_mem>>) src(%arg14 : memref<128x32xf32, #tpu.memory_space<vmem>>) dst(%dma_wait3A_241 : memref<40960x32xf32, #tpu.memory_space<hbm>>)
    %mul3A_242 = arith.constant 2 : i32
    %mul3A_243 = arith.muli %mul3A_242, %arg0 : i32
    %add3A_244 = arith.constant 1 : i32
    %add3A_245 = arith.addi %mul3A_243, %add3A_244 : i32
    "tpu.region"() ({
      %run_scoped3A = tpu.sem_alloc : memref<!tpu.dma_semaphore, #tpu.memory_space<semaphore_mem>>
      %dma_start3A_490 = arith.constant 0 : i32
      %dma_start3A_491 = arith.constant 0 : i32
      %dma_start3A_492 = tpu.memref_slice %arg5[%add3A_245, %arg1, %dma_start3A_490, %dma_start3A_491] : memref<4x16x5x128xi32, #tpu.memory_space<hbm>> -> memref<1x1x5x128xi32, #tpu.memory_space<hbm>>
      %dma_start3A_493 = tpu.memref_squeeze %dma_start3A_492 : memref<1x1x5x128xi32, #tpu.memory_space<hbm>> -> memref<5x128xi32, #tpu.memory_space<hbm>>
      %dma_start3A_494 = arith.constant 0 : i32
      %dma_start3A_495 = arith.constant 0 : i32
      %dma_start3A_496 = tpu.memref_slice %arg5[%add3A_245, %arg1, %dma_start3A_494, %dma_start3A_495] : memref<4x16x5x128xi32, #tpu.memory_space<hbm>> -> memref<1x1x5x128xi32, #tpu.memory_space<hbm>>
      %dma_start3A_497 = tpu.memref_squeeze %dma_start3A_496 : memref<1x1x5x128xi32, #tpu.memory_space<hbm>> -> memref<5x128xi32, #tpu.memory_space<hbm>>
      tpu.enqueue_dma source(%dma_start3A_497 : memref<5x128xi32, #tpu.memory_space<hbm>>) target(%arg13 : memref<5x128xi32, #tpu.memory_space<vmem>>) target_semaphore(%run_scoped3A : memref<!tpu.dma_semaphore, #tpu.memory_space<semaphore_mem>>)
      %dma_wait3A_498 = arith.constant 0 : i32
      %dma_wait3A_499 = arith.constant 0 : i32
      %dma_wait3A_500 = tpu.memref_slice %arg5[%add3A_245, %arg1, %dma_wait3A_498, %dma_wait3A_499] : memref<4x16x5x128xi32, #tpu.memory_space<hbm>> -> memref<1x1x5x128xi32, #tpu.memory_space<hbm>>
      %dma_wait3A_501 = tpu.memref_squeeze %dma_wait3A_500 : memref<1x1x5x128xi32, #tpu.memory_space<hbm>> -> memref<5x128xi32, #tpu.memory_space<hbm>>
      %dma_wait3A_502 = arith.constant 0 : i32
      %dma_wait3A_503 = arith.constant 0 : i32
      %dma_wait3A_504 = tpu.memref_slice %arg5[%add3A_245, %arg1, %dma_wait3A_502, %dma_wait3A_503] : memref<4x16x5x128xi32, #tpu.memory_space<hbm>> -> memref<1x1x5x128xi32, #tpu.memory_space<hbm>>
      %dma_wait3A_505 = tpu.memref_squeeze %dma_wait3A_504 : memref<1x1x5x128xi32, #tpu.memory_space<hbm>> -> memref<5x128xi32, #tpu.memory_space<hbm>>
      tpu.wait_dma2 semaphore(%run_scoped3A : memref<!tpu.dma_semaphore, #tpu.memory_space<semaphore_mem>>) src(%dma_wait3A_505 : memref<5x128xi32, #tpu.memory_space<hbm>>) dst(%arg13 : memref<5x128xi32, #tpu.memory_space<vmem>>)
      tpu.yield
    }) : () -> ()
    %dma_start3A_246 = arith.constant 0 : i32
    %dma_start3A_247 = arith.constant 0 : i32
    %dma_start3A_248 = tpu.memref_slice %arg13[%dma_start3A_246, %dma_start3A_247] : memref<5x128xi32, #tpu.memory_space<vmem>> -> memref<1x128xi32, #tpu.memory_space<vmem>>
    %dma_start3A_249 = tpu.memref_squeeze %dma_start3A_248 : memref<1x128xi32, #tpu.memory_space<vmem>> -> memref<128xi32, #tpu.memory_space<vmem>>
    %dma_start3A_250 = arith.constant 0 : i32
    %dma_start3A_251 = arith.constant 0 : i32
    %dma_start3A_252 = tpu.memref_slice %arg2[%dma_start3A_250, %dma_start3A_251] : memref<40960x32xf32, #tpu.memory_space<hbm>> -> memref<40960x32xf32, #tpu.memory_space<hbm>>
    tpu.enqueue_indirect_dma source(%dma_start3A_252 : memref<40960x32xf32, #tpu.memory_space<hbm>>) target(%arg14 : memref<128x32xf32, #tpu.memory_space<vmem>>) offsets(%dma_start3A_249 : memref<128xi32, #tpu.memory_space<vmem>>) semaphore(%arg17 : memref<!tpu.dma_semaphore, #tpu.memory_space<semaphore_mem>>)
    %dma_wait3A_253 = arith.constant 0 : i32
    %dma_wait3A_254 = arith.constant 0 : i32
    %dma_wait3A_255 = tpu.memref_slice %arg13[%dma_wait3A_253, %dma_wait3A_254] : memref<5x128xi32, #tpu.memory_space<vmem>> -> memref<1x128xi32, #tpu.memory_space<vmem>>
    %dma_wait3A_256 = tpu.memref_squeeze %dma_wait3A_255 : memref<1x128xi32, #tpu.memory_space<vmem>> -> memref<128xi32, #tpu.memory_space<vmem>>
    %dma_wait3A_257 = arith.constant 0 : i32
    %dma_wait3A_258 = arith.constant 0 : i32
    %dma_wait3A_259 = tpu.memref_slice %arg2[%dma_wait3A_257, %dma_wait3A_258] : memref<40960x32xf32, #tpu.memory_space<hbm>> -> memref<40960x32xf32, #tpu.memory_space<hbm>>
    tpu.wait_indirect_dma semaphore(%arg17 : memref<!tpu.dma_semaphore, #tpu.memory_space<semaphore_mem>>) src(%dma_wait3A_259 : memref<40960x32xf32, #tpu.memory_space<hbm>>) dst(%arg14 : memref<128x32xf32, #tpu.memory_space<vmem>>)
    %mul3A_260 = arith.constant 640 : i32
    %mul3A_261 = arith.muli %arg1, %mul3A_260 : i32
    %add3A_262 = arith.constant 0 : i32
    %add3A_263 = arith.addi %mul3A_261, %add3A_262 : i32
    "tpu.region"() ({
      %run_scoped3A = tpu.sem_alloc : memref<!tpu.dma_semaphore, #tpu.memory_space<semaphore_mem>>
      %dma_start3A_490 = arith.constant 0 : i32
      %dma_start3A_491 = tpu.memref_slice %arg15[%add3A_263, %dma_start3A_490] : memref<10240x32xf32, #tpu.memory_space<vmem_shared>> -> memref<128x32xf32, #tpu.memory_space<vmem_shared>>
      %dma_start3A_492 = arith.constant 0 : i32
      %dma_start3A_493 = tpu.memref_slice %arg15[%add3A_263, %dma_start3A_492] : memref<10240x32xf32, #tpu.memory_space<vmem_shared>> -> memref<128x32xf32, #tpu.memory_space<vmem_shared>>
      tpu.enqueue_dma source(%arg14 : memref<128x32xf32, #tpu.memory_space<vmem>>) target(%dma_start3A_493 : memref<128x32xf32, #tpu.memory_space<vmem_shared>>) target_semaphore(%run_scoped3A : memref<!tpu.dma_semaphore, #tpu.memory_space<semaphore_mem>>)
      %dma_wait3A_494 = arith.constant 0 : i32
      %dma_wait3A_495 = tpu.memref_slice %arg15[%add3A_263, %dma_wait3A_494] : memref<10240x32xf32, #tpu.memory_space<vmem_shared>> -> memref<128x32xf32, #tpu.memory_space<vmem_shared>>
      %dma_wait3A_496 = arith.constant 0 : i32
      %dma_wait3A_497 = tpu.memref_slice %arg15[%add3A_263, %dma_wait3A_496] : memref<10240x32xf32, #tpu.memory_space<vmem_shared>> -> memref<128x32xf32, #tpu.memory_space<vmem_shared>>
      tpu.wait_dma2 semaphore(%run_scoped3A : memref<!tpu.dma_semaphore, #tpu.memory_space<semaphore_mem>>) src(%arg14 : memref<128x32xf32, #tpu.memory_space<vmem>>) dst(%dma_wait3A_497 : memref<128x32xf32, #tpu.memory_space<vmem_shared>>)
      tpu.yield
    }) : () -> ()
    "tpu.region"() ({
      %run_scoped3A = tpu.sem_alloc : memref<!tpu.dma_semaphore, #tpu.memory_space<semaphore_mem>>
      %dma_start3A_490 = arith.constant 0 : i32
      %dma_start3A_491 = tpu.memref_slice %arg16[%add3A_263, %dma_start3A_490] : memref<10240x32xf32, #tpu.memory_space<vmem_shared>> -> memref<128x32xf32, #tpu.memory_space<vmem_shared>>
      %dma_start3A_492 = arith.constant 0 : i32
      %dma_start3A_493 = tpu.memref_slice %arg16[%add3A_263, %dma_start3A_492] : memref<10240x32xf32, #tpu.memory_space<vmem_shared>> -> memref<128x32xf32, #tpu.memory_space<vmem_shared>>
      tpu.enqueue_dma source(%arg14 : memref<128x32xf32, #tpu.memory_space<vmem>>) target(%dma_start3A_493 : memref<128x32xf32, #tpu.memory_space<vmem_shared>>) target_semaphore(%run_scoped3A : memref<!tpu.dma_semaphore, #tpu.memory_space<semaphore_mem>>)
      %dma_wait3A_494 = arith.constant 0 : i32
      %dma_wait3A_495 = tpu.memref_slice %arg16[%add3A_263, %dma_wait3A_494] : memref<10240x32xf32, #tpu.memory_space<vmem_shared>> -> memref<128x32xf32, #tpu.memory_space<vmem_shared>>
      %dma_wait3A_496 = arith.constant 0 : i32
      %dma_wait3A_497 = tpu.memref_slice %arg16[%add3A_263, %dma_wait3A_496] : memref<10240x32xf32, #tpu.memory_space<vmem_shared>> -> memref<128x32xf32, #tpu.memory_space<vmem_shared>>
      tpu.wait_dma2 semaphore(%run_scoped3A : memref<!tpu.dma_semaphore, #tpu.memory_space<semaphore_mem>>) src(%arg14 : memref<128x32xf32, #tpu.memory_space<vmem>>) dst(%dma_wait3A_497 : memref<128x32xf32, #tpu.memory_space<vmem_shared>>)
      tpu.yield
    }) : () -> ()
    %dma_start3A_264 = arith.constant 1 : i32
    %dma_start3A_265 = arith.constant 0 : i32
    %dma_start3A_266 = tpu.memref_slice %arg13[%dma_start3A_264, %dma_start3A_265] : memref<5x128xi32, #tpu.memory_space<vmem>> -> memref<1x128xi32, #tpu.memory_space<vmem>>
    %dma_start3A_267 = tpu.memref_squeeze %dma_start3A_266 : memref<1x128xi32, #tpu.memory_space<vmem>> -> memref<128xi32, #tpu.memory_space<vmem>>
    %dma_start3A_268 = arith.constant 0 : i32
    %dma_start3A_269 = arith.constant 0 : i32
    %dma_start3A_270 = tpu.memref_slice %arg2[%dma_start3A_268, %dma_start3A_269] : memref<40960x32xf32, #tpu.memory_space<hbm>> -> memref<40960x32xf32, #tpu.memory_space<hbm>>
    tpu.enqueue_indirect_dma source(%dma_start3A_270 : memref<40960x32xf32, #tpu.memory_space<hbm>>) target(%arg14 : memref<128x32xf32, #tpu.memory_space<vmem>>) offsets(%dma_start3A_267 : memref<128xi32, #tpu.memory_space<vmem>>) semaphore(%arg17 : memref<!tpu.dma_semaphore, #tpu.memory_space<semaphore_mem>>)
    %dma_wait3A_271 = arith.constant 1 : i32
    %dma_wait3A_272 = arith.constant 0 : i32
    %dma_wait3A_273 = tpu.memref_slice %arg13[%dma_wait3A_271, %dma_wait3A_272] : memref<5x128xi32, #tpu.memory_space<vmem>> -> memref<1x128xi32, #tpu.memory_space<vmem>>
    %dma_wait3A_274 = tpu.memref_squeeze %dma_wait3A_273 : memref<1x128xi32, #tpu.memory_space<vmem>> -> memref<128xi32, #tpu.memory_space<vmem>>
    %dma_wait3A_275 = arith.constant 0 : i32
    %dma_wait3A_276 = arith.constant 0 : i32
    %dma_wait3A_277 = tpu.memref_slice %arg2[%dma_wait3A_275, %dma_wait3A_276] : memref<40960x32xf32, #tpu.memory_space<hbm>> -> memref<40960x32xf32, #tpu.memory_space<hbm>>
    tpu.wait_indirect_dma semaphore(%arg17 : memref<!tpu.dma_semaphore, #tpu.memory_space<semaphore_mem>>) src(%dma_wait3A_277 : memref<40960x32xf32, #tpu.memory_space<hbm>>) dst(%arg14 : memref<128x32xf32, #tpu.memory_space<vmem>>)
    %mul3A_278 = arith.constant 640 : i32
    %mul3A_279 = arith.muli %arg1, %mul3A_278 : i32
    %add3A_280 = arith.constant 128 : i32
    %add3A_281 = arith.addi %mul3A_279, %add3A_280 : i32
    "tpu.region"() ({
      %run_scoped3A = tpu.sem_alloc : memref<!tpu.dma_semaphore, #tpu.memory_space<semaphore_mem>>
      %dma_start3A_490 = arith.constant 0 : i32
      %dma_start3A_491 = tpu.memref_slice %arg15[%add3A_281, %dma_start3A_490] : memref<10240x32xf32, #tpu.memory_space<vmem_shared>> -> memref<128x32xf32, #tpu.memory_space<vmem_shared>>
      %dma_start3A_492 = arith.constant 0 : i32
      %dma_start3A_493 = tpu.memref_slice %arg15[%add3A_281, %dma_start3A_492] : memref<10240x32xf32, #tpu.memory_space<vmem_shared>> -> memref<128x32xf32, #tpu.memory_space<vmem_shared>>
      tpu.enqueue_dma source(%arg14 : memref<128x32xf32, #tpu.memory_space<vmem>>) target(%dma_start3A_493 : memref<128x32xf32, #tpu.memory_space<vmem_shared>>) target_semaphore(%run_scoped3A : memref<!tpu.dma_semaphore, #tpu.memory_space<semaphore_mem>>)
      %dma_wait3A_494 = arith.constant 0 : i32
      %dma_wait3A_495 = tpu.memref_slice %arg15[%add3A_281, %dma_wait3A_494] : memref<10240x32xf32, #tpu.memory_space<vmem_shared>> -> memref<128x32xf32, #tpu.memory_space<vmem_shared>>
      %dma_wait3A_496 = arith.constant 0 : i32
      %dma_wait3A_497 = tpu.memref_slice %arg15[%add3A_281, %dma_wait3A_496] : memref<10240x32xf32, #tpu.memory_space<vmem_shared>> -> memref<128x32xf32, #tpu.memory_space<vmem_shared>>
      tpu.wait_dma2 semaphore(%run_scoped3A : memref<!tpu.dma_semaphore, #tpu.memory_space<semaphore_mem>>) src(%arg14 : memref<128x32xf32, #tpu.memory_space<vmem>>) dst(%dma_wait3A_497 : memref<128x32xf32, #tpu.memory_space<vmem_shared>>)
      tpu.yield
    }) : () -> ()
    "tpu.region"() ({
      %run_scoped3A = tpu.sem_alloc : memref<!tpu.dma_semaphore, #tpu.memory_space<semaphore_mem>>
      %dma_start3A_490 = arith.constant 0 : i32
      %dma_start3A_491 = tpu.memref_slice %arg16[%add3A_281, %dma_start3A_490] : memref<10240x32xf32, #tpu.memory_space<vmem_shared>> -> memref<128x32xf32, #tpu.memory_space<vmem_shared>>
      %dma_start3A_492 = arith.constant 0 : i32
      %dma_start3A_493 = tpu.memref_slice %arg16[%add3A_281, %dma_start3A_492] : memref<10240x32xf32, #tpu.memory_space<vmem_shared>> -> memref<128x32xf32, #tpu.memory_space<vmem_shared>>
      tpu.enqueue_dma source(%arg14 : memref<128x32xf32, #tpu.memory_space<vmem>>) target(%dma_start3A_493 : memref<128x32xf32, #tpu.memory_space<vmem_shared>>) target_semaphore(%run_scoped3A : memref<!tpu.dma_semaphore, #tpu.memory_space<semaphore_mem>>)
      %dma_wait3A_494 = arith.constant 0 : i32
      %dma_wait3A_495 = tpu.memref_slice %arg16[%add3A_281, %dma_wait3A_494] : memref<10240x32xf32, #tpu.memory_space<vmem_shared>> -> memref<128x32xf32, #tpu.memory_space<vmem_shared>>
      %dma_wait3A_496 = arith.constant 0 : i32
      %dma_wait3A_497 = tpu.memref_slice %arg16[%add3A_281, %dma_wait3A_496] : memref<10240x32xf32, #tpu.memory_space<vmem_shared>> -> memref<128x32xf32, #tpu.memory_space<vmem_shared>>
      tpu.wait_dma2 semaphore(%run_scoped3A : memref<!tpu.dma_semaphore, #tpu.memory_space<semaphore_mem>>) src(%arg14 : memref<128x32xf32, #tpu.memory_space<vmem>>) dst(%dma_wait3A_497 : memref<128x32xf32, #tpu.memory_space<vmem_shared>>)
      tpu.yield
    }) : () -> ()
    %dma_start3A_282 = arith.constant 2 : i32
    %dma_start3A_283 = arith.constant 0 : i32
    %dma_start3A_284 = tpu.memref_slice %arg13[%dma_start3A_282, %dma_start3A_283] : memref<5x128xi32, #tpu.memory_space<vmem>> -> memref<1x128xi32, #tpu.memory_space<vmem>>
    %dma_start3A_285 = tpu.memref_squeeze %dma_start3A_284 : memref<1x128xi32, #tpu.memory_space<vmem>> -> memref<128xi32, #tpu.memory_space<vmem>>
    %dma_start3A_286 = arith.constant 0 : i32
    %dma_start3A_287 = arith.constant 0 : i32
    %dma_start3A_288 = tpu.memref_slice %arg2[%dma_start3A_286, %dma_start3A_287] : memref<40960x32xf32, #tpu.memory_space<hbm>> -> memref<40960x32xf32, #tpu.memory_space<hbm>>
    tpu.enqueue_indirect_dma source(%dma_start3A_288 : memref<40960x32xf32, #tpu.memory_space<hbm>>) target(%arg14 : memref<128x32xf32, #tpu.memory_space<vmem>>) offsets(%dma_start3A_285 : memref<128xi32, #tpu.memory_space<vmem>>) semaphore(%arg17 : memref<!tpu.dma_semaphore, #tpu.memory_space<semaphore_mem>>)
    %dma_wait3A_289 = arith.constant 2 : i32
    %dma_wait3A_290 = arith.constant 0 : i32
    %dma_wait3A_291 = tpu.memref_slice %arg13[%dma_wait3A_289, %dma_wait3A_290] : memref<5x128xi32, #tpu.memory_space<vmem>> -> memref<1x128xi32, #tpu.memory_space<vmem>>
    %dma_wait3A_292 = tpu.memref_squeeze %dma_wait3A_291 : memref<1x128xi32, #tpu.memory_space<vmem>> -> memref<128xi32, #tpu.memory_space<vmem>>
    %dma_wait3A_293 = arith.constant 0 : i32
    %dma_wait3A_294 = arith.constant 0 : i32
    %dma_wait3A_295 = tpu.memref_slice %arg2[%dma_wait3A_293, %dma_wait3A_294] : memref<40960x32xf32, #tpu.memory_space<hbm>> -> memref<40960x32xf32, #tpu.memory_space<hbm>>
    tpu.wait_indirect_dma semaphore(%arg17 : memref<!tpu.dma_semaphore, #tpu.memory_space<semaphore_mem>>) src(%dma_wait3A_295 : memref<40960x32xf32, #tpu.memory_space<hbm>>) dst(%arg14 : memref<128x32xf32, #tpu.memory_space<vmem>>)
    %mul3A_296 = arith.constant 640 : i32
    %mul3A_297 = arith.muli %arg1, %mul3A_296 : i32
    %add3A_298 = arith.constant 256 : i32
    %add3A_299 = arith.addi %mul3A_297, %add3A_298 : i32
    "tpu.region"() ({
      %run_scoped3A = tpu.sem_alloc : memref<!tpu.dma_semaphore, #tpu.memory_space<semaphore_mem>>
      %dma_start3A_490 = arith.constant 0 : i32
      %dma_start3A_491 = tpu.memref_slice %arg15[%add3A_299, %dma_start3A_490] : memref<10240x32xf32, #tpu.memory_space<vmem_shared>> -> memref<128x32xf32, #tpu.memory_space<vmem_shared>>
      %dma_start3A_492 = arith.constant 0 : i32
      %dma_start3A_493 = tpu.memref_slice %arg15[%add3A_299, %dma_start3A_492] : memref<10240x32xf32, #tpu.memory_space<vmem_shared>> -> memref<128x32xf32, #tpu.memory_space<vmem_shared>>
      tpu.enqueue_dma source(%arg14 : memref<128x32xf32, #tpu.memory_space<vmem>>) target(%dma_start3A_493 : memref<128x32xf32, #tpu.memory_space<vmem_shared>>) target_semaphore(%run_scoped3A : memref<!tpu.dma_semaphore, #tpu.memory_space<semaphore_mem>>)
      %dma_wait3A_494 = arith.constant 0 : i32
      %dma_wait3A_495 = tpu.memref_slice %arg15[%add3A_299, %dma_wait3A_494] : memref<10240x32xf32, #tpu.memory_space<vmem_shared>> -> memref<128x32xf32, #tpu.memory_space<vmem_shared>>
      %dma_wait3A_496 = arith.constant 0 : i32
      %dma_wait3A_497 = tpu.memref_slice %arg15[%add3A_299, %dma_wait3A_496] : memref<10240x32xf32, #tpu.memory_space<vmem_shared>> -> memref<128x32xf32, #tpu.memory_space<vmem_shared>>
      tpu.wait_dma2 semaphore(%run_scoped3A : memref<!tpu.dma_semaphore, #tpu.memory_space<semaphore_mem>>) src(%arg14 : memref<128x32xf32, #tpu.memory_space<vmem>>) dst(%dma_wait3A_497 : memref<128x32xf32, #tpu.memory_space<vmem_shared>>)
      tpu.yield
    }) : () -> ()
    "tpu.region"() ({
      %run_scoped3A = tpu.sem_alloc : memref<!tpu.dma_semaphore, #tpu.memory_space<semaphore_mem>>
      %dma_start3A_490 = arith.constant 0 : i32
      %dma_start3A_491 = tpu.memref_slice %arg16[%add3A_299, %dma_start3A_490] : memref<10240x32xf32, #tpu.memory_space<vmem_shared>> -> memref<128x32xf32, #tpu.memory_space<vmem_shared>>
      %dma_start3A_492 = arith.constant 0 : i32
      %dma_start3A_493 = tpu.memref_slice %arg16[%add3A_299, %dma_start3A_492] : memref<10240x32xf32, #tpu.memory_space<vmem_shared>> -> memref<128x32xf32, #tpu.memory_space<vmem_shared>>
      tpu.enqueue_dma source(%arg14 : memref<128x32xf32, #tpu.memory_space<vmem>>) target(%dma_start3A_493 : memref<128x32xf32, #tpu.memory_space<vmem_shared>>) target_semaphore(%run_scoped3A : memref<!tpu.dma_semaphore, #tpu.memory_space<semaphore_mem>>)
      %dma_wait3A_494 = arith.constant 0 : i32
      %dma_wait3A_495 = tpu.memref_slice %arg16[%add3A_299, %dma_wait3A_494] : memref<10240x32xf32, #tpu.memory_space<vmem_shared>> -> memref<128x32xf32, #tpu.memory_space<vmem_shared>>
      %dma_wait3A_496 = arith.constant 0 : i32
      %dma_wait3A_497 = tpu.memref_slice %arg16[%add3A_299, %dma_wait3A_496] : memref<10240x32xf32, #tpu.memory_space<vmem_shared>> -> memref<128x32xf32, #tpu.memory_space<vmem_shared>>
      tpu.wait_dma2 semaphore(%run_scoped3A : memref<!tpu.dma_semaphore, #tpu.memory_space<semaphore_mem>>) src(%arg14 : memref<128x32xf32, #tpu.memory_space<vmem>>) dst(%dma_wait3A_497 : memref<128x32xf32, #tpu.memory_space<vmem_shared>>)
      tpu.yield
    }) : () -> ()
    %dma_start3A_300 = arith.constant 3 : i32
    %dma_start3A_301 = arith.constant 0 : i32
    %dma_start3A_302 = tpu.memref_slice %arg13[%dma_start3A_300, %dma_start3A_301] : memref<5x128xi32, #tpu.memory_space<vmem>> -> memref<1x128xi32, #tpu.memory_space<vmem>>
    %dma_start3A_303 = tpu.memref_squeeze %dma_start3A_302 : memref<1x128xi32, #tpu.memory_space<vmem>> -> memref<128xi32, #tpu.memory_space<vmem>>
    %dma_start3A_304 = arith.constant 0 : i32
    %dma_start3A_305 = arith.constant 0 : i32
    %dma_start3A_306 = tpu.memref_slice %arg2[%dma_start3A_304, %dma_start3A_305] : memref<40960x32xf32, #tpu.memory_space<hbm>> -> memref<40960x32xf32, #tpu.memory_space<hbm>>
    tpu.enqueue_indirect_dma source(%dma_start3A_306 : memref<40960x32xf32, #tpu.memory_space<hbm>>) target(%arg14 : memref<128x32xf32, #tpu.memory_space<vmem>>) offsets(%dma_start3A_303 : memref<128xi32, #tpu.memory_space<vmem>>) semaphore(%arg17 : memref<!tpu.dma_semaphore, #tpu.memory_space<semaphore_mem>>)
    %dma_wait3A_307 = arith.constant 3 : i32
    %dma_wait3A_308 = arith.constant 0 : i32
    %dma_wait3A_309 = tpu.memref_slice %arg13[%dma_wait3A_307, %dma_wait3A_308] : memref<5x128xi32, #tpu.memory_space<vmem>> -> memref<1x128xi32, #tpu.memory_space<vmem>>
    %dma_wait3A_310 = tpu.memref_squeeze %dma_wait3A_309 : memref<1x128xi32, #tpu.memory_space<vmem>> -> memref<128xi32, #tpu.memory_space<vmem>>
    %dma_wait3A_311 = arith.constant 0 : i32
    %dma_wait3A_312 = arith.constant 0 : i32
    %dma_wait3A_313 = tpu.memref_slice %arg2[%dma_wait3A_311, %dma_wait3A_312] : memref<40960x32xf32, #tpu.memory_space<hbm>> -> memref<40960x32xf32, #tpu.memory_space<hbm>>
    tpu.wait_indirect_dma semaphore(%arg17 : memref<!tpu.dma_semaphore, #tpu.memory_space<semaphore_mem>>) src(%dma_wait3A_313 : memref<40960x32xf32, #tpu.memory_space<hbm>>) dst(%arg14 : memref<128x32xf32, #tpu.memory_space<vmem>>)
    %mul3A_314 = arith.constant 640 : i32
    %mul3A_315 = arith.muli %arg1, %mul3A_314 : i32
    %add3A_316 = arith.constant 384 : i32
    %add3A_317 = arith.addi %mul3A_315, %add3A_316 : i32
    "tpu.region"() ({
      %run_scoped3A = tpu.sem_alloc : memref<!tpu.dma_semaphore, #tpu.memory_space<semaphore_mem>>
      %dma_start3A_490 = arith.constant 0 : i32
      %dma_start3A_491 = tpu.memref_slice %arg15[%add3A_317, %dma_start3A_490] : memref<10240x32xf32, #tpu.memory_space<vmem_shared>> -> memref<128x32xf32, #tpu.memory_space<vmem_shared>>
      %dma_start3A_492 = arith.constant 0 : i32
      %dma_start3A_493 = tpu.memref_slice %arg15[%add3A_317, %dma_start3A_492] : memref<10240x32xf32, #tpu.memory_space<vmem_shared>> -> memref<128x32xf32, #tpu.memory_space<vmem_shared>>
      tpu.enqueue_dma source(%arg14 : memref<128x32xf32, #tpu.memory_space<vmem>>) target(%dma_start3A_493 : memref<128x32xf32, #tpu.memory_space<vmem_shared>>) target_semaphore(%run_scoped3A : memref<!tpu.dma_semaphore, #tpu.memory_space<semaphore_mem>>)
      %dma_wait3A_494 = arith.constant 0 : i32
      %dma_wait3A_495 = tpu.memref_slice %arg15[%add3A_317, %dma_wait3A_494] : memref<10240x32xf32, #tpu.memory_space<vmem_shared>> -> memref<128x32xf32, #tpu.memory_space<vmem_shared>>
      %dma_wait3A_496 = arith.constant 0 : i32
      %dma_wait3A_497 = tpu.memref_slice %arg15[%add3A_317, %dma_wait3A_496] : memref<10240x32xf32, #tpu.memory_space<vmem_shared>> -> memref<128x32xf32, #tpu.memory_space<vmem_shared>>
      tpu.wait_dma2 semaphore(%run_scoped3A : memref<!tpu.dma_semaphore, #tpu.memory_space<semaphore_mem>>) src(%arg14 : memref<128x32xf32, #tpu.memory_space<vmem>>) dst(%dma_wait3A_497 : memref<128x32xf32, #tpu.memory_space<vmem_shared>>)
      tpu.yield
    }) : () -> ()
    "tpu.region"() ({
      %run_scoped3A = tpu.sem_alloc : memref<!tpu.dma_semaphore, #tpu.memory_space<semaphore_mem>>
      %dma_start3A_490 = arith.constant 0 : i32
      %dma_start3A_491 = tpu.memref_slice %arg16[%add3A_317, %dma_start3A_490] : memref<10240x32xf32, #tpu.memory_space<vmem_shared>> -> memref<128x32xf32, #tpu.memory_space<vmem_shared>>
      %dma_start3A_492 = arith.constant 0 : i32
      %dma_start3A_493 = tpu.memref_slice %arg16[%add3A_317, %dma_start3A_492] : memref<10240x32xf32, #tpu.memory_space<vmem_shared>> -> memref<128x32xf32, #tpu.memory_space<vmem_shared>>
      tpu.enqueue_dma source(%arg14 : memref<128x32xf32, #tpu.memory_space<vmem>>) target(%dma_start3A_493 : memref<128x32xf32, #tpu.memory_space<vmem_shared>>) target_semaphore(%run_scoped3A : memref<!tpu.dma_semaphore, #tpu.memory_space<semaphore_mem>>)
      %dma_wait3A_494 = arith.constant 0 : i32
      %dma_wait3A_495 = tpu.memref_slice %arg16[%add3A_317, %dma_wait3A_494] : memref<10240x32xf32, #tpu.memory_space<vmem_shared>> -> memref<128x32xf32, #tpu.memory_space<vmem_shared>>
      %dma_wait3A_496 = arith.constant 0 : i32
      %dma_wait3A_497 = tpu.memref_slice %arg16[%add3A_317, %dma_wait3A_496] : memref<10240x32xf32, #tpu.memory_space<vmem_shared>> -> memref<128x32xf32, #tpu.memory_space<vmem_shared>>
      tpu.wait_dma2 semaphore(%run_scoped3A : memref<!tpu.dma_semaphore, #tpu.memory_space<semaphore_mem>>) src(%arg14 : memref<128x32xf32, #tpu.memory_space<vmem>>) dst(%dma_wait3A_497 : memref<128x32xf32, #tpu.memory_space<vmem_shared>>)
      tpu.yield
    }) : () -> ()
    %dma_start3A_318 = arith.constant 4 : i32
    %dma_start3A_319 = arith.constant 0 : i32
    %dma_start3A_320 = tpu.memref_slice %arg13[%dma_start3A_318, %dma_start3A_319] : memref<5x128xi32, #tpu.memory_space<vmem>> -> memref<1x128xi32, #tpu.memory_space<vmem>>
    %dma_start3A_321 = tpu.memref_squeeze %dma_start3A_320 : memref<1x128xi32, #tpu.memory_space<vmem>> -> memref<128xi32, #tpu.memory_space<vmem>>
    %dma_start3A_322 = arith.constant 0 : i32
    %dma_start3A_323 = arith.constant 0 : i32
    %dma_start3A_324 = tpu.memref_slice %arg2[%dma_start3A_322, %dma_start3A_323] : memref<40960x32xf32, #tpu.memory_space<hbm>> -> memref<40960x32xf32, #tpu.memory_space<hbm>>
    tpu.enqueue_indirect_dma source(%dma_start3A_324 : memref<40960x32xf32, #tpu.memory_space<hbm>>) target(%arg14 : memref<128x32xf32, #tpu.memory_space<vmem>>) offsets(%dma_start3A_321 : memref<128xi32, #tpu.memory_space<vmem>>) semaphore(%arg17 : memref<!tpu.dma_semaphore, #tpu.memory_space<semaphore_mem>>)
    %dma_wait3A_325 = arith.constant 4 : i32
    %dma_wait3A_326 = arith.constant 0 : i32
    %dma_wait3A_327 = tpu.memref_slice %arg13[%dma_wait3A_325, %dma_wait3A_326] : memref<5x128xi32, #tpu.memory_space<vmem>> -> memref<1x128xi32, #tpu.memory_space<vmem>>
    %dma_wait3A_328 = tpu.memref_squeeze %dma_wait3A_327 : memref<1x128xi32, #tpu.memory_space<vmem>> -> memref<128xi32, #tpu.memory_space<vmem>>
    %dma_wait3A_329 = arith.constant 0 : i32
    %dma_wait3A_330 = arith.constant 0 : i32
    %dma_wait3A_331 = tpu.memref_slice %arg2[%dma_wait3A_329, %dma_wait3A_330] : memref<40960x32xf32, #tpu.memory_space<hbm>> -> memref<40960x32xf32, #tpu.memory_space<hbm>>
    tpu.wait_indirect_dma semaphore(%arg17 : memref<!tpu.dma_semaphore, #tpu.memory_space<semaphore_mem>>) src(%dma_wait3A_331 : memref<40960x32xf32, #tpu.memory_space<hbm>>) dst(%arg14 : memref<128x32xf32, #tpu.memory_space<vmem>>)
    %mul3A_332 = arith.constant 640 : i32
    %mul3A_333 = arith.muli %arg1, %mul3A_332 : i32
    %add3A_334 = arith.constant 512 : i32
    %add3A_335 = arith.addi %mul3A_333, %add3A_334 : i32
    "tpu.region"() ({
      %run_scoped3A = tpu.sem_alloc : memref<!tpu.dma_semaphore, #tpu.memory_space<semaphore_mem>>
      %dma_start3A_490 = arith.constant 0 : i32
      %dma_start3A_491 = tpu.memref_slice %arg15[%add3A_335, %dma_start3A_490] : memref<10240x32xf32, #tpu.memory_space<vmem_shared>> -> memref<128x32xf32, #tpu.memory_space<vmem_shared>>
      %dma_start3A_492 = arith.constant 0 : i32
      %dma_start3A_493 = tpu.memref_slice %arg15[%add3A_335, %dma_start3A_492] : memref<10240x32xf32, #tpu.memory_space<vmem_shared>> -> memref<128x32xf32, #tpu.memory_space<vmem_shared>>
      tpu.enqueue_dma source(%arg14 : memref<128x32xf32, #tpu.memory_space<vmem>>) target(%dma_start3A_493 : memref<128x32xf32, #tpu.memory_space<vmem_shared>>) target_semaphore(%run_scoped3A : memref<!tpu.dma_semaphore, #tpu.memory_space<semaphore_mem>>)
      %dma_wait3A_494 = arith.constant 0 : i32
      %dma_wait3A_495 = tpu.memref_slice %arg15[%add3A_335, %dma_wait3A_494] : memref<10240x32xf32, #tpu.memory_space<vmem_shared>> -> memref<128x32xf32, #tpu.memory_space<vmem_shared>>
      %dma_wait3A_496 = arith.constant 0 : i32
      %dma_wait3A_497 = tpu.memref_slice %arg15[%add3A_335, %dma_wait3A_496] : memref<10240x32xf32, #tpu.memory_space<vmem_shared>> -> memref<128x32xf32, #tpu.memory_space<vmem_shared>>
      tpu.wait_dma2 semaphore(%run_scoped3A : memref<!tpu.dma_semaphore, #tpu.memory_space<semaphore_mem>>) src(%arg14 : memref<128x32xf32, #tpu.memory_space<vmem>>) dst(%dma_wait3A_497 : memref<128x32xf32, #tpu.memory_space<vmem_shared>>)
      tpu.yield
    }) : () -> ()
    "tpu.region"() ({
      %run_scoped3A = tpu.sem_alloc : memref<!tpu.dma_semaphore, #tpu.memory_space<semaphore_mem>>
      %dma_start3A_490 = arith.constant 0 : i32
      %dma_start3A_491 = tpu.memref_slice %arg16[%add3A_335, %dma_start3A_490] : memref<10240x32xf32, #tpu.memory_space<vmem_shared>> -> memref<128x32xf32, #tpu.memory_space<vmem_shared>>
      %dma_start3A_492 = arith.constant 0 : i32
      %dma_start3A_493 = tpu.memref_slice %arg16[%add3A_335, %dma_start3A_492] : memref<10240x32xf32, #tpu.memory_space<vmem_shared>> -> memref<128x32xf32, #tpu.memory_space<vmem_shared>>
      tpu.enqueue_dma source(%arg14 : memref<128x32xf32, #tpu.memory_space<vmem>>) target(%dma_start3A_493 : memref<128x32xf32, #tpu.memory_space<vmem_shared>>) target_semaphore(%run_scoped3A : memref<!tpu.dma_semaphore, #tpu.memory_space<semaphore_mem>>)
      %dma_wait3A_494 = arith.constant 0 : i32
      %dma_wait3A_495 = tpu.memref_slice %arg16[%add3A_335, %dma_wait3A_494] : memref<10240x32xf32, #tpu.memory_space<vmem_shared>> -> memref<128x32xf32, #tpu.memory_space<vmem_shared>>
      %dma_wait3A_496 = arith.constant 0 : i32
      %dma_wait3A_497 = tpu.memref_slice %arg16[%add3A_335, %dma_wait3A_496] : memref<10240x32xf32, #tpu.memory_space<vmem_shared>> -> memref<128x32xf32, #tpu.memory_space<vmem_shared>>
      tpu.wait_dma2 semaphore(%run_scoped3A : memref<!tpu.dma_semaphore, #tpu.memory_space<semaphore_mem>>) src(%arg14 : memref<128x32xf32, #tpu.memory_space<vmem>>) dst(%dma_wait3A_497 : memref<128x32xf32, #tpu.memory_space<vmem_shared>>)
      tpu.yield
    }) : () -> ()
    %barrier3A_336 = arith.constant 0 : index
    tpu.barrier barrier_id(%barrier3A_336)
    %dma_start3A_337 = arith.constant 0 : i32
    %dma_start3A_338 = arith.constant 0 : i32
    %dma_start3A_339 = tpu.memref_slice %arg7[%dma_start3A_337, %dma_start3A_338] : memref<160x128xi32, #tpu.memory_space<vmem>> -> memref<1x128xi32, #tpu.memory_space<vmem>>
    %dma_start3A_340 = tpu.memref_squeeze %dma_start3A_339 : memref<1x128xi32, #tpu.memory_space<vmem>> -> memref<128xi32, #tpu.memory_space<vmem>>
    %dma_start3A_341 = arith.constant 0 : i32
    %dma_start3A_342 = arith.constant 0 : i32
    %dma_start3A_343 = tpu.memref_slice %arg15[%dma_start3A_341, %dma_start3A_342] : memref<10240x32xf32, #tpu.memory_space<vmem_shared>> -> memref<10240x32xf32, #tpu.memory_space<vmem_shared>>
    tpu.enqueue_indirect_dma source(%dma_start3A_343 : memref<10240x32xf32, #tpu.memory_space<vmem_shared>>) target(%arg9 : memref<128x32xf32, #tpu.memory_space<vmem>>) offsets(%dma_start3A_340 : memref<128xi32, #tpu.memory_space<vmem>>) semaphore(%arg17 : memref<!tpu.dma_semaphore, #tpu.memory_space<semaphore_mem>>)
    %dma_start3A_344 = arith.constant 1 : i32
    %dma_start3A_345 = arith.constant 0 : i32
    %dma_start3A_346 = tpu.memref_slice %arg7[%dma_start3A_344, %dma_start3A_345] : memref<160x128xi32, #tpu.memory_space<vmem>> -> memref<1x128xi32, #tpu.memory_space<vmem>>
    %dma_start3A_347 = tpu.memref_squeeze %dma_start3A_346 : memref<1x128xi32, #tpu.memory_space<vmem>> -> memref<128xi32, #tpu.memory_space<vmem>>
    %dma_start3A_348 = arith.constant 0 : i32
    %dma_start3A_349 = arith.constant 0 : i32
    %dma_start3A_350 = tpu.memref_slice %arg15[%dma_start3A_348, %dma_start3A_349] : memref<10240x32xf32, #tpu.memory_space<vmem_shared>> -> memref<10240x32xf32, #tpu.memory_space<vmem_shared>>
    tpu.enqueue_indirect_dma source(%dma_start3A_350 : memref<10240x32xf32, #tpu.memory_space<vmem_shared>>) target(%arg10 : memref<128x32xf32, #tpu.memory_space<vmem>>) offsets(%dma_start3A_347 : memref<128xi32, #tpu.memory_space<vmem>>) semaphore(%arg18 : memref<!tpu.dma_semaphore, #tpu.memory_space<semaphore_mem>>)
    %dma_start3A_351 = arith.constant 2 : i32
    %dma_start3A_352 = arith.constant 0 : i32
    %dma_start3A_353 = tpu.memref_slice %arg7[%dma_start3A_351, %dma_start3A_352] : memref<160x128xi32, #tpu.memory_space<vmem>> -> memref<1x128xi32, #tpu.memory_space<vmem>>
    %dma_start3A_354 = tpu.memref_squeeze %dma_start3A_353 : memref<1x128xi32, #tpu.memory_space<vmem>> -> memref<128xi32, #tpu.memory_space<vmem>>
    %dma_start3A_355 = arith.constant 0 : i32
    %dma_start3A_356 = arith.constant 0 : i32
    %dma_start3A_357 = tpu.memref_slice %arg15[%dma_start3A_355, %dma_start3A_356] : memref<10240x32xf32, #tpu.memory_space<vmem_shared>> -> memref<10240x32xf32, #tpu.memory_space<vmem_shared>>
    tpu.enqueue_indirect_dma source(%dma_start3A_357 : memref<10240x32xf32, #tpu.memory_space<vmem_shared>>) target(%arg11 : memref<128x32xf32, #tpu.memory_space<vmem>>) offsets(%dma_start3A_354 : memref<128xi32, #tpu.memory_space<vmem>>) semaphore(%arg19 : memref<!tpu.dma_semaphore, #tpu.memory_space<semaphore_mem>>)
    %dma_start3A_358 = arith.constant 3 : i32
    %dma_start3A_359 = arith.constant 0 : i32
    %dma_start3A_360 = tpu.memref_slice %arg7[%dma_start3A_358, %dma_start3A_359] : memref<160x128xi32, #tpu.memory_space<vmem>> -> memref<1x128xi32, #tpu.memory_space<vmem>>
    %dma_start3A_361 = tpu.memref_squeeze %dma_start3A_360 : memref<1x128xi32, #tpu.memory_space<vmem>> -> memref<128xi32, #tpu.memory_space<vmem>>
    %dma_start3A_362 = arith.constant 0 : i32
    %dma_start3A_363 = arith.constant 0 : i32
    %dma_start3A_364 = tpu.memref_slice %arg15[%dma_start3A_362, %dma_start3A_363] : memref<10240x32xf32, #tpu.memory_space<vmem_shared>> -> memref<10240x32xf32, #tpu.memory_space<vmem_shared>>
    tpu.enqueue_indirect_dma source(%dma_start3A_364 : memref<10240x32xf32, #tpu.memory_space<vmem_shared>>) target(%arg12 : memref<128x32xf32, #tpu.memory_space<vmem>>) offsets(%dma_start3A_361 : memref<128xi32, #tpu.memory_space<vmem>>) semaphore(%arg20 : memref<!tpu.dma_semaphore, #tpu.memory_space<semaphore_mem>>)
    %scan3A_365 = arith.constant 0 : i32
    %scan3A_366 = arith.constant 0 : i32
    %scan3A_367 = arith.constant 40 : i32
    %scan3A_368 = arith.addi %scan3A_366, %scan3A_367 : i32
    %scan3A_369 = arith.constant 1 : i32
    scf.for %scan3A_490 = %scan3A_366 to %scan3A_368 step %scan3A_369  : i32 {
      %mul3A_491 = arith.constant 4 : i32
      %mul3A_492 = arith.muli %mul3A_491, %scan3A_490 : i32
      %add3A_493 = arith.constant 0 : i32
      %add3A_494 = arith.addi %mul3A_492, %add3A_493 : i32
      %dma_wait3A_495 = arith.constant 0 : i32
      %dma_wait3A_496 = tpu.memref_slice %arg7[%add3A_494, %dma_wait3A_495] : memref<160x128xi32, #tpu.memory_space<vmem>> -> memref<1x128xi32, #tpu.memory_space<vmem>>
      %dma_wait3A_497 = tpu.memref_squeeze %dma_wait3A_496 : memref<1x128xi32, #tpu.memory_space<vmem>> -> memref<128xi32, #tpu.memory_space<vmem>>
      %dma_wait3A_498 = arith.constant 0 : i32
      %dma_wait3A_499 = arith.constant 0 : i32
      %dma_wait3A_500 = tpu.memref_slice %arg15[%dma_wait3A_498, %dma_wait3A_499] : memref<10240x32xf32, #tpu.memory_space<vmem_shared>> -> memref<10240x32xf32, #tpu.memory_space<vmem_shared>>
      tpu.wait_indirect_dma semaphore(%arg17 : memref<!tpu.dma_semaphore, #tpu.memory_space<semaphore_mem>>) src(%dma_wait3A_500 : memref<10240x32xf32, #tpu.memory_space<vmem_shared>>) dst(%arg9 : memref<128x32xf32, #tpu.memory_space<vmem>>)
      %add3A_501 = arith.constant 0 : i32
      %add3A_502 = arith.addi %mul3A_492, %add3A_501 : i32
      %dma_start3A_503 = arith.constant 0 : i32
      %dma_start3A_504 = tpu.memref_slice %arg8[%add3A_502, %dma_start3A_503] : memref<160x128xi32, #tpu.memory_space<vmem>> -> memref<1x128xi32, #tpu.memory_space<vmem>>
      %dma_start3A_505 = tpu.memref_squeeze %dma_start3A_504 : memref<1x128xi32, #tpu.memory_space<vmem>> -> memref<128xi32, #tpu.memory_space<vmem>>
      %dma_start3A_506 = arith.constant 0 : i32
      %dma_start3A_507 = arith.constant 0 : i32
      %dma_start3A_508 = tpu.memref_slice %arg16[%dma_start3A_506, %dma_start3A_507] : memref<10240x32xf32, #tpu.memory_space<vmem_shared>> -> memref<10240x32xf32, #tpu.memory_space<vmem_shared>>
      tpu.enqueue_indirect_dma source(%arg9 : memref<128x32xf32, #tpu.memory_space<vmem>>) target(%dma_start3A_508 : memref<10240x32xf32, #tpu.memory_space<vmem_shared>>) offsets(%dma_start3A_505 : memref<128xi32, #tpu.memory_space<vmem>>) semaphore(%arg21 : memref<!tpu.dma_semaphore, #tpu.memory_space<semaphore_mem>>) {add = true}
      %add3A_509 = arith.constant 1 : i32
      %add3A_510 = arith.addi %mul3A_492, %add3A_509 : i32
      %dma_wait3A_511 = arith.constant 0 : i32
      %dma_wait3A_512 = tpu.memref_slice %arg7[%add3A_510, %dma_wait3A_511] : memref<160x128xi32, #tpu.memory_space<vmem>> -> memref<1x128xi32, #tpu.memory_space<vmem>>
      %dma_wait3A_513 = tpu.memref_squeeze %dma_wait3A_512 : memref<1x128xi32, #tpu.memory_space<vmem>> -> memref<128xi32, #tpu.memory_space<vmem>>
      %dma_wait3A_514 = arith.constant 0 : i32
      %dma_wait3A_515 = arith.constant 0 : i32
      %dma_wait3A_516 = tpu.memref_slice %arg15[%dma_wait3A_514, %dma_wait3A_515] : memref<10240x32xf32, #tpu.memory_space<vmem_shared>> -> memref<10240x32xf32, #tpu.memory_space<vmem_shared>>
      tpu.wait_indirect_dma semaphore(%arg18 : memref<!tpu.dma_semaphore, #tpu.memory_space<semaphore_mem>>) src(%dma_wait3A_516 : memref<10240x32xf32, #tpu.memory_space<vmem_shared>>) dst(%arg10 : memref<128x32xf32, #tpu.memory_space<vmem>>)
      %add3A_517 = arith.constant 1 : i32
      %add3A_518 = arith.addi %mul3A_492, %add3A_517 : i32
      %dma_start3A_519 = arith.constant 0 : i32
      %dma_start3A_520 = tpu.memref_slice %arg8[%add3A_518, %dma_start3A_519] : memref<160x128xi32, #tpu.memory_space<vmem>> -> memref<1x128xi32, #tpu.memory_space<vmem>>
      %dma_start3A_521 = tpu.memref_squeeze %dma_start3A_520 : memref<1x128xi32, #tpu.memory_space<vmem>> -> memref<128xi32, #tpu.memory_space<vmem>>
      %dma_start3A_522 = arith.constant 0 : i32
      %dma_start3A_523 = arith.constant 0 : i32
      %dma_start3A_524 = tpu.memref_slice %arg16[%dma_start3A_522, %dma_start3A_523] : memref<10240x32xf32, #tpu.memory_space<vmem_shared>> -> memref<10240x32xf32, #tpu.memory_space<vmem_shared>>
      tpu.enqueue_indirect_dma source(%arg10 : memref<128x32xf32, #tpu.memory_space<vmem>>) target(%dma_start3A_524 : memref<10240x32xf32, #tpu.memory_space<vmem_shared>>) offsets(%dma_start3A_521 : memref<128xi32, #tpu.memory_space<vmem>>) semaphore(%arg22 : memref<!tpu.dma_semaphore, #tpu.memory_space<semaphore_mem>>) {add = true}
      %add3A_525 = arith.constant 2 : i32
      %add3A_526 = arith.addi %mul3A_492, %add3A_525 : i32
      %dma_wait3A_527 = arith.constant 0 : i32
      %dma_wait3A_528 = tpu.memref_slice %arg7[%add3A_526, %dma_wait3A_527] : memref<160x128xi32, #tpu.memory_space<vmem>> -> memref<1x128xi32, #tpu.memory_space<vmem>>
      %dma_wait3A_529 = tpu.memref_squeeze %dma_wait3A_528 : memref<1x128xi32, #tpu.memory_space<vmem>> -> memref<128xi32, #tpu.memory_space<vmem>>
      %dma_wait3A_530 = arith.constant 0 : i32
      %dma_wait3A_531 = arith.constant 0 : i32
      %dma_wait3A_532 = tpu.memref_slice %arg15[%dma_wait3A_530, %dma_wait3A_531] : memref<10240x32xf32, #tpu.memory_space<vmem_shared>> -> memref<10240x32xf32, #tpu.memory_space<vmem_shared>>
      tpu.wait_indirect_dma semaphore(%arg19 : memref<!tpu.dma_semaphore, #tpu.memory_space<semaphore_mem>>) src(%dma_wait3A_532 : memref<10240x32xf32, #tpu.memory_space<vmem_shared>>) dst(%arg11 : memref<128x32xf32, #tpu.memory_space<vmem>>)
      %add3A_533 = arith.constant 2 : i32
      %add3A_534 = arith.addi %mul3A_492, %add3A_533 : i32
      %dma_start3A_535 = arith.constant 0 : i32
      %dma_start3A_536 = tpu.memref_slice %arg8[%add3A_534, %dma_start3A_535] : memref<160x128xi32, #tpu.memory_space<vmem>> -> memref<1x128xi32, #tpu.memory_space<vmem>>
      %dma_start3A_537 = tpu.memref_squeeze %dma_start3A_536 : memref<1x128xi32, #tpu.memory_space<vmem>> -> memref<128xi32, #tpu.memory_space<vmem>>
      %dma_start3A_538 = arith.constant 0 : i32
      %dma_start3A_539 = arith.constant 0 : i32
      %dma_start3A_540 = tpu.memref_slice %arg16[%dma_start3A_538, %dma_start3A_539] : memref<10240x32xf32, #tpu.memory_space<vmem_shared>> -> memref<10240x32xf32, #tpu.memory_space<vmem_shared>>
      tpu.enqueue_indirect_dma source(%arg11 : memref<128x32xf32, #tpu.memory_space<vmem>>) target(%dma_start3A_540 : memref<10240x32xf32, #tpu.memory_space<vmem_shared>>) offsets(%dma_start3A_537 : memref<128xi32, #tpu.memory_space<vmem>>) semaphore(%arg23 : memref<!tpu.dma_semaphore, #tpu.memory_space<semaphore_mem>>) {add = true}
      %add3A_541 = arith.constant 3 : i32
      %add3A_542 = arith.addi %mul3A_492, %add3A_541 : i32
      %dma_wait3A_543 = arith.constant 0 : i32
      %dma_wait3A_544 = tpu.memref_slice %arg7[%add3A_542, %dma_wait3A_543] : memref<160x128xi32, #tpu.memory_space<vmem>> -> memref<1x128xi32, #tpu.memory_space<vmem>>
      %dma_wait3A_545 = tpu.memref_squeeze %dma_wait3A_544 : memref<1x128xi32, #tpu.memory_space<vmem>> -> memref<128xi32, #tpu.memory_space<vmem>>
      %dma_wait3A_546 = arith.constant 0 : i32
      %dma_wait3A_547 = arith.constant 0 : i32
      %dma_wait3A_548 = tpu.memref_slice %arg15[%dma_wait3A_546, %dma_wait3A_547] : memref<10240x32xf32, #tpu.memory_space<vmem_shared>> -> memref<10240x32xf32, #tpu.memory_space<vmem_shared>>
      tpu.wait_indirect_dma semaphore(%arg20 : memref<!tpu.dma_semaphore, #tpu.memory_space<semaphore_mem>>) src(%dma_wait3A_548 : memref<10240x32xf32, #tpu.memory_space<vmem_shared>>) dst(%arg12 : memref<128x32xf32, #tpu.memory_space<vmem>>)
      %add3A_549 = arith.constant 3 : i32
      %add3A_550 = arith.addi %mul3A_492, %add3A_549 : i32
      %dma_start3A_551 = arith.constant 0 : i32
      %dma_start3A_552 = tpu.memref_slice %arg8[%add3A_550, %dma_start3A_551] : memref<160x128xi32, #tpu.memory_space<vmem>> -> memref<1x128xi32, #tpu.memory_space<vmem>>
      %dma_start3A_553 = tpu.memref_squeeze %dma_start3A_552 : memref<1x128xi32, #tpu.memory_space<vmem>> -> memref<128xi32, #tpu.memory_space<vmem>>
      %dma_start3A_554 = arith.constant 0 : i32
      %dma_start3A_555 = arith.constant 0 : i32
      %dma_start3A_556 = tpu.memref_slice %arg16[%dma_start3A_554, %dma_start3A_555] : memref<10240x32xf32, #tpu.memory_space<vmem_shared>> -> memref<10240x32xf32, #tpu.memory_space<vmem_shared>>
      tpu.enqueue_indirect_dma source(%arg12 : memref<128x32xf32, #tpu.memory_space<vmem>>) target(%dma_start3A_556 : memref<10240x32xf32, #tpu.memory_space<vmem_shared>>) offsets(%dma_start3A_553 : memref<128xi32, #tpu.memory_space<vmem>>) semaphore(%arg24 : memref<!tpu.dma_semaphore, #tpu.memory_space<semaphore_mem>>) {add = true}
      %lt3A = arith.constant 39 : i32
      %lt3A_557 = arith.cmpi slt, %scan3A_490, %lt3A : i32
      %convert_element_type3A = arith.extui %lt3A_557 : i1 to i32
      %cond3A = arith.constant 0 : i32
      %cond3A_558 = arith.cmpi ne, %convert_element_type3A, %cond3A : i32
      scf.if %cond3A_558 {
        %add3A_559 = arith.constant 0 : i32
        %add3A_560 = arith.addi %mul3A_492, %add3A_559 : i32
        %dma_wait3A_561 = arith.constant 0 : i32
        %dma_wait3A_562 = tpu.memref_slice %arg8[%add3A_560, %dma_wait3A_561] : memref<160x128xi32, #tpu.memory_space<vmem>> -> memref<1x128xi32, #tpu.memory_space<vmem>>
        %dma_wait3A_563 = tpu.memref_squeeze %dma_wait3A_562 : memref<1x128xi32, #tpu.memory_space<vmem>> -> memref<128xi32, #tpu.memory_space<vmem>>
        %dma_wait3A_564 = arith.constant 0 : i32
        %dma_wait3A_565 = arith.constant 0 : i32
        %dma_wait3A_566 = tpu.memref_slice %arg16[%dma_wait3A_564, %dma_wait3A_565] : memref<10240x32xf32, #tpu.memory_space<vmem_shared>> -> memref<10240x32xf32, #tpu.memory_space<vmem_shared>>
        tpu.wait_indirect_dma semaphore(%arg21 : memref<!tpu.dma_semaphore, #tpu.memory_space<semaphore_mem>>) src(%arg9 : memref<128x32xf32, #tpu.memory_space<vmem>>) dst(%dma_wait3A_566 : memref<10240x32xf32, #tpu.memory_space<vmem_shared>>)
        %add3A_567 = arith.constant 4 : i32
        %add3A_568 = arith.addi %mul3A_492, %add3A_567 : i32
        %add3A_569 = arith.constant 0 : i32
        %add3A_570 = arith.addi %add3A_568, %add3A_569 : i32
        %dma_start3A_571 = arith.constant 0 : i32
        %dma_start3A_572 = tpu.memref_slice %arg7[%add3A_570, %dma_start3A_571] : memref<160x128xi32, #tpu.memory_space<vmem>> -> memref<1x128xi32, #tpu.memory_space<vmem>>
        %dma_start3A_573 = tpu.memref_squeeze %dma_start3A_572 : memref<1x128xi32, #tpu.memory_space<vmem>> -> memref<128xi32, #tpu.memory_space<vmem>>
        %dma_start3A_574 = arith.constant 0 : i32
        %dma_start3A_575 = arith.constant 0 : i32
        %dma_start3A_576 = tpu.memref_slice %arg15[%dma_start3A_574, %dma_start3A_575] : memref<10240x32xf32, #tpu.memory_space<vmem_shared>> -> memref<10240x32xf32, #tpu.memory_space<vmem_shared>>
        tpu.enqueue_indirect_dma source(%dma_start3A_576 : memref<10240x32xf32, #tpu.memory_space<vmem_shared>>) target(%arg9 : memref<128x32xf32, #tpu.memory_space<vmem>>) offsets(%dma_start3A_573 : memref<128xi32, #tpu.memory_space<vmem>>) semaphore(%arg17 : memref<!tpu.dma_semaphore, #tpu.memory_space<semaphore_mem>>)
        %add3A_577 = arith.constant 1 : i32
        %add3A_578 = arith.addi %mul3A_492, %add3A_577 : i32
        %dma_wait3A_579 = arith.constant 0 : i32
        %dma_wait3A_580 = tpu.memref_slice %arg8[%add3A_578, %dma_wait3A_579] : memref<160x128xi32, #tpu.memory_space<vmem>> -> memref<1x128xi32, #tpu.memory_space<vmem>>
        %dma_wait3A_581 = tpu.memref_squeeze %dma_wait3A_580 : memref<1x128xi32, #tpu.memory_space<vmem>> -> memref<128xi32, #tpu.memory_space<vmem>>
        %dma_wait3A_582 = arith.constant 0 : i32
        %dma_wait3A_583 = arith.constant 0 : i32
        %dma_wait3A_584 = tpu.memref_slice %arg16[%dma_wait3A_582, %dma_wait3A_583] : memref<10240x32xf32, #tpu.memory_space<vmem_shared>> -> memref<10240x32xf32, #tpu.memory_space<vmem_shared>>
        tpu.wait_indirect_dma semaphore(%arg22 : memref<!tpu.dma_semaphore, #tpu.memory_space<semaphore_mem>>) src(%arg10 : memref<128x32xf32, #tpu.memory_space<vmem>>) dst(%dma_wait3A_584 : memref<10240x32xf32, #tpu.memory_space<vmem_shared>>)
        %add3A_585 = arith.constant 4 : i32
        %add3A_586 = arith.addi %mul3A_492, %add3A_585 : i32
        %add3A_587 = arith.constant 1 : i32
        %add3A_588 = arith.addi %add3A_586, %add3A_587 : i32
        %dma_start3A_589 = arith.constant 0 : i32
        %dma_start3A_590 = tpu.memref_slice %arg7[%add3A_588, %dma_start3A_589] : memref<160x128xi32, #tpu.memory_space<vmem>> -> memref<1x128xi32, #tpu.memory_space<vmem>>
        %dma_start3A_591 = tpu.memref_squeeze %dma_start3A_590 : memref<1x128xi32, #tpu.memory_space<vmem>> -> memref<128xi32, #tpu.memory_space<vmem>>
        %dma_start3A_592 = arith.constant 0 : i32
        %dma_start3A_593 = arith.constant 0 : i32
        %dma_start3A_594 = tpu.memref_slice %arg15[%dma_start3A_592, %dma_start3A_593] : memref<10240x32xf32, #tpu.memory_space<vmem_shared>> -> memref<10240x32xf32, #tpu.memory_space<vmem_shared>>
        tpu.enqueue_indirect_dma source(%dma_start3A_594 : memref<10240x32xf32, #tpu.memory_space<vmem_shared>>) target(%arg10 : memref<128x32xf32, #tpu.memory_space<vmem>>) offsets(%dma_start3A_591 : memref<128xi32, #tpu.memory_space<vmem>>) semaphore(%arg18 : memref<!tpu.dma_semaphore, #tpu.memory_space<semaphore_mem>>)
        %add3A_595 = arith.constant 2 : i32
        %add3A_596 = arith.addi %mul3A_492, %add3A_595 : i32
        %dma_wait3A_597 = arith.constant 0 : i32
        %dma_wait3A_598 = tpu.memref_slice %arg8[%add3A_596, %dma_wait3A_597] : memref<160x128xi32, #tpu.memory_space<vmem>> -> memref<1x128xi32, #tpu.memory_space<vmem>>
        %dma_wait3A_599 = tpu.memref_squeeze %dma_wait3A_598 : memref<1x128xi32, #tpu.memory_space<vmem>> -> memref<128xi32, #tpu.memory_space<vmem>>
        %dma_wait3A_600 = arith.constant 0 : i32
        %dma_wait3A_601 = arith.constant 0 : i32
        %dma_wait3A_602 = tpu.memref_slice %arg16[%dma_wait3A_600, %dma_wait3A_601] : memref<10240x32xf32, #tpu.memory_space<vmem_shared>> -> memref<10240x32xf32, #tpu.memory_space<vmem_shared>>
        tpu.wait_indirect_dma semaphore(%arg23 : memref<!tpu.dma_semaphore, #tpu.memory_space<semaphore_mem>>) src(%arg11 : memref<128x32xf32, #tpu.memory_space<vmem>>) dst(%dma_wait3A_602 : memref<10240x32xf32, #tpu.memory_space<vmem_shared>>)
        %add3A_603 = arith.constant 4 : i32
        %add3A_604 = arith.addi %mul3A_492, %add3A_603 : i32
        %add3A_605 = arith.constant 2 : i32
        %add3A_606 = arith.addi %add3A_604, %add3A_605 : i32
        %dma_start3A_607 = arith.constant 0 : i32
        %dma_start3A_608 = tpu.memref_slice %arg7[%add3A_606, %dma_start3A_607] : memref<160x128xi32, #tpu.memory_space<vmem>> -> memref<1x128xi32, #tpu.memory_space<vmem>>
        %dma_start3A_609 = tpu.memref_squeeze %dma_start3A_608 : memref<1x128xi32, #tpu.memory_space<vmem>> -> memref<128xi32, #tpu.memory_space<vmem>>
        %dma_start3A_610 = arith.constant 0 : i32
        %dma_start3A_611 = arith.constant 0 : i32
        %dma_start3A_612 = tpu.memref_slice %arg15[%dma_start3A_610, %dma_start3A_611] : memref<10240x32xf32, #tpu.memory_space<vmem_shared>> -> memref<10240x32xf32, #tpu.memory_space<vmem_shared>>
        tpu.enqueue_indirect_dma source(%dma_start3A_612 : memref<10240x32xf32, #tpu.memory_space<vmem_shared>>) target(%arg11 : memref<128x32xf32, #tpu.memory_space<vmem>>) offsets(%dma_start3A_609 : memref<128xi32, #tpu.memory_space<vmem>>) semaphore(%arg19 : memref<!tpu.dma_semaphore, #tpu.memory_space<semaphore_mem>>)
        %add3A_613 = arith.constant 3 : i32
        %add3A_614 = arith.addi %mul3A_492, %add3A_613 : i32
        %dma_wait3A_615 = arith.constant 0 : i32
        %dma_wait3A_616 = tpu.memref_slice %arg8[%add3A_614, %dma_wait3A_615] : memref<160x128xi32, #tpu.memory_space<vmem>> -> memref<1x128xi32, #tpu.memory_space<vmem>>
        %dma_wait3A_617 = tpu.memref_squeeze %dma_wait3A_616 : memref<1x128xi32, #tpu.memory_space<vmem>> -> memref<128xi32, #tpu.memory_space<vmem>>
        %dma_wait3A_618 = arith.constant 0 : i32
        %dma_wait3A_619 = arith.constant 0 : i32
        %dma_wait3A_620 = tpu.memref_slice %arg16[%dma_wait3A_618, %dma_wait3A_619] : memref<10240x32xf32, #tpu.memory_space<vmem_shared>> -> memref<10240x32xf32, #tpu.memory_space<vmem_shared>>
        tpu.wait_indirect_dma semaphore(%arg24 : memref<!tpu.dma_semaphore, #tpu.memory_space<semaphore_mem>>) src(%arg12 : memref<128x32xf32, #tpu.memory_space<vmem>>) dst(%dma_wait3A_620 : memref<10240x32xf32, #tpu.memory_space<vmem_shared>>)
        %add3A_621 = arith.constant 4 : i32
        %add3A_622 = arith.addi %mul3A_492, %add3A_621 : i32
        %add3A_623 = arith.constant 3 : i32
        %add3A_624 = arith.addi %add3A_622, %add3A_623 : i32
        %dma_start3A_625 = arith.constant 0 : i32
        %dma_start3A_626 = tpu.memref_slice %arg7[%add3A_624, %dma_start3A_625] : memref<160x128xi32, #tpu.memory_space<vmem>> -> memref<1x128xi32, #tpu.memory_space<vmem>>
        %dma_start3A_627 = tpu.memref_squeeze %dma_start3A_626 : memref<1x128xi32, #tpu.memory_space<vmem>> -> memref<128xi32, #tpu.memory_space<vmem>>
        %dma_start3A_628 = arith.constant 0 : i32
        %dma_start3A_629 = arith.constant 0 : i32
        %dma_start3A_630 = tpu.memref_slice %arg15[%dma_start3A_628, %dma_start3A_629] : memref<10240x32xf32, #tpu.memory_space<vmem_shared>> -> memref<10240x32xf32, #tpu.memory_space<vmem_shared>>
        tpu.enqueue_indirect_dma source(%dma_start3A_630 : memref<10240x32xf32, #tpu.memory_space<vmem_shared>>) target(%arg12 : memref<128x32xf32, #tpu.memory_space<vmem>>) offsets(%dma_start3A_627 : memref<128xi32, #tpu.memory_space<vmem>>) semaphore(%arg20 : memref<!tpu.dma_semaphore, #tpu.memory_space<semaphore_mem>>)
      } else {
      }
    }
    %scan3A_370 = arith.constant 40 : i32
    %dma_wait3A_371 = arith.constant 156 : i32
    %dma_wait3A_372 = arith.constant 0 : i32
    %dma_wait3A_373 = tpu.memref_slice %arg8[%dma_wait3A_371, %dma_wait3A_372] : memref<160x128xi32, #tpu.memory_space<vmem>> -> memref<1x128xi32, #tpu.memory_space<vmem>>
    %dma_wait3A_374 = tpu.memref_squeeze %dma_wait3A_373 : memref<1x128xi32, #tpu.memory_space<vmem>> -> memref<128xi32, #tpu.memory_space<vmem>>
    %dma_wait3A_375 = arith.constant 0 : i32
    %dma_wait3A_376 = arith.constant 0 : i32
    %dma_wait3A_377 = tpu.memref_slice %arg16[%dma_wait3A_375, %dma_wait3A_376] : memref<10240x32xf32, #tpu.memory_space<vmem_shared>> -> memref<10240x32xf32, #tpu.memory_space<vmem_shared>>
    tpu.wait_indirect_dma semaphore(%arg21 : memref<!tpu.dma_semaphore, #tpu.memory_space<semaphore_mem>>) src(%arg9 : memref<128x32xf32, #tpu.memory_space<vmem>>) dst(%dma_wait3A_377 : memref<10240x32xf32, #tpu.memory_space<vmem_shared>>)
    %dma_wait3A_378 = arith.constant 157 : i32
    %dma_wait3A_379 = arith.constant 0 : i32
    %dma_wait3A_380 = tpu.memref_slice %arg8[%dma_wait3A_378, %dma_wait3A_379] : memref<160x128xi32, #tpu.memory_space<vmem>> -> memref<1x128xi32, #tpu.memory_space<vmem>>
    %dma_wait3A_381 = tpu.memref_squeeze %dma_wait3A_380 : memref<1x128xi32, #tpu.memory_space<vmem>> -> memref<128xi32, #tpu.memory_space<vmem>>
    %dma_wait3A_382 = arith.constant 0 : i32
    %dma_wait3A_383 = arith.constant 0 : i32
    %dma_wait3A_384 = tpu.memref_slice %arg16[%dma_wait3A_382, %dma_wait3A_383] : memref<10240x32xf32, #tpu.memory_space<vmem_shared>> -> memref<10240x32xf32, #tpu.memory_space<vmem_shared>>
    tpu.wait_indirect_dma semaphore(%arg22 : memref<!tpu.dma_semaphore, #tpu.memory_space<semaphore_mem>>) src(%arg10 : memref<128x32xf32, #tpu.memory_space<vmem>>) dst(%dma_wait3A_384 : memref<10240x32xf32, #tpu.memory_space<vmem_shared>>)
    %dma_wait3A_385 = arith.constant 158 : i32
    %dma_wait3A_386 = arith.constant 0 : i32
    %dma_wait3A_387 = tpu.memref_slice %arg8[%dma_wait3A_385, %dma_wait3A_386] : memref<160x128xi32, #tpu.memory_space<vmem>> -> memref<1x128xi32, #tpu.memory_space<vmem>>
    %dma_wait3A_388 = tpu.memref_squeeze %dma_wait3A_387 : memref<1x128xi32, #tpu.memory_space<vmem>> -> memref<128xi32, #tpu.memory_space<vmem>>
    %dma_wait3A_389 = arith.constant 0 : i32
    %dma_wait3A_390 = arith.constant 0 : i32
    %dma_wait3A_391 = tpu.memref_slice %arg16[%dma_wait3A_389, %dma_wait3A_390] : memref<10240x32xf32, #tpu.memory_space<vmem_shared>> -> memref<10240x32xf32, #tpu.memory_space<vmem_shared>>
    tpu.wait_indirect_dma semaphore(%arg23 : memref<!tpu.dma_semaphore, #tpu.memory_space<semaphore_mem>>) src(%arg11 : memref<128x32xf32, #tpu.memory_space<vmem>>) dst(%dma_wait3A_391 : memref<10240x32xf32, #tpu.memory_space<vmem_shared>>)
    %dma_wait3A_392 = arith.constant 159 : i32
    %dma_wait3A_393 = arith.constant 0 : i32
    %dma_wait3A_394 = tpu.memref_slice %arg8[%dma_wait3A_392, %dma_wait3A_393] : memref<160x128xi32, #tpu.memory_space<vmem>> -> memref<1x128xi32, #tpu.memory_space<vmem>>
    %dma_wait3A_395 = tpu.memref_squeeze %dma_wait3A_394 : memref<1x128xi32, #tpu.memory_space<vmem>> -> memref<128xi32, #tpu.memory_space<vmem>>
    %dma_wait3A_396 = arith.constant 0 : i32
    %dma_wait3A_397 = arith.constant 0 : i32
    %dma_wait3A_398 = tpu.memref_slice %arg16[%dma_wait3A_396, %dma_wait3A_397] : memref<10240x32xf32, #tpu.memory_space<vmem_shared>> -> memref<10240x32xf32, #tpu.memory_space<vmem_shared>>
    tpu.wait_indirect_dma semaphore(%arg24 : memref<!tpu.dma_semaphore, #tpu.memory_space<semaphore_mem>>) src(%arg12 : memref<128x32xf32, #tpu.memory_space<vmem>>) dst(%dma_wait3A_398 : memref<10240x32xf32, #tpu.memory_space<vmem_shared>>)
    %barrier3A_399 = arith.constant 0 : index
    tpu.barrier barrier_id(%barrier3A_399)
    %mul3A_400 = arith.constant 640 : i32
    %mul3A_401 = arith.muli %arg1, %mul3A_400 : i32
    %add3A_402 = arith.constant 0 : i32
    %add3A_403 = arith.addi %mul3A_401, %add3A_402 : i32
    "tpu.region"() ({
      %run_scoped3A = tpu.sem_alloc : memref<!tpu.dma_semaphore, #tpu.memory_space<semaphore_mem>>
      %dma_start3A_490 = arith.constant 0 : i32
      %dma_start3A_491 = tpu.memref_slice %arg16[%add3A_403, %dma_start3A_490] : memref<10240x32xf32, #tpu.memory_space<vmem_shared>> -> memref<128x32xf32, #tpu.memory_space<vmem_shared>>
      %dma_start3A_492 = arith.constant 0 : i32
      %dma_start3A_493 = tpu.memref_slice %arg16[%add3A_403, %dma_start3A_492] : memref<10240x32xf32, #tpu.memory_space<vmem_shared>> -> memref<128x32xf32, #tpu.memory_space<vmem_shared>>
      tpu.enqueue_dma source(%dma_start3A_493 : memref<128x32xf32, #tpu.memory_space<vmem_shared>>) target(%arg14 : memref<128x32xf32, #tpu.memory_space<vmem>>) target_semaphore(%run_scoped3A : memref<!tpu.dma_semaphore, #tpu.memory_space<semaphore_mem>>)
      %dma_wait3A_494 = arith.constant 0 : i32
      %dma_wait3A_495 = tpu.memref_slice %arg16[%add3A_403, %dma_wait3A_494] : memref<10240x32xf32, #tpu.memory_space<vmem_shared>> -> memref<128x32xf32, #tpu.memory_space<vmem_shared>>
      %dma_wait3A_496 = arith.constant 0 : i32
      %dma_wait3A_497 = tpu.memref_slice %arg16[%add3A_403, %dma_wait3A_496] : memref<10240x32xf32, #tpu.memory_space<vmem_shared>> -> memref<128x32xf32, #tpu.memory_space<vmem_shared>>
      tpu.wait_dma2 semaphore(%run_scoped3A : memref<!tpu.dma_semaphore, #tpu.memory_space<semaphore_mem>>) src(%dma_wait3A_497 : memref<128x32xf32, #tpu.memory_space<vmem_shared>>) dst(%arg14 : memref<128x32xf32, #tpu.memory_space<vmem>>)
      tpu.yield
    }) : () -> ()
    %dma_start3A_404 = arith.constant 0 : i32
    %dma_start3A_405 = arith.constant 0 : i32
    %dma_start3A_406 = tpu.memref_slice %arg13[%dma_start3A_404, %dma_start3A_405] : memref<5x128xi32, #tpu.memory_space<vmem>> -> memref<1x128xi32, #tpu.memory_space<vmem>>
    %dma_start3A_407 = tpu.memref_squeeze %dma_start3A_406 : memref<1x128xi32, #tpu.memory_space<vmem>> -> memref<128xi32, #tpu.memory_space<vmem>>
    %dma_start3A_408 = arith.constant 0 : i32
    %dma_start3A_409 = arith.constant 0 : i32
    %dma_start3A_410 = tpu.memref_slice %arg6[%dma_start3A_408, %dma_start3A_409] : memref<40960x32xf32, #tpu.memory_space<hbm>> -> memref<40960x32xf32, #tpu.memory_space<hbm>>
    tpu.enqueue_indirect_dma source(%arg14 : memref<128x32xf32, #tpu.memory_space<vmem>>) target(%dma_start3A_410 : memref<40960x32xf32, #tpu.memory_space<hbm>>) offsets(%dma_start3A_407 : memref<128xi32, #tpu.memory_space<vmem>>) semaphore(%arg21 : memref<!tpu.dma_semaphore, #tpu.memory_space<semaphore_mem>>)
    %dma_wait3A_411 = arith.constant 0 : i32
    %dma_wait3A_412 = arith.constant 0 : i32
    %dma_wait3A_413 = tpu.memref_slice %arg13[%dma_wait3A_411, %dma_wait3A_412] : memref<5x128xi32, #tpu.memory_space<vmem>> -> memref<1x128xi32, #tpu.memory_space<vmem>>
    %dma_wait3A_414 = tpu.memref_squeeze %dma_wait3A_413 : memref<1x128xi32, #tpu.memory_space<vmem>> -> memref<128xi32, #tpu.memory_space<vmem>>
    %dma_wait3A_415 = arith.constant 0 : i32
    %dma_wait3A_416 = arith.constant 0 : i32
    %dma_wait3A_417 = tpu.memref_slice %arg6[%dma_wait3A_415, %dma_wait3A_416] : memref<40960x32xf32, #tpu.memory_space<hbm>> -> memref<40960x32xf32, #tpu.memory_space<hbm>>
    tpu.wait_indirect_dma semaphore(%arg21 : memref<!tpu.dma_semaphore, #tpu.memory_space<semaphore_mem>>) src(%arg14 : memref<128x32xf32, #tpu.memory_space<vmem>>) dst(%dma_wait3A_417 : memref<40960x32xf32, #tpu.memory_space<hbm>>)
    %mul3A_418 = arith.constant 640 : i32
    %mul3A_419 = arith.muli %arg1, %mul3A_418 : i32
    %add3A_420 = arith.constant 128 : i32
    %add3A_421 = arith.addi %mul3A_419, %add3A_420 : i32
    "tpu.region"() ({
      %run_scoped3A = tpu.sem_alloc : memref<!tpu.dma_semaphore, #tpu.memory_space<semaphore_mem>>
      %dma_start3A_490 = arith.constant 0 : i32
      %dma_start3A_491 = tpu.memref_slice %arg16[%add3A_421, %dma_start3A_490] : memref<10240x32xf32, #tpu.memory_space<vmem_shared>> -> memref<128x32xf32, #tpu.memory_space<vmem_shared>>
      %dma_start3A_492 = arith.constant 0 : i32
      %dma_start3A_493 = tpu.memref_slice %arg16[%add3A_421, %dma_start3A_492] : memref<10240x32xf32, #tpu.memory_space<vmem_shared>> -> memref<128x32xf32, #tpu.memory_space<vmem_shared>>
      tpu.enqueue_dma source(%dma_start3A_493 : memref<128x32xf32, #tpu.memory_space<vmem_shared>>) target(%arg14 : memref<128x32xf32, #tpu.memory_space<vmem>>) target_semaphore(%run_scoped3A : memref<!tpu.dma_semaphore, #tpu.memory_space<semaphore_mem>>)
      %dma_wait3A_494 = arith.constant 0 : i32
      %dma_wait3A_495 = tpu.memref_slice %arg16[%add3A_421, %dma_wait3A_494] : memref<10240x32xf32, #tpu.memory_space<vmem_shared>> -> memref<128x32xf32, #tpu.memory_space<vmem_shared>>
      %dma_wait3A_496 = arith.constant 0 : i32
      %dma_wait3A_497 = tpu.memref_slice %arg16[%add3A_421, %dma_wait3A_496] : memref<10240x32xf32, #tpu.memory_space<vmem_shared>> -> memref<128x32xf32, #tpu.memory_space<vmem_shared>>
      tpu.wait_dma2 semaphore(%run_scoped3A : memref<!tpu.dma_semaphore, #tpu.memory_space<semaphore_mem>>) src(%dma_wait3A_497 : memref<128x32xf32, #tpu.memory_space<vmem_shared>>) dst(%arg14 : memref<128x32xf32, #tpu.memory_space<vmem>>)
      tpu.yield
    }) : () -> ()
    %dma_start3A_422 = arith.constant 1 : i32
    %dma_start3A_423 = arith.constant 0 : i32
    %dma_start3A_424 = tpu.memref_slice %arg13[%dma_start3A_422, %dma_start3A_423] : memref<5x128xi32, #tpu.memory_space<vmem>> -> memref<1x128xi32, #tpu.memory_space<vmem>>
    %dma_start3A_425 = tpu.memref_squeeze %dma_start3A_424 : memref<1x128xi32, #tpu.memory_space<vmem>> -> memref<128xi32, #tpu.memory_space<vmem>>
    %dma_start3A_426 = arith.constant 0 : i32
    %dma_start3A_427 = arith.constant 0 : i32
    %dma_start3A_428 = tpu.memref_slice %arg6[%dma_start3A_426, %dma_start3A_427] : memref<40960x32xf32, #tpu.memory_space<hbm>> -> memref<40960x32xf32, #tpu.memory_space<hbm>>
    tpu.enqueue_indirect_dma source(%arg14 : memref<128x32xf32, #tpu.memory_space<vmem>>) target(%dma_start3A_428 : memref<40960x32xf32, #tpu.memory_space<hbm>>) offsets(%dma_start3A_425 : memref<128xi32, #tpu.memory_space<vmem>>) semaphore(%arg21 : memref<!tpu.dma_semaphore, #tpu.memory_space<semaphore_mem>>)
    %dma_wait3A_429 = arith.constant 1 : i32
    %dma_wait3A_430 = arith.constant 0 : i32
    %dma_wait3A_431 = tpu.memref_slice %arg13[%dma_wait3A_429, %dma_wait3A_430] : memref<5x128xi32, #tpu.memory_space<vmem>> -> memref<1x128xi32, #tpu.memory_space<vmem>>
    %dma_wait3A_432 = tpu.memref_squeeze %dma_wait3A_431 : memref<1x128xi32, #tpu.memory_space<vmem>> -> memref<128xi32, #tpu.memory_space<vmem>>
    %dma_wait3A_433 = arith.constant 0 : i32
    %dma_wait3A_434 = arith.constant 0 : i32
    %dma_wait3A_435 = tpu.memref_slice %arg6[%dma_wait3A_433, %dma_wait3A_434] : memref<40960x32xf32, #tpu.memory_space<hbm>> -> memref<40960x32xf32, #tpu.memory_space<hbm>>
    tpu.wait_indirect_dma semaphore(%arg21 : memref<!tpu.dma_semaphore, #tpu.memory_space<semaphore_mem>>) src(%arg14 : memref<128x32xf32, #tpu.memory_space<vmem>>) dst(%dma_wait3A_435 : memref<40960x32xf32, #tpu.memory_space<hbm>>)
    %mul3A_436 = arith.constant 640 : i32
    %mul3A_437 = arith.muli %arg1, %mul3A_436 : i32
    %add3A_438 = arith.constant 256 : i32
    %add3A_439 = arith.addi %mul3A_437, %add3A_438 : i32
    "tpu.region"() ({
      %run_scoped3A = tpu.sem_alloc : memref<!tpu.dma_semaphore, #tpu.memory_space<semaphore_mem>>
      %dma_start3A_490 = arith.constant 0 : i32
      %dma_start3A_491 = tpu.memref_slice %arg16[%add3A_439, %dma_start3A_490] : memref<10240x32xf32, #tpu.memory_space<vmem_shared>> -> memref<128x32xf32, #tpu.memory_space<vmem_shared>>
      %dma_start3A_492 = arith.constant 0 : i32
      %dma_start3A_493 = tpu.memref_slice %arg16[%add3A_439, %dma_start3A_492] : memref<10240x32xf32, #tpu.memory_space<vmem_shared>> -> memref<128x32xf32, #tpu.memory_space<vmem_shared>>
      tpu.enqueue_dma source(%dma_start3A_493 : memref<128x32xf32, #tpu.memory_space<vmem_shared>>) target(%arg14 : memref<128x32xf32, #tpu.memory_space<vmem>>) target_semaphore(%run_scoped3A : memref<!tpu.dma_semaphore, #tpu.memory_space<semaphore_mem>>)
      %dma_wait3A_494 = arith.constant 0 : i32
      %dma_wait3A_495 = tpu.memref_slice %arg16[%add3A_439, %dma_wait3A_494] : memref<10240x32xf32, #tpu.memory_space<vmem_shared>> -> memref<128x32xf32, #tpu.memory_space<vmem_shared>>
      %dma_wait3A_496 = arith.constant 0 : i32
      %dma_wait3A_497 = tpu.memref_slice %arg16[%add3A_439, %dma_wait3A_496] : memref<10240x32xf32, #tpu.memory_space<vmem_shared>> -> memref<128x32xf32, #tpu.memory_space<vmem_shared>>
      tpu.wait_dma2 semaphore(%run_scoped3A : memref<!tpu.dma_semaphore, #tpu.memory_space<semaphore_mem>>) src(%dma_wait3A_497 : memref<128x32xf32, #tpu.memory_space<vmem_shared>>) dst(%arg14 : memref<128x32xf32, #tpu.memory_space<vmem>>)
      tpu.yield
    }) : () -> ()
    %dma_start3A_440 = arith.constant 2 : i32
    %dma_start3A_441 = arith.constant 0 : i32
    %dma_start3A_442 = tpu.memref_slice %arg13[%dma_start3A_440, %dma_start3A_441] : memref<5x128xi32, #tpu.memory_space<vmem>> -> memref<1x128xi32, #tpu.memory_space<vmem>>
    %dma_start3A_443 = tpu.memref_squeeze %dma_start3A_442 : memref<1x128xi32, #tpu.memory_space<vmem>> -> memref<128xi32, #tpu.memory_space<vmem>>
    %dma_start3A_444 = arith.constant 0 : i32
    %dma_start3A_445 = arith.constant 0 : i32
    %dma_start3A_446 = tpu.memref_slice %arg6[%dma_start3A_444, %dma_start3A_445] : memref<40960x32xf32, #tpu.memory_space<hbm>> -> memref<40960x32xf32, #tpu.memory_space<hbm>>
    tpu.enqueue_indirect_dma source(%arg14 : memref<128x32xf32, #tpu.memory_space<vmem>>) target(%dma_start3A_446 : memref<40960x32xf32, #tpu.memory_space<hbm>>) offsets(%dma_start3A_443 : memref<128xi32, #tpu.memory_space<vmem>>) semaphore(%arg21 : memref<!tpu.dma_semaphore, #tpu.memory_space<semaphore_mem>>)
    %dma_wait3A_447 = arith.constant 2 : i32
    %dma_wait3A_448 = arith.constant 0 : i32
    %dma_wait3A_449 = tpu.memref_slice %arg13[%dma_wait3A_447, %dma_wait3A_448] : memref<5x128xi32, #tpu.memory_space<vmem>> -> memref<1x128xi32, #tpu.memory_space<vmem>>
    %dma_wait3A_450 = tpu.memref_squeeze %dma_wait3A_449 : memref<1x128xi32, #tpu.memory_space<vmem>> -> memref<128xi32, #tpu.memory_space<vmem>>
    %dma_wait3A_451 = arith.constant 0 : i32
    %dma_wait3A_452 = arith.constant 0 : i32
    %dma_wait3A_453 = tpu.memref_slice %arg6[%dma_wait3A_451, %dma_wait3A_452] : memref<40960x32xf32, #tpu.memory_space<hbm>> -> memref<40960x32xf32, #tpu.memory_space<hbm>>
    tpu.wait_indirect_dma semaphore(%arg21 : memref<!tpu.dma_semaphore, #tpu.memory_space<semaphore_mem>>) src(%arg14 : memref<128x32xf32, #tpu.memory_space<vmem>>) dst(%dma_wait3A_453 : memref<40960x32xf32, #tpu.memory_space<hbm>>)
    %mul3A_454 = arith.constant 640 : i32
    %mul3A_455 = arith.muli %arg1, %mul3A_454 : i32
    %add3A_456 = arith.constant 384 : i32
    %add3A_457 = arith.addi %mul3A_455, %add3A_456 : i32
    "tpu.region"() ({
      %run_scoped3A = tpu.sem_alloc : memref<!tpu.dma_semaphore, #tpu.memory_space<semaphore_mem>>
      %dma_start3A_490 = arith.constant 0 : i32
      %dma_start3A_491 = tpu.memref_slice %arg16[%add3A_457, %dma_start3A_490] : memref<10240x32xf32, #tpu.memory_space<vmem_shared>> -> memref<128x32xf32, #tpu.memory_space<vmem_shared>>
      %dma_start3A_492 = arith.constant 0 : i32
      %dma_start3A_493 = tpu.memref_slice %arg16[%add3A_457, %dma_start3A_492] : memref<10240x32xf32, #tpu.memory_space<vmem_shared>> -> memref<128x32xf32, #tpu.memory_space<vmem_shared>>
      tpu.enqueue_dma source(%dma_start3A_493 : memref<128x32xf32, #tpu.memory_space<vmem_shared>>) target(%arg14 : memref<128x32xf32, #tpu.memory_space<vmem>>) target_semaphore(%run_scoped3A : memref<!tpu.dma_semaphore, #tpu.memory_space<semaphore_mem>>)
      %dma_wait3A_494 = arith.constant 0 : i32
      %dma_wait3A_495 = tpu.memref_slice %arg16[%add3A_457, %dma_wait3A_494] : memref<10240x32xf32, #tpu.memory_space<vmem_shared>> -> memref<128x32xf32, #tpu.memory_space<vmem_shared>>
      %dma_wait3A_496 = arith.constant 0 : i32
      %dma_wait3A_497 = tpu.memref_slice %arg16[%add3A_457, %dma_wait3A_496] : memref<10240x32xf32, #tpu.memory_space<vmem_shared>> -> memref<128x32xf32, #tpu.memory_space<vmem_shared>>
      tpu.wait_dma2 semaphore(%run_scoped3A : memref<!tpu.dma_semaphore, #tpu.memory_space<semaphore_mem>>) src(%dma_wait3A_497 : memref<128x32xf32, #tpu.memory_space<vmem_shared>>) dst(%arg14 : memref<128x32xf32, #tpu.memory_space<vmem>>)
      tpu.yield
    }) : () -> ()
    %dma_start3A_458 = arith.constant 3 : i32
    %dma_start3A_459 = arith.constant 0 : i32
    %dma_start3A_460 = tpu.memref_slice %arg13[%dma_start3A_458, %dma_start3A_459] : memref<5x128xi32, #tpu.memory_space<vmem>> -> memref<1x128xi32, #tpu.memory_space<vmem>>
    %dma_start3A_461 = tpu.memref_squeeze %dma_start3A_460 : memref<1x128xi32, #tpu.memory_space<vmem>> -> memref<128xi32, #tpu.memory_space<vmem>>
    %dma_start3A_462 = arith.constant 0 : i32
    %dma_start3A_463 = arith.constant 0 : i32
    %dma_start3A_464 = tpu.memref_slice %arg6[%dma_start3A_462, %dma_start3A_463] : memref<40960x32xf32, #tpu.memory_space<hbm>> -> memref<40960x32xf32, #tpu.memory_space<hbm>>
    tpu.enqueue_indirect_dma source(%arg14 : memref<128x32xf32, #tpu.memory_space<vmem>>) target(%dma_start3A_464 : memref<40960x32xf32, #tpu.memory_space<hbm>>) offsets(%dma_start3A_461 : memref<128xi32, #tpu.memory_space<vmem>>) semaphore(%arg21 : memref<!tpu.dma_semaphore, #tpu.memory_space<semaphore_mem>>)
    %dma_wait3A_465 = arith.constant 3 : i32
    %dma_wait3A_466 = arith.constant 0 : i32
    %dma_wait3A_467 = tpu.memref_slice %arg13[%dma_wait3A_465, %dma_wait3A_466] : memref<5x128xi32, #tpu.memory_space<vmem>> -> memref<1x128xi32, #tpu.memory_space<vmem>>
    %dma_wait3A_468 = tpu.memref_squeeze %dma_wait3A_467 : memref<1x128xi32, #tpu.memory_space<vmem>> -> memref<128xi32, #tpu.memory_space<vmem>>
    %dma_wait3A_469 = arith.constant 0 : i32
    %dma_wait3A_470 = arith.constant 0 : i32
    %dma_wait3A_471 = tpu.memref_slice %arg6[%dma_wait3A_469, %dma_wait3A_470] : memref<40960x32xf32, #tpu.memory_space<hbm>> -> memref<40960x32xf32, #tpu.memory_space<hbm>>
    tpu.wait_indirect_dma semaphore(%arg21 : memref<!tpu.dma_semaphore, #tpu.memory_space<semaphore_mem>>) src(%arg14 : memref<128x32xf32, #tpu.memory_space<vmem>>) dst(%dma_wait3A_471 : memref<40960x32xf32, #tpu.memory_space<hbm>>)
    %mul3A_472 = arith.constant 640 : i32
    %mul3A_473 = arith.muli %arg1, %mul3A_472 : i32
    %add3A_474 = arith.constant 512 : i32
    %add3A_475 = arith.addi %mul3A_473, %add3A_474 : i32
    "tpu.region"() ({
      %run_scoped3A = tpu.sem_alloc : memref<!tpu.dma_semaphore, #tpu.memory_space<semaphore_mem>>
      %dma_start3A_490 = arith.constant 0 : i32
      %dma_start3A_491 = tpu.memref_slice %arg16[%add3A_475, %dma_start3A_490] : memref<10240x32xf32, #tpu.memory_space<vmem_shared>> -> memref<128x32xf32, #tpu.memory_space<vmem_shared>>
      %dma_start3A_492 = arith.constant 0 : i32
      %dma_start3A_493 = tpu.memref_slice %arg16[%add3A_475, %dma_start3A_492] : memref<10240x32xf32, #tpu.memory_space<vmem_shared>> -> memref<128x32xf32, #tpu.memory_space<vmem_shared>>
      tpu.enqueue_dma source(%dma_start3A_493 : memref<128x32xf32, #tpu.memory_space<vmem_shared>>) target(%arg14 : memref<128x32xf32, #tpu.memory_space<vmem>>) target_semaphore(%run_scoped3A : memref<!tpu.dma_semaphore, #tpu.memory_space<semaphore_mem>>)
      %dma_wait3A_494 = arith.constant 0 : i32
      %dma_wait3A_495 = tpu.memref_slice %arg16[%add3A_475, %dma_wait3A_494] : memref<10240x32xf32, #tpu.memory_space<vmem_shared>> -> memref<128x32xf32, #tpu.memory_space<vmem_shared>>
      %dma_wait3A_496 = arith.constant 0 : i32
      %dma_wait3A_497 = tpu.memref_slice %arg16[%add3A_475, %dma_wait3A_496] : memref<10240x32xf32, #tpu.memory_space<vmem_shared>> -> memref<128x32xf32, #tpu.memory_space<vmem_shared>>
      tpu.wait_dma2 semaphore(%run_scoped3A : memref<!tpu.dma_semaphore, #tpu.memory_space<semaphore_mem>>) src(%dma_wait3A_497 : memref<128x32xf32, #tpu.memory_space<vmem_shared>>) dst(%arg14 : memref<128x32xf32, #tpu.memory_space<vmem>>)
      tpu.yield
    }) : () -> ()
    %dma_start3A_476 = arith.constant 4 : i32
    %dma_start3A_477 = arith.constant 0 : i32
    %dma_start3A_478 = tpu.memref_slice %arg13[%dma_start3A_476, %dma_start3A_477] : memref<5x128xi32, #tpu.memory_space<vmem>> -> memref<1x128xi32, #tpu.memory_space<vmem>>
    %dma_start3A_479 = tpu.memref_squeeze %dma_start3A_478 : memref<1x128xi32, #tpu.memory_space<vmem>> -> memref<128xi32, #tpu.memory_space<vmem>>
    %dma_start3A_480 = arith.constant 0 : i32
    %dma_start3A_481 = arith.constant 0 : i32
    %dma_start3A_482 = tpu.memref_slice %arg6[%dma_start3A_480, %dma_start3A_481] : memref<40960x32xf32, #tpu.memory_space<hbm>> -> memref<40960x32xf32, #tpu.memory_space<hbm>>
    tpu.enqueue_indirect_dma source(%arg14 : memref<128x32xf32, #tpu.memory_space<vmem>>) target(%dma_start3A_482 : memref<40960x32xf32, #tpu.memory_space<hbm>>) offsets(%dma_start3A_479 : memref<128xi32, #tpu.memory_space<vmem>>) semaphore(%arg21 : memref<!tpu.dma_semaphore, #tpu.memory_space<semaphore_mem>>)
    %dma_wait3A_483 = arith.constant 4 : i32
    %dma_wait3A_484 = arith.constant 0 : i32
    %dma_wait3A_485 = tpu.memref_slice %arg13[%dma_wait3A_483, %dma_wait3A_484] : memref<5x128xi32, #tpu.memory_space<vmem>> -> memref<1x128xi32, #tpu.memory_space<vmem>>
    %dma_wait3A_486 = tpu.memref_squeeze %dma_wait3A_485 : memref<1x128xi32, #tpu.memory_space<vmem>> -> memref<128xi32, #tpu.memory_space<vmem>>
    %dma_wait3A_487 = arith.constant 0 : i32
    %dma_wait3A_488 = arith.constant 0 : i32
    %dma_wait3A_489 = tpu.memref_slice %arg6[%dma_wait3A_487, %dma_wait3A_488] : memref<40960x32xf32, #tpu.memory_space<hbm>> -> memref<40960x32xf32, #tpu.memory_space<hbm>>
    tpu.wait_indirect_dma semaphore(%arg21 : memref<!tpu.dma_semaphore, #tpu.memory_space<semaphore_mem>>) src(%arg14 : memref<128x32xf32, #tpu.memory_space<vmem>>) dst(%dma_wait3A_489 : memref<40960x32xf32, #tpu.memory_space<hbm>>)
    return
  }
}

module attributes {stable_mosaic.version = 14 : i64} {
  func.func @_linht_kernel(%arg0: i32, %arg1: memref<512x128xf32, #tpu.memory_space<vmem>>, %arg2: memref<128x128xf32, #tpu.memory_space<vmem>>, %arg3: memref<1x128xf32, #tpu.memory_space<vmem>>, %arg4: memref<128x128xf32, #tpu.memory_space<vmem>>, %arg5: memref<2x512x16xf32, #tpu.memory_space<vmem>>, %arg6: memref<512x128xf32, #tpu.memory_space<vmem>>, %arg7: memref<512x128xf32, #tpu.memory_space<vmem>>) attributes {dimension_semantics = [#tpu.dimension_semantics<arbitrary>], iteration_bounds = array<i64: 20>, scalar_prefetch = 0 : i64, scratch_operands = 0 : i64, tpu.core_type = #tpu.core_type<tc>, window_params = [{transform_indices = @transform_0, window_bounds = array<i64: 512, 128>}, {pipeline_mode = #tpu.pipeline_mode<synchronous>, transform_indices = @transform_1, window_bounds = array<i64: 128, 128>}, {pipeline_mode = #tpu.pipeline_mode<synchronous>, transform_indices = @transform_2, window_bounds = array<i64: 1, 128>}, {pipeline_mode = #tpu.pipeline_mode<synchronous>, transform_indices = @transform_3, window_bounds = array<i64: 128, 128>}, {transform_indices = @transform_4, window_bounds = array<i64: 2, 512, 16>}, {transform_indices = @transform_5, window_bounds = array<i64: 512, 128>}, {transform_indices = @transform_6, window_bounds = array<i64: 512, 128>}]} {
    %get3A = arith.constant 0 : index
    %get3A_0 = arith.constant 0 : index
    %get3A_1 = vector.load %arg1[%get3A, %get3A_0] : memref<512x128xf32, #tpu.memory_space<vmem>>, vector<512x128xf32>
    %get3A_2 = arith.constant 0 : index
    %get3A_3 = arith.constant 0 : index
    %get3A_4 = vector.load %arg2[%get3A_2, %get3A_3] : memref<128x128xf32, #tpu.memory_space<vmem>>, vector<128x128xf32>
    %dot_general3A = arith.constant dense<0.000000e+00> : vector<512x128xf32>
    %dot_general3A_5 = tpu.matmul %get3A_1, %get3A_4, %dot_general3A {dimension_numbers = #tpu.dot_dimension_numbers<[1], [0], [0], [1], [0, 0, 1, 1], [], []>, transpose_lhs_hint = false} : vector<512x128xf32>, vector<128x128xf32>, vector<512x128xf32> -> vector<512x128xf32>
    %get3A_6 = arith.constant 0 : index
    %get3A_7 = arith.constant 0 : index
    %get3A_8 = vector.load %arg3[%get3A_6, %get3A_7] : memref<1x128xf32, #tpu.memory_space<vmem>>, vector<1x128xf32>
    %add3A = vector.broadcast %get3A_8 : vector<1x128xf32> to vector<512x128xf32>
    %add3A_9 = arith.addf %dot_general3A_5, %add3A : vector<512x128xf32>
    %swap3A = arith.constant 0 : index
    %swap3A_10 = arith.constant 0 : index
    %swap3A_11 = vector.load %arg6[%swap3A, %swap3A_10] : memref<512x128xf32, #tpu.memory_space<vmem>>, vector<512x128xf32>
    tpu.vector_store %arg6[%swap3A, %swap3A_10], %add3A_9 {strides = array<i32>} : memref<512x128xf32, #tpu.memory_space<vmem>>, vector<512x128xf32>,
    %get3A_12 = arith.constant 0 : index
    %get3A_13 = arith.constant 0 : index
    %get3A_14 = arith.constant 0 : index
    %get3A_15 = vector.load %arg5[%get3A_12, %get3A_13, %get3A_14] : memref<2x512x16xf32, #tpu.memory_space<vmem>>, vector<2x512x16xf32>
    %slice3A = vector.extract_strided_slice %get3A_15 {offsets = [0, 0, 0], sizes = [1, 512, 1], strides = [1, 1, 1]} : vector<2x512x16xf32> to vector<1x512x1xf32>
    %squeeze3A = vector.shape_cast %slice3A : vector<1x512x1xf32> to vector<512xf32>
    %slice3A_16 = vector.extract_strided_slice %get3A_15 {offsets = [1, 0, 0], sizes = [1, 512, 1], strides = [1, 1, 1]} : vector<2x512x16xf32> to vector<1x512x1xf32>
    %squeeze3A_17 = vector.shape_cast %slice3A_16 : vector<1x512x1xf32> to vector<512xf32>
    %add3A_18 = arith.addf %squeeze3A, %squeeze3A_17 : vector<512xf32>
    %add3A_19 = arith.constant 1.000000e+00 : f32
    %add3A_20 = vector.broadcast %add3A_19 : f32 to vector<512xf32>
    %add3A_21 = arith.addf %add3A_18, %add3A_20 : vector<512xf32>
    %rsqrt3A = math.rsqrt %add3A_21 : vector<512xf32>
    %get3A_22 = arith.constant 0 : index
    %get3A_23 = arith.constant 0 : index
    %get3A_24 = vector.load %arg4[%get3A_22, %get3A_23] : memref<128x128xf32, #tpu.memory_space<vmem>>, vector<128x128xf32>
    %dot_general3A_25 = arith.constant dense<0.000000e+00> : vector<512x128xf32>
    %dot_general3A_26 = tpu.matmul %add3A_9, %get3A_24, %dot_general3A_25 {dimension_numbers = #tpu.dot_dimension_numbers<[1], [0], [0], [1], [0, 0, 1, 1], [], []>, transpose_lhs_hint = false} : vector<512x128xf32>, vector<128x128xf32>, vector<512x128xf32> -> vector<512x128xf32>
    %broadcast_in_dim3A = vector.shape_cast %rsqrt3A : vector<512xf32> to vector<512x1xf32>
    %mul3A = vector.broadcast %broadcast_in_dim3A : vector<512x1xf32> to vector<512x128xf32>
    %mul3A_27 = arith.mulf %dot_general3A_26, %mul3A : vector<512x128xf32>
    %swap3A_28 = arith.constant 0 : index
    %swap3A_29 = arith.constant 0 : index
    %swap3A_30 = vector.load %arg7[%swap3A_28, %swap3A_29] : memref<512x128xf32, #tpu.memory_space<vmem>>, vector<512x128xf32>
    tpu.vector_store %arg7[%swap3A_28, %swap3A_29], %mul3A_27 {strides = array<i32>} : memref<512x128xf32, #tpu.memory_space<vmem>>, vector<512x128xf32>,
    return
  }
  func.func @transform_0(%arg0: i32) -> (i32, i32) {
    %c0_i32 = arith.constant 0 : i32
    %c0_i32_0 = arith.constant 0 : i32
    return %arg0, %c0_i32 : i32, i32
  }
  func.func @transform_1(%arg0: i32) -> (i32, i32) {
    %c0_i32 = arith.constant 0 : i32
    %c0_i32_0 = arith.constant 0 : i32
    %c0_i32_1 = arith.constant 0 : i32
    return %c0_i32, %c0_i32_0 : i32, i32
  }
  func.func @transform_2(%arg0: i32) -> (i32, i32) {
    %c0_i32 = arith.constant 0 : i32
    %c0_i32_0 = arith.constant 0 : i32
    %c0_i32_1 = arith.constant 0 : i32
    return %c0_i32, %c0_i32_0 : i32, i32
  }
  func.func @transform_3(%arg0: i32) -> (i32, i32) {
    %c0_i32 = arith.constant 0 : i32
    %c0_i32_0 = arith.constant 0 : i32
    %c0_i32_1 = arith.constant 0 : i32
    return %c0_i32, %c0_i32_0 : i32, i32
  }
  func.func @transform_4(%arg0: i32) -> (i32, i32, i32) {
    %c0_i32 = arith.constant 0 : i32
    %c0_i32_0 = arith.constant 0 : i32
    %c0_i32_1 = arith.constant 0 : i32
    return %c0_i32, %arg0, %c0_i32_0 : i32, i32, i32
  }
  func.func @transform_5(%arg0: i32) -> (i32, i32) {
    %c0_i32 = arith.constant 0 : i32
    %c0_i32_0 = arith.constant 0 : i32
    return %arg0, %c0_i32 : i32, i32
  }
  func.func @transform_6(%arg0: i32) -> (i32, i32) {
    %c0_i32 = arith.constant 0 : i32
    %c0_i32_0 = arith.constant 0 : i32
    return %arg0, %c0_i32 : i32, i32
  }
}

module attributes {stable_mosaic.version = 14 : i64} {
  func.func @_aggz_kernel(%arg0: i32, %arg1: memref<512x128xf32, #tpu.memory_space<vmem>>, %arg2: memref<2x512x16xf32, #tpu.memory_space<vmem>>, %arg3: memref<1x128xf32, #tpu.memory_space<vmem>>, %arg4: memref<512x128xf32, #tpu.memory_space<vmem>>, %arg5: memref<8x128xf32, #tpu.memory_space<vmem>>) attributes {dimension_semantics = [#tpu.dimension_semantics<arbitrary>], iteration_bounds = array<i64: 20>, scalar_prefetch = 0 : i64, scratch_operands = 0 : i64, tpu.core_type = #tpu.core_type<tc>, window_params = [{transform_indices = @transform_0, window_bounds = array<i64: 512, 128>}, {transform_indices = @transform_1, window_bounds = array<i64: 2, 512, 16>}, {pipeline_mode = #tpu.pipeline_mode<synchronous>, transform_indices = @transform_2, window_bounds = array<i64: 1, 128>}, {transform_indices = @transform_3, window_bounds = array<i64: 512, 128>}, {pipeline_mode = #tpu.pipeline_mode<synchronous>, transform_indices = @transform_4, window_bounds = array<i64: 8, 128>}]} {
    %get3A = arith.constant 0 : index
    %get3A_0 = arith.constant 0 : index
    %get3A_1 = arith.constant 0 : index
    %get3A_2 = vector.load %arg2[%get3A, %get3A_0, %get3A_1] : memref<2x512x16xf32, #tpu.memory_space<vmem>>, vector<2x512x16xf32>
    %slice3A = vector.extract_strided_slice %get3A_2 {offsets = [0, 0, 0], sizes = [1, 512, 1], strides = [1, 1, 1]} : vector<2x512x16xf32> to vector<1x512x1xf32>
    %squeeze3A = vector.shape_cast %slice3A : vector<1x512x1xf32> to vector<512xf32>
    %slice3A_3 = vector.extract_strided_slice %get3A_2 {offsets = [1, 0, 0], sizes = [1, 512, 1], strides = [1, 1, 1]} : vector<2x512x16xf32> to vector<1x512x1xf32>
    %squeeze3A_4 = vector.shape_cast %slice3A_3 : vector<1x512x1xf32> to vector<512xf32>
    %add3A = arith.addf %squeeze3A, %squeeze3A_4 : vector<512xf32>
    %add3A_5 = arith.constant 1.000000e+00 : f32
    %add3A_6 = vector.broadcast %add3A_5 : f32 to vector<512xf32>
    %add3A_7 = arith.addf %add3A, %add3A_6 : vector<512xf32>
    %rsqrt3A = math.rsqrt %add3A_7 : vector<512xf32>
    %get3A_8 = arith.constant 0 : index
    %get3A_9 = arith.constant 0 : index
    %get3A_10 = vector.load %arg1[%get3A_8, %get3A_9] : memref<512x128xf32, #tpu.memory_space<vmem>>, vector<512x128xf32>
    %broadcast_in_dim3A = vector.shape_cast %rsqrt3A : vector<512xf32> to vector<512x1xf32>
    %mul3A = vector.broadcast %broadcast_in_dim3A : vector<512x1xf32> to vector<512x128xf32>
    %mul3A_11 = arith.mulf %get3A_10, %mul3A : vector<512x128xf32>
    %get3A_12 = arith.constant 0 : index
    %get3A_13 = arith.constant 0 : index
    %get3A_14 = vector.load %arg3[%get3A_12, %get3A_13] : memref<1x128xf32, #tpu.memory_space<vmem>>, vector<1x128xf32>
    %add3A_15 = vector.broadcast %get3A_14 : vector<1x128xf32> to vector<512x128xf32>
    %add3A_16 = arith.addf %mul3A_11, %add3A_15 : vector<512x128xf32>
    %swap3A = arith.constant 0 : index
    %swap3A_17 = arith.constant 0 : index
    %swap3A_18 = vector.load %arg4[%swap3A, %swap3A_17] : memref<512x128xf32, #tpu.memory_space<vmem>>, vector<512x128xf32>
    tpu.vector_store %arg4[%swap3A, %swap3A_17], %add3A_16 {strides = array<i32>} : memref<512x128xf32, #tpu.memory_space<vmem>>, vector<512x128xf32>,
    %iota3A = tpu.iota {dimensions = array<i32: 0>} : vector<512x1xi32>
    %mul3A_19 = arith.constant 512 : i32
    %mul3A_20 = arith.muli %arg0, %mul3A_19 : i32
    %add3A_21 = vector.broadcast %mul3A_20 : i32 to vector<512x1xi32>
    %add3A_22 = arith.addi %iota3A, %add3A_21 : vector<512x1xi32>
    %lt3A = arith.constant 10000 : i32
    %lt3A_23 = vector.broadcast %lt3A : i32 to vector<512x1xi32>
    %lt3A_24 = arith.cmpi slt, %add3A_22, %lt3A_23 : vector<512x1xi32>
    %jit3A = arith.constant 0.000000e+00 : f32
    %broadcast_in_dim3A_25 = vector.shape_cast %lt3A_24 : vector<512x1xi1> to vector<512x1xi1>
    %broadcast_in_dim3A_26 = vector.broadcast %broadcast_in_dim3A_25 : vector<512x1xi1> to vector<512x128xi1>
    %broadcast_in_dim3A_27 = vector.broadcast %jit3A : f32 to vector<512x128xf32>
    %select_n3A = arith.select %broadcast_in_dim3A_26, %add3A_16, %broadcast_in_dim3A_27 : vector<512x128xi1>, vector<512x128xf32>
    %eq3A = arith.constant 0 : i32
    %eq3A_28 = arith.cmpi eq, %arg0, %eq3A : i32
    %convert_element_type3A = arith.extui %eq3A_28 : i1 to i32
    %cond3A = arith.constant 0 : i32
    %cond3A_29 = arith.cmpi ne, %convert_element_type3A, %cond3A : i32
    scf.if %cond3A_29 {
      %broadcast_in_dim3A_50 = arith.constant 0.000000e+00 : f32
      %broadcast_in_dim3A_51 = vector.broadcast %broadcast_in_dim3A_50 : f32 to vector<8x128xf32>
      %swap3A_52 = arith.constant 0 : index
      %swap3A_53 = arith.constant 0 : index
      %swap3A_54 = vector.load %arg5[%swap3A_52, %swap3A_53] : memref<8x128xf32, #tpu.memory_space<vmem>>, vector<8x128xf32>
      tpu.vector_store %arg5[%swap3A_52, %swap3A_53], %broadcast_in_dim3A_51 {strides = array<i32>} : memref<8x128xf32, #tpu.memory_space<vmem>>, vector<8x128xf32>,
    } else {
    }
    %get3A_30 = arith.constant 0 : index
    %get3A_31 = arith.constant 0 : index
    %get3A_32 = vector.load %arg5[%get3A_30, %get3A_31] : memref<8x128xf32, #tpu.memory_space<vmem>>, vector<1x128xf32>
    %reduce_sum3A = arith.constant dense<0.000000e+00> : vector<128xf32>
    %reduce_sum3A_33 = vector.multi_reduction <add>, %select_n3A, %reduce_sum3A [0] : vector<512x128xf32> to vector<128xf32>
    %broadcast_in_dim3A_34 = vector.shape_cast %reduce_sum3A_33 : vector<128xf32> to vector<1x128xf32>
    %add3A_35 = arith.addf %get3A_32, %broadcast_in_dim3A_34 : vector<1x128xf32>
    %swap3A_36 = arith.constant 0 : index
    %swap3A_37 = arith.constant 0 : index
    %swap3A_38 = vector.load %arg5[%swap3A_36, %swap3A_37] : memref<8x128xf32, #tpu.memory_space<vmem>>, vector<1x128xf32>
    tpu.vector_store %arg5[%swap3A_36, %swap3A_37], %add3A_35 {strides = array<i32>} : memref<8x128xf32, #tpu.memory_space<vmem>>, vector<1x128xf32>,
    %get3A_39 = arith.constant 1 : index
    %get3A_40 = arith.constant 0 : index
    %get3A_41 = vector.load %arg5[%get3A_39, %get3A_40] : memref<8x128xf32, #tpu.memory_space<vmem>>, vector<1x128xf32>
    %mul3A_42 = arith.mulf %select_n3A, %select_n3A : vector<512x128xf32>
    %reduce_sum3A_43 = arith.constant dense<0.000000e+00> : vector<128xf32>
    %reduce_sum3A_44 = vector.multi_reduction <add>, %mul3A_42, %reduce_sum3A_43 [0] : vector<512x128xf32> to vector<128xf32>
    %broadcast_in_dim3A_45 = vector.shape_cast %reduce_sum3A_44 : vector<128xf32> to vector<1x128xf32>
    %add3A_46 = arith.addf %get3A_41, %broadcast_in_dim3A_45 : vector<1x128xf32>
    %swap3A_47 = arith.constant 1 : index
    %swap3A_48 = arith.constant 0 : index
    %swap3A_49 = vector.load %arg5[%swap3A_47, %swap3A_48] : memref<8x128xf32, #tpu.memory_space<vmem>>, vector<1x128xf32>
    tpu.vector_store %arg5[%swap3A_47, %swap3A_48], %add3A_46 {strides = array<i32>} : memref<8x128xf32, #tpu.memory_space<vmem>>, vector<1x128xf32>,
    return
  }
  func.func @transform_0(%arg0: i32) -> (i32, i32) {
    %c0_i32 = arith.constant 0 : i32
    %c0_i32_0 = arith.constant 0 : i32
    return %arg0, %c0_i32 : i32, i32
  }
  func.func @transform_1(%arg0: i32) -> (i32, i32, i32) {
    %c0_i32 = arith.constant 0 : i32
    %c0_i32_0 = arith.constant 0 : i32
    %c0_i32_1 = arith.constant 0 : i32
    return %c0_i32, %arg0, %c0_i32_0 : i32, i32, i32
  }
  func.func @transform_2(%arg0: i32) -> (i32, i32) {
    %c0_i32 = arith.constant 0 : i32
    %c0_i32_0 = arith.constant 0 : i32
    %c0_i32_1 = arith.constant 0 : i32
    return %c0_i32, %c0_i32_0 : i32, i32
  }
  func.func @transform_3(%arg0: i32) -> (i32, i32) {
    %c0_i32 = arith.constant 0 : i32
    %c0_i32_0 = arith.constant 0 : i32
    return %arg0, %c0_i32 : i32, i32
  }
  func.func @transform_4(%arg0: i32) -> (i32, i32) {
    %c0_i32 = arith.constant 0 : i32
    %c0_i32_0 = arith.constant 0 : i32
    %c0_i32_1 = arith.constant 0 : i32
    return %c0_i32, %c0_i32_0 : i32, i32
  }
}

module attributes {stable_mosaic.version = 14 : i64} {
  func.func @_bnmm_kernel(%arg0: i32, %arg1: memref<512x128xf32, #tpu.memory_space<vmem>>, %arg2: memref<8x128xf32, #tpu.memory_space<vmem>>, %arg3: memref<2x512x16xf32, #tpu.memory_space<vmem>>, %arg4: memref<128x128xf32, #tpu.memory_space<vmem>>, %arg5: memref<1x128xf32, #tpu.memory_space<vmem>>, %arg6: memref<1x128xf32, #tpu.memory_space<vmem>>, %arg7: memref<512x128xf32, #tpu.memory_space<vmem>>, %arg8: memref<512x128xf32, #tpu.memory_space<vmem>>) attributes {dimension_semantics = [#tpu.dimension_semantics<arbitrary>], iteration_bounds = array<i64: 20>, scalar_prefetch = 0 : i64, scratch_operands = 0 : i64, tpu.core_type = #tpu.core_type<tc>, window_params = [{transform_indices = @transform_0, window_bounds = array<i64: 512, 128>}, {pipeline_mode = #tpu.pipeline_mode<synchronous>, transform_indices = @transform_1, window_bounds = array<i64: 8, 128>}, {transform_indices = @transform_2, window_bounds = array<i64: 2, 512, 16>}, {pipeline_mode = #tpu.pipeline_mode<synchronous>, transform_indices = @transform_3, window_bounds = array<i64: 128, 128>}, {pipeline_mode = #tpu.pipeline_mode<synchronous>, transform_indices = @transform_4, window_bounds = array<i64: 1, 128>}, {pipeline_mode = #tpu.pipeline_mode<synchronous>, transform_indices = @transform_5, window_bounds = array<i64: 1, 128>}, {transform_indices = @transform_6, window_bounds = array<i64: 512, 128>}, {transform_indices = @transform_7, window_bounds = array<i64: 512, 128>}]} {
    %get3A = arith.constant 0 : index
    %get3A_0 = arith.constant 0 : index
    %get3A_1 = vector.load %arg2[%get3A, %get3A_0] : memref<8x128xf32, #tpu.memory_space<vmem>>, vector<8x128xf32>
    %slice3A = vector.extract_strided_slice %get3A_1 {offsets = [0, 0], sizes = [1, 128], strides = [1, 1]} : vector<8x128xf32> to vector<1x128xf32>
    %mul3A = arith.constant 9.99999974E-5 : f32
    %mul3A_2 = vector.broadcast %mul3A : f32 to vector<1x128xf32>
    %mul3A_3 = arith.mulf %slice3A, %mul3A_2 : vector<1x128xf32>
    %slice3A_4 = vector.extract_strided_slice %get3A_1 {offsets = [1, 0], sizes = [1, 128], strides = [1, 1]} : vector<8x128xf32> to vector<1x128xf32>
    %mul3A_5 = arith.constant 9.99999974E-5 : f32
    %mul3A_6 = vector.broadcast %mul3A_5 : f32 to vector<1x128xf32>
    %mul3A_7 = arith.mulf %slice3A_4, %mul3A_6 : vector<1x128xf32>
    %mul3A_8 = arith.mulf %mul3A_3, %mul3A_3 : vector<1x128xf32>
    %sub3A = arith.subf %mul3A_7, %mul3A_8 : vector<1x128xf32>
    %add3A = arith.constant 9.99999974E-6 : f32
    %add3A_9 = vector.broadcast %add3A : f32 to vector<1x128xf32>
    %add3A_10 = arith.addf %sub3A, %add3A_9 : vector<1x128xf32>
    %rsqrt3A = math.rsqrt %add3A_10 : vector<1x128xf32>
    %get3A_11 = arith.constant 0 : index
    %get3A_12 = arith.constant 0 : index
    %get3A_13 = vector.load %arg1[%get3A_11, %get3A_12] : memref<512x128xf32, #tpu.memory_space<vmem>>, vector<512x128xf32>
    %sub3A_14 = vector.broadcast %mul3A_3 : vector<1x128xf32> to vector<512x128xf32>
    %sub3A_15 = arith.subf %get3A_13, %sub3A_14 : vector<512x128xf32>
    %mul3A_16 = vector.broadcast %rsqrt3A : vector<1x128xf32> to vector<512x128xf32>
    %mul3A_17 = arith.mulf %sub3A_15, %mul3A_16 : vector<512x128xf32>
    %get3A_18 = arith.constant 0 : index
    %get3A_19 = arith.constant 0 : index
    %get3A_20 = vector.load %arg5[%get3A_18, %get3A_19] : memref<1x128xf32, #tpu.memory_space<vmem>>, vector<1x128xf32>
    %mul3A_21 = vector.broadcast %get3A_20 : vector<1x128xf32> to vector<512x128xf32>
    %mul3A_22 = arith.mulf %mul3A_17, %mul3A_21 : vector<512x128xf32>
    %get3A_23 = arith.constant 0 : index
    %get3A_24 = arith.constant 0 : index
    %get3A_25 = vector.load %arg6[%get3A_23, %get3A_24] : memref<1x128xf32, #tpu.memory_space<vmem>>, vector<1x128xf32>
    %add3A_26 = vector.broadcast %get3A_25 : vector<1x128xf32> to vector<512x128xf32>
    %add3A_27 = arith.addf %mul3A_22, %add3A_26 : vector<512x128xf32>
    %max3A = arith.constant 0.000000e+00 : f32
    %max3A_28 = vector.broadcast %max3A : f32 to vector<512x128xf32>
    %max3A_29 = arith.maximumf %add3A_27, %max3A_28 : vector<512x128xf32>
    %swap3A = arith.constant 0 : index
    %swap3A_30 = arith.constant 0 : index
    %swap3A_31 = vector.load %arg7[%swap3A, %swap3A_30] : memref<512x128xf32, #tpu.memory_space<vmem>>, vector<512x128xf32>
    tpu.vector_store %arg7[%swap3A, %swap3A_30], %max3A_29 {strides = array<i32>} : memref<512x128xf32, #tpu.memory_space<vmem>>, vector<512x128xf32>,
    %get3A_32 = arith.constant 0 : index
    %get3A_33 = arith.constant 0 : index
    %get3A_34 = arith.constant 0 : index
    %get3A_35 = vector.load %arg3[%get3A_32, %get3A_33, %get3A_34] : memref<2x512x16xf32, #tpu.memory_space<vmem>>, vector<2x512x16xf32>
    %slice3A_36 = vector.extract_strided_slice %get3A_35 {offsets = [0, 0, 0], sizes = [1, 512, 1], strides = [1, 1, 1]} : vector<2x512x16xf32> to vector<1x512x1xf32>
    %squeeze3A = vector.shape_cast %slice3A_36 : vector<1x512x1xf32> to vector<512xf32>
    %slice3A_37 = vector.extract_strided_slice %get3A_35 {offsets = [1, 0, 0], sizes = [1, 512, 1], strides = [1, 1, 1]} : vector<2x512x16xf32> to vector<1x512x1xf32>
    %squeeze3A_38 = vector.shape_cast %slice3A_37 : vector<1x512x1xf32> to vector<512xf32>
    %add3A_39 = arith.addf %squeeze3A, %squeeze3A_38 : vector<512xf32>
    %add3A_40 = arith.constant 1.000000e+00 : f32
    %add3A_41 = vector.broadcast %add3A_40 : f32 to vector<512xf32>
    %add3A_42 = arith.addf %add3A_39, %add3A_41 : vector<512xf32>
    %rsqrt3A_43 = math.rsqrt %add3A_42 : vector<512xf32>
    %get3A_44 = arith.constant 0 : index
    %get3A_45 = arith.constant 0 : index
    %get3A_46 = vector.load %arg4[%get3A_44, %get3A_45] : memref<128x128xf32, #tpu.memory_space<vmem>>, vector<128x128xf32>
    %dot_general3A = arith.constant dense<0.000000e+00> : vector<512x128xf32>
    %dot_general3A_47 = tpu.matmul %max3A_29, %get3A_46, %dot_general3A {dimension_numbers = #tpu.dot_dimension_numbers<[1], [0], [0], [1], [0, 0, 1, 1], [], []>, transpose_lhs_hint = false} : vector<512x128xf32>, vector<128x128xf32>, vector<512x128xf32> -> vector<512x128xf32>
    %broadcast_in_dim3A = vector.shape_cast %rsqrt3A_43 : vector<512xf32> to vector<512x1xf32>
    %mul3A_48 = vector.broadcast %broadcast_in_dim3A : vector<512x1xf32> to vector<512x128xf32>
    %mul3A_49 = arith.mulf %dot_general3A_47, %mul3A_48 : vector<512x128xf32>
    %swap3A_50 = arith.constant 0 : index
    %swap3A_51 = arith.constant 0 : index
    %swap3A_52 = vector.load %arg8[%swap3A_50, %swap3A_51] : memref<512x128xf32, #tpu.memory_space<vmem>>, vector<512x128xf32>
    tpu.vector_store %arg8[%swap3A_50, %swap3A_51], %mul3A_49 {strides = array<i32>} : memref<512x128xf32, #tpu.memory_space<vmem>>, vector<512x128xf32>,
    return
  }
  func.func @transform_0(%arg0: i32) -> (i32, i32) {
    %c0_i32 = arith.constant 0 : i32
    %c0_i32_0 = arith.constant 0 : i32
    return %arg0, %c0_i32 : i32, i32
  }
  func.func @transform_1(%arg0: i32) -> (i32, i32) {
    %c0_i32 = arith.constant 0 : i32
    %c0_i32_0 = arith.constant 0 : i32
    %c0_i32_1 = arith.constant 0 : i32
    return %c0_i32, %c0_i32_0 : i32, i32
  }
  func.func @transform_2(%arg0: i32) -> (i32, i32, i32) {
    %c0_i32 = arith.constant 0 : i32
    %c0_i32_0 = arith.constant 0 : i32
    %c0_i32_1 = arith.constant 0 : i32
    return %c0_i32, %arg0, %c0_i32_0 : i32, i32, i32
  }
  func.func @transform_3(%arg0: i32) -> (i32, i32) {
    %c0_i32 = arith.constant 0 : i32
    %c0_i32_0 = arith.constant 0 : i32
    %c0_i32_1 = arith.constant 0 : i32
    return %c0_i32, %c0_i32_0 : i32, i32
  }
  func.func @transform_4(%arg0: i32) -> (i32, i32) {
    %c0_i32 = arith.constant 0 : i32
    %c0_i32_0 = arith.constant 0 : i32
    %c0_i32_1 = arith.constant 0 : i32
    return %c0_i32, %c0_i32_0 : i32, i32
  }
  func.func @transform_5(%arg0: i32) -> (i32, i32) {
    %c0_i32 = arith.constant 0 : i32
    %c0_i32_0 = arith.constant 0 : i32
    %c0_i32_1 = arith.constant 0 : i32
    return %c0_i32, %c0_i32_0 : i32, i32
  }
  func.func @transform_6(%arg0: i32) -> (i32, i32) {
    %c0_i32 = arith.constant 0 : i32
    %c0_i32_0 = arith.constant 0 : i32
    return %arg0, %c0_i32 : i32, i32
  }
  func.func @transform_7(%arg0: i32) -> (i32, i32) {
    %c0_i32 = arith.constant 0 : i32
    %c0_i32_0 = arith.constant 0 : i32
    return %arg0, %c0_i32 : i32, i32
  }
}

module attributes {stable_mosaic.version = 14 : i64} {
  func.func @_final_kernel(%arg0: i32, %arg1: memref<512x128xf32, #tpu.memory_space<vmem>>, %arg2: memref<8x128xf32, #tpu.memory_space<vmem>>, %arg3: memref<512x128xf32, #tpu.memory_space<vmem>>, %arg4: memref<512x128xf32, #tpu.memory_space<vmem>>, %arg5: memref<128x128xf32, #tpu.memory_space<vmem>>, %arg6: memref<1x128xf32, #tpu.memory_space<vmem>>, %arg7: memref<1x128xf32, #tpu.memory_space<vmem>>, %arg8: memref<1x128xf32, #tpu.memory_space<vmem>>, %arg9: memref<512x128xf32, #tpu.memory_space<vmem>>) attributes {dimension_semantics = [#tpu.dimension_semantics<arbitrary>], iteration_bounds = array<i64: 20>, scalar_prefetch = 0 : i64, scratch_operands = 0 : i64, tpu.core_type = #tpu.core_type<tc>, window_params = [{transform_indices = @transform_0, window_bounds = array<i64: 512, 128>}, {pipeline_mode = #tpu.pipeline_mode<synchronous>, transform_indices = @transform_1, window_bounds = array<i64: 8, 128>}, {transform_indices = @transform_2, window_bounds = array<i64: 512, 128>}, {transform_indices = @transform_3, window_bounds = array<i64: 512, 128>}, {pipeline_mode = #tpu.pipeline_mode<synchronous>, transform_indices = @transform_4, window_bounds = array<i64: 128, 128>}, {pipeline_mode = #tpu.pipeline_mode<synchronous>, transform_indices = @transform_5, window_bounds = array<i64: 1, 128>}, {pipeline_mode = #tpu.pipeline_mode<synchronous>, transform_indices = @transform_6, window_bounds = array<i64: 1, 128>}, {pipeline_mode = #tpu.pipeline_mode<synchronous>, transform_indices = @transform_7, window_bounds = array<i64: 1, 128>}, {transform_indices = @transform_8, window_bounds = array<i64: 512, 128>}]} {
    %get3A = arith.constant 0 : index
    %get3A_0 = arith.constant 0 : index
    %get3A_1 = vector.load %arg2[%get3A, %get3A_0] : memref<8x128xf32, #tpu.memory_space<vmem>>, vector<8x128xf32>
    %slice3A = vector.extract_strided_slice %get3A_1 {offsets = [0, 0], sizes = [1, 128], strides = [1, 1]} : vector<8x128xf32> to vector<1x128xf32>
    %mul3A = arith.constant 9.99999974E-5 : f32
    %mul3A_2 = vector.broadcast %mul3A : f32 to vector<1x128xf32>
    %mul3A_3 = arith.mulf %slice3A, %mul3A_2 : vector<1x128xf32>
    %slice3A_4 = vector.extract_strided_slice %get3A_1 {offsets = [1, 0], sizes = [1, 128], strides = [1, 1]} : vector<8x128xf32> to vector<1x128xf32>
    %mul3A_5 = arith.constant 9.99999974E-5 : f32
    %mul3A_6 = vector.broadcast %mul3A_5 : f32 to vector<1x128xf32>
    %mul3A_7 = arith.mulf %slice3A_4, %mul3A_6 : vector<1x128xf32>
    %mul3A_8 = arith.mulf %mul3A_3, %mul3A_3 : vector<1x128xf32>
    %sub3A = arith.subf %mul3A_7, %mul3A_8 : vector<1x128xf32>
    %add3A = arith.constant 9.99999974E-6 : f32
    %add3A_9 = vector.broadcast %add3A : f32 to vector<1x128xf32>
    %add3A_10 = arith.addf %sub3A, %add3A_9 : vector<1x128xf32>
    %rsqrt3A = math.rsqrt %add3A_10 : vector<1x128xf32>
    %get3A_11 = arith.constant 0 : index
    %get3A_12 = arith.constant 0 : index
    %get3A_13 = vector.load %arg1[%get3A_11, %get3A_12] : memref<512x128xf32, #tpu.memory_space<vmem>>, vector<512x128xf32>
    %sub3A_14 = vector.broadcast %mul3A_3 : vector<1x128xf32> to vector<512x128xf32>
    %sub3A_15 = arith.subf %get3A_13, %sub3A_14 : vector<512x128xf32>
    %mul3A_16 = vector.broadcast %rsqrt3A : vector<1x128xf32> to vector<512x128xf32>
    %mul3A_17 = arith.mulf %sub3A_15, %mul3A_16 : vector<512x128xf32>
    %get3A_18 = arith.constant 0 : index
    %get3A_19 = arith.constant 0 : index
    %get3A_20 = vector.load %arg6[%get3A_18, %get3A_19] : memref<1x128xf32, #tpu.memory_space<vmem>>, vector<1x128xf32>
    %mul3A_21 = vector.broadcast %get3A_20 : vector<1x128xf32> to vector<512x128xf32>
    %mul3A_22 = arith.mulf %mul3A_17, %mul3A_21 : vector<512x128xf32>
    %get3A_23 = arith.constant 0 : index
    %get3A_24 = arith.constant 0 : index
    %get3A_25 = vector.load %arg7[%get3A_23, %get3A_24] : memref<1x128xf32, #tpu.memory_space<vmem>>, vector<1x128xf32>
    %add3A_26 = vector.broadcast %get3A_25 : vector<1x128xf32> to vector<512x128xf32>
    %add3A_27 = arith.addf %mul3A_22, %add3A_26 : vector<512x128xf32>
    %get3A_28 = arith.constant 0 : index
    %get3A_29 = arith.constant 0 : index
    %get3A_30 = vector.load %arg3[%get3A_28, %get3A_29] : memref<512x128xf32, #tpu.memory_space<vmem>>, vector<512x128xf32>
    %mul3A_31 = arith.constant 5.000000e-01 : f32
    %mul3A_32 = vector.broadcast %mul3A_31 : f32 to vector<512x128xf32>
    %mul3A_33 = arith.mulf %mul3A_32, %get3A_30 : vector<512x128xf32>
    %add3A_34 = arith.addf %add3A_27, %mul3A_33 : vector<512x128xf32>
    %max3A = arith.constant 0.000000e+00 : f32
    %max3A_35 = vector.broadcast %max3A : f32 to vector<512x128xf32>
    %max3A_36 = arith.maximumf %add3A_34, %max3A_35 : vector<512x128xf32>
    %get3A_37 = arith.constant 0 : index
    %get3A_38 = arith.constant 0 : index
    %get3A_39 = vector.load %arg4[%get3A_37, %get3A_38] : memref<512x128xf32, #tpu.memory_space<vmem>>, vector<512x128xf32>
    %add3A_40 = arith.addf %get3A_39, %max3A_36 : vector<512x128xf32>
    %get3A_41 = arith.constant 0 : index
    %get3A_42 = arith.constant 0 : index
    %get3A_43 = vector.load %arg5[%get3A_41, %get3A_42] : memref<128x128xf32, #tpu.memory_space<vmem>>, vector<128x128xf32>
    %dot_general3A = arith.constant dense<0.000000e+00> : vector<512x128xf32>
    %dot_general3A_44 = tpu.matmul %add3A_40, %get3A_43, %dot_general3A {dimension_numbers = #tpu.dot_dimension_numbers<[1], [0], [0], [1], [0, 0, 1, 1], [], []>, transpose_lhs_hint = false} : vector<512x128xf32>, vector<128x128xf32>, vector<512x128xf32> -> vector<512x128xf32>
    %get3A_45 = arith.constant 0 : index
    %get3A_46 = arith.constant 0 : index
    %get3A_47 = vector.load %arg8[%get3A_45, %get3A_46] : memref<1x128xf32, #tpu.memory_space<vmem>>, vector<1x128xf32>
    %add3A_48 = vector.broadcast %get3A_47 : vector<1x128xf32> to vector<512x128xf32>
    %add3A_49 = arith.addf %dot_general3A_44, %add3A_48 : vector<512x128xf32>
    %swap3A = arith.constant 0 : index
    %swap3A_50 = arith.constant 0 : index
    %swap3A_51 = vector.load %arg9[%swap3A, %swap3A_50] : memref<512x128xf32, #tpu.memory_space<vmem>>, vector<512x128xf32>
    tpu.vector_store %arg9[%swap3A, %swap3A_50], %add3A_49 {strides = array<i32>} : memref<512x128xf32, #tpu.memory_space<vmem>>, vector<512x128xf32>,
    return
  }
  func.func @transform_0(%arg0: i32) -> (i32, i32) {
    %c0_i32 = arith.constant 0 : i32
    %c0_i32_0 = arith.constant 0 : i32
    return %arg0, %c0_i32 : i32, i32
  }
  func.func @transform_1(%arg0: i32) -> (i32, i32) {
    %c0_i32 = arith.constant 0 : i32
    %c0_i32_0 = arith.constant 0 : i32
    %c0_i32_1 = arith.constant 0 : i32
    return %c0_i32, %c0_i32_0 : i32, i32
  }
  func.func @transform_2(%arg0: i32) -> (i32, i32) {
    %c0_i32 = arith.constant 0 : i32
    %c0_i32_0 = arith.constant 0 : i32
    return %arg0, %c0_i32 : i32, i32
  }
  func.func @transform_3(%arg0: i32) -> (i32, i32) {
    %c0_i32 = arith.constant 0 : i32
    %c0_i32_0 = arith.constant 0 : i32
    return %arg0, %c0_i32 : i32, i32
  }
  func.func @transform_4(%arg0: i32) -> (i32, i32) {
    %c0_i32 = arith.constant 0 : i32
    %c0_i32_0 = arith.constant 0 : i32
    %c0_i32_1 = arith.constant 0 : i32
    return %c0_i32, %c0_i32_0 : i32, i32
  }
  func.func @transform_5(%arg0: i32) -> (i32, i32) {
    %c0_i32 = arith.constant 0 : i32
    %c0_i32_0 = arith.constant 0 : i32
    %c0_i32_1 = arith.constant 0 : i32
    return %c0_i32, %c0_i32_0 : i32, i32
  }
  func.func @transform_6(%arg0: i32) -> (i32, i32) {
    %c0_i32 = arith.constant 0 : i32
    %c0_i32_0 = arith.constant 0 : i32
    %c0_i32_1 = arith.constant 0 : i32
    return %c0_i32, %c0_i32_0 : i32, i32
  }
  func.func @transform_7(%arg0: i32) -> (i32, i32) {
    %c0_i32 = arith.constant 0 : i32
    %c0_i32_0 = arith.constant 0 : i32
    %c0_i32_1 = arith.constant 0 : i32
    return %c0_i32, %c0_i32_0 : i32, i32
  }
  func.func @transform_8(%arg0: i32) -> (i32, i32) {
    %c0_i32 = arith.constant 0 : i32
    %c0_i32_0 = arith.constant 0 : i32
    return %arg0, %c0_i32 : i32, i32
  }
}

</mosaic_0001>

<sc_bundles>
// kernel: kernel.10.cloned.1.call-start
scs
__scs_entry_jumppad:
0x0: {  	(pc) =	sbr.rel $0x88, $3  }
0x1: {  	(tag) =	ssettag $0x0;
	lr =	simm.s32 $0x1  }
0x2: {  	[smem:$0x3F93] =	sst lr;
	_ =	strace $0xD0000000  }
0x3: {  	_ = 	snop  }
0x4: {  	_ = 	snop  }
0x5: {  	_ = 	snop  }
0x6: {  	_ = 	snop  }
0x7: {  	_ = 	snop  }
__scs_overlays_trampoline_lowered:
0x8: {  	[smem:$0x3FA2] =	sst s0  }
0x9: {  	[smem:$0x3FA3] =	sst s1  }
0xa: {  	[smem:$0x3FA4] =	sst s2  }
0xb: {  	[smem:$0x3FA5] =	sst s3  }
0xc: {  	[smem:$0x3FA6] =	sst s4  }
0xd: {  	[smem:$0x3FA7] =	sst s5  }
0xe: {  	[smem:$0x3FA8] =	sst s6  }
0xf: {  	[smem:$0x3FA9] =	sst s7  }
0x10: {  	[smem:$0x3FAA] =	sst s8  }
0x11: {  	[smem:$0x3FAB] =	sst s9;
	s0 =	simm.s32 @!p0 $0x0  }
0x12: {  	s1 =	sld [smem:$0x3F91];
	s0 =	simm.s32 @p0 $0x1  }
0x13: {  	[smem:$0x3FAC] =	sst s0;
	s0 =	simm.s32 @!p1 $0x0  }
0x14: {  	s2 =	sld [smem:$0x3F90];
	s0 =	simm.s32 @p1 $0x1  }
0x15: {  	[smem:$0x3FAD] =	sst s0;
	s0 =	simm.s32 @!p2 $0x0  }
0x16: {  	s3 =	sld [smem:$0x3FDB];
	s0 =	simm.s32 @p2 $0x1  }
0x17: {  	s4 =	simm.s32 $0x1BF5;
	[smem:$0x3FAF] =	sst s0  }
0x18: {  	s0 =	sld [smem:$0x3F92];
	_ =	swait.ge [sflag:s4], $0x0  }
0x19: {  	s7 =	sld [smem:$0x3F93]  }
0x1a: {  	s8 =	sadd.s32 $0xFFFFE003, lr  }
0x1b: {  	s9 =	sadd.s32 $0xFFFFFEF7, lr;
	s5 =	simm.s32 $0xFFFFFFFF;
	p2 =	slt.u32 s8, $0xFFFFF086  }
0x1c: {  	p1 =	slt.u32 s9, $0xF7A;
	s5 =	simm.s32 @!p2 $0x0  }
0x1d: {  	s5 =	simm.s32 @p1 $0x1;
	p0 =	seq.s32 s7, s2  }
0x1e: {  	s7 =	smul.u32 @!p0 $0xF7A, s2;
	p2 =	seq.s32 @!p0 s5, $0x0  }
0x1f: {  	s9 =	smul.u32 $0xF7A, s1;
	s8 =	simm.s32 @!p0 $0x1BF5;
	p2 =	por !p2, p0  }
0x20: {  	[sflag:s8] =	ssyncset.s32 @!p0 $0xFFFFF086;
	s6 =	sadd.s32 @!p0 s3, s7;
	s7 =	simm.s32 @!p0 $0x108  }
0x21: {  	s3 =	sadd.s32 s3, s9;
	s6 =	sadd.s32 @!p0 $0x88, s6;
	s7 =	simm.s32 @p2 $0x1082  }
0x22: {  	[simem:s7], [sflag:s8] =	dma.local @!p0 [hbm:s6], $0xF7A  }
0x23: {  	s9 =	sor.u32 $0xD0000000, s2;
	s6 =	simm.s32 $0x108;
	_ =	swait.ge @!p0 [sflag:s8], $0x0  }
0x24: {  	s3 =	sadd.s32 $0x88, s3;
	s6 =	simm.s32 @!p1 $0x1082;
	[sflag:s4] =	ssyncset.s32 $0xFFFFF086  }
0x25: {  	[simem:s6], [sflag:s4] =	dma.local [hbm:s3], $0xF7A  }
0x26: {  	[smem:$0x3F93] =	sst s1;
	(tag) =	ssettag s2;
	_ =	strace s9  }
0x27: {  	s1 =	sld [smem:$0x3FA3]  }
0x28: {  	s2 =	sld [smem:$0x3FA4]  }
0x29: {  	s4 =	sld [smem:$0x3FA6]  }
0x2a: {  	p0 =	seq.s32 s5, $0x0;
	s5 =	sld [smem:$0x3FA7]  }
0x2b: {  	s6 =	sld [smem:$0x3FA8]  }
0x2c: {  	s7 =	sld [smem:$0x3FA9]  }
0x2d: {  	s3 =	simm.s32 $0x108;
	s8 =	sld [smem:$0x3FAA]  }
0x2e: {  	s3 =	simm.s32 @!p0 $0x1082;
	s9 =	sld [smem:$0x3FAB]  }
0x2f: {  	lr =	sadd.s32 s0, s3;
	s0 =	sld [smem:$0x3FA2]  }
0x30: {  	s3 =	sld [smem:$0x3FA5]  }
0x31: {  	[smem:$0x3FAE] =	sst s10  }
0x32: {  	s10 =	sld [smem:$0x3FAC];
	_ =	sdelay $0x3  }
0x33: {  	p0 =	seq.s32 s10, $0x1;
	s10 =	sld [smem:$0x3FAE];
	_ =	sdelay $0x3  }
0x34: {  	[smem:$0x3FAE] =	sst s10  }
0x35: {  	s10 =	sld [smem:$0x3FAD];
	_ =	sdelay $0x3  }
0x36: {  	p1 =	seq.s32 s10, $0x1;
	s10 =	sld [smem:$0x3FAE];
	_ =	sdelay $0x3  }
0x37: {  	[smem:$0x3FAE] =	sst s10  }
0x38: {  	s10 =	sld [smem:$0x3FAF]  }
0x39: {  	_ = 	snop;
	(pc) =	sbr.ind lr, $3  }
0x3a: {  	_ = 	snop  }
0x3b: {  	_ = 	snop  }
0x3c: {  	p2 =	seq.s32 s10, $0x1;
	s10 =	sld [smem:$0x3FAE]  }
0x3d: {  	_ =	shalt  }
0x3e: {  	_ =	shalt  }
0x3f: {  	_ =	shalt  }
0x40: {  	_ =	shalt  }
0x41: {  	_ =	shalt  }
0x42: {  	_ =	shalt  }
0x43: {  	_ =	shalt  }
0x44: {  	_ =	shalt  }
0x45: {  	_ =	shalt  }
0x46: {  	_ =	shalt  }
0x47: {  	_ =	shalt  }
0x48: {  	_ =	shalt  }
0x49: {  	_ =	shalt  }
0x4a: {  	_ =	shalt  }
0x4b: {  	_ =	shalt  }
0x4c: {  	_ =	shalt  }
0x4d: {  	_ =	shalt  }
0x4e: {  	_ =	shalt  }
0x4f: {  	_ =	shalt  }
0x50: {  	_ =	shalt  }
0x51: {  	_ =	shalt  }
0x52: {  	_ =	shalt  }
0x53: {  	_ =	shalt  }
0x54: {  	_ =	shalt  }
0x55: {  	_ =	shalt  }
0x56: {  	_ =	shalt  }
0x57: {  	_ =	shalt  }
0x58: {  	_ =	shalt  }
0x59: {  	_ =	shalt  }
0x5a: {  	_ =	shalt  }
0x5b: {  	_ =	shalt  }
0x5c: {  	_ =	shalt  }
0x5d: {  	_ =	shalt  }
0x5e: {  	_ =	shalt  }
0x5f: {  	_ =	shalt  }
0x60: {  	_ =	shalt  }
0x61: {  	_ =	shalt  }
0x62: {  	_ =	shalt  }
0x63: {  	_ =	shalt  }
0x64: {  	_ =	shalt  }
0x65: {  	_ =	shalt  }
0x66: {  	_ =	shalt  }
0x67: {  	_ =	shalt  }
0x68: {  	_ =	shalt  }
0x69: {  	_ =	shalt  }
0x6a: {  	_ =	shalt  }
0x6b: {  	_ =	shalt  }
0x6c: {  	_ =	shalt  }
0x6d: {  	_ =	shalt  }
0x6e: {  	_ =	shalt  }
0x6f: {  	_ =	shalt  }
0x70: {  	_ =	shalt  }
0x71: {  	_ =	shalt  }
0x72: {  	_ =	shalt  }
0x73: {  	_ =	shalt  }
0x74: {  	_ =	shalt  }
0x75: {  	_ =	shalt  }
0x76: {  	_ =	shalt  }
0x77: {  	_ =	shalt  }
0x78: {  	_ =	shalt  }
0x79: {  	_ =	shalt  }
0x7a: {  	_ =	shalt  }
0x7b: {  	_ =	shalt  }
0x7c: {  	_ =	shalt  }
0x7d: {  	_ =	shalt  }
0x7e: {  	_ =	shalt  }
0x7f: {  	_ =	shalt  }
0x80: {  	_ =	shalt  }
0x81: {  	_ =	shalt  }
0x82: {  	_ =	shalt  }
0x83: {  	_ =	shalt  }
0x84: {  	_ =	shalt  }
0x85: {  	_ =	shalt  }
0x86: {  	_ =	shalt  }
0x87: {  	_ =	shalt  }
.Lfunc_end0:
.L_simem_size_0:
called_computation_lowered:
.L_overlay_start_0:
0x88: {  	s2 =	sld [smem:$0x3FD9]  }
0x89: {  	s3 =	sld [smem:$0x3FFE];
	_ =	sdelay $0x1  }
0x8a: {  	s1 =	srdreg.scid  }
0x8b: {  	s0 =	sand.u32 $0x1, s1  }
0x8c: {  	s17 =	sshll.u32 s0, $0xA;
	s2 =	sadd.s32 s3, s2  }
0x8d: {  	s2 =	sadd.s32 s2, s17  }
0x8e: {  	[smem:$0x3FBA] =	sst s2  }
0x8f: {  	_ = 	snop  }
0x90: {  	s2 =	sld [smem:$0x3FD0];
	(tm) =	ssettm $0x1  }
0x91: {  	s18 =	sld [smem:$0x3FFB];
	_ =	sdelay $0x3  }
0x92: {  	_ =	strace s18  }
0x93: {  	s3 =	sld [smem:$0x3FFC];
	_ =	sdelay $0x3  }
0x94: {  	_ =	strace s3  }
0x95: {  	s3 =	sld [smem:$0x3FFD];
	_ =	sdelay $0x3  }
0x96: {  	_ =	strace s3  }
0x97: {  	_ =	strace $0x8FFFFFFF  }
0x98: {  	s19 =	sld [smem:$0x3FDB];
	_ =	sdelay $0x1  }
0x99: {  	s4 =	simm.s32 $_scs_section_size  }
0x9a: {  	s5 =	simm.s32 $_size__tile_overlayer_lowered;
	s6 =	simm.s32 $_tile_overlayer_lowered  }
0x9b: {  	s22 =	simm.s32 $0x1BFF;
	s21 =	sshll.u32 s6, $0x1;
	s3 =	sadd.s32 s4, s19  }
0x9c: {  	s7 =	simm.s32 $0x0;
	s20 =	sshll.u32 s5, $0x1;
	s5 =	sadd.s32 s21, s3  }
0x9d: {  	[timem:s7], [sflag:s22] =	dma.local [hbm:s5], s20  }
0x9e: {  	_ =	swait.ge [sflag:s22], s20  }
0x9f: {  	s4 =	ssub.s32 $0x0, s20;
	[sflag:s22] =	ssyncset.done $0x0  }
0xa0: {  	[sflag:s22] =	ssyncadd.s32 s4;
	_ =	sdelay $0x1  }
0xa1: {  	s23 =	simm.s32 $0x1B8B  }
0xa2: {  	_ =	swait.ge [sflag:s23], $0x1  }
0xa3: {  	[sflag:s23] =	ssyncset.done $0x0  }
0xa4: {  	s25 =	simm.s32 $0x1B8E;
	s24 =	sld [smem:$0x3FFE];
	[sflag:s23] =	ssyncadd.s32 $0xFFFFFFFF  }
0xa5: {  	s26 =	simm.s32 $execute0_lowered;
	[smem:$0x3FD2] =	sst s25  }
0xa6: {  	s5 =	sshll.u32 s26, $0x1;
	_ =	strace $0x80000046;
	[dreg:$0x1] =	wrdreg $0xFFFFFFFF  }
0xa7: {  	s28 =	simm.s32 $_size_execute0_lowered;
	s3 =	sadd.s32 s3, s5;
	[dreg:$0x0] =	wrdreg $0x0  }
0xa8: {  	s5 =	sshll.u32 s28, $0x1;
	[dreg:$0x2] =	wrdreg s3  }
0xa9: {  	[dreg:$0x3] =	wrdreg s5  }
0xaa: {  	[dreg:$0x4] =	wrdreg $0xC0  }
0xab: {  	_ =	task [dreg:s7], $0x5FFFF  }
0xac: {  	[dreg:$0x1] =	wrdreg $0xFFFFFFFF  }
0xad: {  	[dreg:$0x0] =	wrdreg $0x60  }
0xae: {  	[dreg:$0x2] =	wrdreg s2  }
0xaf: {  	[dreg:$0x3] =	wrdreg s24  }
0xb0: {  	[dreg:$0x4] =	wrdreg $0x30000  }
0xb1: {  	[dreg:$0x5] =	wrdreg $0x9  }
0xb2: {  	_ =	task.clear_ibuf [dreg:s7], $0x6FFFF;
	_ =	strace $0x90000046  }
0xb3: {  	s29 =	simm.s32 $0x9;
	_ =	strace $0x80000048  }
0xb4: {  	_ =	swait.ge [sflag:s29], $0x1  }
0xb5: {  	[sflag:s29] =	ssyncadd.s32 $0xFFFFFFFF  }
0xb6: {  	_ =	strace $0x90000048  }
0xb7: {  	_ =	sfence  }
0xb8: {  	s30 =	sld [smem:$0x0];
	_ =	sdelay $0x2  }
0xb9: {  	s31 =	sshll.u32 s1, $0xD;
	s1 =	sshrl.u32 s1, $0x2  }
0xba: {  	s3 =	sand.u32 $0x4000, s31;
	s1 =	sadd.s32 s1, s30  }
0xbb: {  	s0 =	sor.u32 s3, s0;
	s1 =	sshll.u32 s1, $0x11  }
0xbc: {  	s0 =	sor.u32 s1, s0  }
0xbd: {  	s0 =	sadd.s32 $0x8F2B, s0  }
0xbe: {  	[sflag:s0] =	ssyncadd.remote.s32 $0x1  }
0xbf: {  	_ =	sfence.sel $0xFFFF  }
0xc0: {  	[dreg:$0x0] =	wrdreg $0xFFFFFFFF;
	(pc) =	sbr.abs _section_cstart, $3  }
0xc1: {  	[dreg:$0x1] =	wrdreg $0xFFFFFFFF  }
0xc2: {  	_ =	task.clear_ibuf [dreg:s7], $0x2FFFF;
	_ =	strace $0x9FFFFFFF  }
0xc3: {  	(tm) =	ssettm $0x7FFFFFFF  }
tec
execute0_lowered:
.L_overlay_start_1:
0x0: {  	(tag) =	ssettag $0x1  }
0x1: {  	s6 =	rddreg [dreg:$0x0]  }
0x2: {  	s7 =	rddreg [dreg:$0x1]  }
0x3: {  	s1 =	rddreg [dreg:$0x2];
	s2 =	srdreg.scid  }
0x4: {  	s0 =	rddreg [dreg:$0x3];
	s3 =	simm.s32 $0x0;
	s13 =	simm.s32 $0x80  }
0x5: {  	s14 =	simm.s32 $0x1;
	s5 =	sand.u32 $0x1, s2;
	s2 =	stileid.u32  }
0x6: {  	s15 =	simm.s32 $0x0;
	[smem:$0x7FF] =	sst s3;
	s8 =	smul.u32 $0x28000, s5  }
0x7: {  	s4 =	sadd.s32 $0x5A00, s7;
	s9 =	smul.u32 $0x2800, s2;
	_ =	strace $0x80000047  }
0x8: {  	s30 =	ssub.s32 $0x2, s5;
	s10 =	smul.u32 $0xA000, s2;
	s5 =	sadd.s32 $0x5C00, s7  }
0x9: {  	s31 =	sshll.u32 s2, $0x6;
	s11 =	sshrl.u32 s30, $0x1;
	s8 =	sadd.s32 s9, s8  }
0xa: {  	s9 =	ssub.s32 s30, s11;
	s10 =	sshrl.u32 s10, $0x2;
	s11 =	sor.u32 $0x1C02, s31  }
0xb: {  	s8 =	sshrl.u32 s8, $0x3;
	s12 =	sadd.s32 s10, s1;
	s10 =	simm.s32 $0x2800  }
0xc: {  	s7 =	sadd.s32 s8, s7;
	s6 =	sadd.s32 s6, s8;
	s8 =	smax.u32 s9, $0x1  }
0xd: {  	s9 =	simm.s32 $0x2;
	s12 =	sshrl.u32 s12, $0x3;
	s7 =	sadd.s32 $0x6200, s7  }
.LBB2_1:
0xe: {  	[tilespmem:s3], [sflag:$0x2] =	stream.linear.gather [hbm4b:s6+s3], $0x2800, $0x38;
	[tilespmem:$0x5800] =	vst v63  }
0xf: {  	_ =	swait.ge [sflag:s9], $0x2800  }
0x10: {  	[sflag:s9] =	ssyncset.done $0x0  }
0x11: {  	[sflag:s9] =	ssyncadd.s32 $0xFFFFD800  }
0x12: {  	[tilespmem:s10], [sflag:$0x2] =	stream.linear.gather [hbm4b:s4+s3], $0x800, $0x38;
	[tilespmem:$0x5800] =	vst v63  }
0x13: {  	_ =	swait.ge [sflag:s9], $0x800  }
0x14: {  	[sflag:s9] =	ssyncset.done $0x0  }
0x15: {  	[sflag:s9] =	ssyncadd.s32 $0xFFFFF800  }
0x16: {  	[spmem:s12], [sflag:s11] =	dma.local [hbm:s5], $0x500  }
0x17: {  	_ =	swait.ge [sflag:s9], $0x500  }
0x18: {  	[sflag:s9] =	ssyncset.done $0x0  }
0x19: {  	[sflag:s9] =	ssyncadd.s32 $0xFFFFFB00  }
0x1a: {  	s16 =	simm.s32 $0x0;
	[bflag:$0x0] =	sbarrier.arrive $0xFFFF  }
0x1b: {  	[spmem:s1] =	stream.indirect.scatter.add.f32 [tilespmem:s10], [sflag:$0x1], $0x10, s16, s13, $0xb8;
	[tilespmem:$0x5800] =	vst v63  }
0x1c: {  	s24 =	simm.s32 $0x80  }
0x1d: {  	[spmem:s1] =	stream.indirect.scatter.add.f32 [tilespmem:s10], [sflag:$0x1], $0x10, s24, s13, $0xb8;
	[tilespmem:$0x5800] =	vst v63  }
0x1e: {  	s25 =	simm.s32 $0x100  }
0x1f: {  	[spmem:s1] =	stream.indirect.scatter.add.f32 [tilespmem:s10], [sflag:$0x1], $0x10, s25, s13, $0xb8;
	[tilespmem:$0x5800] =	vst v63  }
0x20: {  	s26 =	simm.s32 $0x180  }
0x21: {  	[spmem:s1] =	stream.indirect.scatter.add.f32 [tilespmem:s10], [sflag:$0x1], $0x10, s26, s13, $0xb8;
	[tilespmem:$0x5800] =	vst v63  }
0x22: {  	s28 =	simm.s32 $0x200  }
0x23: {  	[spmem:s1] =	stream.indirect.scatter.add.f32 [tilespmem:s10], [sflag:$0x1], $0x10, s28, s13, $0xb8;
	[tilespmem:$0x5800] =	vst v63  }
0x24: {  	s29 =	simm.s32 $0x280  }
0x25: {  	[spmem:s1] =	stream.indirect.scatter.add.f32 [tilespmem:s10], [sflag:$0x1], $0x10, s29, s13, $0xb8;
	[tilespmem:$0x5800] =	vst v63  }
0x26: {  	s30 =	simm.s32 $0x300  }
0x27: {  	[spmem:s1] =	stream.indirect.scatter.add.f32 [tilespmem:s10], [sflag:$0x1], $0x10, s30, s13, $0xb8;
	[tilespmem:$0x5800] =	vst v63  }
0x28: {  	s31 =	simm.s32 $0x380  }
0x29: {  	[spmem:s1] =	stream.indirect.scatter.add.f32 [tilespmem:s10], [sflag:$0x1], $0x10, s31, s13, $0xb8;
	[tilespmem:$0x5800] =	vst v63  }
0x2a: {  	_ =	swait.ge [sflag:s14], $0x800  }
0x2b: {  	[sflag:s14] =	ssyncset.done $0x0  }
0x2c: {  	[sflag:s14] =	ssyncadd.s32 $0xFFFFF800  }
0x2d: {  	_ =	swait.ge [sflag:s14], $0x800  }
0x2e: {  	[sflag:s14] =	ssyncset.done $0x0  }
0x2f: {  	[sflag:s14] =	ssyncadd.s32 $0xFFFFF800  }
0x30: {  	_ =	swait.ge [sflag:s14], $0x800  }
0x31: {  	[sflag:s14] =	ssyncset.done $0x0  }
0x32: {  	[sflag:s14] =	ssyncadd.s32 $0xFFFFF800  }
0x33: {  	_ =	swait.ge [sflag:s14], $0x800  }
0x34: {  	[sflag:s14] =	ssyncset.done $0x0  }
0x35: {  	[sflag:s14] =	ssyncadd.s32 $0xFFFFF800  }
0x36: {  	_ =	swait.ge [sflag:s14], $0x800  }
0x37: {  	[sflag:s14] =	ssyncset.done $0x0  }
0x38: {  	[sflag:s14] =	ssyncadd.s32 $0xFFFFF800  }
0x39: {  	_ =	swait.ge [sflag:s14], $0x800  }
0x3a: {  	[sflag:s14] =	ssyncset.done $0x0  }
0x3b: {  	[sflag:s14] =	ssyncadd.s32 $0xFFFFF800  }
0x3c: {  	_ =	swait.ge [sflag:s14], $0x800  }
0x3d: {  	[sflag:s14] =	ssyncset.done $0x0  }
0x3e: {  	[sflag:s14] =	ssyncadd.s32 $0xFFFFF800  }
0x3f: {  	_ =	swait.ge [sflag:s14], $0x800  }
0x40: {  	s18 =	simm.s32 $0x2000;
	s16 =	simm.s32 $0x1000;
	[sflag:s14] =	ssyncset.done $0x0  }
.LBB2_2:
0x41: {  	s19 =	sshra.s32 s16, $0x2  }
0x42: {  	[sflag:s14] =	ssyncadd.s32 $0xFFFFF800;
	s16 =	smov.u32 s18;
	s17 =	sadd.s32 $0x1000, s18  }
0x43: {  	[spmem:s1] =	stream.indirect.scatter.add.f32 [tilespmem:s10], [sflag:$0x1], $0x10, s19, s13, $0xb8;
	[tilespmem:$0x5800] =	vst v63  }
0x44: {  	p0 =	sne.s32 s18, $0x9000;
	s18 =	sadd.s32 $0x80, s19  }
0x45: {  	[spmem:s1] =	stream.indirect.scatter.add.f32 [tilespmem:s10], [sflag:$0x1], $0x10, s18, s13, $0xb8;
	[tilespmem:$0x5800] =	vst v63  }
0x46: {  	s18 =	sadd.s32 $0x100, s19  }
0x47: {  	[spmem:s1] =	stream.indirect.scatter.add.f32 [tilespmem:s10], [sflag:$0x1], $0x10, s18, s13, $0xb8;
	[tilespmem:$0x5800] =	vst v63  }
0x48: {  	s18 =	sadd.s32 $0x180, s19  }
0x49: {  	[spmem:s1] =	stream.indirect.scatter.add.f32 [tilespmem:s10], [sflag:$0x1], $0x10, s18, s13, $0xb8;
	[tilespmem:$0x5800] =	vst v63  }
0x4a: {  	s18 =	sadd.s32 $0x200, s19  }
0x4b: {  	[spmem:s1] =	stream.indirect.scatter.add.f32 [tilespmem:s10], [sflag:$0x1], $0x10, s18, s13, $0xb8;
	[tilespmem:$0x5800] =	vst v63  }
0x4c: {  	s18 =	sadd.s32 $0x280, s19  }
0x4d: {  	[spmem:s1] =	stream.indirect.scatter.add.f32 [tilespmem:s10], [sflag:$0x1], $0x10, s18, s13, $0xb8;
	[tilespmem:$0x5800] =	vst v63  }
0x4e: {  	s18 =	sadd.s32 $0x300, s19  }
0x4f: {  	[spmem:s1] =	stream.indirect.scatter.add.f32 [tilespmem:s10], [sflag:$0x1], $0x10, s18, s13, $0xb8;
	[tilespmem:$0x5800] =	vst v63  }
0x50: {  	s18 =	sadd.s32 $0x380, s19  }
0x51: {  	[spmem:s1] =	stream.indirect.scatter.add.f32 [tilespmem:s10], [sflag:$0x1], $0x10, s18, s13, $0xb8;
	[tilespmem:$0x5800] =	vst v63  }
0x52: {  	_ =	swait.ge [sflag:s14], $0x800  }
0x53: {  	[sflag:s14] =	ssyncset.done $0x0  }
0x54: {  	[sflag:s14] =	ssyncadd.s32 $0xFFFFF800  }
0x55: {  	_ =	swait.ge [sflag:s14], $0x800  }
0x56: {  	[sflag:s14] =	ssyncset.done $0x0  }
0x57: {  	[sflag:s14] =	ssyncadd.s32 $0xFFFFF800  }
0x58: {  	_ =	swait.ge [sflag:s14], $0x800  }
0x59: {  	[sflag:s14] =	ssyncset.done $0x0  }
0x5a: {  	[sflag:s14] =	ssyncadd.s32 $0xFFFFF800  }
0x5b: {  	_ =	swait.ge [sflag:s14], $0x800  }
0x5c: {  	[sflag:s14] =	ssyncset.done $0x0  }
0x5d: {  	[sflag:s14] =	ssyncadd.s32 $0xFFFFF800  }
0x5e: {  	_ =	swait.ge [sflag:s14], $0x800  }
0x5f: {  	[sflag:s14] =	ssyncset.done $0x0  }
0x60: {  	[sflag:s14] =	ssyncadd.s32 $0xFFFFF800  }
0x61: {  	_ =	swait.ge [sflag:s14], $0x800  }
0x62: {  	[sflag:s14] =	ssyncset.done $0x0  }
0x63: {  	[sflag:s14] =	ssyncadd.s32 $0xFFFFF800  }
.Ltmp0:
0x64: {  	_ =	swait.ge [sflag:s14], $0x800;
	(pc) =	sbr.rel @p0 .LBB2_2-.Ltmp0, $4  }
0x65: {  	[sflag:s14] =	ssyncset.done $0x0  }
0x66: {  	[sflag:s14] =	ssyncadd.s32 $0xFFFFF800  }
0x67: {  	_ =	swait.ge [sflag:s14], $0x800  }
0x68: {  	s18 =	smov.u32 s17;
	[sflag:s14] =	ssyncset.done $0x0  }
0x69: {  	s16 =	sshra.s32 s16, $0x2;
	[sflag:s14] =	ssyncadd.s32 $0xFFFFF800  }
0x6a: {  	[spmem:s1] =	stream.indirect.scatter.add.f32 [tilespmem:s10], [sflag:$0x1], $0x10, s16, s13, $0xb8;
	[tilespmem:$0x5800] =	vst v63  }
0x6b: {  	s17 =	sadd.s32 $0x80, s16  }
0x6c: {  	[spmem:s1] =	stream.indirect.scatter.add.f32 [tilespmem:s10], [sflag:$0x1], $0x10, s17, s13, $0xb8;
	[tilespmem:$0x5800] =	vst v63  }
0x6d: {  	s26 =	sadd.s32 $0x100, s16  }
0x6e: {  	[spmem:s1] =	stream.indirect.scatter.add.f32 [tilespmem:s10], [sflag:$0x1], $0x10, s26, s13, $0xb8;
	[tilespmem:$0x5800] =	vst v63  }
0x6f: {  	s28 =	sadd.s32 $0x180, s16  }
0x70: {  	[spmem:s1] =	stream.indirect.scatter.add.f32 [tilespmem:s10], [sflag:$0x1], $0x10, s28, s13, $0xb8;
	[tilespmem:$0x5800] =	vst v63  }
0x71: {  	s29 =	sadd.s32 $0x200, s16  }
0x72: {  	[spmem:s1] =	stream.indirect.scatter.add.f32 [tilespmem:s10], [sflag:$0x1], $0x10, s29, s13, $0xb8;
	[tilespmem:$0x5800] =	vst v63  }
0x73: {  	s30 =	sadd.s32 $0x280, s16  }
0x74: {  	[spmem:s1] =	stream.indirect.scatter.add.f32 [tilespmem:s10], [sflag:$0x1], $0x10, s30, s13, $0xb8;
	[tilespmem:$0x5800] =	vst v63  }
0x75: {  	s31 =	sadd.s32 $0x300, s16  }
0x76: {  	[spmem:s1] =	stream.indirect.scatter.add.f32 [tilespmem:s10], [sflag:$0x1], $0x10, s31, s13, $0xb8;
	[tilespmem:$0x5800] =	vst v63  }
0x77: {  	s16 =	sadd.s32 $0x380, s16  }
0x78: {  	[spmem:s1] =	stream.indirect.scatter.add.f32 [tilespmem:s10], [sflag:$0x1], $0x10, s16, s13, $0xb8;
	[tilespmem:$0x5800] =	vst v63  }
0x79: {  	_ =	swait.ge [sflag:s14], $0x800  }
0x7a: {  	[sflag:s14] =	ssyncset.done $0x0  }
0x7b: {  	[sflag:s14] =	ssyncadd.s32 $0xFFFFF800  }
0x7c: {  	_ =	swait.ge [sflag:s14], $0x800  }
0x7d: {  	[sflag:s14] =	ssyncset.done $0x0  }
0x7e: {  	[sflag:s14] =	ssyncadd.s32 $0xFFFFF800  }
0x7f: {  	_ =	swait.ge [sflag:s14], $0x800  }
0x80: {  	[sflag:s14] =	ssyncset.done $0x0  }
0x81: {  	[sflag:s14] =	ssyncadd.s32 $0xFFFFF800  }
0x82: {  	_ =	swait.ge [sflag:s14], $0x800  }
0x83: {  	[sflag:s14] =	ssyncset.done $0x0  }
0x84: {  	[sflag:s14] =	ssyncadd.s32 $0xFFFFF800  }
0x85: {  	_ =	swait.ge [sflag:s14], $0x800  }
0x86: {  	[sflag:s14] =	ssyncset.done $0x0  }
0x87: {  	[sflag:s14] =	ssyncadd.s32 $0xFFFFF800  }
0x88: {  	_ =	swait.ge [sflag:s14], $0x800  }
0x89: {  	[sflag:s14] =	ssyncset.done $0x0  }
0x8a: {  	[sflag:s14] =	ssyncadd.s32 $0xFFFFF800  }
0x8b: {  	_ =	swait.ge [sflag:s14], $0x800  }
0x8c: {  	[sflag:s14] =	ssyncset.done $0x0  }
0x8d: {  	[sflag:s14] =	ssyncadd.s32 $0xFFFFF800  }
0x8e: {  	_ =	swait.ge [sflag:s14], $0x800  }
0x8f: {  	s15 =	sadd.s32 $0x1, s15;
	[sflag:s14] =	ssyncset.done $0x0  }
0x90: {  	p0 =	sne.s32 s15, s8;
	[sflag:s14] =	ssyncadd.s32 $0xFFFFF800  }
.Ltmp1:
0x91: {  	[bflag:$0x0] =	sbarrier.arrive $0xFFFF;
	(pc) =	sbr.rel @p0 .LBB2_1-.Ltmp1, $4  }
0x92: {  	[hbm:s7], [sflag:s11] =	dma.local [spmem:s12], $0x500  }
0x93: {  	_ =	swait.ge [sflag:s9], $0x500  }
0x94: {  	[sflag:s9] =	ssyncset.done $0x0  }
0x95: {  	[sflag:s9] =	ssyncadd.s32 $0xFFFFFB00  }
0x96: {  	_ =	sfence.sel $0x180000  }
0x97: {  	[bflag:$0x0] =	sbarrier.arrive $0xFFFF  }
0x98: {  	p0 =	sne.s32 s2, $0x0;
	_ =	strace $0x90000047  }
0x99: {  	s0 =	sadd.s32 @!p0 $0x100000, s0;
	[bflag:$0x2] =	sbarrier.arrive $0xFFFF  }
0x9a: {  	[sflag:s0] =	ssyncadd.tile.s32 @!p0 $0x1;
	_ =	shalt  }
.Lfunc_end2:
_tile_overlayer_lowered:
.L_overlay_start_2:
0x9b: {  	(tag) =	ssettag $0x2  }
0x9c: {  	s0 =	rddreg [dreg:$0x0];
	s2 =	stileid.u32  }
0x9d: {  	s1 =	rddreg [dreg:$0x1];
	p0 =	sne.s32 s2, $0x0  }
0x9e: {  	s3 =	rddreg [dreg:$0x2];
	[bflag:$0x3] =	sbarrier.arrive $0xFFFF;
	s2 =	simm.s32 @!p0 $0x1C02  }
0x9f: {  	[timem:s3], [sflag:s2] =	dma.local @!p0 [hbm:s0], s1  }
0xa0: {  	s0 =	simm.s32 @!p0 $0x2  }
0xa1: {  	_ =	swait.ge @!p0 [sflag:s0], s1  }
0xa2: {  	s1 =	ssub.s32 @!p0 $0x0, s1;
	[sflag:s0] =	ssyncset.done @!p0 $0x0  }
0xa3: {  	[sflag:s0] =	ssyncadd.s32 @!p0 s1  }
0xa4: {  	[bflag:$0x3] =	sbarrier.arrive $0xFFFF  }
0xa5: {  	_ =	shalt  }

// kernel: kernel.13.cloned.1.call-start
scs
__scs_entry_jumppad:
0x0: {  	(pc) =	sbr.rel $0x88, $3  }
0x1: {  	(tag) =	ssettag $0x0;
	lr =	simm.s32 $0x1  }
0x2: {  	[smem:$0x3F93] =	sst lr;
	_ =	strace $0xD0000000  }
0x3: {  	_ = 	snop  }
0x4: {  	_ = 	snop  }
0x5: {  	_ = 	snop  }
0x6: {  	_ = 	snop  }
0x7: {  	_ = 	snop  }
__scs_overlays_trampoline_lowered:
0x8: {  	[smem:$0x3FA2] =	sst s0  }
0x9: {  	[smem:$0x3FA3] =	sst s1  }
0xa: {  	[smem:$0x3FA4] =	sst s2  }
0xb: {  	[smem:$0x3FA5] =	sst s3  }
0xc: {  	[smem:$0x3FA6] =	sst s4  }
0xd: {  	[smem:$0x3FA7] =	sst s5  }
0xe: {  	[smem:$0x3FA8] =	sst s6  }
0xf: {  	[smem:$0x3FA9] =	sst s7  }
0x10: {  	[smem:$0x3FAA] =	sst s8  }
0x11: {  	[smem:$0x3FAB] =	sst s9;
	s0 =	simm.s32 @!p0 $0x0  }
0x12: {  	s1 =	sld [smem:$0x3F91];
	s0 =	simm.s32 @p0 $0x1  }
0x13: {  	[smem:$0x3FAC] =	sst s0;
	s0 =	simm.s32 @!p1 $0x0  }
0x14: {  	s2 =	sld [smem:$0x3F90];
	s0 =	simm.s32 @p1 $0x1  }
0x15: {  	[smem:$0x3FAD] =	sst s0;
	s0 =	simm.s32 @!p2 $0x0  }
0x16: {  	s3 =	sld [smem:$0x3FDB];
	s0 =	simm.s32 @p2 $0x1  }
0x17: {  	s4 =	simm.s32 $0x1BF5;
	[smem:$0x3FAF] =	sst s0  }
0x18: {  	s0 =	sld [smem:$0x3F92];
	_ =	swait.ge [sflag:s4], $0x0  }
0x19: {  	s7 =	sld [smem:$0x3F93]  }
0x1a: {  	s8 =	sadd.s32 $0xFFFFE003, lr  }
0x1b: {  	s9 =	sadd.s32 $0xFFFFFEF7, lr;
	s5 =	simm.s32 $0xFFFFFFFF;
	p2 =	slt.u32 s8, $0xFFFFF086  }
0x1c: {  	p1 =	slt.u32 s9, $0xF7A;
	s5 =	simm.s32 @!p2 $0x0  }
0x1d: {  	s5 =	simm.s32 @p1 $0x1;
	p0 =	seq.s32 s7, s2  }
0x1e: {  	s7 =	smul.u32 @!p0 $0xF7A, s2;
	p2 =	seq.s32 @!p0 s5, $0x0  }
0x1f: {  	s9 =	smul.u32 $0xF7A, s1;
	s8 =	simm.s32 @!p0 $0x1BF5;
	p2 =	por !p2, p0  }
0x20: {  	[sflag:s8] =	ssyncset.s32 @!p0 $0xFFFFF086;
	s6 =	sadd.s32 @!p0 s3, s7;
	s7 =	simm.s32 @!p0 $0x108  }
0x21: {  	s3 =	sadd.s32 s3, s9;
	s6 =	sadd.s32 @!p0 $0x88, s6;
	s7 =	simm.s32 @p2 $0x1082  }
0x22: {  	[simem:s7], [sflag:s8] =	dma.local @!p0 [hbm:s6], $0xF7A  }
0x23: {  	s9 =	sor.u32 $0xD0000000, s2;
	s6 =	simm.s32 $0x108;
	_ =	swait.ge @!p0 [sflag:s8], $0x0  }
0x24: {  	s3 =	sadd.s32 $0x88, s3;
	s6 =	simm.s32 @!p1 $0x1082;
	[sflag:s4] =	ssyncset.s32 $0xFFFFF086  }
0x25: {  	[simem:s6], [sflag:s4] =	dma.local [hbm:s3], $0xF7A  }
0x26: {  	[smem:$0x3F93] =	sst s1;
	(tag) =	ssettag s2;
	_ =	strace s9  }
0x27: {  	s1 =	sld [smem:$0x3FA3]  }
0x28: {  	s2 =	sld [smem:$0x3FA4]  }
0x29: {  	s4 =	sld [smem:$0x3FA6]  }
0x2a: {  	p0 =	seq.s32 s5, $0x0;
	s5 =	sld [smem:$0x3FA7]  }
0x2b: {  	s6 =	sld [smem:$0x3FA8]  }
0x2c: {  	s7 =	sld [smem:$0x3FA9]  }
0x2d: {  	s3 =	simm.s32 $0x108;
	s8 =	sld [smem:$0x3FAA]  }
0x2e: {  	s3 =	simm.s32 @!p0 $0x1082;
	s9 =	sld [smem:$0x3FAB]  }
0x2f: {  	lr =	sadd.s32 s0, s3;
	s0 =	sld [smem:$0x3FA2]  }
0x30: {  	s3 =	sld [smem:$0x3FA5]  }
0x31: {  	[smem:$0x3FAE] =	sst s10  }
0x32: {  	s10 =	sld [smem:$0x3FAC];
	_ =	sdelay $0x3  }
0x33: {  	p0 =	seq.s32 s10, $0x1;
	s10 =	sld [smem:$0x3FAE];
	_ =	sdelay $0x3  }
0x34: {  	[smem:$0x3FAE] =	sst s10  }
0x35: {  	s10 =	sld [smem:$0x3FAD];
	_ =	sdelay $0x3  }
0x36: {  	p1 =	seq.s32 s10, $0x1;
	s10 =	sld [smem:$0x3FAE];
	_ =	sdelay $0x3  }
0x37: {  	[smem:$0x3FAE] =	sst s10  }
0x38: {  	s10 =	sld [smem:$0x3FAF]  }
0x39: {  	_ = 	snop;
	(pc) =	sbr.ind lr, $3  }
0x3a: {  	_ = 	snop  }
0x3b: {  	_ = 	snop  }
0x3c: {  	p2 =	seq.s32 s10, $0x1;
	s10 =	sld [smem:$0x3FAE]  }
0x3d: {  	_ =	shalt  }
0x3e: {  	_ =	shalt  }
0x3f: {  	_ =	shalt  }
0x40: {  	_ =	shalt  }
0x41: {  	_ =	shalt  }
0x42: {  	_ =	shalt  }
0x43: {  	_ =	shalt  }
0x44: {  	_ =	shalt  }
0x45: {  	_ =	shalt  }
0x46: {  	_ =	shalt  }
0x47: {  	_ =	shalt  }
0x48: {  	_ =	shalt  }
0x49: {  	_ =	shalt  }
0x4a: {  	_ =	shalt  }
0x4b: {  	_ =	shalt  }
0x4c: {  	_ =	shalt  }
0x4d: {  	_ =	shalt  }
0x4e: {  	_ =	shalt  }
0x4f: {  	_ =	shalt  }
0x50: {  	_ =	shalt  }
0x51: {  	_ =	shalt  }
0x52: {  	_ =	shalt  }
0x53: {  	_ =	shalt  }
0x54: {  	_ =	shalt  }
0x55: {  	_ =	shalt  }
0x56: {  	_ =	shalt  }
0x57: {  	_ =	shalt  }
0x58: {  	_ =	shalt  }
0x59: {  	_ =	shalt  }
0x5a: {  	_ =	shalt  }
0x5b: {  	_ =	shalt  }
0x5c: {  	_ =	shalt  }
0x5d: {  	_ =	shalt  }
0x5e: {  	_ =	shalt  }
0x5f: {  	_ =	shalt  }
0x60: {  	_ =	shalt  }
0x61: {  	_ =	shalt  }
0x62: {  	_ =	shalt  }
0x63: {  	_ =	shalt  }
0x64: {  	_ =	shalt  }
0x65: {  	_ =	shalt  }
0x66: {  	_ =	shalt  }
0x67: {  	_ =	shalt  }
0x68: {  	_ =	shalt  }
0x69: {  	_ =	shalt  }
0x6a: {  	_ =	shalt  }
0x6b: {  	_ =	shalt  }
0x6c: {  	_ =	shalt  }
0x6d: {  	_ =	shalt  }
0x6e: {  	_ =	shalt  }
0x6f: {  	_ =	shalt  }
0x70: {  	_ =	shalt  }
0x71: {  	_ =	shalt  }
0x72: {  	_ =	shalt  }
0x73: {  	_ =	shalt  }
0x74: {  	_ =	shalt  }
0x75: {  	_ =	shalt  }
0x76: {  	_ =	shalt  }
0x77: {  	_ =	shalt  }
0x78: {  	_ =	shalt  }
0x79: {  	_ =	shalt  }
0x7a: {  	_ =	shalt  }
0x7b: {  	_ =	shalt  }
0x7c: {  	_ =	shalt  }
0x7d: {  	_ =	shalt  }
0x7e: {  	_ =	shalt  }
0x7f: {  	_ =	shalt  }
0x80: {  	_ =	shalt  }
0x81: {  	_ =	shalt  }
0x82: {  	_ =	shalt  }
0x83: {  	_ =	shalt  }
0x84: {  	_ =	shalt  }
0x85: {  	_ =	shalt  }
0x86: {  	_ =	shalt  }
0x87: {  	_ =	shalt  }
.Lfunc_end0:
.L_simem_size_0:
called_computation.1_lowered:
.L_overlay_start_0:
0x88: {  	s2 =	sld [smem:$0x3FD9]  }
0x89: {  	s3 =	sld [smem:$0x3FFE];
	_ =	sdelay $0x1  }
0x8a: {  	s1 =	srdreg.scid  }
0x8b: {  	s0 =	sand.u32 $0x1, s1  }
0x8c: {  	s17 =	sshll.u32 s0, $0xA;
	s2 =	sadd.s32 s3, s2  }
0x8d: {  	s2 =	sadd.s32 s2, s17  }
0x8e: {  	[smem:$0x3FBA] =	sst s2  }
0x8f: {  	_ = 	snop  }
0x90: {  	s2 =	sld [smem:$0x3FD0];
	(tm) =	ssettm $0x1  }
0x91: {  	s18 =	sld [smem:$0x3FFB];
	_ =	sdelay $0x3  }
0x92: {  	_ =	strace s18  }
0x93: {  	s3 =	sld [smem:$0x3FFC];
	_ =	sdelay $0x3  }
0x94: {  	_ =	strace s3  }
0x95: {  	s3 =	sld [smem:$0x3FFD];
	_ =	sdelay $0x3  }
0x96: {  	_ =	strace s3  }
0x97: {  	_ =	strace $0x8FFFFFFF  }
0x98: {  	s19 =	sld [smem:$0x3FDB];
	_ =	sdelay $0x1  }
0x99: {  	s4 =	simm.s32 $_scs_section_size  }
0x9a: {  	s5 =	simm.s32 $_size__tile_overlayer_lowered;
	s6 =	simm.s32 $_tile_overlayer_lowered  }
0x9b: {  	s22 =	simm.s32 $0x1BFF;
	s21 =	sshll.u32 s6, $0x1;
	s3 =	sadd.s32 s4, s19  }
0x9c: {  	s7 =	simm.s32 $0x0;
	s20 =	sshll.u32 s5, $0x1;
	s5 =	sadd.s32 s21, s3  }
0x9d: {  	[timem:s7], [sflag:s22] =	dma.local [hbm:s5], s20  }
0x9e: {  	_ =	swait.ge [sflag:s22], s20  }
0x9f: {  	s4 =	ssub.s32 $0x0, s20;
	[sflag:s22] =	ssyncset.done $0x0  }
0xa0: {  	[sflag:s22] =	ssyncadd.s32 s4;
	_ =	sdelay $0x1  }
0xa1: {  	s23 =	simm.s32 $0x1B8B  }
0xa2: {  	_ =	swait.ge [sflag:s23], $0x1  }
0xa3: {  	[sflag:s23] =	ssyncset.done $0x0  }
0xa4: {  	s25 =	simm.s32 $0x1B8E;
	s24 =	sld [smem:$0x3FFE];
	[sflag:s23] =	ssyncadd.s32 $0xFFFFFFFF  }
0xa5: {  	s26 =	simm.s32 $execute0_lowered;
	[smem:$0x3FD2] =	sst s25  }
0xa6: {  	s5 =	sshll.u32 s26, $0x1;
	_ =	strace $0x80000049;
	[dreg:$0x1] =	wrdreg $0xFFFFFFFF  }
0xa7: {  	s28 =	simm.s32 $_size_execute0_lowered;
	s3 =	sadd.s32 s3, s5;
	[dreg:$0x0] =	wrdreg $0x0  }
0xa8: {  	s5 =	sshll.u32 s28, $0x1;
	[dreg:$0x2] =	wrdreg s3  }
0xa9: {  	[dreg:$0x3] =	wrdreg s5  }
0xaa: {  	[dreg:$0x4] =	wrdreg $0xC0  }
0xab: {  	_ =	task [dreg:s7], $0x5FFFF  }
0xac: {  	[dreg:$0x1] =	wrdreg $0xFFFFFFFF  }
0xad: {  	[dreg:$0x0] =	wrdreg $0x60  }
0xae: {  	[dreg:$0x2] =	wrdreg s24  }
0xaf: {  	[dreg:$0x3] =	wrdreg s2  }
0xb0: {  	[dreg:$0x4] =	wrdreg $0xF2800  }
0xb1: {  	[dreg:$0x5] =	wrdreg $0x142800  }
0xb2: {  	[dreg:$0x6] =	wrdreg $0x9  }
0xb3: {  	_ =	task.clear_ibuf [dreg:s7], $0x7FFFF;
	_ =	strace $0x90000049  }
0xb4: {  	s29 =	simm.s32 $0x9;
	_ =	strace $0x8000004B  }
0xb5: {  	_ =	swait.ge [sflag:s29], $0x1  }
0xb6: {  	[sflag:s29] =	ssyncadd.s32 $0xFFFFFFFF  }
0xb7: {  	_ =	strace $0x9000004B  }
0xb8: {  	_ =	sfence  }
0xb9: {  	s30 =	sld [smem:$0x0];
	_ =	sdelay $0x2  }
0xba: {  	s31 =	sshll.u32 s1, $0xD;
	s1 =	sshrl.u32 s1, $0x2  }
0xbb: {  	s3 =	sand.u32 $0x4000, s31;
	s1 =	sadd.s32 s1, s30  }
0xbc: {  	s0 =	sor.u32 s3, s0;
	s1 =	sshll.u32 s1, $0x11  }
0xbd: {  	s0 =	sor.u32 s1, s0  }
0xbe: {  	s0 =	sadd.s32 $0x8F2B, s0  }
0xbf: {  	[sflag:s0] =	ssyncadd.remote.s32 $0x1  }
0xc0: {  	_ =	sfence.sel $0xFFFF  }
0xc1: {  	[dreg:$0x0] =	wrdreg $0xFFFFFFFF;
	(pc) =	sbr.abs _section_cstart, $3  }
0xc2: {  	[dreg:$0x1] =	wrdreg $0xFFFFFFFF  }
0xc3: {  	_ =	task.clear_ibuf [dreg:s7], $0x2FFFF;
	_ =	strace $0x9FFFFFFF  }
0xc4: {  	(tm) =	ssettm $0x7FFFFFFF  }
0xc5: {  	_ =	shalt  }
tec
execute0_lowered:
.L_overlay_start_1:
0x0: {  	(tag) =	ssettag $0x1  }
0x1: {  	s0 =	rddreg [dreg:$0x0]  }
0x2: {  	s1 =	rddreg [dreg:$0x1]  }
0x3: {  	s10 =	stileid.u32;
	s3 =	srdreg.scid  }
0x4: {  	s2 =	rddreg [dreg:$0x2];
	s7 =	simm.s32 $0x0;
	s5 =	smul.u32 $0x280, s10  }
0x5: {  	s28 =	simm.s32 $0x1;
	s12 =	simm.s32 $0x7;
	s14 =	smul.u32 $0xA00, s10  }
0x6: {  	s4 =	sand.u32 $0x1, s3;
	s3 =	rddreg [dreg:$0x3];
	s10 =	smul.u32 $0x5000, s10  }
0x7: {  	[smem:$0x7FF] =	sst s7;
	s7 =	simm.s32 $0x3;
	s6 =	smul.u32 $0x5000, s4  }
0x8: {  	_ =	strace $0x8000004A;
	s4 =	ssub.s32 $0x2, s4;
	s8 =	sadd.s32 s14, s0  }
0x9: {  	s15 =	sshrl.u32 s4, $0x1;
	s1 =	sadd.s32 s1, s14;
	s18 =	sadd.s32 s10, s2  }
0xa: {  	s19 =	sadd.s32 $0x1000, s10;
	s11 =	sadd.s32 s10, s3;
	s21 =	sadd.s32 $0x2000, s10  }
0xb: {  	s23 =	sadd.s32 $0x3000, s10;
	s25 =	sadd.s32 $0x4000, s10;
	[dreg:$0x6] =	wrdreg s1  }
0xc: {  	s10 =	simm.s32 $0x6;
	s14 =	simm.s32 $0x8;
	[dreg:$0x8] =	wrdreg s18  }
0xd: {  	s6 =	sadd.s32 s5, s6;
	s16 =	sadd.s32 $0x11600, s8;
	[dreg:$0x10] =	wrdreg s11  }
0xe: {  	s5 =	sadd.s32 $0x6B600, s0;
	s20 =	sadd.s32 s19, s2;
	[dreg:$0x5] =	wrdreg s16  }
0xf: {  	s31 =	sadd.s32 s19, s3;
	s22 =	sadd.s32 s21, s2;
	[dreg:$0x9] =	wrdreg s20  }
0x10: {  	s24 =	sadd.s32 s23, s2;
	s1 =	sadd.s32 s23, s3;
	[dreg:$0xa] =	wrdreg s22  }
0x11: {  	s26 =	sadd.s32 s25, s2;
	s29 =	sadd.s32 s25, s3;
	[dreg:$0xb] =	wrdreg s24  }
0x12: {  	s25 =	simm.s32 $0x80;
	s23 =	simm.s32 $0xB000;
	[dreg:$0x12] =	wrdreg s1  }
0x13: {  	s8 =	simm.s32 $0xC000;
	s6 =	sshrl.u32 s6, $0x3;
	[dreg:$0xc] =	wrdreg s26  }
0x14: {  	[dreg:$0x13] =	wrdreg s29;
	s22 =	simm.s32 $0x9;
	s26 =	simm.s32 $0xE280  }
0x15: {  	s20 =	simm.s32 $0xD000;
	[dreg:$0x11] =	wrdreg s31;
	s9 =	sadd.s32 s6, s0  }
0x16: {  	s6 =	sadd.s32 $0xBB600, s0;
	s0 =	ssub.s32 s4, s15;
	s4 =	sadd.s32 s21, s3  }
0x17: {  	s1 =	simm.s32 $0x0;
	s17 =	sadd.s32 $0x10200, s9;
	[dreg:$0xf] =	wrdreg s4  }
0x18: {  	s21 =	simm.s32 $0x2;
	s30 =	sadd.s32 $0x10700, s9;
	[dreg:$0x7] =	wrdreg s17  }
0x19: {  	s0 =	smax.u32 s0, $0x1;
	s9 =	simm.s32 $0x4;
	[dreg:$0xd] =	wrdreg s30  }
0x1a: {  	s4 =	simm.s32 $0x5;
	[dreg:$0xe] =	wrdreg s0;
	s0 =	simm.s32 $0xA000  }
.LBB2_1:
0x1b: {  	[dreg:$0x14] =	wrdreg s1  }
0x1c: {  	s18 =	simm.s32 $0x0;
	s29 =	rddreg [dreg:$0x5]  }
0x1d: {  	[tilespmem:s18], [sflag:$0x9] =	stream.linear.gather [hbm4b:s29+s18], $0x5000, $0x38;
	[tilespmem:$0x19280] =	vst v63  }
0x1e: {  	_ =	swait.ge [sflag:s22], $0x5000  }
0x1f: {  	[sflag:s22] =	ssyncset.done $0x0  }
0x20: {  	s30 =	simm.s32 $0x5000;
	s29 =	rddreg [dreg:$0x6];
	[sflag:s22] =	ssyncadd.s32 $0xFFFFB000  }
0x21: {  	[tilespmem:s30], [sflag:$0x9] =	stream.linear.gather [hbm4b:s29+s18], $0x5000, $0x38;
	[tilespmem:$0x19280] =	vst v63  }
0x22: {  	_ =	swait.ge [sflag:s22], $0x5000  }
0x23: {  	[sflag:s22] =	ssyncset.done $0x0  }
0x24: {  	s11 =	simm.s32 $0xE000;
	s29 =	rddreg [dreg:$0x7];
	[sflag:s22] =	ssyncadd.s32 $0xFFFFB000  }
0x25: {  	[tilespmem:s11], [sflag:$0x9] =	stream.linear.gather [hbm4b:s29+s18], $0x280, $0x38;
	[tilespmem:$0x19280] =	vst v63  }
0x26: {  	_ =	swait.ge [sflag:s22], $0x280  }
0x27: {  	[sflag:s22] =	ssyncset.done $0x0  }
0x28: {  	[sflag:s22] =	ssyncadd.s32 $0xFFFFFD80  }
0x29: {  	[tilespmem:s26], [sflag:$0x1] =	stream.indirect.gather [hbm4b:s5+s25], $0x20, s11, s25, $0xb8;
	[tilespmem:$0x19280] =	vst v63  }
0x2a: {  	s11 =	rddreg [dreg:$0x10];
	_ =	swait.ge [sflag:s28], $0x1000  }
0x2b: {  	[sflag:s28] =	ssyncset.done $0x0  }
0x2c: {  	s29 =	rddreg [dreg:$0x8];
	[sflag:s28] =	ssyncadd.s32 $0xFFFFF000  }
0x2d: {  	[spmem:s29] =	stream.linear.scatter [tilespmem:s26], [sflag:$0x9], $0x1000, $0x38;
	[tilespmem:$0x19280] =	vst v63  }
0x2e: {  	_ =	swait.ge [sflag:s22], $0x1000  }
0x2f: {  	[sflag:s22] =	ssyncset.done $0x0  }
0x30: {  	[sflag:s22] =	ssyncadd.s32 $0xFFFFF000  }
0x31: {  	[spmem:s11] =	stream.linear.scatter [tilespmem:s26], [sflag:$0x9], $0x1000, $0x38;
	[tilespmem:$0x19280] =	vst v63  }
0x32: {  	_ =	swait.ge [sflag:s22], $0x1000  }
0x33: {  	[sflag:s22] =	ssyncset.done $0x0  }
0x34: {  	s15 =	simm.s32 $0xE080;
	[sflag:s22] =	ssyncadd.s32 $0xFFFFF000  }
0x35: {  	[tilespmem:s26], [sflag:$0x1] =	stream.indirect.gather [hbm4b:s5+s25], $0x20, s15, s25, $0xb8;
	[tilespmem:$0x19280] =	vst v63  }
0x36: {  	_ =	swait.ge [sflag:s28], $0x1000  }
0x37: {  	[sflag:s28] =	ssyncset.done $0x0  }
0x38: {  	s29 =	rddreg [dreg:$0x9];
	[sflag:s28] =	ssyncadd.s32 $0xFFFFF000  }
0x39: {  	[spmem:s29] =	stream.linear.scatter [tilespmem:s26], [sflag:$0x9], $0x1000, $0x38;
	[tilespmem:$0x19280] =	vst v63  }
0x3a: {  	_ =	swait.ge [sflag:s22], $0x1000  }
0x3b: {  	[sflag:s22] =	ssyncset.done $0x0;
	s19 =	rddreg [dreg:$0xf]  }
0x3c: {  	s17 =	rddreg [dreg:$0x12];
	[sflag:s22] =	ssyncadd.s32 $0xFFFFF000  }
0x3d: {  	[spmem:s31] =	stream.linear.scatter [tilespmem:s26], [sflag:$0x9], $0x1000, $0x38;
	[tilespmem:$0x19280] =	vst v63  }
0x3e: {  	s13 =	rddreg [dreg:$0x13];
	_ =	swait.ge [sflag:s22], $0x1000  }
0x3f: {  	[sflag:s22] =	ssyncset.done $0x0  }
0x40: {  	s16 =	simm.s32 $0xE100;
	[sflag:s22] =	ssyncadd.s32 $0xFFFFF000  }
0x41: {  	[tilespmem:s26], [sflag:$0x1] =	stream.indirect.gather [hbm4b:s5+s25], $0x20, s16, s25, $0xb8;
	[tilespmem:$0x19280] =	vst v63  }
0x42: {  	_ =	swait.ge [sflag:s28], $0x1000  }
0x43: {  	[sflag:s28] =	ssyncset.done $0x0  }
0x44: {  	s29 =	rddreg [dreg:$0xa];
	[sflag:s28] =	ssyncadd.s32 $0xFFFFF000  }
0x45: {  	[spmem:s29] =	stream.linear.scatter [tilespmem:s26], [sflag:$0x9], $0x1000, $0x38;
	[tilespmem:$0x19280] =	vst v63  }
0x46: {  	_ =	swait.ge [sflag:s22], $0x1000  }
0x47: {  	[sflag:s22] =	ssyncset.done $0x0  }
0x48: {  	[sflag:s22] =	ssyncadd.s32 $0xFFFFF000  }
0x49: {  	[spmem:s19] =	stream.linear.scatter [tilespmem:s26], [sflag:$0x9], $0x1000, $0x38;
	[tilespmem:$0x19280] =	vst v63  }
0x4a: {  	_ =	swait.ge [sflag:s22], $0x1000  }
0x4b: {  	[sflag:s22] =	ssyncset.done $0x0  }
0x4c: {  	s1 =	simm.s32 $0xE180;
	[sflag:s22] =	ssyncadd.s32 $0xFFFFF000  }
0x4d: {  	[tilespmem:s26], [sflag:$0x1] =	stream.indirect.gather [hbm4b:s5+s25], $0x20, s1, s25, $0xb8;
	[tilespmem:$0x19280] =	vst v63  }
0x4e: {  	_ =	swait.ge [sflag:s28], $0x1000  }
0x4f: {  	[sflag:s28] =	ssyncset.done $0x0  }
0x50: {  	s29 =	rddreg [dreg:$0xb];
	[sflag:s28] =	ssyncadd.s32 $0xFFFFF000  }
0x51: {  	[spmem:s29] =	stream.linear.scatter [tilespmem:s26], [sflag:$0x9], $0x1000, $0x38;
	[tilespmem:$0x19280] =	vst v63  }
0x52: {  	_ =	swait.ge [sflag:s22], $0x1000  }
0x53: {  	[sflag:s22] =	ssyncset.done $0x0  }
0x54: {  	[sflag:s22] =	ssyncadd.s32 $0xFFFFF000  }
0x55: {  	[spmem:s17] =	stream.linear.scatter [tilespmem:s26], [sflag:$0x9], $0x1000, $0x38;
	[tilespmem:$0x19280] =	vst v63  }
0x56: {  	_ =	swait.ge [sflag:s22], $0x1000  }
0x57: {  	[sflag:s22] =	ssyncset.done $0x0  }
0x58: {  	s24 =	simm.s32 $0xE200;
	[sflag:s22] =	ssyncadd.s32 $0xFFFFF000  }
0x59: {  	[tilespmem:s26], [sflag:$0x1] =	stream.indirect.gather [hbm4b:s5+s25], $0x20, s24, s25, $0xb8;
	[tilespmem:$0x19280] =	vst v63  }
0x5a: {  	_ =	swait.ge [sflag:s28], $0x1000  }
0x5b: {  	[sflag:s28] =	ssyncset.done $0x0  }
0x5c: {  	s29 =	rddreg [dreg:$0xc];
	[sflag:s28] =	ssyncadd.s32 $0xFFFFF000  }
0x5d: {  	[spmem:s29] =	stream.linear.scatter [tilespmem:s26], [sflag:$0x9], $0x1000, $0x38;
	[tilespmem:$0x19280] =	vst v63  }
0x5e: {  	_ =	swait.ge [sflag:s22], $0x1000  }
0x5f: {  	[sflag:s22] =	ssyncset.done $0x0  }
0x60: {  	[sflag:s22] =	ssyncadd.s32 $0xFFFFF000  }
0x61: {  	[spmem:s13] =	stream.linear.scatter [tilespmem:s26], [sflag:$0x9], $0x1000, $0x38;
	[tilespmem:$0x19280] =	vst v63  }
0x62: {  	_ =	swait.ge [sflag:s22], $0x1000  }
0x63: {  	[sflag:s22] =	ssyncset.done $0x0  }
0x64: {  	[sflag:s22] =	ssyncadd.s32 $0xFFFFF000  }
0x65: {  	[bflag:$0x0] =	sbarrier.arrive $0xFFFF  }
0x66: {  	[tilespmem:s0], [sflag:$0x1] =	stream.indirect.gather [spmem:s2], $0x20, s18, s25, $0xb8;
	[tilespmem:$0x19280] =	vst v63  }
0x67: {  	_ = 	snop  }
0x68: {  	[tilespmem:s23], [sflag:$0x2] =	stream.indirect.gather [spmem:s2], $0x20, s25, s25, $0xb8;
	[tilespmem:$0x19280] =	vst v63  }
0x69: {  	s31 =	simm.s32 $0x100  }
0x6a: {  	[tilespmem:s8], [sflag:$0x3] =	stream.indirect.gather [spmem:s2], $0x20, s31, s25, $0xb8;
	[tilespmem:$0x19280] =	vst v63  }
0x6b: {  	s13 =	simm.s32 $0x180  }
0x6c: {  	[tilespmem:s20], [sflag:$0x4] =	stream.indirect.gather [spmem:s2], $0x20, s13, s25, $0xb8;
	[tilespmem:$0x19280] =	vst v63  }
0x6d: {  	_ =	swait.ge [sflag:s28], $0x1000  }
0x6e: {  	[sflag:s28] =	ssyncset.done $0x0  }
0x6f: {  	s15 =	simm.s32 $0x5000;
	[sflag:s28] =	ssyncadd.s32 $0xFFFFF000  }
0x70: {  	[spmem:s3] =	stream.indirect.scatter.add.f32 [tilespmem:s0], [sflag:$0x5], $0x20, s15, s25, $0xb8;
	[tilespmem:$0x19280] =	vst v63  }
0x71: {  	_ =	swait.ge [sflag:s21], $0x1000  }
0x72: {  	[sflag:s21] =	ssyncset.done $0x0  }
0x73: {  	s16 =	simm.s32 $0x5080;
	[sflag:s21] =	ssyncadd.s32 $0xFFFFF000  }
0x74: {  	[spmem:s3] =	stream.indirect.scatter.add.f32 [tilespmem:s23], [sflag:$0x6], $0x20, s16, s25, $0xb8;
	[tilespmem:$0x19280] =	vst v63  }
0x75: {  	_ =	swait.ge [sflag:s7], $0x1000  }
0x76: {  	[sflag:s7] =	ssyncset.done $0x0  }
0x77: {  	s17 =	simm.s32 $0x5100;
	[sflag:s7] =	ssyncadd.s32 $0xFFFFF000  }
0x78: {  	[spmem:s3] =	stream.indirect.scatter.add.f32 [tilespmem:s8], [sflag:$0x7], $0x20, s17, s25, $0xb8;
	[tilespmem:$0x19280] =	vst v63  }
0x79: {  	_ =	swait.ge [sflag:s9], $0x1000  }
0x7a: {  	[sflag:s9] =	ssyncset.done $0x0  }
0x7b: {  	s19 =	simm.s32 $0x5180;
	[sflag:s9] =	ssyncadd.s32 $0xFFFFF000  }
0x7c: {  	[spmem:s3] =	stream.indirect.scatter.add.f32 [tilespmem:s20], [sflag:$0x8], $0x20, s19, s25, $0xb8;
	[tilespmem:$0x19280] =	vst v63  }
0x7d: {  	_ =	swait.ge [sflag:s4], $0x1000  }
0x7e: {  	[sflag:s4] =	ssyncset.done $0x0  }
0x7f: {  	s24 =	simm.s32 $0x200;
	[sflag:s4] =	ssyncadd.s32 $0xFFFFF000  }
0x80: {  	[tilespmem:s0], [sflag:$0x1] =	stream.indirect.gather [spmem:s2], $0x20, s24, s25, $0xb8;
	[tilespmem:$0x19280] =	vst v63  }
0x81: {  	_ =	swait.ge [sflag:s10], $0x1000  }
0x82: {  	[sflag:s10] =	ssyncset.done $0x0  }
0x83: {  	s30 =	simm.s32 $0x280;
	[sflag:s10] =	ssyncadd.s32 $0xFFFFF000  }
0x84: {  	[tilespmem:s23], [sflag:$0x2] =	stream.indirect.gather [spmem:s2], $0x20, s30, s25, $0xb8;
	[tilespmem:$0x19280] =	vst v63  }
0x85: {  	_ =	swait.ge [sflag:s12], $0x1000  }
0x86: {  	[sflag:s12] =	ssyncset.done $0x0  }
0x87: {  	s31 =	simm.s32 $0x300;
	[sflag:s12] =	ssyncadd.s32 $0xFFFFF000  }
0x88: {  	[tilespmem:s8], [sflag:$0x3] =	stream.indirect.gather [spmem:s2], $0x20, s31, s25, $0xb8;
	[tilespmem:$0x19280] =	vst v63  }
0x89: {  	_ =	swait.ge [sflag:s14], $0x1000  }
0x8a: {  	[sflag:s14] =	ssyncset.done $0x0  }
0x8b: {  	s29 =	simm.s32 $0x380;
	s18 =	simm.s32 $0x800;
	[sflag:s14] =	ssyncadd.s32 $0xFFFFF000  }
.LBB2_2:
0x8c: {  	[tilespmem:s20], [sflag:$0x4] =	stream.indirect.gather [spmem:s2], $0x20, s29, s25, $0xb8;
	[tilespmem:$0x19280] =	vst v63  }
0x8d: {  	s29 =	smov.u32 s18  }
0x8e: {  	p0 =	sne.s32 s18, $0x13000;
	s18 =	sadd.s32 $0x800, s18;
	_ =	swait.ge [sflag:s28], $0x1000  }
0x8f: {  	s29 =	sshra.s32 s29, $0x2;
	[sflag:s28] =	ssyncset.done $0x0  }
0x90: {  	s30 =	sadd.s32 $0x5000, s29;
	[sflag:s28] =	ssyncadd.s32 $0xFFFFF000  }
0x91: {  	[spmem:s3] =	stream.indirect.scatter.add.f32 [tilespmem:s0], [sflag:$0x5], $0x20, s30, s25, $0xb8;
	[tilespmem:$0x19280] =	vst v63  }
0x92: {  	_ =	swait.ge [sflag:s21], $0x1000  }
0x93: {  	[sflag:s21] =	ssyncset.done $0x0  }
0x94: {  	s30 =	sadd.s32 $0x5080, s29;
	[sflag:s21] =	ssyncadd.s32 $0xFFFFF000  }
0x95: {  	[spmem:s3] =	stream.indirect.scatter.add.f32 [tilespmem:s23], [sflag:$0x6], $0x20, s30, s25, $0xb8;
	[tilespmem:$0x19280] =	vst v63  }
0x96: {  	_ =	swait.ge [sflag:s7], $0x1000  }
0x97: {  	[sflag:s7] =	ssyncset.done $0x0  }
0x98: {  	s30 =	sadd.s32 $0x5100, s29;
	[sflag:s7] =	ssyncadd.s32 $0xFFFFF000  }
0x99: {  	[spmem:s3] =	stream.indirect.scatter.add.f32 [tilespmem:s8], [sflag:$0x7], $0x20, s30, s25, $0xb8;
	[tilespmem:$0x19280] =	vst v63  }
0x9a: {  	_ =	swait.ge [sflag:s9], $0x1000  }
0x9b: {  	[sflag:s9] =	ssyncset.done $0x0  }
0x9c: {  	s30 =	sadd.s32 $0x5180, s29;
	[sflag:s9] =	ssyncadd.s32 $0xFFFFF000  }
0x9d: {  	[spmem:s3] =	stream.indirect.scatter.add.f32 [tilespmem:s20], [sflag:$0x8], $0x20, s30, s25, $0xb8;
	[tilespmem:$0x19280] =	vst v63  }
0x9e: {  	_ =	swait.ge [sflag:s4], $0x1000  }
0x9f: {  	[sflag:s4] =	ssyncset.done $0x0  }
0xa0: {  	s30 =	sadd.s32 $0x200, s29;
	[sflag:s4] =	ssyncadd.s32 $0xFFFFF000  }
0xa1: {  	[tilespmem:s0], [sflag:$0x1] =	stream.indirect.gather [spmem:s2], $0x20, s30, s25, $0xb8;
	[tilespmem:$0x19280] =	vst v63  }
0xa2: {  	_ =	swait.ge [sflag:s10], $0x1000  }
0xa3: {  	[sflag:s10] =	ssyncset.done $0x0  }
0xa4: {  	s30 =	sadd.s32 $0x280, s29;
	[sflag:s10] =	ssyncadd.s32 $0xFFFFF000  }
0xa5: {  	[tilespmem:s23], [sflag:$0x2] =	stream.indirect.gather [spmem:s2], $0x20, s30, s25, $0xb8;
	[tilespmem:$0x19280] =	vst v63  }
0xa6: {  	_ =	swait.ge [sflag:s12], $0x1000  }
0xa7: {  	[sflag:s12] =	ssyncset.done $0x0  }
.Ltmp0:
0xa8: {  	s30 =	sadd.s32 $0x300, s29;
	[sflag:s12] =	ssyncadd.s32 $0xFFFFF000;
	(pc) =	sbr.rel @p0 .LBB2_2-.Ltmp0, $4  }
0xa9: {  	[tilespmem:s8], [sflag:$0x3] =	stream.indirect.gather [spmem:s2], $0x20, s30, s25, $0xb8;
	[tilespmem:$0x19280] =	vst v63  }
0xaa: {  	_ =	swait.ge [sflag:s14], $0x1000  }
0xab: {  	[sflag:s14] =	ssyncset.done $0x0  }
0xac: {  	s29 =	sadd.s32 $0x380, s29;
	[sflag:s14] =	ssyncadd.s32 $0xFFFFF000  }
0xad: {  	[tilespmem:s20], [sflag:$0x4] =	stream.indirect.gather [spmem:s2], $0x20, s29, s25, $0xb8;
	[tilespmem:$0x19280] =	vst v63  }
0xae: {  	_ =	swait.ge [sflag:s28], $0x1000  }
0xaf: {  	[sflag:s28] =	ssyncset.done $0x0  }
0xb0: {  	s1 =	simm.s32 $0x9E00;
	[sflag:s28] =	ssyncadd.s32 $0xFFFFF000  }
0xb1: {  	[spmem:s3] =	stream.indirect.scatter.add.f32 [tilespmem:s0], [sflag:$0x5], $0x20, s1, s25, $0xb8;
	[tilespmem:$0x19280] =	vst v63  }
0xb2: {  	_ =	swait.ge [sflag:s21], $0x1000  }
0xb3: {  	[sflag:s21] =	ssyncset.done $0x0  }
0xb4: {  	s24 =	simm.s32 $0x9E80;
	[sflag:s21] =	ssyncadd.s32 $0xFFFFF000  }
0xb5: {  	[spmem:s3] =	stream.indirect.scatter.add.f32 [tilespmem:s23], [sflag:$0x6], $0x20, s24, s25, $0xb8;
	[tilespmem:$0x19280] =	vst v63  }
0xb6: {  	_ =	swait.ge [sflag:s7], $0x1000  }
0xb7: {  	[sflag:s7] =	ssyncset.done $0x0  }
0xb8: {  	s30 =	simm.s32 $0x9F00;
	[sflag:s7] =	ssyncadd.s32 $0xFFFFF000  }
0xb9: {  	[spmem:s3] =	stream.indirect.scatter.add.f32 [tilespmem:s8], [sflag:$0x7], $0x20, s30, s25, $0xb8;
	[tilespmem:$0x19280] =	vst v63  }
0xba: {  	_ =	swait.ge [sflag:s9], $0x1000  }
0xbb: {  	[sflag:s9] =	ssyncset.done $0x0  }
0xbc: {  	s13 =	simm.s32 $0x9F80;
	[sflag:s9] =	ssyncadd.s32 $0xFFFFF000  }
0xbd: {  	[spmem:s3] =	stream.indirect.scatter.add.f32 [tilespmem:s20], [sflag:$0x8], $0x20, s13, s25, $0xb8;
	[tilespmem:$0x19280] =	vst v63  }
0xbe: {  	_ =	swait.ge [sflag:s4], $0x1000  }
0xbf: {  	[sflag:s4] =	ssyncset.done $0x0  }
0xc0: {  	[sflag:s4] =	ssyncadd.s32 $0xFFFFF000  }
0xc1: {  	_ =	swait.ge [sflag:s10], $0x1000  }
0xc2: {  	[sflag:s10] =	ssyncset.done $0x0  }
0xc3: {  	[sflag:s10] =	ssyncadd.s32 $0xFFFFF000  }
0xc4: {  	_ =	swait.ge [sflag:s12], $0x1000  }
0xc5: {  	[sflag:s12] =	ssyncset.done $0x0  }
0xc6: {  	[sflag:s12] =	ssyncadd.s32 $0xFFFFF000  }
0xc7: {  	_ =	swait.ge [sflag:s14], $0x1000  }
0xc8: {  	[sflag:s14] =	ssyncset.done $0x0  }
0xc9: {  	[sflag:s14] =	ssyncadd.s32 $0xFFFFF000  }
0xca: {  	[bflag:$0x0] =	sbarrier.arrive $0xFFFF  }
0xcb: {  	[tilespmem:s26], [sflag:$0x9] =	stream.linear.gather [spmem:s11], $0x1000, $0x38;
	[tilespmem:$0x19280] =	vst v63  }
0xcc: {  	_ =	swait.ge [sflag:s22], $0x1000  }
0xcd: {  	[sflag:s22] =	ssyncset.done $0x0  }
0xce: {  	s15 =	simm.s32 $0xE000;
	[sflag:s22] =	ssyncadd.s32 $0xFFFFF000  }
0xcf: {  	[hbm4b:s6+s25] =	stream.indirect.scatter [tilespmem:s26], [sflag:$0x5], $0x20, s15, s25, $0xb8;
	[tilespmem:$0x19280] =	vst v63  }
0xd0: {  	_ =	swait.ge [sflag:s4], $0x1000  }
0xd1: {  	[sflag:s4] =	ssyncset.done $0x0  }
0xd2: {  	s31 =	rddreg [dreg:$0x11];
	[sflag:s4] =	ssyncadd.s32 $0xFFFFF000  }
0xd3: {  	[tilespmem:s26], [sflag:$0x9] =	stream.linear.gather [spmem:s31], $0x1000, $0x38;
	[tilespmem:$0x19280] =	vst v63  }
0xd4: {  	_ =	swait.ge [sflag:s22], $0x1000  }
0xd5: {  	[sflag:s22] =	ssyncset.done $0x0  }
0xd6: {  	s30 =	simm.s32 $0xE080;
	[sflag:s22] =	ssyncadd.s32 $0xFFFFF000  }
0xd7: {  	[hbm4b:s6+s25] =	stream.indirect.scatter [tilespmem:s26], [sflag:$0x5], $0x20, s30, s25, $0xb8;
	[tilespmem:$0x19280] =	vst v63  }
0xd8: {  	_ =	swait.ge [sflag:s4], $0x1000  }
0xd9: {  	[sflag:s4] =	ssyncset.done $0x0  }
0xda: {  	s13 =	rddreg [dreg:$0xf];
	[sflag:s4] =	ssyncadd.s32 $0xFFFFF000  }
0xdb: {  	[tilespmem:s26], [sflag:$0x9] =	stream.linear.gather [spmem:s13], $0x1000, $0x38;
	[tilespmem:$0x19280] =	vst v63  }
0xdc: {  	_ =	swait.ge [sflag:s22], $0x1000  }
0xdd: {  	[sflag:s22] =	ssyncset.done $0x0  }
0xde: {  	s17 =	simm.s32 $0xE100;
	[sflag:s22] =	ssyncadd.s32 $0xFFFFF000  }
0xdf: {  	[hbm4b:s6+s25] =	stream.indirect.scatter [tilespmem:s26], [sflag:$0x5], $0x20, s17, s25, $0xb8;
	[tilespmem:$0x19280] =	vst v63  }
0xe0: {  	_ =	swait.ge [sflag:s4], $0x1000  }
0xe1: {  	[sflag:s4] =	ssyncset.done $0x0  }
0xe2: {  	s19 =	rddreg [dreg:$0x12];
	[sflag:s4] =	ssyncadd.s32 $0xFFFFF000  }
0xe3: {  	[tilespmem:s26], [sflag:$0x9] =	stream.linear.gather [spmem:s19], $0x1000, $0x38;
	[tilespmem:$0x19280] =	vst v63  }
0xe4: {  	_ =	swait.ge [sflag:s22], $0x1000  }
0xe5: {  	[sflag:s22] =	ssyncset.done $0x0  }
0xe6: {  	s1 =	simm.s32 $0xE180;
	[sflag:s22] =	ssyncadd.s32 $0xFFFFF000  }
0xe7: {  	[hbm4b:s6+s25] =	stream.indirect.scatter [tilespmem:s26], [sflag:$0x5], $0x20, s1, s25, $0xb8;
	[tilespmem:$0x19280] =	vst v63  }
0xe8: {  	_ =	swait.ge [sflag:s4], $0x1000  }
0xe9: {  	[sflag:s4] =	ssyncset.done $0x0  }
0xea: {  	s16 =	rddreg [dreg:$0x13];
	[sflag:s4] =	ssyncadd.s32 $0xFFFFF000  }
0xeb: {  	[tilespmem:s26], [sflag:$0x9] =	stream.linear.gather [spmem:s16], $0x1000, $0x38;
	[tilespmem:$0x19280] =	vst v63  }
0xec: {  	_ =	swait.ge [sflag:s22], $0x1000  }
0xed: {  	[sflag:s22] =	ssyncset.done $0x0  }
0xee: {  	s24 =	simm.s32 $0xE200;
	[sflag:s22] =	ssyncadd.s32 $0xFFFFF000  }
0xef: {  	[hbm4b:s6+s25] =	stream.indirect.scatter [tilespmem:s26], [sflag:$0x5], $0x20, s24, s25, $0xb8;
	[tilespmem:$0x19280] =	vst v63  }
0xf0: {  	_ =	swait.ge [sflag:s4], $0x1000  }
0xf1: {  	[sflag:s4] =	ssyncset.done $0x0  }
0xf2: {  	s18 =	simm.s32 $0x0;
	s29 =	rddreg [dreg:$0xd];
	[sflag:s4] =	ssyncadd.s32 $0xFFFFF000  }
0xf3: {  	[tilespmem:s15], [sflag:$0x9] =	stream.linear.gather [hbm4b:s29+s18], $0x280, $0x38;
	[tilespmem:$0x19280] =	vst v63  }
0xf4: {  	_ =	swait.ge [sflag:s22], $0x280  }
0xf5: {  	[sflag:s22] =	ssyncset.done $0x0  }
0xf6: {  	[sflag:s22] =	ssyncadd.s32 $0xFFFFFD80  }
0xf7: {  	[tilespmem:s26], [sflag:$0x1] =	stream.indirect.gather [hbm4b:s5+s25], $0x20, s15, s25, $0xb8;
	[tilespmem:$0x19280] =	vst v63  }
0xf8: {  	s11 =	rddreg [dreg:$0x10];
	_ =	swait.ge [sflag:s28], $0x1000  }
0xf9: {  	[sflag:s28] =	ssyncset.done $0x0  }
0xfa: {  	s29 =	rddreg [dreg:$0x8];
	[sflag:s28] =	ssyncadd.s32 $0xFFFFF000  }
0xfb: {  	[spmem:s29] =	stream.linear.scatter [tilespmem:s26], [sflag:$0x9], $0x1000, $0x38;
	[tilespmem:$0x19280] =	vst v63  }
0xfc: {  	_ =	swait.ge [sflag:s22], $0x1000  }
0xfd: {  	[sflag:s22] =	ssyncset.done $0x0  }
0xfe: {  	[sflag:s22] =	ssyncadd.s32 $0xFFFFF000  }
0xff: {  	[spmem:s11] =	stream.linear.scatter [tilespmem:s26], [sflag:$0x9], $0x1000, $0x38;
	[tilespmem:$0x19280] =	vst v63  }
0x100: {  	_ =	swait.ge [sflag:s22], $0x1000  }
0x101: {  	[sflag:s22] =	ssyncset.done $0x0  }
0x102: {  	[sflag:s22] =	ssyncadd.s32 $0xFFFFF000  }
0x103: {  	[tilespmem:s26], [sflag:$0x1] =	stream.indirect.gather [hbm4b:s5+s25], $0x20, s30, s25, $0xb8;
	[tilespmem:$0x19280] =	vst v63  }
0x104: {  	_ =	swait.ge [sflag:s28], $0x1000  }
0x105: {  	[sflag:s28] =	ssyncset.done $0x0  }
0x106: {  	s29 =	rddreg [dreg:$0x9];
	[sflag:s28] =	ssyncadd.s32 $0xFFFFF000  }
0x107: {  	[spmem:s29] =	stream.linear.scatter [tilespmem:s26], [sflag:$0x9], $0x1000, $0x38;
	[tilespmem:$0x19280] =	vst v63  }
0x108: {  	_ =	swait.ge [sflag:s22], $0x1000  }
0x109: {  	[sflag:s22] =	ssyncset.done $0x0  }
0x10a: {  	[sflag:s22] =	ssyncadd.s32 $0xFFFFF000  }
0x10b: {  	[spmem:s31] =	stream.linear.scatter [tilespmem:s26], [sflag:$0x9], $0x1000, $0x38;
	[tilespmem:$0x19280] =	vst v63  }
0x10c: {  	_ =	swait.ge [sflag:s22], $0x1000  }
0x10d: {  	[sflag:s22] =	ssyncset.done $0x0  }
0x10e: {  	[sflag:s22] =	ssyncadd.s32 $0xFFFFF000  }
0x10f: {  	[tilespmem:s26], [sflag:$0x1] =	stream.indirect.gather [hbm4b:s5+s25], $0x20, s17, s25, $0xb8;
	[tilespmem:$0x19280] =	vst v63  }
0x110: {  	_ =	swait.ge [sflag:s28], $0x1000  }
0x111: {  	[sflag:s28] =	ssyncset.done $0x0  }
0x112: {  	s29 =	rddreg [dreg:$0xa];
	[sflag:s28] =	ssyncadd.s32 $0xFFFFF000  }
0x113: {  	[spmem:s29] =	stream.linear.scatter [tilespmem:s26], [sflag:$0x9], $0x1000, $0x38;
	[tilespmem:$0x19280] =	vst v63  }
0x114: {  	_ =	swait.ge [sflag:s22], $0x1000  }
0x115: {  	[sflag:s22] =	ssyncset.done $0x0  }
0x116: {  	[sflag:s22] =	ssyncadd.s32 $0xFFFFF000  }
0x117: {  	[spmem:s13] =	stream.linear.scatter [tilespmem:s26], [sflag:$0x9], $0x1000, $0x38;
	[tilespmem:$0x19280] =	vst v63  }
0x118: {  	_ =	swait.ge [sflag:s22], $0x1000  }
0x119: {  	[sflag:s22] =	ssyncset.done $0x0  }
0x11a: {  	[sflag:s22] =	ssyncadd.s32 $0xFFFFF000  }
0x11b: {  	[tilespmem:s26], [sflag:$0x1] =	stream.indirect.gather [hbm4b:s5+s25], $0x20, s1, s25, $0xb8;
	[tilespmem:$0x19280] =	vst v63  }
0x11c: {  	_ =	swait.ge [sflag:s28], $0x1000  }
0x11d: {  	[sflag:s28] =	ssyncset.done $0x0  }
0x11e: {  	s29 =	rddreg [dreg:$0xb];
	[sflag:s28] =	ssyncadd.s32 $0xFFFFF000  }
0x11f: {  	[spmem:s29] =	stream.linear.scatter [tilespmem:s26], [sflag:$0x9], $0x1000, $0x38;
	[tilespmem:$0x19280] =	vst v63  }
0x120: {  	_ =	swait.ge [sflag:s22], $0x1000  }
0x121: {  	[sflag:s22] =	ssyncset.done $0x0  }
0x122: {  	[sflag:s22] =	ssyncadd.s32 $0xFFFFF000  }
0x123: {  	[spmem:s19] =	stream.linear.scatter [tilespmem:s26], [sflag:$0x9], $0x1000, $0x38;
	[tilespmem:$0x19280] =	vst v63  }
0x124: {  	_ =	swait.ge [sflag:s22], $0x1000  }
0x125: {  	[sflag:s22] =	ssyncset.done $0x0  }
0x126: {  	[sflag:s22] =	ssyncadd.s32 $0xFFFFF000  }
0x127: {  	[tilespmem:s26], [sflag:$0x1] =	stream.indirect.gather [hbm4b:s5+s25], $0x20, s24, s25, $0xb8;
	[tilespmem:$0x19280] =	vst v63  }
0x128: {  	_ =	swait.ge [sflag:s28], $0x1000  }
0x129: {  	[sflag:s28] =	ssyncset.done $0x0  }
0x12a: {  	s29 =	rddreg [dreg:$0xc];
	[sflag:s28] =	ssyncadd.s32 $0xFFFFF000  }
0x12b: {  	[spmem:s29] =	stream.linear.scatter [tilespmem:s26], [sflag:$0x9], $0x1000, $0x38;
	[tilespmem:$0x19280] =	vst v63  }
0x12c: {  	_ =	swait.ge [sflag:s22], $0x1000  }
0x12d: {  	[sflag:s22] =	ssyncset.done $0x0  }
0x12e: {  	[sflag:s22] =	ssyncadd.s32 $0xFFFFF000  }
0x12f: {  	[spmem:s16] =	stream.linear.scatter [tilespmem:s26], [sflag:$0x9], $0x1000, $0x38;
	[tilespmem:$0x19280] =	vst v63  }
0x130: {  	_ =	swait.ge [sflag:s22], $0x1000  }
0x131: {  	[sflag:s22] =	ssyncset.done $0x0  }
0x132: {  	[sflag:s22] =	ssyncadd.s32 $0xFFFFF000  }
0x133: {  	[bflag:$0x0] =	sbarrier.arrive $0xFFFF  }
0x134: {  	[tilespmem:s0], [sflag:$0x1] =	stream.indirect.gather [spmem:s2], $0x20, s18, s25, $0xb8;
	[tilespmem:$0x19280] =	vst v63  }
0x135: {  	_ = 	snop  }
0x136: {  	[tilespmem:s23], [sflag:$0x2] =	stream.indirect.gather [spmem:s2], $0x20, s25, s25, $0xb8;
	[tilespmem:$0x19280] =	vst v63  }
0x137: {  	s24 =	simm.s32 $0x100  }
0x138: {  	[tilespmem:s8], [sflag:$0x3] =	stream.indirect.gather [spmem:s2], $0x20, s24, s25, $0xb8;
	[tilespmem:$0x19280] =	vst v63  }
0x139: {  	s30 =	simm.s32 $0x180  }
0x13a: {  	[tilespmem:s20], [sflag:$0x4] =	stream.indirect.gather [spmem:s2], $0x20, s30, s25, $0xb8;
	[tilespmem:$0x19280] =	vst v63  }
0x13b: {  	_ =	swait.ge [sflag:s28], $0x1000  }
0x13c: {  	[sflag:s28] =	ssyncset.done $0x0  }
0x13d: {  	s1 =	simm.s32 $0x5000;
	[sflag:s28] =	ssyncadd.s32 $0xFFFFF000  }
0x13e: {  	[spmem:s3] =	stream.indirect.scatter.add.f32 [tilespmem:s0], [sflag:$0x5], $0x20, s1, s25, $0xb8;
	[tilespmem:$0x19280] =	vst v63  }
0x13f: {  	_ =	swait.ge [sflag:s21], $0x1000  }
0x140: {  	[sflag:s21] =	ssyncset.done $0x0  }
0x141: {  	s13 =	simm.s32 $0x5080;
	[sflag:s21] =	ssyncadd.s32 $0xFFFFF000  }
0x142: {  	[spmem:s3] =	stream.indirect.scatter.add.f32 [tilespmem:s23], [sflag:$0x6], $0x20, s13, s25, $0xb8;
	[tilespmem:$0x19280] =	vst v63  }
0x143: {  	_ =	swait.ge [sflag:s7], $0x1000  }
0x144: {  	[sflag:s7] =	ssyncset.done $0x0  }
0x145: {  	s16 =	simm.s32 $0x5100;
	[sflag:s7] =	ssyncadd.s32 $0xFFFFF000  }
0x146: {  	[spmem:s3] =	stream.indirect.scatter.add.f32 [tilespmem:s8], [sflag:$0x7], $0x20, s16, s25, $0xb8;
	[tilespmem:$0x19280] =	vst v63  }
0x147: {  	_ =	swait.ge [sflag:s9], $0x1000  }
0x148: {  	[sflag:s9] =	ssyncset.done $0x0  }
0x149: {  	s17 =	simm.s32 $0x5180;
	[sflag:s9] =	ssyncadd.s32 $0xFFFFF000  }
0x14a: {  	[spmem:s3] =	stream.indirect.scatter.add.f32 [tilespmem:s20], [sflag:$0x8], $0x20, s17, s25, $0xb8;
	[tilespmem:$0x19280] =	vst v63  }
0x14b: {  	_ =	swait.ge [sflag:s4], $0x1000  }
0x14c: {  	[sflag:s4] =	ssyncset.done $0x0  }
0x14d: {  	s19 =	simm.s32 $0x200;
	[sflag:s4] =	ssyncadd.s32 $0xFFFFF000  }
0x14e: {  	[tilespmem:s0], [sflag:$0x1] =	stream.indirect.gather [spmem:s2], $0x20, s19, s25, $0xb8;
	[tilespmem:$0x19280] =	vst v63  }
0x14f: {  	_ =	swait.ge [sflag:s10], $0x1000  }
0x150: {  	[sflag:s10] =	ssyncset.done $0x0  }
0x151: {  	s24 =	simm.s32 $0x280;
	[sflag:s10] =	ssyncadd.s32 $0xFFFFF000  }
0x152: {  	[tilespmem:s23], [sflag:$0x2] =	stream.indirect.gather [spmem:s2], $0x20, s24, s25, $0xb8;
	[tilespmem:$0x19280] =	vst v63  }
0x153: {  	_ =	swait.ge [sflag:s12], $0x1000  }
0x154: {  	[sflag:s12] =	ssyncset.done $0x0  }
0x155: {  	s30 =	simm.s32 $0x300;
	[sflag:s12] =	ssyncadd.s32 $0xFFFFF000  }
0x156: {  	[tilespmem:s8], [sflag:$0x3] =	stream.indirect.gather [spmem:s2], $0x20, s30, s25, $0xb8;
	[tilespmem:$0x19280] =	vst v63  }
0x157: {  	_ =	swait.ge [sflag:s14], $0x1000  }
0x158: {  	s15 =	simm.s32 $0xE100;
	[sflag:s14] =	ssyncset.done $0x0  }
0x159: {  	s29 =	simm.s32 $0x380;
	s18 =	simm.s32 $0x800;
	[sflag:s14] =	ssyncadd.s32 $0xFFFFF000  }
.LBB2_4:
0x15a: {  	[tilespmem:s20], [sflag:$0x4] =	stream.indirect.gather [spmem:s2], $0x20, s29, s25, $0xb8;
	[tilespmem:$0x19280] =	vst v63  }
0x15b: {  	s29 =	smov.u32 s18  }
0x15c: {  	p0 =	sne.s32 s18, $0x13000;
	s18 =	sadd.s32 $0x800, s18;
	_ =	swait.ge [sflag:s28], $0x1000  }
0x15d: {  	s29 =	sshra.s32 s29, $0x2;
	[sflag:s28] =	ssyncset.done $0x0  }
0x15e: {  	s30 =	sadd.s32 $0x5000, s29;
	[sflag:s28] =	ssyncadd.s32 $0xFFFFF000  }
0x15f: {  	[spmem:s3] =	stream.indirect.scatter.add.f32 [tilespmem:s0], [sflag:$0x5], $0x20, s30, s25, $0xb8;
	[tilespmem:$0x19280] =	vst v63  }
0x160: {  	_ =	swait.ge [sflag:s21], $0x1000  }
0x161: {  	[sflag:s21] =	ssyncset.done $0x0  }
0x162: {  	s30 =	sadd.s32 $0x5080, s29;
	[sflag:s21] =	ssyncadd.s32 $0xFFFFF000  }
0x163: {  	[spmem:s3] =	stream.indirect.scatter.add.f32 [tilespmem:s23], [sflag:$0x6], $0x20, s30, s25, $0xb8;
	[tilespmem:$0x19280] =	vst v63  }
0x164: {  	_ =	swait.ge [sflag:s7], $0x1000  }
0x165: {  	[sflag:s7] =	ssyncset.done $0x0  }
0x166: {  	s30 =	sadd.s32 $0x5100, s29;
	[sflag:s7] =	ssyncadd.s32 $0xFFFFF000  }
0x167: {  	[spmem:s3] =	stream.indirect.scatter.add.f32 [tilespmem:s8], [sflag:$0x7], $0x20, s30, s25, $0xb8;
	[tilespmem:$0x19280] =	vst v63  }
0x168: {  	_ =	swait.ge [sflag:s9], $0x1000  }
0x169: {  	[sflag:s9] =	ssyncset.done $0x0  }
0x16a: {  	s30 =	sadd.s32 $0x5180, s29;
	[sflag:s9] =	ssyncadd.s32 $0xFFFFF000  }
0x16b: {  	[spmem:s3] =	stream.indirect.scatter.add.f32 [tilespmem:s20], [sflag:$0x8], $0x20, s30, s25, $0xb8;
	[tilespmem:$0x19280] =	vst v63  }
0x16c: {  	_ =	swait.ge [sflag:s4], $0x1000  }
0x16d: {  	[sflag:s4] =	ssyncset.done $0x0  }
0x16e: {  	s30 =	sadd.s32 $0x200, s29;
	[sflag:s4] =	ssyncadd.s32 $0xFFFFF000  }
0x16f: {  	[tilespmem:s0], [sflag:$0x1] =	stream.indirect.gather [spmem:s2], $0x20, s30, s25, $0xb8;
	[tilespmem:$0x19280] =	vst v63  }
0x170: {  	_ =	swait.ge [sflag:s10], $0x1000  }
0x171: {  	[sflag:s10] =	ssyncset.done $0x0  }
0x172: {  	s30 =	sadd.s32 $0x280, s29;
	[sflag:s10] =	ssyncadd.s32 $0xFFFFF000  }
0x173: {  	[tilespmem:s23], [sflag:$0x2] =	stream.indirect.gather [spmem:s2], $0x20, s30, s25, $0xb8;
	[tilespmem:$0x19280] =	vst v63  }
0x174: {  	_ =	swait.ge [sflag:s12], $0x1000  }
0x175: {  	[sflag:s12] =	ssyncset.done $0x0  }
.Ltmp1:
0x176: {  	s30 =	sadd.s32 $0x300, s29;
	[sflag:s12] =	ssyncadd.s32 $0xFFFFF000;
	(pc) =	sbr.rel @p0 .LBB2_4-.Ltmp1, $4  }
0x177: {  	[tilespmem:s8], [sflag:$0x3] =	stream.indirect.gather [spmem:s2], $0x20, s30, s25, $0xb8;
	[tilespmem:$0x19280] =	vst v63  }
0x178: {  	_ =	swait.ge [sflag:s14], $0x1000  }
0x179: {  	[sflag:s14] =	ssyncset.done $0x0  }
0x17a: {  	s29 =	sadd.s32 $0x380, s29;
	[sflag:s14] =	ssyncadd.s32 $0xFFFFF000  }
0x17b: {  	[tilespmem:s20], [sflag:$0x4] =	stream.indirect.gather [spmem:s2], $0x20, s29, s25, $0xb8;
	[tilespmem:$0x19280] =	vst v63  }
0x17c: {  	_ =	swait.ge [sflag:s28], $0x1000  }
0x17d: {  	[sflag:s28] =	ssyncset.done $0x0  }
0x17e: {  	s1 =	simm.s32 $0x9E00;
	[sflag:s28] =	ssyncadd.s32 $0xFFFFF000  }
0x17f: {  	[spmem:s3] =	stream.indirect.scatter.add.f32 [tilespmem:s0], [sflag:$0x5], $0x20, s1, s25, $0xb8;
	[tilespmem:$0x19280] =	vst v63  }
0x180: {  	_ =	swait.ge [sflag:s21], $0x1000  }
0x181: {  	[sflag:s21] =	ssyncset.done $0x0  }
0x182: {  	s24 =	simm.s32 $0x9E80;
	[sflag:s21] =	ssyncadd.s32 $0xFFFFF000  }
0x183: {  	[spmem:s3] =	stream.indirect.scatter.add.f32 [tilespmem:s23], [sflag:$0x6], $0x20, s24, s25, $0xb8;
	[tilespmem:$0x19280] =	vst v63  }
0x184: {  	_ =	swait.ge [sflag:s7], $0x1000  }
0x185: {  	[sflag:s7] =	ssyncset.done $0x0  }
0x186: {  	s29 =	simm.s32 $0x9F00;
	[sflag:s7] =	ssyncadd.s32 $0xFFFFF000  }
0x187: {  	[spmem:s3] =	stream.indirect.scatter.add.f32 [tilespmem:s8], [sflag:$0x7], $0x20, s29, s25, $0xb8;
	[tilespmem:$0x19280] =	vst v63  }
0x188: {  	_ =	swait.ge [sflag:s9], $0x1000  }
0x189: {  	[sflag:s9] =	ssyncset.done $0x0  }
0x18a: {  	s30 =	simm.s32 $0x9F80;
	[sflag:s9] =	ssyncadd.s32 $0xFFFFF000  }
0x18b: {  	[spmem:s3] =	stream.indirect.scatter.add.f32 [tilespmem:s20], [sflag:$0x8], $0x20, s30, s25, $0xb8;
	[tilespmem:$0x19280] =	vst v63  }
0x18c: {  	_ =	swait.ge [sflag:s4], $0x1000  }
0x18d: {  	[sflag:s4] =	ssyncset.done $0x0  }
0x18e: {  	[sflag:s4] =	ssyncadd.s32 $0xFFFFF000  }
0x18f: {  	_ =	swait.ge [sflag:s10], $0x1000  }
0x190: {  	[sflag:s10] =	ssyncset.done $0x0  }
0x191: {  	[sflag:s10] =	ssyncadd.s32 $0xFFFFF000  }
0x192: {  	_ =	swait.ge [sflag:s12], $0x1000  }
0x193: {  	[sflag:s12] =	ssyncset.done $0x0  }
0x194: {  	[sflag:s12] =	ssyncadd.s32 $0xFFFFF000  }
0x195: {  	_ =	swait.ge [sflag:s14], $0x1000  }
0x196: {  	[sflag:s14] =	ssyncset.done $0x0  }
0x197: {  	[sflag:s14] =	ssyncadd.s32 $0xFFFFF000  }
0x198: {  	[bflag:$0x0] =	sbarrier.arrive $0xFFFF  }
0x199: {  	[tilespmem:s26], [sflag:$0x9] =	stream.linear.gather [spmem:s11], $0x1000, $0x38;
	[tilespmem:$0x19280] =	vst v63  }
0x19a: {  	_ =	swait.ge [sflag:s22], $0x1000  }
0x19b: {  	[sflag:s22] =	ssyncset.done $0x0  }
0x19c: {  	s13 =	simm.s32 $0xE000;
	[sflag:s22] =	ssyncadd.s32 $0xFFFFF000  }
0x19d: {  	[hbm4b:s6+s25] =	stream.indirect.scatter [tilespmem:s26], [sflag:$0x5], $0x20, s13, s25, $0xb8;
	[tilespmem:$0x19280] =	vst v63  }
0x19e: {  	_ =	swait.ge [sflag:s4], $0x1000  }
0x19f: {  	[sflag:s4] =	ssyncset.done $0x0  }
0x1a0: {  	[sflag:s4] =	ssyncadd.s32 $0xFFFFF000  }
0x1a1: {  	[tilespmem:s26], [sflag:$0x9] =	stream.linear.gather [spmem:s31], $0x1000, $0x38;
	[tilespmem:$0x19280] =	vst v63  }
0x1a2: {  	_ =	swait.ge [sflag:s22], $0x1000  }
0x1a3: {  	[sflag:s22] =	ssyncset.done $0x0  }
0x1a4: {  	s18 =	simm.s32 $0xE080;
	[sflag:s22] =	ssyncadd.s32 $0xFFFFF000  }
0x1a5: {  	[hbm4b:s6+s25] =	stream.indirect.scatter [tilespmem:s26], [sflag:$0x5], $0x20, s18, s25, $0xb8;
	[tilespmem:$0x19280] =	vst v63  }
0x1a6: {  	_ =	swait.ge [sflag:s4], $0x1000  }
0x1a7: {  	[sflag:s4] =	ssyncset.done $0x0  }
0x1a8: {  	s16 =	rddreg [dreg:$0xf];
	[sflag:s4] =	ssyncadd.s32 $0xFFFFF000  }
0x1a9: {  	[tilespmem:s26], [sflag:$0x9] =	stream.linear.gather [spmem:s16], $0x1000, $0x38;
	[tilespmem:$0x19280] =	vst v63  }
0x1aa: {  	_ =	swait.ge [sflag:s22], $0x1000  }
0x1ab: {  	[sflag:s22] =	ssyncset.done $0x0  }
0x1ac: {  	[sflag:s22] =	ssyncadd.s32 $0xFFFFF000  }
0x1ad: {  	[hbm4b:s6+s25] =	stream.indirect.scatter [tilespmem:s26], [sflag:$0x5], $0x20, s15, s25, $0xb8;
	[tilespmem:$0x19280] =	vst v63  }
0x1ae: {  	_ =	swait.ge [sflag:s4], $0x1000  }
0x1af: {  	[sflag:s4] =	ssyncset.done $0x0  }
0x1b0: {  	s17 =	rddreg [dreg:$0x12];
	[sflag:s4] =	ssyncadd.s32 $0xFFFFF000  }
0x1b1: {  	[tilespmem:s26], [sflag:$0x9] =	stream.linear.gather [spmem:s17], $0x1000, $0x38;
	[tilespmem:$0x19280] =	vst v63  }
0x1b2: {  	_ =	swait.ge [sflag:s22], $0x1000  }
0x1b3: {  	[sflag:s22] =	ssyncset.done $0x0  }
0x1b4: {  	s18 =	simm.s32 $0xE180;
	[sflag:s22] =	ssyncadd.s32 $0xFFFFF000  }
0x1b5: {  	[hbm4b:s6+s25] =	stream.indirect.scatter [tilespmem:s26], [sflag:$0x5], $0x20, s18, s25, $0xb8;
	[tilespmem:$0x19280] =	vst v63  }
0x1b6: {  	_ =	swait.ge [sflag:s4], $0x1000  }
0x1b7: {  	[sflag:s4] =	ssyncset.done $0x0  }
0x1b8: {  	s19 =	rddreg [dreg:$0x13];
	[sflag:s4] =	ssyncadd.s32 $0xFFFFF000  }
0x1b9: {  	[tilespmem:s26], [sflag:$0x9] =	stream.linear.gather [spmem:s19], $0x1000, $0x38;
	[tilespmem:$0x19280] =	vst v63  }
0x1ba: {  	_ =	swait.ge [sflag:s22], $0x1000  }
0x1bb: {  	[sflag:s22] =	ssyncset.done $0x0  }
0x1bc: {  	s24 =	simm.s32 $0xE200;
	[sflag:s22] =	ssyncadd.s32 $0xFFFFF000  }
0x1bd: {  	[hbm4b:s6+s25] =	stream.indirect.scatter [tilespmem:s26], [sflag:$0x5], $0x20, s24, s25, $0xb8;
	[tilespmem:$0x19280] =	vst v63  }
0x1be: {  	_ =	swait.ge [sflag:s4], $0x1000  }
0x1bf: {  	s29 =	rddreg [dreg:$0x14]  }
0x1c0: {  	s30 =	rddreg [dreg:$0xe];
	s1 =	sadd.s32 $0x1, s29  }
0x1c1: {  	p0 =	sne.s32 s1, s30  }
.Ltmp2:
0x1c2: {  	_ = 	snop;
	(pc) =	sbr.rel @p0 .LBB2_1-.Ltmp2, $3  }
0x1c3: {  	_ =	sdelay $0x1  }
0x1c4: {  	[sflag:s4] =	ssyncset.done $0x0  }
0x1c5: {  	[sflag:s4] =	ssyncadd.s32 $0xFFFFF000  }
0x1c6: {  	_ =	sfence.sel $0x180000  }
0x1c7: {  	[bflag:$0x0] =	sbarrier.arrive $0xFFFF  }
0x1c8: {  	_ =	strace $0x9000004A  }
0x1c9: {  	s0 =	stileid.u32;
	[bflag:$0x2] =	sbarrier.arrive $0xFFFF  }
0x1ca: {  	p0 =	sne.s32 s0, $0x0;
	s0 =	rddreg [dreg:$0x4]  }
0x1cb: {  	s0 =	sadd.s32 @!p0 $0x100000, s0  }
0x1cc: {  	[sflag:s0] =	ssyncadd.tile.s32 @!p0 $0x1;
	_ =	shalt  }
.Lfunc_end2:
_tile_overlayer_lowered:
.L_overlay_start_2:
0x1cd: {  	(tag) =	ssettag $0x2  }
0x1ce: {  	s0 =	rddreg [dreg:$0x0];
	s2 =	stileid.u32  }
0x1cf: {  	s1 =	rddreg [dreg:$0x1];
	p0 =	sne.s32 s2, $0x0  }
0x1d0: {  	s3 =	rddreg [dreg:$0x2];
	[bflag:$0x3] =	sbarrier.arrive $0xFFFF;
	s2 =	simm.s32 @!p0 $0x1C09  }
0x1d1: {  	[timem:s3], [sflag:s2] =	dma.local @!p0 [hbm:s0], s1  }
0x1d2: {  	s0 =	simm.s32 @!p0 $0x9  }
0x1d3: {  	_ =	swait.ge @!p0 [sflag:s0], s1  }
0x1d4: {  	s1 =	ssub.s32 @!p0 $0x0, s1;
	[sflag:s0] =	ssyncset.done @!p0 $0x0  }
0x1d5: {  	[sflag:s0] =	ssyncadd.s32 @!p0 s1  }
0x1d6: {  	[bflag:$0x3] =	sbarrier.arrive $0xFFFF  }
0x1d7: {  	_ =	shalt  }

// kernel: kernel.16.cloned.1.call-start
scs
__scs_entry_jumppad:
0x0: {  	(pc) =	sbr.rel $0x88, $3  }
0x1: {  	(tag) =	ssettag $0x0;
	lr =	simm.s32 $0x1  }
0x2: {  	[smem:$0x3F93] =	sst lr;
	_ =	strace $0xD0000000  }
0x3: {  	_ = 	snop  }
0x4: {  	_ = 	snop  }
0x5: {  	_ = 	snop  }
0x6: {  	_ = 	snop  }
0x7: {  	_ = 	snop  }
__scs_overlays_trampoline_lowered:
0x8: {  	[smem:$0x3FA2] =	sst s0  }
0x9: {  	[smem:$0x3FA3] =	sst s1  }
0xa: {  	[smem:$0x3FA4] =	sst s2  }
0xb: {  	[smem:$0x3FA5] =	sst s3  }
0xc: {  	[smem:$0x3FA6] =	sst s4  }
0xd: {  	[smem:$0x3FA7] =	sst s5  }
0xe: {  	[smem:$0x3FA8] =	sst s6  }
0xf: {  	[smem:$0x3FA9] =	sst s7  }
0x10: {  	[smem:$0x3FAA] =	sst s8  }
0x11: {  	[smem:$0x3FAB] =	sst s9;
	s0 =	simm.s32 @!p0 $0x0  }
0x12: {  	s1 =	sld [smem:$0x3F91];
	s0 =	simm.s32 @p0 $0x1  }
0x13: {  	[smem:$0x3FAC] =	sst s0;
	s0 =	simm.s32 @!p1 $0x0  }
0x14: {  	s2 =	sld [smem:$0x3F90];
	s0 =	simm.s32 @p1 $0x1  }
0x15: {  	[smem:$0x3FAD] =	sst s0;
	s0 =	simm.s32 @!p2 $0x0  }
0x16: {  	s3 =	sld [smem:$0x3FDB];
	s0 =	simm.s32 @p2 $0x1  }
0x17: {  	s4 =	simm.s32 $0x1BF5;
	[smem:$0x3FAF] =	sst s0  }
0x18: {  	s0 =	sld [smem:$0x3F92];
	_ =	swait.ge [sflag:s4], $0x0  }
0x19: {  	s7 =	sld [smem:$0x3F93]  }
0x1a: {  	s8 =	sadd.s32 $0xFFFFE003, lr  }
0x1b: {  	s9 =	sadd.s32 $0xFFFFFEF7, lr;
	s5 =	simm.s32 $0xFFFFFFFF;
	p2 =	slt.u32 s8, $0xFFFFF086  }
0x1c: {  	p1 =	slt.u32 s9, $0xF7A;
	s5 =	simm.s32 @!p2 $0x0  }
0x1d: {  	s5 =	simm.s32 @p1 $0x1;
	p0 =	seq.s32 s7, s2  }
0x1e: {  	s7 =	smul.u32 @!p0 $0xF7A, s2;
	p2 =	seq.s32 @!p0 s5, $0x0  }
0x1f: {  	s9 =	smul.u32 $0xF7A, s1;
	s8 =	simm.s32 @!p0 $0x1BF5;
	p2 =	por !p2, p0  }
0x20: {  	[sflag:s8] =	ssyncset.s32 @!p0 $0xFFFFF086;
	s6 =	sadd.s32 @!p0 s3, s7;
	s7 =	simm.s32 @!p0 $0x108  }
0x21: {  	s3 =	sadd.s32 s3, s9;
	s6 =	sadd.s32 @!p0 $0x88, s6;
	s7 =	simm.s32 @p2 $0x1082  }
0x22: {  	[simem:s7], [sflag:s8] =	dma.local @!p0 [hbm:s6], $0xF7A  }
0x23: {  	s9 =	sor.u32 $0xD0000000, s2;
	s6 =	simm.s32 $0x108;
	_ =	swait.ge @!p0 [sflag:s8], $0x0  }
0x24: {  	s3 =	sadd.s32 $0x88, s3;
	s6 =	simm.s32 @!p1 $0x1082;
	[sflag:s4] =	ssyncset.s32 $0xFFFFF086  }
0x25: {  	[simem:s6], [sflag:s4] =	dma.local [hbm:s3], $0xF7A  }
0x26: {  	[smem:$0x3F93] =	sst s1;
	(tag) =	ssettag s2;
	_ =	strace s9  }
0x27: {  	s1 =	sld [smem:$0x3FA3]  }
0x28: {  	s2 =	sld [smem:$0x3FA4]  }
0x29: {  	s4 =	sld [smem:$0x3FA6]  }
0x2a: {  	p0 =	seq.s32 s5, $0x0;
	s5 =	sld [smem:$0x3FA7]  }
0x2b: {  	s6 =	sld [smem:$0x3FA8]  }
0x2c: {  	s7 =	sld [smem:$0x3FA9]  }
0x2d: {  	s3 =	simm.s32 $0x108;
	s8 =	sld [smem:$0x3FAA]  }
0x2e: {  	s3 =	simm.s32 @!p0 $0x1082;
	s9 =	sld [smem:$0x3FAB]  }
0x2f: {  	lr =	sadd.s32 s0, s3;
	s0 =	sld [smem:$0x3FA2]  }
0x30: {  	s3 =	sld [smem:$0x3FA5]  }
0x31: {  	[smem:$0x3FAE] =	sst s10  }
0x32: {  	s10 =	sld [smem:$0x3FAC];
	_ =	sdelay $0x3  }
0x33: {  	p0 =	seq.s32 s10, $0x1;
	s10 =	sld [smem:$0x3FAE];
	_ =	sdelay $0x3  }
0x34: {  	[smem:$0x3FAE] =	sst s10  }
0x35: {  	s10 =	sld [smem:$0x3FAD];
	_ =	sdelay $0x3  }
0x36: {  	p1 =	seq.s32 s10, $0x1;
	s10 =	sld [smem:$0x3FAE];
	_ =	sdelay $0x3  }
0x37: {  	[smem:$0x3FAE] =	sst s10  }
0x38: {  	s10 =	sld [smem:$0x3FAF]  }
0x39: {  	_ = 	snop;
	(pc) =	sbr.ind lr, $3  }
0x3a: {  	_ = 	snop  }
0x3b: {  	_ = 	snop  }
0x3c: {  	p2 =	seq.s32 s10, $0x1;
	s10 =	sld [smem:$0x3FAE]  }
0x3d: {  	_ =	shalt  }
0x3e: {  	_ =	shalt  }
0x3f: {  	_ =	shalt  }
0x40: {  	_ =	shalt  }
0x41: {  	_ =	shalt  }
0x42: {  	_ =	shalt  }
0x43: {  	_ =	shalt  }
0x44: {  	_ =	shalt  }
0x45: {  	_ =	shalt  }
0x46: {  	_ =	shalt  }
0x47: {  	_ =	shalt  }
0x48: {  	_ =	shalt  }
0x49: {  	_ =	shalt  }
0x4a: {  	_ =	shalt  }
0x4b: {  	_ =	shalt  }
0x4c: {  	_ =	shalt  }
0x4d: {  	_ =	shalt  }
0x4e: {  	_ =	shalt  }
0x4f: {  	_ =	shalt  }
0x50: {  	_ =	shalt  }
0x51: {  	_ =	shalt  }
0x52: {  	_ =	shalt  }
0x53: {  	_ =	shalt  }
0x54: {  	_ =	shalt  }
0x55: {  	_ =	shalt  }
0x56: {  	_ =	shalt  }
0x57: {  	_ =	shalt  }
0x58: {  	_ =	shalt  }
0x59: {  	_ =	shalt  }
0x5a: {  	_ =	shalt  }
0x5b: {  	_ =	shalt  }
0x5c: {  	_ =	shalt  }
0x5d: {  	_ =	shalt  }
0x5e: {  	_ =	shalt  }
0x5f: {  	_ =	shalt  }
0x60: {  	_ =	shalt  }
0x61: {  	_ =	shalt  }
0x62: {  	_ =	shalt  }
0x63: {  	_ =	shalt  }
0x64: {  	_ =	shalt  }
0x65: {  	_ =	shalt  }
0x66: {  	_ =	shalt  }
0x67: {  	_ =	shalt  }
0x68: {  	_ =	shalt  }
0x69: {  	_ =	shalt  }
0x6a: {  	_ =	shalt  }
0x6b: {  	_ =	shalt  }
0x6c: {  	_ =	shalt  }
0x6d: {  	_ =	shalt  }
0x6e: {  	_ =	shalt  }
0x6f: {  	_ =	shalt  }
0x70: {  	_ =	shalt  }
0x71: {  	_ =	shalt  }
0x72: {  	_ =	shalt  }
0x73: {  	_ =	shalt  }
0x74: {  	_ =	shalt  }
0x75: {  	_ =	shalt  }
0x76: {  	_ =	shalt  }
0x77: {  	_ =	shalt  }
0x78: {  	_ =	shalt  }
0x79: {  	_ =	shalt  }
0x7a: {  	_ =	shalt  }
0x7b: {  	_ =	shalt  }
0x7c: {  	_ =	shalt  }
0x7d: {  	_ =	shalt  }
0x7e: {  	_ =	shalt  }
0x7f: {  	_ =	shalt  }
0x80: {  	_ =	shalt  }
0x81: {  	_ =	shalt  }
0x82: {  	_ =	shalt  }
0x83: {  	_ =	shalt  }
0x84: {  	_ =	shalt  }
0x85: {  	_ =	shalt  }
0x86: {  	_ =	shalt  }
0x87: {  	_ =	shalt  }
.Lfunc_end0:
.L_simem_size_0:
called_computation.2_lowered:
.L_overlay_start_0:
0x88: {  	s2 =	sld [smem:$0x3FD9]  }
0x89: {  	s3 =	sld [smem:$0x3FFE];
	_ =	sdelay $0x1  }
0x8a: {  	s1 =	srdreg.scid  }
0x8b: {  	s0 =	sand.u32 $0x1, s1  }
0x8c: {  	s17 =	sshll.u32 s0, $0xA;
	s2 =	sadd.s32 s3, s2  }
0x8d: {  	s2 =	sadd.s32 s2, s17  }
0x8e: {  	[smem:$0x3FBA] =	sst s2  }
0x8f: {  	_ = 	snop  }
0x90: {  	s2 =	sld [smem:$0x3FD0];
	(tm) =	ssettm $0x1  }
0x91: {  	s18 =	sld [smem:$0x3FFB];
	_ =	sdelay $0x3  }
0x92: {  	_ =	strace s18  }
0x93: {  	s3 =	sld [smem:$0x3FFC];
	_ =	sdelay $0x3  }
0x94: {  	_ =	strace s3  }
0x95: {  	s3 =	sld [smem:$0x3FFD];
	_ =	sdelay $0x3  }
0x96: {  	_ =	strace s3  }
0x97: {  	_ =	strace $0x8FFFFFFF  }
0x98: {  	s19 =	sld [smem:$0x3FDB];
	_ =	sdelay $0x1  }
0x99: {  	s4 =	simm.s32 $_scs_section_size  }
0x9a: {  	s5 =	simm.s32 $_size__tile_overlayer_lowered;
	s6 =	simm.s32 $_tile_overlayer_lowered  }
0x9b: {  	s22 =	simm.s32 $0x1BFF;
	s21 =	sshll.u32 s6, $0x1;
	s3 =	sadd.s32 s4, s19  }
0x9c: {  	s7 =	simm.s32 $0x0;
	s20 =	sshll.u32 s5, $0x1;
	s5 =	sadd.s32 s21, s3  }
0x9d: {  	[timem:s7], [sflag:s22] =	dma.local [hbm:s5], s20  }
0x9e: {  	_ =	swait.ge [sflag:s22], s20  }
0x9f: {  	s4 =	ssub.s32 $0x0, s20;
	[sflag:s22] =	ssyncset.done $0x0  }
0xa0: {  	[sflag:s22] =	ssyncadd.s32 s4;
	_ =	sdelay $0x1  }
0xa1: {  	s23 =	simm.s32 $0x1B8B  }
0xa2: {  	_ =	swait.ge [sflag:s23], $0x1  }
0xa3: {  	[sflag:s23] =	ssyncset.done $0x0  }
0xa4: {  	s25 =	simm.s32 $0x1B8E;
	s24 =	sld [smem:$0x3FFE];
	[sflag:s23] =	ssyncadd.s32 $0xFFFFFFFF  }
0xa5: {  	s26 =	simm.s32 $execute0_lowered;
	[smem:$0x3FD2] =	sst s25  }
0xa6: {  	s5 =	sshll.u32 s26, $0x1;
	_ =	strace $0x8000004C;
	[dreg:$0x1] =	wrdreg $0xFFFFFFFF  }
0xa7: {  	s28 =	simm.s32 $_size_execute0_lowered;
	s3 =	sadd.s32 s3, s5;
	[dreg:$0x0] =	wrdreg $0x0  }
0xa8: {  	s5 =	sshll.u32 s28, $0x1;
	[dreg:$0x2] =	wrdreg s3  }
0xa9: {  	[dreg:$0x3] =	wrdreg s5  }
0xaa: {  	[dreg:$0x4] =	wrdreg $0xC0  }
0xab: {  	_ =	task [dreg:s7], $0x5FFFF  }
0xac: {  	[dreg:$0x1] =	wrdreg $0xFFFFFFFF  }
0xad: {  	[dreg:$0x0] =	wrdreg $0x60  }
0xae: {  	[dreg:$0x2] =	wrdreg s24  }
0xaf: {  	[dreg:$0x3] =	wrdreg s2  }
0xb0: {  	[dreg:$0x4] =	wrdreg $0xF2800  }
0xb1: {  	[dreg:$0x5] =	wrdreg $0x142800  }
0xb2: {  	[dreg:$0x6] =	wrdreg $0x9  }
0xb3: {  	_ =	task.clear_ibuf [dreg:s7], $0x7FFFF;
	_ =	strace $0x9000004C  }
0xb4: {  	s29 =	simm.s32 $0x9;
	_ =	strace $0x8000004E  }
0xb5: {  	_ =	swait.ge [sflag:s29], $0x1  }
0xb6: {  	[sflag:s29] =	ssyncadd.s32 $0xFFFFFFFF  }
0xb7: {  	_ =	strace $0x9000004E  }
0xb8: {  	_ =	sfence  }
0xb9: {  	s30 =	sld [smem:$0x0];
	_ =	sdelay $0x2  }
0xba: {  	s31 =	sshll.u32 s1, $0xD;
	s1 =	sshrl.u32 s1, $0x2  }
0xbb: {  	s3 =	sand.u32 $0x4000, s31;
	s1 =	sadd.s32 s1, s30  }
0xbc: {  	s0 =	sor.u32 s3, s0;
	s1 =	sshll.u32 s1, $0x11  }
0xbd: {  	s0 =	sor.u32 s1, s0  }
0xbe: {  	s0 =	sadd.s32 $0x8F2B, s0  }
0xbf: {  	[sflag:s0] =	ssyncadd.remote.s32 $0x1  }
0xc0: {  	_ =	sfence.sel $0xFFFF  }
0xc1: {  	[dreg:$0x0] =	wrdreg $0xFFFFFFFF;
	(pc) =	sbr.abs _section_cstart, $3  }
0xc2: {  	[dreg:$0x1] =	wrdreg $0xFFFFFFFF  }
0xc3: {  	_ =	task.clear_ibuf [dreg:s7], $0x2FFFF;
	_ =	strace $0x9FFFFFFF  }
0xc4: {  	(tm) =	ssettm $0x7FFFFFFF  }
0xc5: {  	_ =	shalt  }
tec
execute0_lowered:
.L_overlay_start_1:
0x0: {  	(tag) =	ssettag $0x1  }
0x1: {  	s0 =	rddreg [dreg:$0x0]  }
0x2: {  	s1 =	rddreg [dreg:$0x1]  }
0x3: {  	s10 =	stileid.u32;
	s3 =	srdreg.scid  }
0x4: {  	s2 =	rddreg [dreg:$0x2];
	s7 =	simm.s32 $0x0;
	s5 =	smul.u32 $0x280, s10  }
0x5: {  	s28 =	simm.s32 $0x1;
	s12 =	simm.s32 $0x7;
	s14 =	smul.u32 $0xA00, s10  }
0x6: {  	s4 =	sand.u32 $0x1, s3;
	s3 =	rddreg [dreg:$0x3];
	s10 =	smul.u32 $0x5000, s10  }
0x7: {  	[smem:$0x7FF] =	sst s7;
	s7 =	simm.s32 $0x3;
	s6 =	smul.u32 $0x5000, s4  }
0x8: {  	_ =	strace $0x8000004D;
	s4 =	ssub.s32 $0x2, s4;
	s8 =	sadd.s32 s14, s0  }
0x9: {  	s15 =	sshrl.u32 s4, $0x1;
	s1 =	sadd.s32 s1, s14;
	s18 =	sadd.s32 s10, s2  }
0xa: {  	s19 =	sadd.s32 $0x1000, s10;
	s11 =	sadd.s32 s10, s3;
	s21 =	sadd.s32 $0x2000, s10  }
0xb: {  	s23 =	sadd.s32 $0x3000, s10;
	s25 =	sadd.s32 $0x4000, s10;
	[dreg:$0x6] =	wrdreg s1  }
0xc: {  	s10 =	simm.s32 $0x6;
	s14 =	simm.s32 $0x8;
	[dreg:$0x8] =	wrdreg s18  }
0xd: {  	s6 =	sadd.s32 s5, s6;
	s16 =	sadd.s32 $0x11600, s8;
	[dreg:$0x10] =	wrdreg s11  }
0xe: {  	s5 =	sadd.s32 $0x6B600, s0;
	s20 =	sadd.s32 s19, s2;
	[dreg:$0x5] =	wrdreg s16  }
0xf: {  	s31 =	sadd.s32 s19, s3;
	s22 =	sadd.s32 s21, s2;
	[dreg:$0x9] =	wrdreg s20  }
0x10: {  	s24 =	sadd.s32 s23, s2;
	s1 =	sadd.s32 s23, s3;
	[dreg:$0xa] =	wrdreg s22  }
0x11: {  	s26 =	sadd.s32 s25, s2;
	s29 =	sadd.s32 s25, s3;
	[dreg:$0xb] =	wrdreg s24  }
0x12: {  	s25 =	simm.s32 $0x80;
	s23 =	simm.s32 $0xB000;
	[dreg:$0x12] =	wrdreg s1  }
0x13: {  	s8 =	simm.s32 $0xC000;
	s6 =	sshrl.u32 s6, $0x3;
	[dreg:$0xc] =	wrdreg s26  }
0x14: {  	[dreg:$0x13] =	wrdreg s29;
	s22 =	simm.s32 $0x9;
	s26 =	simm.s32 $0xE280  }
0x15: {  	s20 =	simm.s32 $0xD000;
	[dreg:$0x11] =	wrdreg s31;
	s9 =	sadd.s32 s6, s0  }
0x16: {  	s6 =	sadd.s32 $0xBB600, s0;
	s0 =	ssub.s32 s4, s15;
	s4 =	sadd.s32 s21, s3  }
0x17: {  	s1 =	simm.s32 $0x0;
	s17 =	sadd.s32 $0x10200, s9;
	[dreg:$0xf] =	wrdreg s4  }
0x18: {  	s21 =	simm.s32 $0x2;
	s30 =	sadd.s32 $0x10700, s9;
	[dreg:$0x7] =	wrdreg s17  }
0x19: {  	s0 =	smax.u32 s0, $0x1;
	s9 =	simm.s32 $0x4;
	[dreg:$0xd] =	wrdreg s30  }
0x1a: {  	s4 =	simm.s32 $0x5;
	[dreg:$0xe] =	wrdreg s0;
	s0 =	simm.s32 $0xA000  }
.LBB2_1:
0x1b: {  	[dreg:$0x14] =	wrdreg s1  }
0x1c: {  	s18 =	simm.s32 $0x0;
	s29 =	rddreg [dreg:$0x5]  }
0x1d: {  	[tilespmem:s18], [sflag:$0x9] =	stream.linear.gather [hbm4b:s29+s18], $0x5000, $0x38;
	[tilespmem:$0x19280] =	vst v63  }
0x1e: {  	_ =	swait.ge [sflag:s22], $0x5000  }
0x1f: {  	[sflag:s22] =	ssyncset.done $0x0  }
0x20: {  	s30 =	simm.s32 $0x5000;
	s29 =	rddreg [dreg:$0x6];
	[sflag:s22] =	ssyncadd.s32 $0xFFFFB000  }
0x21: {  	[tilespmem:s30], [sflag:$0x9] =	stream.linear.gather [hbm4b:s29+s18], $0x5000, $0x38;
	[tilespmem:$0x19280] =	vst v63  }
0x22: {  	_ =	swait.ge [sflag:s22], $0x5000  }
0x23: {  	[sflag:s22] =	ssyncset.done $0x0  }
0x24: {  	s11 =	simm.s32 $0xE000;
	s29 =	rddreg [dreg:$0x7];
	[sflag:s22] =	ssyncadd.s32 $0xFFFFB000  }
0x25: {  	[tilespmem:s11], [sflag:$0x9] =	stream.linear.gather [hbm4b:s29+s18], $0x280, $0x38;
	[tilespmem:$0x19280] =	vst v63  }
0x26: {  	_ =	swait.ge [sflag:s22], $0x280  }
0x27: {  	[sflag:s22] =	ssyncset.done $0x0  }
0x28: {  	[sflag:s22] =	ssyncadd.s32 $0xFFFFFD80  }
0x29: {  	[tilespmem:s26], [sflag:$0x1] =	stream.indirect.gather [hbm4b:s5+s25], $0x20, s11, s25, $0xb8;
	[tilespmem:$0x19280] =	vst v63  }
0x2a: {  	s11 =	rddreg [dreg:$0x10];
	_ =	swait.ge [sflag:s28], $0x1000  }
0x2b: {  	[sflag:s28] =	ssyncset.done $0x0  }
0x2c: {  	s29 =	rddreg [dreg:$0x8];
	[sflag:s28] =	ssyncadd.s32 $0xFFFFF000  }
0x2d: {  	[spmem:s29] =	stream.linear.scatter [tilespmem:s26], [sflag:$0x9], $0x1000, $0x38;
	[tilespmem:$0x19280] =	vst v63  }
0x2e: {  	_ =	swait.ge [sflag:s22], $0x1000  }
0x2f: {  	[sflag:s22] =	ssyncset.done $0x0  }
0x30: {  	[sflag:s22] =	ssyncadd.s32 $0xFFFFF000  }
0x31: {  	[spmem:s11] =	stream.linear.scatter [tilespmem:s26], [sflag:$0x9], $0x1000, $0x38;
	[tilespmem:$0x19280] =	vst v63  }
0x32: {  	_ =	swait.ge [sflag:s22], $0x1000  }
0x33: {  	[sflag:s22] =	ssyncset.done $0x0  }
0x34: {  	s15 =	simm.s32 $0xE080;
	[sflag:s22] =	ssyncadd.s32 $0xFFFFF000  }
0x35: {  	[tilespmem:s26], [sflag:$0x1] =	stream.indirect.gather [hbm4b:s5+s25], $0x20, s15, s25, $0xb8;
	[tilespmem:$0x19280] =	vst v63  }
0x36: {  	_ =	swait.ge [sflag:s28], $0x1000  }
0x37: {  	[sflag:s28] =	ssyncset.done $0x0  }
0x38: {  	s29 =	rddreg [dreg:$0x9];
	[sflag:s28] =	ssyncadd.s32 $0xFFFFF000  }
0x39: {  	[spmem:s29] =	stream.linear.scatter [tilespmem:s26], [sflag:$0x9], $0x1000, $0x38;
	[tilespmem:$0x19280] =	vst v63  }
0x3a: {  	_ =	swait.ge [sflag:s22], $0x1000  }
0x3b: {  	[sflag:s22] =	ssyncset.done $0x0;
	s19 =	rddreg [dreg:$0xf]  }
0x3c: {  	s17 =	rddreg [dreg:$0x12];
	[sflag:s22] =	ssyncadd.s32 $0xFFFFF000  }
0x3d: {  	[spmem:s31] =	stream.linear.scatter [tilespmem:s26], [sflag:$0x9], $0x1000, $0x38;
	[tilespmem:$0x19280] =	vst v63  }
0x3e: {  	s13 =	rddreg [dreg:$0x13];
	_ =	swait.ge [sflag:s22], $0x1000  }
0x3f: {  	[sflag:s22] =	ssyncset.done $0x0  }
0x40: {  	s16 =	simm.s32 $0xE100;
	[sflag:s22] =	ssyncadd.s32 $0xFFFFF000  }
0x41: {  	[tilespmem:s26], [sflag:$0x1] =	stream.indirect.gather [hbm4b:s5+s25], $0x20, s16, s25, $0xb8;
	[tilespmem:$0x19280] =	vst v63  }
0x42: {  	_ =	swait.ge [sflag:s28], $0x1000  }
0x43: {  	[sflag:s28] =	ssyncset.done $0x0  }
0x44: {  	s29 =	rddreg [dreg:$0xa];
	[sflag:s28] =	ssyncadd.s32 $0xFFFFF000  }
0x45: {  	[spmem:s29] =	stream.linear.scatter [tilespmem:s26], [sflag:$0x9], $0x1000, $0x38;
	[tilespmem:$0x19280] =	vst v63  }
0x46: {  	_ =	swait.ge [sflag:s22], $0x1000  }
0x47: {  	[sflag:s22] =	ssyncset.done $0x0  }
0x48: {  	[sflag:s22] =	ssyncadd.s32 $0xFFFFF000  }
0x49: {  	[spmem:s19] =	stream.linear.scatter [tilespmem:s26], [sflag:$0x9], $0x1000, $0x38;
	[tilespmem:$0x19280] =	vst v63  }
0x4a: {  	_ =	swait.ge [sflag:s22], $0x1000  }
0x4b: {  	[sflag:s22] =	ssyncset.done $0x0  }
0x4c: {  	s1 =	simm.s32 $0xE180;
	[sflag:s22] =	ssyncadd.s32 $0xFFFFF000  }
0x4d: {  	[tilespmem:s26], [sflag:$0x1] =	stream.indirect.gather [hbm4b:s5+s25], $0x20, s1, s25, $0xb8;
	[tilespmem:$0x19280] =	vst v63  }
0x4e: {  	_ =	swait.ge [sflag:s28], $0x1000  }
0x4f: {  	[sflag:s28] =	ssyncset.done $0x0  }
0x50: {  	s29 =	rddreg [dreg:$0xb];
	[sflag:s28] =	ssyncadd.s32 $0xFFFFF000  }
0x51: {  	[spmem:s29] =	stream.linear.scatter [tilespmem:s26], [sflag:$0x9], $0x1000, $0x38;
	[tilespmem:$0x19280] =	vst v63  }
0x52: {  	_ =	swait.ge [sflag:s22], $0x1000  }
0x53: {  	[sflag:s22] =	ssyncset.done $0x0  }
0x54: {  	[sflag:s22] =	ssyncadd.s32 $0xFFFFF000  }
0x55: {  	[spmem:s17] =	stream.linear.scatter [tilespmem:s26], [sflag:$0x9], $0x1000, $0x38;
	[tilespmem:$0x19280] =	vst v63  }
0x56: {  	_ =	swait.ge [sflag:s22], $0x1000  }
0x57: {  	[sflag:s22] =	ssyncset.done $0x0  }
0x58: {  	s24 =	simm.s32 $0xE200;
	[sflag:s22] =	ssyncadd.s32 $0xFFFFF000  }
0x59: {  	[tilespmem:s26], [sflag:$0x1] =	stream.indirect.gather [hbm4b:s5+s25], $0x20, s24, s25, $0xb8;
	[tilespmem:$0x19280] =	vst v63  }
0x5a: {  	_ =	swait.ge [sflag:s28], $0x1000  }
0x5b: {  	[sflag:s28] =	ssyncset.done $0x0  }
0x5c: {  	s29 =	rddreg [dreg:$0xc];
	[sflag:s28] =	ssyncadd.s32 $0xFFFFF000  }
0x5d: {  	[spmem:s29] =	stream.linear.scatter [tilespmem:s26], [sflag:$0x9], $0x1000, $0x38;
	[tilespmem:$0x19280] =	vst v63  }
0x5e: {  	_ =	swait.ge [sflag:s22], $0x1000  }
0x5f: {  	[sflag:s22] =	ssyncset.done $0x0  }
0x60: {  	[sflag:s22] =	ssyncadd.s32 $0xFFFFF000  }
0x61: {  	[spmem:s13] =	stream.linear.scatter [tilespmem:s26], [sflag:$0x9], $0x1000, $0x38;
	[tilespmem:$0x19280] =	vst v63  }
0x62: {  	_ =	swait.ge [sflag:s22], $0x1000  }
0x63: {  	[sflag:s22] =	ssyncset.done $0x0  }
0x64: {  	[sflag:s22] =	ssyncadd.s32 $0xFFFFF000  }
0x65: {  	[bflag:$0x0] =	sbarrier.arrive $0xFFFF  }
0x66: {  	[tilespmem:s0], [sflag:$0x1] =	stream.indirect.gather [spmem:s2], $0x20, s18, s25, $0xb8;
	[tilespmem:$0x19280] =	vst v63  }
0x67: {  	_ = 	snop  }
0x68: {  	[tilespmem:s23], [sflag:$0x2] =	stream.indirect.gather [spmem:s2], $0x20, s25, s25, $0xb8;
	[tilespmem:$0x19280] =	vst v63  }
0x69: {  	s31 =	simm.s32 $0x100  }
0x6a: {  	[tilespmem:s8], [sflag:$0x3] =	stream.indirect.gather [spmem:s2], $0x20, s31, s25, $0xb8;
	[tilespmem:$0x19280] =	vst v63  }
0x6b: {  	s13 =	simm.s32 $0x180  }
0x6c: {  	[tilespmem:s20], [sflag:$0x4] =	stream.indirect.gather [spmem:s2], $0x20, s13, s25, $0xb8;
	[tilespmem:$0x19280] =	vst v63  }
0x6d: {  	_ =	swait.ge [sflag:s28], $0x1000  }
0x6e: {  	[sflag:s28] =	ssyncset.done $0x0  }
0x6f: {  	s15 =	simm.s32 $0x5000;
	[sflag:s28] =	ssyncadd.s32 $0xFFFFF000  }
0x70: {  	[spmem:s3] =	stream.indirect.scatter.add.f32 [tilespmem:s0], [sflag:$0x5], $0x20, s15, s25, $0xb8;
	[tilespmem:$0x19280] =	vst v63  }
0x71: {  	_ =	swait.ge [sflag:s21], $0x1000  }
0x72: {  	[sflag:s21] =	ssyncset.done $0x0  }
0x73: {  	s16 =	simm.s32 $0x5080;
	[sflag:s21] =	ssyncadd.s32 $0xFFFFF000  }
0x74: {  	[spmem:s3] =	stream.indirect.scatter.add.f32 [tilespmem:s23], [sflag:$0x6], $0x20, s16, s25, $0xb8;
	[tilespmem:$0x19280] =	vst v63  }
0x75: {  	_ =	swait.ge [sflag:s7], $0x1000  }
0x76: {  	[sflag:s7] =	ssyncset.done $0x0  }
0x77: {  	s17 =	simm.s32 $0x5100;
	[sflag:s7] =	ssyncadd.s32 $0xFFFFF000  }
0x78: {  	[spmem:s3] =	stream.indirect.scatter.add.f32 [tilespmem:s8], [sflag:$0x7], $0x20, s17, s25, $0xb8;
	[tilespmem:$0x19280] =	vst v63  }
0x79: {  	_ =	swait.ge [sflag:s9], $0x1000  }
0x7a: {  	[sflag:s9] =	ssyncset.done $0x0  }
0x7b: {  	s19 =	simm.s32 $0x5180;
	[sflag:s9] =	ssyncadd.s32 $0xFFFFF000  }
0x7c: {  	[spmem:s3] =	stream.indirect.scatter.add.f32 [tilespmem:s20], [sflag:$0x8], $0x20, s19, s25, $0xb8;
	[tilespmem:$0x19280] =	vst v63  }
0x7d: {  	_ =	swait.ge [sflag:s4], $0x1000  }
0x7e: {  	[sflag:s4] =	ssyncset.done $0x0  }
0x7f: {  	s24 =	simm.s32 $0x200;
	[sflag:s4] =	ssyncadd.s32 $0xFFFFF000  }
0x80: {  	[tilespmem:s0], [sflag:$0x1] =	stream.indirect.gather [spmem:s2], $0x20, s24, s25, $0xb8;
	[tilespmem:$0x19280] =	vst v63  }
0x81: {  	_ =	swait.ge [sflag:s10], $0x1000  }
0x82: {  	[sflag:s10] =	ssyncset.done $0x0  }
0x83: {  	s30 =	simm.s32 $0x280;
	[sflag:s10] =	ssyncadd.s32 $0xFFFFF000  }
0x84: {  	[tilespmem:s23], [sflag:$0x2] =	stream.indirect.gather [spmem:s2], $0x20, s30, s25, $0xb8;
	[tilespmem:$0x19280] =	vst v63  }
0x85: {  	_ =	swait.ge [sflag:s12], $0x1000  }
0x86: {  	[sflag:s12] =	ssyncset.done $0x0  }
0x87: {  	s31 =	simm.s32 $0x300;
	[sflag:s12] =	ssyncadd.s32 $0xFFFFF000  }
0x88: {  	[tilespmem:s8], [sflag:$0x3] =	stream.indirect.gather [spmem:s2], $0x20, s31, s25, $0xb8;
	[tilespmem:$0x19280] =	vst v63  }
0x89: {  	_ =	swait.ge [sflag:s14], $0x1000  }
0x8a: {  	[sflag:s14] =	ssyncset.done $0x0  }
0x8b: {  	s29 =	simm.s32 $0x380;
	s18 =	simm.s32 $0x800;
	[sflag:s14] =	ssyncadd.s32 $0xFFFFF000  }
.LBB2_2:
0x8c: {  	[tilespmem:s20], [sflag:$0x4] =	stream.indirect.gather [spmem:s2], $0x20, s29, s25, $0xb8;
	[tilespmem:$0x19280] =	vst v63  }
0x8d: {  	s29 =	smov.u32 s18  }
0x8e: {  	p0 =	sne.s32 s18, $0x13000;
	s18 =	sadd.s32 $0x800, s18;
	_ =	swait.ge [sflag:s28], $0x1000  }
0x8f: {  	s29 =	sshra.s32 s29, $0x2;
	[sflag:s28] =	ssyncset.done $0x0  }
0x90: {  	s30 =	sadd.s32 $0x5000, s29;
	[sflag:s28] =	ssyncadd.s32 $0xFFFFF000  }
0x91: {  	[spmem:s3] =	stream.indirect.scatter.add.f32 [tilespmem:s0], [sflag:$0x5], $0x20, s30, s25, $0xb8;
	[tilespmem:$0x19280] =	vst v63  }
0x92: {  	_ =	swait.ge [sflag:s21], $0x1000  }
0x93: {  	[sflag:s21] =	ssyncset.done $0x0  }
0x94: {  	s30 =	sadd.s32 $0x5080, s29;
	[sflag:s21] =	ssyncadd.s32 $0xFFFFF000  }
0x95: {  	[spmem:s3] =	stream.indirect.scatter.add.f32 [tilespmem:s23], [sflag:$0x6], $0x20, s30, s25, $0xb8;
	[tilespmem:$0x19280] =	vst v63  }
0x96: {  	_ =	swait.ge [sflag:s7], $0x1000  }
0x97: {  	[sflag:s7] =	ssyncset.done $0x0  }
0x98: {  	s30 =	sadd.s32 $0x5100, s29;
	[sflag:s7] =	ssyncadd.s32 $0xFFFFF000  }
0x99: {  	[spmem:s3] =	stream.indirect.scatter.add.f32 [tilespmem:s8], [sflag:$0x7], $0x20, s30, s25, $0xb8;
	[tilespmem:$0x19280] =	vst v63  }
0x9a: {  	_ =	swait.ge [sflag:s9], $0x1000  }
0x9b: {  	[sflag:s9] =	ssyncset.done $0x0  }
0x9c: {  	s30 =	sadd.s32 $0x5180, s29;
	[sflag:s9] =	ssyncadd.s32 $0xFFFFF000  }
0x9d: {  	[spmem:s3] =	stream.indirect.scatter.add.f32 [tilespmem:s20], [sflag:$0x8], $0x20, s30, s25, $0xb8;
	[tilespmem:$0x19280] =	vst v63  }
0x9e: {  	_ =	swait.ge [sflag:s4], $0x1000  }
0x9f: {  	[sflag:s4] =	ssyncset.done $0x0  }
0xa0: {  	s30 =	sadd.s32 $0x200, s29;
	[sflag:s4] =	ssyncadd.s32 $0xFFFFF000  }
0xa1: {  	[tilespmem:s0], [sflag:$0x1] =	stream.indirect.gather [spmem:s2], $0x20, s30, s25, $0xb8;
	[tilespmem:$0x19280] =	vst v63  }
0xa2: {  	_ =	swait.ge [sflag:s10], $0x1000  }
0xa3: {  	[sflag:s10] =	ssyncset.done $0x0  }
0xa4: {  	s30 =	sadd.s32 $0x280, s29;
	[sflag:s10] =	ssyncadd.s32 $0xFFFFF000  }
0xa5: {  	[tilespmem:s23], [sflag:$0x2] =	stream.indirect.gather [spmem:s2], $0x20, s30, s25, $0xb8;
	[tilespmem:$0x19280] =	vst v63  }
0xa6: {  	_ =	swait.ge [sflag:s12], $0x1000  }
0xa7: {  	[sflag:s12] =	ssyncset.done $0x0  }
.Ltmp0:
0xa8: {  	s30 =	sadd.s32 $0x300, s29;
	[sflag:s12] =	ssyncadd.s32 $0xFFFFF000;
	(pc) =	sbr.rel @p0 .LBB2_2-.Ltmp0, $4  }
0xa9: {  	[tilespmem:s8], [sflag:$0x3] =	stream.indirect.gather [spmem:s2], $0x20, s30, s25, $0xb8;
	[tilespmem:$0x19280] =	vst v63  }
0xaa: {  	_ =	swait.ge [sflag:s14], $0x1000  }
0xab: {  	[sflag:s14] =	ssyncset.done $0x0  }
0xac: {  	s29 =	sadd.s32 $0x380, s29;
	[sflag:s14] =	ssyncadd.s32 $0xFFFFF000  }
0xad: {  	[tilespmem:s20], [sflag:$0x4] =	stream.indirect.gather [spmem:s2], $0x20, s29, s25, $0xb8;
	[tilespmem:$0x19280] =	vst v63  }
0xae: {  	_ =	swait.ge [sflag:s28], $0x1000  }
0xaf: {  	[sflag:s28] =	ssyncset.done $0x0  }
0xb0: {  	s1 =	simm.s32 $0x9E00;
	[sflag:s28] =	ssyncadd.s32 $0xFFFFF000  }
0xb1: {  	[spmem:s3] =	stream.indirect.scatter.add.f32 [tilespmem:s0], [sflag:$0x5], $0x20, s1, s25, $0xb8;
	[tilespmem:$0x19280] =	vst v63  }
0xb2: {  	_ =	swait.ge [sflag:s21], $0x1000  }
0xb3: {  	[sflag:s21] =	ssyncset.done $0x0  }
0xb4: {  	s24 =	simm.s32 $0x9E80;
	[sflag:s21] =	ssyncadd.s32 $0xFFFFF000  }
0xb5: {  	[spmem:s3] =	stream.indirect.scatter.add.f32 [tilespmem:s23], [sflag:$0x6], $0x20, s24, s25, $0xb8;
	[tilespmem:$0x19280] =	vst v63  }
0xb6: {  	_ =	swait.ge [sflag:s7], $0x1000  }
0xb7: {  	[sflag:s7] =	ssyncset.done $0x0  }
0xb8: {  	s30 =	simm.s32 $0x9F00;
	[sflag:s7] =	ssyncadd.s32 $0xFFFFF000  }
0xb9: {  	[spmem:s3] =	stream.indirect.scatter.add.f32 [tilespmem:s8], [sflag:$0x7], $0x20, s30, s25, $0xb8;
	[tilespmem:$0x19280] =	vst v63  }
0xba: {  	_ =	swait.ge [sflag:s9], $0x1000  }
0xbb: {  	[sflag:s9] =	ssyncset.done $0x0  }
0xbc: {  	s13 =	simm.s32 $0x9F80;
	[sflag:s9] =	ssyncadd.s32 $0xFFFFF000  }
0xbd: {  	[spmem:s3] =	stream.indirect.scatter.add.f32 [tilespmem:s20], [sflag:$0x8], $0x20, s13, s25, $0xb8;
	[tilespmem:$0x19280] =	vst v63  }
0xbe: {  	_ =	swait.ge [sflag:s4], $0x1000  }
0xbf: {  	[sflag:s4] =	ssyncset.done $0x0  }
0xc0: {  	[sflag:s4] =	ssyncadd.s32 $0xFFFFF000  }
0xc1: {  	_ =	swait.ge [sflag:s10], $0x1000  }
0xc2: {  	[sflag:s10] =	ssyncset.done $0x0  }
0xc3: {  	[sflag:s10] =	ssyncadd.s32 $0xFFFFF000  }
0xc4: {  	_ =	swait.ge [sflag:s12], $0x1000  }
0xc5: {  	[sflag:s12] =	ssyncset.done $0x0  }
0xc6: {  	[sflag:s12] =	ssyncadd.s32 $0xFFFFF000  }
0xc7: {  	_ =	swait.ge [sflag:s14], $0x1000  }
0xc8: {  	[sflag:s14] =	ssyncset.done $0x0  }
0xc9: {  	[sflag:s14] =	ssyncadd.s32 $0xFFFFF000  }
0xca: {  	[bflag:$0x0] =	sbarrier.arrive $0xFFFF  }
0xcb: {  	[tilespmem:s26], [sflag:$0x9] =	stream.linear.gather [spmem:s11], $0x1000, $0x38;
	[tilespmem:$0x19280] =	vst v63  }
0xcc: {  	_ =	swait.ge [sflag:s22], $0x1000  }
0xcd: {  	[sflag:s22] =	ssyncset.done $0x0  }
0xce: {  	s15 =	simm.s32 $0xE000;
	[sflag:s22] =	ssyncadd.s32 $0xFFFFF000  }
0xcf: {  	[hbm4b:s6+s25] =	stream.indirect.scatter [tilespmem:s26], [sflag:$0x5], $0x20, s15, s25, $0xb8;
	[tilespmem:$0x19280] =	vst v63  }
0xd0: {  	_ =	swait.ge [sflag:s4], $0x1000  }
0xd1: {  	[sflag:s4] =	ssyncset.done $0x0  }
0xd2: {  	s31 =	rddreg [dreg:$0x11];
	[sflag:s4] =	ssyncadd.s32 $0xFFFFF000  }
0xd3: {  	[tilespmem:s26], [sflag:$0x9] =	stream.linear.gather [spmem:s31], $0x1000, $0x38;
	[tilespmem:$0x19280] =	vst v63  }
0xd4: {  	_ =	swait.ge [sflag:s22], $0x1000  }
0xd5: {  	[sflag:s22] =	ssyncset.done $0x0  }
0xd6: {  	s30 =	simm.s32 $0xE080;
	[sflag:s22] =	ssyncadd.s32 $0xFFFFF000  }
0xd7: {  	[hbm4b:s6+s25] =	stream.indirect.scatter [tilespmem:s26], [sflag:$0x5], $0x20, s30, s25, $0xb8;
	[tilespmem:$0x19280] =	vst v63  }
0xd8: {  	_ =	swait.ge [sflag:s4], $0x1000  }
0xd9: {  	[sflag:s4] =	ssyncset.done $0x0  }
0xda: {  	s13 =	rddreg [dreg:$0xf];
	[sflag:s4] =	ssyncadd.s32 $0xFFFFF000  }
0xdb: {  	[tilespmem:s26], [sflag:$0x9] =	stream.linear.gather [spmem:s13], $0x1000, $0x38;
	[tilespmem:$0x19280] =	vst v63  }
0xdc: {  	_ =	swait.ge [sflag:s22], $0x1000  }
0xdd: {  	[sflag:s22] =	ssyncset.done $0x0  }
0xde: {  	s17 =	simm.s32 $0xE100;
	[sflag:s22] =	ssyncadd.s32 $0xFFFFF000  }
0xdf: {  	[hbm4b:s6+s25] =	stream.indirect.scatter [tilespmem:s26], [sflag:$0x5], $0x20, s17, s25, $0xb8;
	[tilespmem:$0x19280] =	vst v63  }
0xe0: {  	_ =	swait.ge [sflag:s4], $0x1000  }
0xe1: {  	[sflag:s4] =	ssyncset.done $0x0  }
0xe2: {  	s19 =	rddreg [dreg:$0x12];
	[sflag:s4] =	ssyncadd.s32 $0xFFFFF000  }
0xe3: {  	[tilespmem:s26], [sflag:$0x9] =	stream.linear.gather [spmem:s19], $0x1000, $0x38;
	[tilespmem:$0x19280] =	vst v63  }
0xe4: {  	_ =	swait.ge [sflag:s22], $0x1000  }
0xe5: {  	[sflag:s22] =	ssyncset.done $0x0  }
0xe6: {  	s1 =	simm.s32 $0xE180;
	[sflag:s22] =	ssyncadd.s32 $0xFFFFF000  }
0xe7: {  	[hbm4b:s6+s25] =	stream.indirect.scatter [tilespmem:s26], [sflag:$0x5], $0x20, s1, s25, $0xb8;
	[tilespmem:$0x19280] =	vst v63  }
0xe8: {  	_ =	swait.ge [sflag:s4], $0x1000  }
0xe9: {  	[sflag:s4] =	ssyncset.done $0x0  }
0xea: {  	s16 =	rddreg [dreg:$0x13];
	[sflag:s4] =	ssyncadd.s32 $0xFFFFF000  }
0xeb: {  	[tilespmem:s26], [sflag:$0x9] =	stream.linear.gather [spmem:s16], $0x1000, $0x38;
	[tilespmem:$0x19280] =	vst v63  }
0xec: {  	_ =	swait.ge [sflag:s22], $0x1000  }
0xed: {  	[sflag:s22] =	ssyncset.done $0x0  }
0xee: {  	s24 =	simm.s32 $0xE200;
	[sflag:s22] =	ssyncadd.s32 $0xFFFFF000  }
0xef: {  	[hbm4b:s6+s25] =	stream.indirect.scatter [tilespmem:s26], [sflag:$0x5], $0x20, s24, s25, $0xb8;
	[tilespmem:$0x19280] =	vst v63  }
0xf0: {  	_ =	swait.ge [sflag:s4], $0x1000  }
0xf1: {  	[sflag:s4] =	ssyncset.done $0x0  }
0xf2: {  	s18 =	simm.s32 $0x0;
	s29 =	rddreg [dreg:$0xd];
	[sflag:s4] =	ssyncadd.s32 $0xFFFFF000  }
0xf3: {  	[tilespmem:s15], [sflag:$0x9] =	stream.linear.gather [hbm4b:s29+s18], $0x280, $0x38;
	[tilespmem:$0x19280] =	vst v63  }
0xf4: {  	_ =	swait.ge [sflag:s22], $0x280  }
0xf5: {  	[sflag:s22] =	ssyncset.done $0x0  }
0xf6: {  	[sflag:s22] =	ssyncadd.s32 $0xFFFFFD80  }
0xf7: {  	[tilespmem:s26], [sflag:$0x1] =	stream.indirect.gather [hbm4b:s5+s25], $0x20, s15, s25, $0xb8;
	[tilespmem:$0x19280] =	vst v63  }
0xf8: {  	s11 =	rddreg [dreg:$0x10];
	_ =	swait.ge [sflag:s28], $0x1000  }
0xf9: {  	[sflag:s28] =	ssyncset.done $0x0  }
0xfa: {  	s29 =	rddreg [dreg:$0x8];
	[sflag:s28] =	ssyncadd.s32 $0xFFFFF000  }
0xfb: {  	[spmem:s29] =	stream.linear.scatter [tilespmem:s26], [sflag:$0x9], $0x1000, $0x38;
	[tilespmem:$0x19280] =	vst v63  }
0xfc: {  	_ =	swait.ge [sflag:s22], $0x1000  }
0xfd: {  	[sflag:s22] =	ssyncset.done $0x0  }
0xfe: {  	[sflag:s22] =	ssyncadd.s32 $0xFFFFF000  }
0xff: {  	[spmem:s11] =	stream.linear.scatter [tilespmem:s26], [sflag:$0x9], $0x1000, $0x38;
	[tilespmem:$0x19280] =	vst v63  }
0x100: {  	_ =	swait.ge [sflag:s22], $0x1000  }
0x101: {  	[sflag:s22] =	ssyncset.done $0x0  }
0x102: {  	[sflag:s22] =	ssyncadd.s32 $0xFFFFF000  }
0x103: {  	[tilespmem:s26], [sflag:$0x1] =	stream.indirect.gather [hbm4b:s5+s25], $0x20, s30, s25, $0xb8;
	[tilespmem:$0x19280] =	vst v63  }
0x104: {  	_ =	swait.ge [sflag:s28], $0x1000  }
0x105: {  	[sflag:s28] =	ssyncset.done $0x0  }
0x106: {  	s29 =	rddreg [dreg:$0x9];
	[sflag:s28] =	ssyncadd.s32 $0xFFFFF000  }
0x107: {  	[spmem:s29] =	stream.linear.scatter [tilespmem:s26], [sflag:$0x9], $0x1000, $0x38;
	[tilespmem:$0x19280] =	vst v63  }
0x108: {  	_ =	swait.ge [sflag:s22], $0x1000  }
0x109: {  	[sflag:s22] =	ssyncset.done $0x0  }
0x10a: {  	[sflag:s22] =	ssyncadd.s32 $0xFFFFF000  }
0x10b: {  	[spmem:s31] =	stream.linear.scatter [tilespmem:s26], [sflag:$0x9], $0x1000, $0x38;
	[tilespmem:$0x19280] =	vst v63  }
0x10c: {  	_ =	swait.ge [sflag:s22], $0x1000  }
0x10d: {  	[sflag:s22] =	ssyncset.done $0x0  }
0x10e: {  	[sflag:s22] =	ssyncadd.s32 $0xFFFFF000  }
0x10f: {  	[tilespmem:s26], [sflag:$0x1] =	stream.indirect.gather [hbm4b:s5+s25], $0x20, s17, s25, $0xb8;
	[tilespmem:$0x19280] =	vst v63  }
0x110: {  	_ =	swait.ge [sflag:s28], $0x1000  }
0x111: {  	[sflag:s28] =	ssyncset.done $0x0  }
0x112: {  	s29 =	rddreg [dreg:$0xa];
	[sflag:s28] =	ssyncadd.s32 $0xFFFFF000  }
0x113: {  	[spmem:s29] =	stream.linear.scatter [tilespmem:s26], [sflag:$0x9], $0x1000, $0x38;
	[tilespmem:$0x19280] =	vst v63  }
0x114: {  	_ =	swait.ge [sflag:s22], $0x1000  }
0x115: {  	[sflag:s22] =	ssyncset.done $0x0  }
0x116: {  	[sflag:s22] =	ssyncadd.s32 $0xFFFFF000  }
0x117: {  	[spmem:s13] =	stream.linear.scatter [tilespmem:s26], [sflag:$0x9], $0x1000, $0x38;
	[tilespmem:$0x19280] =	vst v63  }
0x118: {  	_ =	swait.ge [sflag:s22], $0x1000  }
0x119: {  	[sflag:s22] =	ssyncset.done $0x0  }
0x11a: {  	[sflag:s22] =	ssyncadd.s32 $0xFFFFF000  }
0x11b: {  	[tilespmem:s26], [sflag:$0x1] =	stream.indirect.gather [hbm4b:s5+s25], $0x20, s1, s25, $0xb8;
	[tilespmem:$0x19280] =	vst v63  }
0x11c: {  	_ =	swait.ge [sflag:s28], $0x1000  }
0x11d: {  	[sflag:s28] =	ssyncset.done $0x0  }
0x11e: {  	s29 =	rddreg [dreg:$0xb];
	[sflag:s28] =	ssyncadd.s32 $0xFFFFF000  }
0x11f: {  	[spmem:s29] =	stream.linear.scatter [tilespmem:s26], [sflag:$0x9], $0x1000, $0x38;
	[tilespmem:$0x19280] =	vst v63  }
0x120: {  	_ =	swait.ge [sflag:s22], $0x1000  }
0x121: {  	[sflag:s22] =	ssyncset.done $0x0  }
0x122: {  	[sflag:s22] =	ssyncadd.s32 $0xFFFFF000  }
0x123: {  	[spmem:s19] =	stream.linear.scatter [tilespmem:s26], [sflag:$0x9], $0x1000, $0x38;
	[tilespmem:$0x19280] =	vst v63  }
0x124: {  	_ =	swait.ge [sflag:s22], $0x1000  }
0x125: {  	[sflag:s22] =	ssyncset.done $0x0  }
0x126: {  	[sflag:s22] =	ssyncadd.s32 $0xFFFFF000  }
0x127: {  	[tilespmem:s26], [sflag:$0x1] =	stream.indirect.gather [hbm4b:s5+s25], $0x20, s24, s25, $0xb8;
	[tilespmem:$0x19280] =	vst v63  }
0x128: {  	_ =	swait.ge [sflag:s28], $0x1000  }
0x129: {  	[sflag:s28] =	ssyncset.done $0x0  }
0x12a: {  	s29 =	rddreg [dreg:$0xc];
	[sflag:s28] =	ssyncadd.s32 $0xFFFFF000  }
0x12b: {  	[spmem:s29] =	stream.linear.scatter [tilespmem:s26], [sflag:$0x9], $0x1000, $0x38;
	[tilespmem:$0x19280] =	vst v63  }
0x12c: {  	_ =	swait.ge [sflag:s22], $0x1000  }
0x12d: {  	[sflag:s22] =	ssyncset.done $0x0  }
0x12e: {  	[sflag:s22] =	ssyncadd.s32 $0xFFFFF000  }
0x12f: {  	[spmem:s16] =	stream.linear.scatter [tilespmem:s26], [sflag:$0x9], $0x1000, $0x38;
	[tilespmem:$0x19280] =	vst v63  }
0x130: {  	_ =	swait.ge [sflag:s22], $0x1000  }
0x131: {  	[sflag:s22] =	ssyncset.done $0x0  }
0x132: {  	[sflag:s22] =	ssyncadd.s32 $0xFFFFF000  }
0x133: {  	[bflag:$0x0] =	sbarrier.arrive $0xFFFF  }
0x134: {  	[tilespmem:s0], [sflag:$0x1] =	stream.indirect.gather [spmem:s2], $0x20, s18, s25, $0xb8;
	[tilespmem:$0x19280] =	vst v63  }
0x135: {  	_ = 	snop  }
0x136: {  	[tilespmem:s23], [sflag:$0x2] =	stream.indirect.gather [spmem:s2], $0x20, s25, s25, $0xb8;
	[tilespmem:$0x19280] =	vst v63  }
0x137: {  	s24 =	simm.s32 $0x100  }
0x138: {  	[tilespmem:s8], [sflag:$0x3] =	stream.indirect.gather [spmem:s2], $0x20, s24, s25, $0xb8;
	[tilespmem:$0x19280] =	vst v63  }
0x139: {  	s30 =	simm.s32 $0x180  }
0x13a: {  	[tilespmem:s20], [sflag:$0x4] =	stream.indirect.gather [spmem:s2], $0x20, s30, s25, $0xb8;
	[tilespmem:$0x19280] =	vst v63  }
0x13b: {  	_ =	swait.ge [sflag:s28], $0x1000  }
0x13c: {  	[sflag:s28] =	ssyncset.done $0x0  }
0x13d: {  	s1 =	simm.s32 $0x5000;
	[sflag:s28] =	ssyncadd.s32 $0xFFFFF000  }
0x13e: {  	[spmem:s3] =	stream.indirect.scatter.add.f32 [tilespmem:s0], [sflag:$0x5], $0x20, s1, s25, $0xb8;
	[tilespmem:$0x19280] =	vst v63  }
0x13f: {  	_ =	swait.ge [sflag:s21], $0x1000  }
0x140: {  	[sflag:s21] =	ssyncset.done $0x0  }
0x141: {  	s13 =	simm.s32 $0x5080;
	[sflag:s21] =	ssyncadd.s32 $0xFFFFF000  }
0x142: {  	[spmem:s3] =	stream.indirect.scatter.add.f32 [tilespmem:s23], [sflag:$0x6], $0x20, s13, s25, $0xb8;
	[tilespmem:$0x19280] =	vst v63  }
0x143: {  	_ =	swait.ge [sflag:s7], $0x1000  }
0x144: {  	[sflag:s7] =	ssyncset.done $0x0  }
0x145: {  	s16 =	simm.s32 $0x5100;
	[sflag:s7] =	ssyncadd.s32 $0xFFFFF000  }
0x146: {  	[spmem:s3] =	stream.indirect.scatter.add.f32 [tilespmem:s8], [sflag:$0x7], $0x20, s16, s25, $0xb8;
	[tilespmem:$0x19280] =	vst v63  }
0x147: {  	_ =	swait.ge [sflag:s9], $0x1000  }
0x148: {  	[sflag:s9] =	ssyncset.done $0x0  }
0x149: {  	s17 =	simm.s32 $0x5180;
	[sflag:s9] =	ssyncadd.s32 $0xFFFFF000  }
0x14a: {  	[spmem:s3] =	stream.indirect.scatter.add.f32 [tilespmem:s20], [sflag:$0x8], $0x20, s17, s25, $0xb8;
	[tilespmem:$0x19280] =	vst v63  }
0x14b: {  	_ =	swait.ge [sflag:s4], $0x1000  }
0x14c: {  	[sflag:s4] =	ssyncset.done $0x0  }
0x14d: {  	s19 =	simm.s32 $0x200;
	[sflag:s4] =	ssyncadd.s32 $0xFFFFF000  }
0x14e: {  	[tilespmem:s0], [sflag:$0x1] =	stream.indirect.gather [spmem:s2], $0x20, s19, s25, $0xb8;
	[tilespmem:$0x19280] =	vst v63  }
0x14f: {  	_ =	swait.ge [sflag:s10], $0x1000  }
0x150: {  	[sflag:s10] =	ssyncset.done $0x0  }
0x151: {  	s24 =	simm.s32 $0x280;
	[sflag:s10] =	ssyncadd.s32 $0xFFFFF000  }
0x152: {  	[tilespmem:s23], [sflag:$0x2] =	stream.indirect.gather [spmem:s2], $0x20, s24, s25, $0xb8;
	[tilespmem:$0x19280] =	vst v63  }
0x153: {  	_ =	swait.ge [sflag:s12], $0x1000  }
0x154: {  	[sflag:s12] =	ssyncset.done $0x0  }
0x155: {  	s30 =	simm.s32 $0x300;
	[sflag:s12] =	ssyncadd.s32 $0xFFFFF000  }
0x156: {  	[tilespmem:s8], [sflag:$0x3] =	stream.indirect.gather [spmem:s2], $0x20, s30, s25, $0xb8;
	[tilespmem:$0x19280] =	vst v63  }
0x157: {  	_ =	swait.ge [sflag:s14], $0x1000  }
0x158: {  	s15 =	simm.s32 $0xE100;
	[sflag:s14] =	ssyncset.done $0x0  }
0x159: {  	s29 =	simm.s32 $0x380;
	s18 =	simm.s32 $0x800;
	[sflag:s14] =	ssyncadd.s32 $0xFFFFF000  }
.LBB2_4:
0x15a: {  	[tilespmem:s20], [sflag:$0x4] =	stream.indirect.gather [spmem:s2], $0x20, s29, s25, $0xb8;
	[tilespmem:$0x19280] =	vst v63  }
0x15b: {  	s29 =	smov.u32 s18  }
0x15c: {  	p0 =	sne.s32 s18, $0x13000;
	s18 =	sadd.s32 $0x800, s18;
	_ =	swait.ge [sflag:s28], $0x1000  }
0x15d: {  	s29 =	sshra.s32 s29, $0x2;
	[sflag:s28] =	ssyncset.done $0x0  }
0x15e: {  	s30 =	sadd.s32 $0x5000, s29;
	[sflag:s28] =	ssyncadd.s32 $0xFFFFF000  }
0x15f: {  	[spmem:s3] =	stream.indirect.scatter.add.f32 [tilespmem:s0], [sflag:$0x5], $0x20, s30, s25, $0xb8;
	[tilespmem:$0x19280] =	vst v63  }
0x160: {  	_ =	swait.ge [sflag:s21], $0x1000  }
0x161: {  	[sflag:s21] =	ssyncset.done $0x0  }
0x162: {  	s30 =	sadd.s32 $0x5080, s29;
	[sflag:s21] =	ssyncadd.s32 $0xFFFFF000  }
0x163: {  	[spmem:s3] =	stream.indirect.scatter.add.f32 [tilespmem:s23], [sflag:$0x6], $0x20, s30, s25, $0xb8;
	[tilespmem:$0x19280] =	vst v63  }
0x164: {  	_ =	swait.ge [sflag:s7], $0x1000  }
0x165: {  	[sflag:s7] =	ssyncset.done $0x0  }
0x166: {  	s30 =	sadd.s32 $0x5100, s29;
	[sflag:s7] =	ssyncadd.s32 $0xFFFFF000  }
0x167: {  	[spmem:s3] =	stream.indirect.scatter.add.f32 [tilespmem:s8], [sflag:$0x7], $0x20, s30, s25, $0xb8;
	[tilespmem:$0x19280] =	vst v63  }
0x168: {  	_ =	swait.ge [sflag:s9], $0x1000  }
0x169: {  	[sflag:s9] =	ssyncset.done $0x0  }
0x16a: {  	s30 =	sadd.s32 $0x5180, s29;
	[sflag:s9] =	ssyncadd.s32 $0xFFFFF000  }
0x16b: {  	[spmem:s3] =	stream.indirect.scatter.add.f32 [tilespmem:s20], [sflag:$0x8], $0x20, s30, s25, $0xb8;
	[tilespmem:$0x19280] =	vst v63  }
0x16c: {  	_ =	swait.ge [sflag:s4], $0x1000  }
0x16d: {  	[sflag:s4] =	ssyncset.done $0x0  }
0x16e: {  	s30 =	sadd.s32 $0x200, s29;
	[sflag:s4] =	ssyncadd.s32 $0xFFFFF000  }
0x16f: {  	[tilespmem:s0], [sflag:$0x1] =	stream.indirect.gather [spmem:s2], $0x20, s30, s25, $0xb8;
	[tilespmem:$0x19280] =	vst v63  }
0x170: {  	_ =	swait.ge [sflag:s10], $0x1000  }
0x171: {  	[sflag:s10] =	ssyncset.done $0x0  }
0x172: {  	s30 =	sadd.s32 $0x280, s29;
	[sflag:s10] =	ssyncadd.s32 $0xFFFFF000  }
0x173: {  	[tilespmem:s23], [sflag:$0x2] =	stream.indirect.gather [spmem:s2], $0x20, s30, s25, $0xb8;
	[tilespmem:$0x19280] =	vst v63  }
0x174: {  	_ =	swait.ge [sflag:s12], $0x1000  }
0x175: {  	[sflag:s12] =	ssyncset.done $0x0  }
.Ltmp1:
0x176: {  	s30 =	sadd.s32 $0x300, s29;
	[sflag:s12] =	ssyncadd.s32 $0xFFFFF000;
	(pc) =	sbr.rel @p0 .LBB2_4-.Ltmp1, $4  }
0x177: {  	[tilespmem:s8], [sflag:$0x3] =	stream.indirect.gather [spmem:s2], $0x20, s30, s25, $0xb8;
	[tilespmem:$0x19280] =	vst v63  }
0x178: {  	_ =	swait.ge [sflag:s14], $0x1000  }
0x179: {  	[sflag:s14] =	ssyncset.done $0x0  }
0x17a: {  	s29 =	sadd.s32 $0x380, s29;
	[sflag:s14] =	ssyncadd.s32 $0xFFFFF000  }
0x17b: {  	[tilespmem:s20], [sflag:$0x4] =	stream.indirect.gather [spmem:s2], $0x20, s29, s25, $0xb8;
	[tilespmem:$0x19280] =	vst v63  }
0x17c: {  	_ =	swait.ge [sflag:s28], $0x1000  }
0x17d: {  	[sflag:s28] =	ssyncset.done $0x0  }
0x17e: {  	s1 =	simm.s32 $0x9E00;
	[sflag:s28] =	ssyncadd.s32 $0xFFFFF000  }
0x17f: {  	[spmem:s3] =	stream.indirect.scatter.add.f32 [tilespmem:s0], [sflag:$0x5], $0x20, s1, s25, $0xb8;
	[tilespmem:$0x19280] =	vst v63  }
0x180: {  	_ =	swait.ge [sflag:s21], $0x1000  }
0x181: {  	[sflag:s21] =	ssyncset.done $0x0  }
0x182: {  	s24 =	simm.s32 $0x9E80;
	[sflag:s21] =	ssyncadd.s32 $0xFFFFF000  }
0x183: {  	[spmem:s3] =	stream.indirect.scatter.add.f32 [tilespmem:s23], [sflag:$0x6], $0x20, s24, s25, $0xb8;
	[tilespmem:$0x19280] =	vst v63  }
0x184: {  	_ =	swait.ge [sflag:s7], $0x1000  }
0x185: {  	[sflag:s7] =	ssyncset.done $0x0  }
0x186: {  	s29 =	simm.s32 $0x9F00;
	[sflag:s7] =	ssyncadd.s32 $0xFFFFF000  }
0x187: {  	[spmem:s3] =	stream.indirect.scatter.add.f32 [tilespmem:s8], [sflag:$0x7], $0x20, s29, s25, $0xb8;
	[tilespmem:$0x19280] =	vst v63  }
0x188: {  	_ =	swait.ge [sflag:s9], $0x1000  }
0x189: {  	[sflag:s9] =	ssyncset.done $0x0  }
0x18a: {  	s30 =	simm.s32 $0x9F80;
	[sflag:s9] =	ssyncadd.s32 $0xFFFFF000  }
0x18b: {  	[spmem:s3] =	stream.indirect.scatter.add.f32 [tilespmem:s20], [sflag:$0x8], $0x20, s30, s25, $0xb8;
	[tilespmem:$0x19280] =	vst v63  }
0x18c: {  	_ =	swait.ge [sflag:s4], $0x1000  }
0x18d: {  	[sflag:s4] =	ssyncset.done $0x0  }
0x18e: {  	[sflag:s4] =	ssyncadd.s32 $0xFFFFF000  }
0x18f: {  	_ =	swait.ge [sflag:s10], $0x1000  }
0x190: {  	[sflag:s10] =	ssyncset.done $0x0  }
0x191: {  	[sflag:s10] =	ssyncadd.s32 $0xFFFFF000  }
0x192: {  	_ =	swait.ge [sflag:s12], $0x1000  }
0x193: {  	[sflag:s12] =	ssyncset.done $0x0  }
0x194: {  	[sflag:s12] =	ssyncadd.s32 $0xFFFFF000  }
0x195: {  	_ =	swait.ge [sflag:s14], $0x1000  }
0x196: {  	[sflag:s14] =	ssyncset.done $0x0  }
0x197: {  	[sflag:s14] =	ssyncadd.s32 $0xFFFFF000  }
0x198: {  	[bflag:$0x0] =	sbarrier.arrive $0xFFFF  }
0x199: {  	[tilespmem:s26], [sflag:$0x9] =	stream.linear.gather [spmem:s11], $0x1000, $0x38;
	[tilespmem:$0x19280] =	vst v63  }
0x19a: {  	_ =	swait.ge [sflag:s22], $0x1000  }
0x19b: {  	[sflag:s22] =	ssyncset.done $0x0  }
0x19c: {  	s13 =	simm.s32 $0xE000;
	[sflag:s22] =	ssyncadd.s32 $0xFFFFF000  }
0x19d: {  	[hbm4b:s6+s25] =	stream.indirect.scatter [tilespmem:s26], [sflag:$0x5], $0x20, s13, s25, $0xb8;
	[tilespmem:$0x19280] =	vst v63  }
0x19e: {  	_ =	swait.ge [sflag:s4], $0x1000  }
0x19f: {  	[sflag:s4] =	ssyncset.done $0x0  }
0x1a0: {  	[sflag:s4] =	ssyncadd.s32 $0xFFFFF000  }
0x1a1: {  	[tilespmem:s26], [sflag:$0x9] =	stream.linear.gather [spmem:s31], $0x1000, $0x38;
	[tilespmem:$0x19280] =	vst v63  }
0x1a2: {  	_ =	swait.ge [sflag:s22], $0x1000  }
0x1a3: {  	[sflag:s22] =	ssyncset.done $0x0  }
0x1a4: {  	s18 =	simm.s32 $0xE080;
	[sflag:s22] =	ssyncadd.s32 $0xFFFFF000  }
0x1a5: {  	[hbm4b:s6+s25] =	stream.indirect.scatter [tilespmem:s26], [sflag:$0x5], $0x20, s18, s25, $0xb8;
	[tilespmem:$0x19280] =	vst v63  }
0x1a6: {  	_ =	swait.ge [sflag:s4], $0x1000  }
0x1a7: {  	[sflag:s4] =	ssyncset.done $0x0  }
0x1a8: {  	s16 =	rddreg [dreg:$0xf];
	[sflag:s4] =	ssyncadd.s32 $0xFFFFF000  }
0x1a9: {  	[tilespmem:s26], [sflag:$0x9] =	stream.linear.gather [spmem:s16], $0x1000, $0x38;
	[tilespmem:$0x19280] =	vst v63  }
0x1aa: {  	_ =	swait.ge [sflag:s22], $0x1000  }
0x1ab: {  	[sflag:s22] =	ssyncset.done $0x0  }
0x1ac: {  	[sflag:s22] =	ssyncadd.s32 $0xFFFFF000  }
0x1ad: {  	[hbm4b:s6+s25] =	stream.indirect.scatter [tilespmem:s26], [sflag:$0x5], $0x20, s15, s25, $0xb8;
	[tilespmem:$0x19280] =	vst v63  }
0x1ae: {  	_ =	swait.ge [sflag:s4], $0x1000  }
0x1af: {  	[sflag:s4] =	ssyncset.done $0x0  }
0x1b0: {  	s17 =	rddreg [dreg:$0x12];
	[sflag:s4] =	ssyncadd.s32 $0xFFFFF000  }
0x1b1: {  	[tilespmem:s26], [sflag:$0x9] =	stream.linear.gather [spmem:s17], $0x1000, $0x38;
	[tilespmem:$0x19280] =	vst v63  }
0x1b2: {  	_ =	swait.ge [sflag:s22], $0x1000  }
0x1b3: {  	[sflag:s22] =	ssyncset.done $0x0  }
0x1b4: {  	s18 =	simm.s32 $0xE180;
	[sflag:s22] =	ssyncadd.s32 $0xFFFFF000  }
0x1b5: {  	[hbm4b:s6+s25] =	stream.indirect.scatter [tilespmem:s26], [sflag:$0x5], $0x20, s18, s25, $0xb8;
	[tilespmem:$0x19280] =	vst v63  }
0x1b6: {  	_ =	swait.ge [sflag:s4], $0x1000  }
0x1b7: {  	[sflag:s4] =	ssyncset.done $0x0  }
0x1b8: {  	s19 =	rddreg [dreg:$0x13];
	[sflag:s4] =	ssyncadd.s32 $0xFFFFF000  }
0x1b9: {  	[tilespmem:s26], [sflag:$0x9] =	stream.linear.gather [spmem:s19], $0x1000, $0x38;
	[tilespmem:$0x19280] =	vst v63  }
0x1ba: {  	_ =	swait.ge [sflag:s22], $0x1000  }
0x1bb: {  	[sflag:s22] =	ssyncset.done $0x0  }
0x1bc: {  	s24 =	simm.s32 $0xE200;
	[sflag:s22] =	ssyncadd.s32 $0xFFFFF000  }
0x1bd: {  	[hbm4b:s6+s25] =	stream.indirect.scatter [tilespmem:s26], [sflag:$0x5], $0x20, s24, s25, $0xb8;
	[tilespmem:$0x19280] =	vst v63  }
0x1be: {  	_ =	swait.ge [sflag:s4], $0x1000  }
0x1bf: {  	s29 =	rddreg [dreg:$0x14]  }
0x1c0: {  	s30 =	rddreg [dreg:$0xe];
	s1 =	sadd.s32 $0x1, s29  }
0x1c1: {  	p0 =	sne.s32 s1, s30  }
.Ltmp2:
0x1c2: {  	_ = 	snop;
	(pc) =	sbr.rel @p0 .LBB2_1-.Ltmp2, $3  }
0x1c3: {  	_ =	sdelay $0x1  }
0x1c4: {  	[sflag:s4] =	ssyncset.done $0x0  }
0x1c5: {  	[sflag:s4] =	ssyncadd.s32 $0xFFFFF000  }
0x1c6: {  	_ =	sfence.sel $0x180000  }
0x1c7: {  	[bflag:$0x0] =	sbarrier.arrive $0xFFFF  }
0x1c8: {  	_ =	strace $0x9000004D  }
0x1c9: {  	s0 =	stileid.u32;
	[bflag:$0x2] =	sbarrier.arrive $0xFFFF  }
0x1ca: {  	p0 =	sne.s32 s0, $0x0;
	s0 =	rddreg [dreg:$0x4]  }
0x1cb: {  	s0 =	sadd.s32 @!p0 $0x100000, s0  }
0x1cc: {  	[sflag:s0] =	ssyncadd.tile.s32 @!p0 $0x1;
	_ =	shalt  }
.Lfunc_end2:
_tile_overlayer_lowered:
.L_overlay_start_2:
0x1cd: {  	(tag) =	ssettag $0x2  }
0x1ce: {  	s0 =	rddreg [dreg:$0x0];
	s2 =	stileid.u32  }
0x1cf: {  	s1 =	rddreg [dreg:$0x1];
	p0 =	sne.s32 s2, $0x0  }
0x1d0: {  	s3 =	rddreg [dreg:$0x2];
	[bflag:$0x3] =	sbarrier.arrive $0xFFFF;
	s2 =	simm.s32 @!p0 $0x1C09  }
0x1d1: {  	[timem:s3], [sflag:s2] =	dma.local @!p0 [hbm:s0], s1  }
0x1d2: {  	s0 =	simm.s32 @!p0 $0x9  }
0x1d3: {  	_ =	swait.ge @!p0 [sflag:s0], s1  }
0x1d4: {  	s1 =	ssub.s32 @!p0 $0x0, s1;
	[sflag:s0] =	ssyncset.done @!p0 $0x0  }
0x1d5: {  	[sflag:s0] =	ssyncadd.s32 @!p0 s1  }
0x1d6: {  	[bflag:$0x3] =	sbarrier.arrive $0xFFFF  }
0x1d7: {  	_ =	shalt  }

</sc_bundles>
